<compile_context>
chip_gen: v7x
topology: tpu7x:2x2x1
jax: 0.10.2.dev20260603
libtpu: 0.0.44.dev20260713+nightly
codegen_flags: <defaults>
</compile_context>

<pallas_src>
import functools

import jax
import jax.numpy as jnp
from jax import lax
from jax.experimental import pallas as pl
from jax.experimental.pallas import tpu as pltpu
from jax.experimental.pallas import tpu_sc as plsc

_N = 50000
_E = 800000
_C = 5
_F = 12
_PF = 8
_CF = _C * _F
_AW = _C * _PF
_YW = 48
_BN = 5000
_K = 128
_NCORE = 2
_NSUB = 16
_CHT = 400
_EW = _CHT * _K
_ET = _NSUB * _EW
_HALF = _N // 2
_NPH = _HALF + 8
_ZR = 1568


def _pre_body(x_ref, wei_ref, wej_ref, be_ref, rexp_ref, wn1x_ref,
              wn1a_ref, bn1_ref, ptab_ref, ytab_ref, xpart_ref):
    xb = x_ref[...]
    ai = jnp.dot(xb, wei_ref[...], preferred_element_type=jnp.float32)
    aj = jnp.dot(xb, wej_ref[...], preferred_element_type=jnp.float32)
    aj = aj + be_ref[...]
    p = jnp.exp(ai - jnp.max(ai, axis=1, keepdims=True))
    q = jnp.exp(aj - jnp.max(aj, axis=1, keepdims=True))
    y = xb * jnp.dot(q, rexp_ref[...], preferred_element_type=jnp.float32)
    ym = jnp.dot(y, wn1a_ref[...], preferred_element_type=jnp.float32)
    xp = jnp.dot(xb, wn1x_ref[...], preferred_element_type=jnp.float32)
    z3 = jnp.zeros((xb.shape[0], 3), jnp.float32)
    ptab_ref[...] = jnp.concatenate([p, z3], axis=1)
    ytab_ref[...] = jnp.concatenate([q, z3, ym], axis=1)
    xpart_ref[...] = xp + bn1_ref[...]


def _pre(x2, wei, wej, be1, rexp, wn1x, wn1a, bn1f):
    nblk = _N // _BN
    full = lambda shape: pl.BlockSpec(shape, lambda i: tuple(0 for _ in shape))
    return pl.pallas_call(
        _pre_body,
        grid=(nblk,),
        in_specs=[
            pl.BlockSpec((_BN, _CF), lambda i: (i, 0)),
            full((_CF, _C)), full((_CF, _C)), full((1, _C)),
            full((_C, _CF)), full((_CF, _AW)), full((_CF, _AW)),
            full((1, _AW)),
        ],
        out_specs=[
            pl.BlockSpec((_BN, 8), lambda i: (i, 0)),
            pl.BlockSpec((_BN, _YW), lambda i: (i, 0)),
            pl.BlockSpec((_BN, _AW), lambda i: (i, 0)),
        ],
        out_shape=[
            jax.ShapeDtypeStruct((_N, 8), jnp.float32),
            jax.ShapeDtypeStruct((_N, _YW), jnp.float32),
            jax.ShapeDtypeStruct((_N, _AW), jnp.float32),
        ],
    )(x2, wei, wej, be1, rexp, wn1x, wn1a, bn1f)


def _cvec(c):
    return jnp.full((16,), c, jnp.int32)


def _edge_body(epk_hbm, ptab_hbm, ytab_hbm, z_hbm, acc_hbm,
               idxb0, idxb1, pbuf0, pbuf1,
               ybuf0, ybuf1, obuf0, obuf1,
               dl0, dl1, accsh,
               si0, si1, sy0, sy1, sp0, sp1, ss0, ss1):
    cid = lax.axis_index("c")
    sid = lax.axis_index("s")
    idxb = (idxb0, idxb1)
    pbuf = (pbuf0, pbuf1)
    ybuf = (ybuf0, ybuf1)
    obuf = (obuf0, obuf1)
    dl = (dl0, dl1)
    si = (si0, si1)
    sy = (sy0, sy1)
    sp = (sp0, sp1)
    ss = (ss0, ss1)

    @pl.when(sid < _NSUB - 1)
    def _():
        pltpu.sync_copy(z_hbm, accsh.at[pl.ds(sid * _ZR, _ZR)])

    @pl.when(sid == _NSUB - 1)
    def _():
        rem = _NPH - (_NSUB - 1) * _ZR
        pltpu.sync_copy(z_hbm.at[pl.ds(0, rem)],
                        accsh.at[pl.ds((_NSUB - 1) * _ZR, rem)])

    plsc.subcore_barrier()

    lo = cid * _HALF
    cbase = sid * _CHT

    def issue_idx(i, b):
        pltpu.async_copy(epk_hbm.at[cbase + i], idxb[b], si[b])

    def wait_idx(i, b):
        pltpu.make_async_copy(epk_hbm.at[cbase + i], idxb[b], si[b]).wait()

    def issue_gathers(b):
        pltpu.async_copy(ytab_hbm.at[idxb[b].at[0]], ybuf[b], sy[b])
        pltpu.async_copy(ptab_hbm.at[idxb[b].at[1]], pbuf[b], sp[b])

    def wait_gathers(b):
        pltpu.make_async_copy(ytab_hbm.at[idxb[b].at[0]], ybuf[b],
                              sy[b]).wait()
        pltpu.make_async_copy(ptab_hbm.at[idxb[b].at[1]], pbuf[b],
                              sp[b]).wait()

    def issue_scatter(b):
        pltpu.async_copy(obuf[b], accsh.at[dl[b]], ss[b], add=True)

    def wait_scatter(b):
        pltpu.make_async_copy(obuf[b], accsh.at[dl[b]], ss[b]).wait()

    def compute(b):
        def group_body(g, c2):
            d = idxb[b][1, pl.ds(g * 16, 16)]
            inr = (d >= lo) & (d < lo + _HALF)
            dloc = jnp.where(inr, d - lo, _HALF)
            dl[b][pl.ds(g * 16, 16)] = dloc
            return c2

        lax.fori_loop(0, _K // 16, group_body, 0)

        def edge_body(e4, c2):
            for u in range(4):
                e = e4 * 4 + u
                q = ybuf[b][e, pl.ds(0, 16)]
                p = pbuf[b][e, pl.ds(0, 16)]
                zv = jnp.full((16,), jnp.sum(p * q), jnp.float32)
                rv = 1.0 / zv
                obuf[b][e, pl.ds(0, 16)] = q * rv
                for blk in (1, 2):
                    v = ybuf[b][e, pl.ds(16 * blk, 16)]
                    obuf[b][e, pl.ds(16 * blk, 16)] = v * rv
            return c2

        lax.fori_loop(0, _K // 4, edge_body, 0)

    issue_idx(0, 0)
    issue_idx(1, 1)
    wait_idx(0, 0)
    issue_gathers(0)

    def outer(i2, carry):
        for b in range(2):
            i = i2 * 2 + b
            wait_gathers(b)

            @pl.when(i + 1 < _CHT)
            def _():
                wait_idx(i + 1, 1 - b)
                issue_gathers(1 - b)

            @pl.when(i2 >= 1)
            def _():
                wait_scatter(b)

            compute(b)
            issue_scatter(b)

            @pl.when(i + 2 < _CHT)
            def _():
                issue_idx(i + 2, b)
        return carry

    lax.fori_loop(0, _CHT // 2, outer, 0)
    wait_scatter(0)
    wait_scatter(1)

    plsc.subcore_barrier()

    @pl.when(sid < _NSUB - 1)
    def _():
        pltpu.sync_copy(accsh.at[pl.ds(sid * _ZR, _ZR)],
                        acc_hbm.at[cid, pl.ds(sid * _ZR, _ZR)])

    @pl.when(sid == _NSUB - 1)
    def _():
        rem = _HALF - (_NSUB - 1) * _ZR
        pltpu.sync_copy(accsh.at[pl.ds((_NSUB - 1) * _ZR, rem)],
                        acc_hbm.at[cid, pl.ds((_NSUB - 1) * _ZR, rem)])


def _edge(epk, ptab_p, ytab, zrows):
    mesh = plsc.VectorSubcoreMesh(core_axis_name="c", subcore_axis_name="s",
                                  num_cores=_NCORE, num_subcores=_NSUB)
    k = functools.partial(
        pl.kernel,
        out_type=jax.ShapeDtypeStruct((_NCORE, _HALF, _YW), jnp.float32),
        mesh=mesh,
        scratch_types=(
            [pltpu.VMEM((2, _K), jnp.int32)] * 2
            + [pltpu.VMEM((_K, 16), jnp.float32)] * 2
            + [pltpu.VMEM((_K, _YW), jnp.float32)] * 2
            + [pltpu.VMEM((_K, _YW), jnp.float32)] * 2
            + [pltpu.VMEM((_K,), jnp.int32)] * 2
            + [pltpu.VMEM_SHARED((_NPH, _YW), jnp.float32)]
            + [pltpu.SemaphoreType.DMA] * 8
        ),
        compiler_params=pltpu.CompilerParams(needs_layout_passes=False,
                                             use_tc_tiling_on_sc=False,
                                             internal_scratch_in_bytes=0),
    )(_edge_body)
    return k(epk, ptab_p, ytab, zrows)


def _post_body(ptab_ref, xpart_ref, acc_ref, r8_ref, wn2_ref, bn2_ref,
               out_ref):
    g = acc_ref[...][:, 8:]
    p5 = ptab_ref[...][:, :_C]
    pe = jnp.dot(p5, r8_ref[...], preferred_element_type=jnp.float32)
    h = jnp.tanh(xpart_ref[...] + pe * g)
    o = jnp.dot(h, wn2_ref[...], preferred_element_type=jnp.float32)
    out_ref[...] = jnp.tanh(o + bn2_ref[...])


def _post(ptab, xpart, acc, r8, wn2f, bn2f):
    nblk = _N // _BN
    full = lambda shape: pl.BlockSpec(shape, lambda i: tuple(0 for _ in shape))
    return pl.pallas_call(
        _post_body,
        grid=(nblk,),
        in_specs=[
            pl.BlockSpec((_BN, 8), lambda i: (i, 0)),
            pl.BlockSpec((_BN, _AW), lambda i: (i, 0)),
            pl.BlockSpec((_BN, _YW), lambda i: (i, 0)),
            full((_C, _AW)), full((_AW, _AW)), full((1, _AW)),
        ],
        out_specs=pl.BlockSpec((_BN, _AW), lambda i: (i, 0)),
        out_shape=jax.ShapeDtypeStruct((_N, _AW), jnp.float32),
    )(ptab, xpart, acc, r8, wn2f, bn2f)


def _plane_opt(x, edge_index, We, be, Wn1, bn1, Wn2, bn2):
    eye = jnp.eye(_C, dtype=jnp.float32)
    x2 = x.reshape(_N, _CF)
    wei = jnp.einsum('cf,ck->cfk', We[:, 0, :_F], eye).reshape(_CF, _C)
    wej = jnp.einsum('cf,ck->cfk', We[:, 0, _F:], eye).reshape(_CF, _C)
    be1 = be.reshape(1, _C)
    rexp = jnp.repeat(eye, _F, axis=1)
    wn1x = jnp.einsum('cof,ck->cfko', Wn1[:, :, :_F], eye).reshape(_CF, _AW)
    wn1a = jnp.einsum('cof,ck->cfko', Wn1[:, :, _F:], eye).reshape(_CF, _AW)
    bn1f = bn1.reshape(1, _AW)
    r8 = jnp.repeat(eye, _PF, axis=1)
    wn2f = jnp.einsum('coi,ck->ciko', Wn2, eye).reshape(_AW, _AW)
    bn2f = bn2.reshape(1, _AW)

    ptab, ytab, xpart = _pre(x2, wei, wej, be1, rexp, wn1x, wn1a, bn1f)

    npad = _ET - _E
    src = jnp.concatenate([edge_index[0], jnp.zeros((npad,), jnp.int32)])
    dst = jnp.concatenate([edge_index[1], jnp.full((npad,), _N, jnp.int32)])
    epk = jnp.stack([src.reshape(-1, _K), dst.reshape(-1, _K)], axis=1)
    ptab16 = jnp.concatenate([ptab, jnp.zeros((_N, 8), jnp.float32)], axis=1)
    drow = jnp.concatenate([jnp.ones((8, _C), jnp.float32),
                            jnp.zeros((8, 11), jnp.float32)], axis=1)
    ptab_p = jnp.concatenate([ptab16, drow], axis=0)
    zrows = jnp.zeros((_ZR, _YW), jnp.float32)

    acc = _edge(epk, ptab_p, ytab, zrows)

    out = _post(ptab, xpart, acc.reshape(_N, _YW), r8, wn2f, bn2f)
    return out.reshape(_N, _C, _PF)


def kernel(x_u, edge_index_u, We_u, be_u, Wn1_u, bn1_u, Wn2_u, bn2_u,
           x_v, edge_index_v, We_v, be_v, Wn1_v, bn1_v, Wn2_v, bn2_v,
           x_y, edge_index_y, We_y, be_y, Wn1_y, bn1_y, Wn2_y, bn2_y):
    ou = _plane_opt(x_u, edge_index_u, We_u, be_u, Wn1_u, bn1_u, Wn2_u, bn2_u)
    ov = _plane_opt(x_v, edge_index_v, We_v, be_v, Wn1_v, bn1_v, Wn2_v, bn2_v)
    oy = _plane_opt(x_y, edge_index_y, We_y, be_y, Wn1_y, bn1_y, Wn2_y, bn2_y)
    return (ou, ov, oy)

# --- scband reference (transcript-rebuilt; emitter-appended) ---
"""Pipeline reference for scband-plane-net-5695126634945 (READ-ONLY COPY).

The authoritative reference and input builder live on the scoring server;
editing this copy changes nothing except your own understanding.
"""

import jax, jax.numpy as jnp
import numpy as np

N = 50000
E = 800000
C = 5
IN_F = 4
PF = 8
F = IN_F + PF
PLANES = ["u", "v", "y"]


def _plane(x, edge_index, We, be, Wn1, bn1, Wn2, bn2):
    src = edge_index[0]
    dst = edge_index[1]
    x_i = x[dst]
    x_j = x[src]
    h = jax.lax.stop_gradient(jnp.concatenate([x_i, x_j], axis=-1))
    e = jnp.einsum('eci,coi->eco', h, We) + be[None, :, :]
    e = jax.nn.softmax(e, axis=1)
    msg = e * x_j
    aggr = jnp.zeros_like(x).at[dst].add(msg)
    h2 = jnp.concatenate([x, aggr], axis=-1)
    h2 = jnp.tanh(jnp.einsum('nci,coi->nco', h2, Wn1) + bn1[None, :, :])
    out = jnp.tanh(jnp.einsum('nci,coi->nco', h2, Wn2) + bn2[None, :, :])
    return out


def setup_inputs(seed: int = 0):
    key = jax.random.key(seed)
    inp = {}
    i = 0
    for p in PLANES:
        inp["x_" + p] = jax.random.normal(jax.random.fold_in(key, i), (N, C, F), dtype=jnp.float32); i += 1
        inp["edge_index_" + p] = jax.random.randint(jax.random.fold_in(key, i), (2, E), 0, N, dtype=jnp.int32); i += 1
        inp["We_" + p] = jax.random.normal(jax.random.fold_in(key, i), (C, 1, 2 * F), dtype=jnp.float32) * 0.1; i += 1
        inp["be_" + p] = jnp.zeros((C, 1), dtype=jnp.float32)
        inp["Wn1_" + p] = jax.random.normal(jax.random.fold_in(key, i), (C, PF, 2 * F), dtype=jnp.float32) * 0.1; i += 1
        inp["bn1_" + p] = jnp.zeros((C, PF), dtype=jnp.float32)
        inp["Wn2_" + p] = jax.random.normal(jax.random.fold_in(key, i), (C, PF, PF), dtype=jnp.float32) * 0.1; i += 1
        inp["bn2_" + p] = jnp.zeros((C, PF), dtype=jnp.float32)
    return inp


def reference(x_u, edge_index_u, We_u, be_u, Wn1_u, bn1_u, Wn2_u, bn2_u,
              x_v, edge_index_v, We_v, be_v, Wn1_v, bn1_v, Wn2_v, bn2_v,
              x_y, edge_index_y, We_y, be_y, Wn1_y, bn1_y, Wn2_y, bn2_y):
    ou = _plane(x_u, edge_index_u, We_u, be_u, Wn1_u, bn1_u, Wn2_u, bn2_u)
    ov = _plane(x_v, edge_index_v, We_v, be_v, Wn1_v, bn1_v, Wn2_v, bn2_v)
    oy = _plane(x_y, edge_index_y, We_y, be_y, Wn1_y, bn1_y, Wn2_y, bn2_y)
    return (ou, ov, oy)

if __name__ == "__main__":
    import jax
    _d = setup_inputs()
    print(jax.jit(kernel)(*tuple(_d.values())))

</pallas_src>

<mosaic_0001>
#map = affine_map<(d0, d1) -> (0, 0, 0)>
#map1 = affine_map<(d0, d1) -> (0, 0)>
module attributes {stable_mosaic.version = 14 : i64} {
  func.func @_edge_body(%arg0: i32, %arg1: i32, %arg2: memref<6400x2x128xi32, #tpu.memory_space<hbm>>, %arg3: memref<50008x16xf32, #tpu.memory_space<hbm>>, %arg4: memref<50000x48xf32, #tpu.memory_space<hbm>>, %arg5: memref<1568x48xf32, #tpu.memory_space<hbm>>, %arg6: memref<2x25000x48xf32, #tpu.memory_space<hbm>>, %arg7: memref<2x128xi32, #tpu.memory_space<vmem>>, %arg8: memref<2x128xi32, #tpu.memory_space<vmem>>, %arg9: memref<128x16xf32, #tpu.memory_space<vmem>>, %arg10: memref<128x16xf32, #tpu.memory_space<vmem>>, %arg11: memref<128x48xf32, #tpu.memory_space<vmem>>, %arg12: memref<128x48xf32, #tpu.memory_space<vmem>>, %arg13: memref<128x48xf32, #tpu.memory_space<vmem>>, %arg14: memref<128x48xf32, #tpu.memory_space<vmem>>, %arg15: memref<128xi32, #tpu.memory_space<vmem>>, %arg16: memref<128xi32, #tpu.memory_space<vmem>>, %arg17: memref<25008x48xf32, #tpu.memory_space<vmem_shared>>, %arg18: memref<!tpu.dma_semaphore, #tpu.memory_space<semaphore_mem>>, %arg19: memref<!tpu.dma_semaphore, #tpu.memory_space<semaphore_mem>>, %arg20: memref<!tpu.dma_semaphore, #tpu.memory_space<semaphore_mem>>, %arg21: memref<!tpu.dma_semaphore, #tpu.memory_space<semaphore_mem>>, %arg22: memref<!tpu.dma_semaphore, #tpu.memory_space<semaphore_mem>>, %arg23: memref<!tpu.dma_semaphore, #tpu.memory_space<semaphore_mem>>, %arg24: memref<!tpu.dma_semaphore, #tpu.memory_space<semaphore_mem>>, %arg25: memref<!tpu.dma_semaphore, #tpu.memory_space<semaphore_mem>>) attributes {dimension_semantics = [#tpu.dimension_semantics<core_parallel>, #tpu.dimension_semantics<subcore_parallel>], iteration_bounds = array<i64: 2, 16>, scalar_prefetch = 0 : i64, scratch_operands = 19 : i64, tpu.core_type = #tpu.core_type<sc_vector_subcore>, window_params = [{transform_indices = #map}, {transform_indices = #map1}, {transform_indices = #map1}, {transform_indices = #map1}, {transform_indices = #map}]} {
    %lt3A = arith.constant 15 : i32
    %lt3A_0 = arith.cmpi slt, %arg1, %lt3A : i32
    %convert_element_type3A = arith.extui %lt3A_0 : i1 to i32
    %cond3A = arith.constant 0 : i32
    %cond3A_1 = arith.cmpi ne, %convert_element_type3A, %cond3A : i32
    scf.if %cond3A_1 {
      %mul3A_72 = arith.constant 1568 : i32
      %mul3A_73 = arith.muli %arg1, %mul3A_72 : i32
      "tpu.region"() ({
        %run_scoped3A = tpu.sem_alloc : memref<!tpu.dma_semaphore, #tpu.memory_space<semaphore_mem>>
        %dma_start3A_74 = arith.constant 0 : i32
        %dma_start3A_75 = tpu.memref_slice %arg17[%mul3A_73, %dma_start3A_74] : memref<25008x48xf32, #tpu.memory_space<vmem_shared>> -> memref<1568x48xf32, #tpu.memory_space<vmem_shared>>
        tpu.enqueue_dma source(%arg5 : memref<1568x48xf32, #tpu.memory_space<hbm>>) target(%dma_start3A_75 : memref<1568x48xf32, #tpu.memory_space<vmem_shared>>) target_semaphore(%run_scoped3A : memref<!tpu.dma_semaphore, #tpu.memory_space<semaphore_mem>>)
        %dma_wait3A_76 = arith.constant 0 : i32
        %dma_wait3A_77 = tpu.memref_slice %arg17[%mul3A_73, %dma_wait3A_76] : memref<25008x48xf32, #tpu.memory_space<vmem_shared>> -> memref<1568x48xf32, #tpu.memory_space<vmem_shared>>
        tpu.wait_dma2 semaphore(%run_scoped3A : memref<!tpu.dma_semaphore, #tpu.memory_space<semaphore_mem>>) src(%arg5 : memref<1568x48xf32, #tpu.memory_space<hbm>>) dst(%dma_wait3A_77 : memref<1568x48xf32, #tpu.memory_space<vmem_shared>>)
        tpu.yield
      }) : () -> ()
    } else {
    }
    %eq3A = arith.constant 15 : i32
    %eq3A_2 = arith.cmpi eq, %arg1, %eq3A : i32
    %convert_element_type3A_3 = arith.extui %eq3A_2 : i1 to i32
    %cond3A_4 = arith.constant 0 : i32
    %cond3A_5 = arith.cmpi ne, %convert_element_type3A_3, %cond3A_4 : i32
    scf.if %cond3A_5 {
      "tpu.region"() ({
        %run_scoped3A = tpu.sem_alloc : memref<!tpu.dma_semaphore, #tpu.memory_space<semaphore_mem>>
        %dma_start3A_72 = arith.constant 23520 : i32
        %dma_start3A_73 = arith.constant 0 : i32
        %dma_start3A_74 = tpu.memref_slice %arg17[%dma_start3A_72, %dma_start3A_73] : memref<25008x48xf32, #tpu.memory_space<vmem_shared>> -> memref<1488x48xf32, #tpu.memory_space<vmem_shared>>
        %dma_start3A_75 = arith.constant 0 : i32
        %dma_start3A_76 = arith.constant 0 : i32
        %dma_start3A_77 = tpu.memref_slice %arg5[%dma_start3A_75, %dma_start3A_76] : memref<1568x48xf32, #tpu.memory_space<hbm>> -> memref<1488x48xf32, #tpu.memory_space<hbm>>
        tpu.enqueue_dma source(%dma_start3A_77 : memref<1488x48xf32, #tpu.memory_space<hbm>>) target(%dma_start3A_74 : memref<1488x48xf32, #tpu.memory_space<vmem_shared>>) target_semaphore(%run_scoped3A : memref<!tpu.dma_semaphore, #tpu.memory_space<semaphore_mem>>)
        %dma_wait3A_78 = arith.constant 23520 : i32
        %dma_wait3A_79 = arith.constant 0 : i32
        %dma_wait3A_80 = tpu.memref_slice %arg17[%dma_wait3A_78, %dma_wait3A_79] : memref<25008x48xf32, #tpu.memory_space<vmem_shared>> -> memref<1488x48xf32, #tpu.memory_space<vmem_shared>>
        %dma_wait3A_81 = arith.constant 0 : i32
        %dma_wait3A_82 = arith.constant 0 : i32
        %dma_wait3A_83 = tpu.memref_slice %arg5[%dma_wait3A_81, %dma_wait3A_82] : memref<1568x48xf32, #tpu.memory_space<hbm>> -> memref<1488x48xf32, #tpu.memory_space<hbm>>
        tpu.wait_dma2 semaphore(%run_scoped3A : memref<!tpu.dma_semaphore, #tpu.memory_space<semaphore_mem>>) src(%dma_wait3A_83 : memref<1488x48xf32, #tpu.memory_space<hbm>>) dst(%dma_wait3A_80 : memref<1488x48xf32, #tpu.memory_space<vmem_shared>>)
        tpu.yield
      }) : () -> ()
    } else {
    }
    %barrier3A = arith.constant 0 : index
    tpu.barrier barrier_id(%barrier3A)
    %mul3A = arith.constant 25000 : i32
    %mul3A_6 = arith.muli %arg0, %mul3A : i32
    %mul3A_7 = arith.constant 400 : i32
    %mul3A_8 = arith.muli %arg1, %mul3A_7 : i32
    %add3A = arith.constant 0 : i32
    %add3A_9 = arith.addi %mul3A_8, %add3A : i32
    %dma_start3A = arith.constant 0 : i32
    %dma_start3A_10 = arith.constant 0 : i32
    %dma_start3A_11 = tpu.memref_slice %arg2[%add3A_9, %dma_start3A, %dma_start3A_10] : memref<6400x2x128xi32, #tpu.memory_space<hbm>> -> memref<1x2x128xi32, #tpu.memory_space<hbm>>
    %dma_start3A_12 = tpu.memref_squeeze %dma_start3A_11 : memref<1x2x128xi32, #tpu.memory_space<hbm>> -> memref<2x128xi32, #tpu.memory_space<hbm>>
    %dma_start3A_13 = arith.constant 0 : i32
    %dma_start3A_14 = arith.constant 0 : i32
    %dma_start3A_15 = tpu.memref_slice %arg2[%add3A_9, %dma_start3A_13, %dma_start3A_14] : memref<6400x2x128xi32, #tpu.memory_space<hbm>> -> memref<1x2x128xi32, #tpu.memory_space<hbm>>
    %dma_start3A_16 = tpu.memref_squeeze %dma_start3A_15 : memref<1x2x128xi32, #tpu.memory_space<hbm>> -> memref<2x128xi32, #tpu.memory_space<hbm>>
    tpu.enqueue_dma source(%dma_start3A_16 : memref<2x128xi32, #tpu.memory_space<hbm>>) target(%arg7 : memref<2x128xi32, #tpu.memory_space<vmem>>) target_semaphore(%arg18 : memref<!tpu.dma_semaphore, #tpu.memory_space<semaphore_mem>>)
    %add3A_17 = arith.constant 1 : i32
    %add3A_18 = arith.addi %mul3A_8, %add3A_17 : i32
    %dma_start3A_19 = arith.constant 0 : i32
    %dma_start3A_20 = arith.constant 0 : i32
    %dma_start3A_21 = tpu.memref_slice %arg2[%add3A_18, %dma_start3A_19, %dma_start3A_20] : memref<6400x2x128xi32, #tpu.memory_space<hbm>> -> memref<1x2x128xi32, #tpu.memory_space<hbm>>
    %dma_start3A_22 = tpu.memref_squeeze %dma_start3A_21 : memref<1x2x128xi32, #tpu.memory_space<hbm>> -> memref<2x128xi32, #tpu.memory_space<hbm>>
    %dma_start3A_23 = arith.constant 0 : i32
    %dma_start3A_24 = arith.constant 0 : i32
    %dma_start3A_25 = tpu.memref_slice %arg2[%add3A_18, %dma_start3A_23, %dma_start3A_24] : memref<6400x2x128xi32, #tpu.memory_space<hbm>> -> memref<1x2x128xi32, #tpu.memory_space<hbm>>
    %dma_start3A_26 = tpu.memref_squeeze %dma_start3A_25 : memref<1x2x128xi32, #tpu.memory_space<hbm>> -> memref<2x128xi32, #tpu.memory_space<hbm>>
    tpu.enqueue_dma source(%dma_start3A_26 : memref<2x128xi32, #tpu.memory_space<hbm>>) target(%arg8 : memref<2x128xi32, #tpu.memory_space<vmem>>) target_semaphore(%arg19 : memref<!tpu.dma_semaphore, #tpu.memory_space<semaphore_mem>>)
    %add3A_27 = arith.constant 0 : i32
    %add3A_28 = arith.addi %mul3A_8, %add3A_27 : i32
    %dma_wait3A = arith.constant 0 : i32
    %dma_wait3A_29 = arith.constant 0 : i32
    %dma_wait3A_30 = tpu.memref_slice %arg2[%add3A_28, %dma_wait3A, %dma_wait3A_29] : memref<6400x2x128xi32, #tpu.memory_space<hbm>> -> memref<1x2x128xi32, #tpu.memory_space<hbm>>
    %dma_wait3A_31 = tpu.memref_squeeze %dma_wait3A_30 : memref<1x2x128xi32, #tpu.memory_space<hbm>> -> memref<2x128xi32, #tpu.memory_space<hbm>>
    %dma_wait3A_32 = arith.constant 0 : i32
    %dma_wait3A_33 = arith.constant 0 : i32
    %dma_wait3A_34 = tpu.memref_slice %arg2[%add3A_28, %dma_wait3A_32, %dma_wait3A_33] : memref<6400x2x128xi32, #tpu.memory_space<hbm>> -> memref<1x2x128xi32, #tpu.memory_space<hbm>>
    %dma_wait3A_35 = tpu.memref_squeeze %dma_wait3A_34 : memref<1x2x128xi32, #tpu.memory_space<hbm>> -> memref<2x128xi32, #tpu.memory_space<hbm>>
    tpu.wait_dma2 semaphore(%arg18 : memref<!tpu.dma_semaphore, #tpu.memory_space<semaphore_mem>>) src(%dma_wait3A_35 : memref<2x128xi32, #tpu.memory_space<hbm>>) dst(%arg7 : memref<2x128xi32, #tpu.memory_space<vmem>>)
    %dma_start3A_36 = arith.constant 0 : i32
    %dma_start3A_37 = arith.constant 0 : i32
    %dma_start3A_38 = tpu.memref_slice %arg7[%dma_start3A_36, %dma_start3A_37] : memref<2x128xi32, #tpu.memory_space<vmem>> -> memref<1x128xi32, #tpu.memory_space<vmem>>
    %dma_start3A_39 = tpu.memref_squeeze %dma_start3A_38 : memref<1x128xi32, #tpu.memory_space<vmem>> -> memref<128xi32, #tpu.memory_space<vmem>>
    %dma_start3A_40 = arith.constant 0 : i32
    %dma_start3A_41 = arith.constant 0 : i32
    %dma_start3A_42 = tpu.memref_slice %arg4[%dma_start3A_40, %dma_start3A_41] : memref<50000x48xf32, #tpu.memory_space<hbm>> -> memref<50000x48xf32, #tpu.memory_space<hbm>>
    tpu.enqueue_indirect_dma source(%dma_start3A_42 : memref<50000x48xf32, #tpu.memory_space<hbm>>) target(%arg11 : memref<128x48xf32, #tpu.memory_space<vmem>>) offsets(%dma_start3A_39 : memref<128xi32, #tpu.memory_space<vmem>>) semaphore(%arg20 : memref<!tpu.dma_semaphore, #tpu.memory_space<semaphore_mem>>)
    %dma_start3A_43 = arith.constant 1 : i32
    %dma_start3A_44 = arith.constant 0 : i32
    %dma_start3A_45 = tpu.memref_slice %arg7[%dma_start3A_43, %dma_start3A_44] : memref<2x128xi32, #tpu.memory_space<vmem>> -> memref<1x128xi32, #tpu.memory_space<vmem>>
    %dma_start3A_46 = tpu.memref_squeeze %dma_start3A_45 : memref<1x128xi32, #tpu.memory_space<vmem>> -> memref<128xi32, #tpu.memory_space<vmem>>
    %dma_start3A_47 = arith.constant 0 : i32
    %dma_start3A_48 = arith.constant 0 : i32
    %dma_start3A_49 = tpu.memref_slice %arg3[%dma_start3A_47, %dma_start3A_48] : memref<50008x16xf32, #tpu.memory_space<hbm>> -> memref<50008x16xf32, #tpu.memory_space<hbm>>
    tpu.enqueue_indirect_dma source(%dma_start3A_49 : memref<50008x16xf32, #tpu.memory_space<hbm>>) target(%arg9 : memref<128x16xf32, #tpu.memory_space<vmem>>) offsets(%dma_start3A_46 : memref<128xi32, #tpu.memory_space<vmem>>) semaphore(%arg22 : memref<!tpu.dma_semaphore, #tpu.memory_space<semaphore_mem>>)
    %scan3A = arith.constant 0 : i32
    %scan3A_50 = arith.constant 0 : i32
    %scan3A_51 = arith.constant 200 : i32
    %scan3A_52 = arith.addi %scan3A_50, %scan3A_51 : i32
    %scan3A_53 = arith.constant 1 : i32
    scf.for %scan3A_72 = %scan3A_50 to %scan3A_52 step %scan3A_53  : i32 {
      %mul3A_73 = arith.constant 2 : i32
      %mul3A_74 = arith.muli %scan3A_72, %mul3A_73 : i32
      %add3A_75 = arith.constant 0 : i32
      %add3A_76 = arith.addi %mul3A_74, %add3A_75 : i32
      %dma_wait3A_77 = arith.constant 0 : i32
      %dma_wait3A_78 = arith.constant 0 : i32
      %dma_wait3A_79 = tpu.memref_slice %arg7[%dma_wait3A_77, %dma_wait3A_78] : memref<2x128xi32, #tpu.memory_space<vmem>> -> memref<1x128xi32, #tpu.memory_space<vmem>>
      %dma_wait3A_80 = tpu.memref_squeeze %dma_wait3A_79 : memref<1x128xi32, #tpu.memory_space<vmem>> -> memref<128xi32, #tpu.memory_space<vmem>>
      %dma_wait3A_81 = arith.constant 0 : i32
      %dma_wait3A_82 = arith.constant 0 : i32
      %dma_wait3A_83 = tpu.memref_slice %arg4[%dma_wait3A_81, %dma_wait3A_82] : memref<50000x48xf32, #tpu.memory_space<hbm>> -> memref<50000x48xf32, #tpu.memory_space<hbm>>
      tpu.wait_indirect_dma semaphore(%arg20 : memref<!tpu.dma_semaphore, #tpu.memory_space<semaphore_mem>>) src(%dma_wait3A_83 : memref<50000x48xf32, #tpu.memory_space<hbm>>) dst(%arg11 : memref<128x48xf32, #tpu.memory_space<vmem>>)
      %dma_wait3A_84 = arith.constant 1 : i32
      %dma_wait3A_85 = arith.constant 0 : i32
      %dma_wait3A_86 = tpu.memref_slice %arg7[%dma_wait3A_84, %dma_wait3A_85] : memref<2x128xi32, #tpu.memory_space<vmem>> -> memref<1x128xi32, #tpu.memory_space<vmem>>
      %dma_wait3A_87 = tpu.memref_squeeze %dma_wait3A_86 : memref<1x128xi32, #tpu.memory_space<vmem>> -> memref<128xi32, #tpu.memory_space<vmem>>
      %dma_wait3A_88 = arith.constant 0 : i32
      %dma_wait3A_89 = arith.constant 0 : i32
      %dma_wait3A_90 = tpu.memref_slice %arg3[%dma_wait3A_88, %dma_wait3A_89] : memref<50008x16xf32, #tpu.memory_space<hbm>> -> memref<50008x16xf32, #tpu.memory_space<hbm>>
      tpu.wait_indirect_dma semaphore(%arg22 : memref<!tpu.dma_semaphore, #tpu.memory_space<semaphore_mem>>) src(%dma_wait3A_90 : memref<50008x16xf32, #tpu.memory_space<hbm>>) dst(%arg9 : memref<128x16xf32, #tpu.memory_space<vmem>>)
      %add3A_91 = arith.constant 1 : i32
      %add3A_92 = arith.addi %add3A_76, %add3A_91 : i32
      %lt3A_93 = arith.constant 400 : i32
      %lt3A_94 = arith.cmpi slt, %add3A_92, %lt3A_93 : i32
      %convert_element_type3A_95 = arith.extui %lt3A_94 : i1 to i32
      %cond3A_96 = arith.constant 0 : i32
      %cond3A_97 = arith.cmpi ne, %convert_element_type3A_95, %cond3A_96 : i32
      scf.if %cond3A_97 {
        %add3A_176 = arith.constant 1 : i32
        %add3A_177 = arith.addi %add3A_76, %add3A_176 : i32
        %add3A_178 = arith.addi %mul3A_8, %add3A_177 : i32
        %dma_wait3A_179 = arith.constant 0 : i32
        %dma_wait3A_180 = arith.constant 0 : i32
        %dma_wait3A_181 = tpu.memref_slice %arg2[%add3A_178, %dma_wait3A_179, %dma_wait3A_180] : memref<6400x2x128xi32, #tpu.memory_space<hbm>> -> memref<1x2x128xi32, #tpu.memory_space<hbm>>
        %dma_wait3A_182 = tpu.memref_squeeze %dma_wait3A_181 : memref<1x2x128xi32, #tpu.memory_space<hbm>> -> memref<2x128xi32, #tpu.memory_space<hbm>>
        %dma_wait3A_183 = arith.constant 0 : i32
        %dma_wait3A_184 = arith.constant 0 : i32
        %dma_wait3A_185 = tpu.memref_slice %arg2[%add3A_178, %dma_wait3A_183, %dma_wait3A_184] : memref<6400x2x128xi32, #tpu.memory_space<hbm>> -> memref<1x2x128xi32, #tpu.memory_space<hbm>>
        %dma_wait3A_186 = tpu.memref_squeeze %dma_wait3A_185 : memref<1x2x128xi32, #tpu.memory_space<hbm>> -> memref<2x128xi32, #tpu.memory_space<hbm>>
        tpu.wait_dma2 semaphore(%arg19 : memref<!tpu.dma_semaphore, #tpu.memory_space<semaphore_mem>>) src(%dma_wait3A_186 : memref<2x128xi32, #tpu.memory_space<hbm>>) dst(%arg8 : memref<2x128xi32, #tpu.memory_space<vmem>>)
        %dma_start3A_187 = arith.constant 0 : i32
        %dma_start3A_188 = arith.constant 0 : i32
        %dma_start3A_189 = tpu.memref_slice %arg8[%dma_start3A_187, %dma_start3A_188] : memref<2x128xi32, #tpu.memory_space<vmem>> -> memref<1x128xi32, #tpu.memory_space<vmem>>
        %dma_start3A_190 = tpu.memref_squeeze %dma_start3A_189 : memref<1x128xi32, #tpu.memory_space<vmem>> -> memref<128xi32, #tpu.memory_space<vmem>>
        %dma_start3A_191 = arith.constant 0 : i32
        %dma_start3A_192 = arith.constant 0 : i32
        %dma_start3A_193 = tpu.memref_slice %arg4[%dma_start3A_191, %dma_start3A_192] : memref<50000x48xf32, #tpu.memory_space<hbm>> -> memref<50000x48xf32, #tpu.memory_space<hbm>>
        tpu.enqueue_indirect_dma source(%dma_start3A_193 : memref<50000x48xf32, #tpu.memory_space<hbm>>) target(%arg12 : memref<128x48xf32, #tpu.memory_space<vmem>>) offsets(%dma_start3A_190 : memref<128xi32, #tpu.memory_space<vmem>>) semaphore(%arg21 : memref<!tpu.dma_semaphore, #tpu.memory_space<semaphore_mem>>)
        %dma_start3A_194 = arith.constant 1 : i32
        %dma_start3A_195 = arith.constant 0 : i32
        %dma_start3A_196 = tpu.memref_slice %arg8[%dma_start3A_194, %dma_start3A_195] : memref<2x128xi32, #tpu.memory_space<vmem>> -> memref<1x128xi32, #tpu.memory_space<vmem>>
        %dma_start3A_197 = tpu.memref_squeeze %dma_start3A_196 : memref<1x128xi32, #tpu.memory_space<vmem>> -> memref<128xi32, #tpu.memory_space<vmem>>
        %dma_start3A_198 = arith.constant 0 : i32
        %dma_start3A_199 = arith.constant 0 : i32
        %dma_start3A_200 = tpu.memref_slice %arg3[%dma_start3A_198, %dma_start3A_199] : memref<50008x16xf32, #tpu.memory_space<hbm>> -> memref<50008x16xf32, #tpu.memory_space<hbm>>
        tpu.enqueue_indirect_dma source(%dma_start3A_200 : memref<50008x16xf32, #tpu.memory_space<hbm>>) target(%arg10 : memref<128x16xf32, #tpu.memory_space<vmem>>) offsets(%dma_start3A_197 : memref<128xi32, #tpu.memory_space<vmem>>) semaphore(%arg23 : memref<!tpu.dma_semaphore, #tpu.memory_space<semaphore_mem>>)
      } else {
      }
      %ge3A = arith.constant 1 : i32
      %ge3A_98 = arith.cmpi sge, %scan3A_72, %ge3A : i32
      %convert_element_type3A_99 = arith.extui %ge3A_98 : i1 to i32
      %cond3A_100 = arith.constant 0 : i32
      %cond3A_101 = arith.cmpi ne, %convert_element_type3A_99, %cond3A_100 : i32
      scf.if %cond3A_101 {
        %dma_wait3A_176 = arith.constant 0 : i32
        %dma_wait3A_177 = arith.constant 0 : i32
        %dma_wait3A_178 = tpu.memref_slice %arg17[%dma_wait3A_176, %dma_wait3A_177] : memref<25008x48xf32, #tpu.memory_space<vmem_shared>> -> memref<25008x48xf32, #tpu.memory_space<vmem_shared>>
        tpu.wait_indirect_dma semaphore(%arg24 : memref<!tpu.dma_semaphore, #tpu.memory_space<semaphore_mem>>) src(%arg13 : memref<128x48xf32, #tpu.memory_space<vmem>>) dst(%dma_wait3A_178 : memref<25008x48xf32, #tpu.memory_space<vmem_shared>>)
      } else {
      }
      %scan3A_102 = arith.constant 0 : i32
      %scan3A_103 = arith.constant 0 : i32
      %scan3A_104 = arith.constant 8 : i32
      %scan3A_105 = arith.addi %scan3A_103, %scan3A_104 : i32
      %scan3A_106 = arith.constant 1 : i32
      scf.for %scan3A_176 = %scan3A_103 to %scan3A_105 step %scan3A_106  : i32 {
        %mul3A_177 = arith.constant 16 : i32
        %mul3A_178 = arith.muli %scan3A_176, %mul3A_177 : i32
        %get3A = arith.constant 1 : i32
        %get3A_179 = arith.index_cast %get3A : i32 to index
        %get3A_180 = arith.index_cast %mul3A_178 : i32 to index
        %get3A_181 = tpu.vector_load %arg7[%get3A_179, %get3A_180] {strides = array<i32>} : memref<2x128xi32, #tpu.memory_space<vmem>>, vector<16xi32>,
        %ge3A_182 = vector.broadcast %mul3A_6 : i32 to vector<16xi32>
        %ge3A_183 = arith.cmpi sge, %get3A_181, %ge3A_182 : vector<16xi32>
        %add3A_184 = arith.constant 25000 : i32
        %add3A_185 = arith.addi %mul3A_6, %add3A_184 : i32
        %lt3A_186 = vector.broadcast %add3A_185 : i32 to vector<16xi32>
        %lt3A_187 = arith.cmpi slt, %get3A_181, %lt3A_186 : vector<16xi32>
        %and3A = arith.andi %ge3A_183, %lt3A_187 : vector<16xi1>
        %sub3A = vector.broadcast %mul3A_6 : i32 to vector<16xi32>
        %sub3A_188 = arith.subi %get3A_181, %sub3A : vector<16xi32>
        %jit3A = arith.constant 25000 : i32
        %broadcast_in_dim3A = vector.broadcast %jit3A : i32 to vector<16xi32>
        %select_n3A = arith.select %and3A, %sub3A_188, %broadcast_in_dim3A : vector<16xi1>, vector<16xi32>
        %mul3A_189 = arith.constant 16 : i32
        %mul3A_190 = arith.muli %scan3A_176, %mul3A_189 : i32
        %swap3A = arith.index_cast %mul3A_190 : i32 to index
        %swap3A_191 = tpu.vector_load %arg15[%swap3A] {strides = array<i32>} : memref<128xi32, #tpu.memory_space<vmem>>, vector<16xi32>,
        tpu.vector_store %arg15[%swap3A], %select_n3A {strides = array<i32>} : memref<128xi32, #tpu.memory_space<vmem>>, vector<16xi32>,
      }
      %scan3A_107 = arith.constant 8 : i32
      %scan3A_108 = arith.constant 0 : i32
      %scan3A_109 = arith.constant 0 : i32
      %scan3A_110 = arith.constant 32 : i32
      %scan3A_111 = arith.addi %scan3A_109, %scan3A_110 : i32
      %scan3A_112 = arith.constant 1 : i32
      scf.for %scan3A_176 = %scan3A_109 to %scan3A_111 step %scan3A_112  : i32 {
        %mul3A_177 = arith.constant 4 : i32
        %mul3A_178 = arith.muli %scan3A_176, %mul3A_177 : i32
        %add3A_179 = arith.constant 0 : i32
        %add3A_180 = arith.addi %mul3A_178, %add3A_179 : i32
        %get3A = arith.index_cast %add3A_180 : i32 to index
        %get3A_181 = arith.constant 0 : index
        %get3A_182 = tpu.vector_load %arg11[%get3A, %get3A_181] {strides = array<i32>} : memref<128x48xf32, #tpu.memory_space<vmem>>, vector<16xf32>,
        %get3A_183 = arith.index_cast %add3A_180 : i32 to index
        %get3A_184 = arith.constant 0 : index
        %get3A_185 = tpu.vector_load %arg9[%get3A_183, %get3A_184] {strides = array<i32>} : memref<128x16xf32, #tpu.memory_space<vmem>>, vector<16xf32>,
        %mul3A_186 = arith.mulf %get3A_185, %get3A_182 : vector<16xf32>
        %reduce_sum3A = arith.constant true
        %reduce_sum3A_187 = vector.broadcast %reduce_sum3A : i1 to vector<16xi1>
        %reduce_sum3A_188 = tpu.scan <sum>, %mul3A_186 masked %reduce_sum3A_187 : vector<16xf32>, vector<16xi1> -> vector<16xf32>
        %reduce_sum3A_189 = vector.extract %reduce_sum3A_188[15] : f32 from vector<16xf32>
        %broadcast_in_dim3A = vector.broadcast %reduce_sum3A_189 : f32 to vector<16xf32>
        %div3A = arith.constant 1.000000e+00 : f32
        %div3A_190 = vector.broadcast %div3A : f32 to vector<16xf32>
        %div3A_191 = arith.divf %div3A_190, %broadcast_in_dim3A : vector<16xf32>
        %mul3A_192 = arith.mulf %get3A_182, %div3A_191 : vector<16xf32>
        %swap3A = arith.index_cast %add3A_180 : i32 to index
        %swap3A_193 = arith.constant 0 : index
        %swap3A_194 = tpu.vector_load %arg13[%swap3A, %swap3A_193] {strides = array<i32>} : memref<128x48xf32, #tpu.memory_space<vmem>>, vector<16xf32>,
        tpu.vector_store %arg13[%swap3A, %swap3A_193], %mul3A_192 {strides = array<i32>} : memref<128x48xf32, #tpu.memory_space<vmem>>, vector<16xf32>,
        %get3A_195 = arith.index_cast %add3A_180 : i32 to index
        %get3A_196 = arith.constant 16 : index
        %get3A_197 = tpu.vector_load %arg11[%get3A_195, %get3A_196] {strides = array<i32>} : memref<128x48xf32, #tpu.memory_space<vmem>>, vector<16xf32>,
        %mul3A_198 = arith.mulf %get3A_197, %div3A_191 : vector<16xf32>
        %swap3A_199 = arith.index_cast %add3A_180 : i32 to index
        %swap3A_200 = arith.constant 16 : index
        %swap3A_201 = tpu.vector_load %arg13[%swap3A_199, %swap3A_200] {strides = array<i32>} : memref<128x48xf32, #tpu.memory_space<vmem>>, vector<16xf32>,
        tpu.vector_store %arg13[%swap3A_199, %swap3A_200], %mul3A_198 {strides = array<i32>} : memref<128x48xf32, #tpu.memory_space<vmem>>, vector<16xf32>,
        %get3A_202 = arith.index_cast %add3A_180 : i32 to index
        %get3A_203 = arith.constant 32 : index
        %get3A_204 = tpu.vector_load %arg11[%get3A_202, %get3A_203] {strides = array<i32>} : memref<128x48xf32, #tpu.memory_space<vmem>>, vector<16xf32>,
        %mul3A_205 = arith.mulf %get3A_204, %div3A_191 : vector<16xf32>
        %swap3A_206 = arith.index_cast %add3A_180 : i32 to index
        %swap3A_207 = arith.constant 32 : index
        %swap3A_208 = tpu.vector_load %arg13[%swap3A_206, %swap3A_207] {strides = array<i32>} : memref<128x48xf32, #tpu.memory_space<vmem>>, vector<16xf32>,
        tpu.vector_store %arg13[%swap3A_206, %swap3A_207], %mul3A_205 {strides = array<i32>} : memref<128x48xf32, #tpu.memory_space<vmem>>, vector<16xf32>,
        %mul3A_209 = arith.constant 4 : i32
        %mul3A_210 = arith.muli %scan3A_176, %mul3A_209 : i32
        %add3A_211 = arith.constant 1 : i32
        %add3A_212 = arith.addi %mul3A_210, %add3A_211 : i32
        %get3A_213 = arith.index_cast %add3A_212 : i32 to index
        %get3A_214 = arith.constant 0 : index
        %get3A_215 = tpu.vector_load %arg11[%get3A_213, %get3A_214] {strides = array<i32>} : memref<128x48xf32, #tpu.memory_space<vmem>>, vector<16xf32>,
        %get3A_216 = arith.index_cast %add3A_212 : i32 to index
        %get3A_217 = arith.constant 0 : index
        %get3A_218 = tpu.vector_load %arg9[%get3A_216, %get3A_217] {strides = array<i32>} : memref<128x16xf32, #tpu.memory_space<vmem>>, vector<16xf32>,
        %mul3A_219 = arith.mulf %get3A_218, %get3A_215 : vector<16xf32>
        %reduce_sum3A_220 = arith.constant true
        %reduce_sum3A_221 = vector.broadcast %reduce_sum3A_220 : i1 to vector<16xi1>
        %reduce_sum3A_222 = tpu.scan <sum>, %mul3A_219 masked %reduce_sum3A_221 : vector<16xf32>, vector<16xi1> -> vector<16xf32>
        %reduce_sum3A_223 = vector.extract %reduce_sum3A_222[15] : f32 from vector<16xf32>
        %broadcast_in_dim3A_224 = vector.broadcast %reduce_sum3A_223 : f32 to vector<16xf32>
        %div3A_225 = arith.constant 1.000000e+00 : f32
        %div3A_226 = vector.broadcast %div3A_225 : f32 to vector<16xf32>
        %div3A_227 = arith.divf %div3A_226, %broadcast_in_dim3A_224 : vector<16xf32>
        %mul3A_228 = arith.mulf %get3A_215, %div3A_227 : vector<16xf32>
        %swap3A_229 = arith.index_cast %add3A_212 : i32 to index
        %swap3A_230 = arith.constant 0 : index
        %swap3A_231 = tpu.vector_load %arg13[%swap3A_229, %swap3A_230] {strides = array<i32>} : memref<128x48xf32, #tpu.memory_space<vmem>>, vector<16xf32>,
        tpu.vector_store %arg13[%swap3A_229, %swap3A_230], %mul3A_228 {strides = array<i32>} : memref<128x48xf32, #tpu.memory_space<vmem>>, vector<16xf32>,
        %get3A_232 = arith.index_cast %add3A_212 : i32 to index
        %get3A_233 = arith.constant 16 : index
        %get3A_234 = tpu.vector_load %arg11[%get3A_232, %get3A_233] {strides = array<i32>} : memref<128x48xf32, #tpu.memory_space<vmem>>, vector<16xf32>,
        %mul3A_235 = arith.mulf %get3A_234, %div3A_227 : vector<16xf32>
        %swap3A_236 = arith.index_cast %add3A_212 : i32 to index
        %swap3A_237 = arith.constant 16 : index
        %swap3A_238 = tpu.vector_load %arg13[%swap3A_236, %swap3A_237] {strides = array<i32>} : memref<128x48xf32, #tpu.memory_space<vmem>>, vector<16xf32>,
        tpu.vector_store %arg13[%swap3A_236, %swap3A_237], %mul3A_235 {strides = array<i32>} : memref<128x48xf32, #tpu.memory_space<vmem>>, vector<16xf32>,
        %get3A_239 = arith.index_cast %add3A_212 : i32 to index
        %get3A_240 = arith.constant 32 : index
        %get3A_241 = tpu.vector_load %arg11[%get3A_239, %get3A_240] {strides = array<i32>} : memref<128x48xf32, #tpu.memory_space<vmem>>, vector<16xf32>,
        %mul3A_242 = arith.mulf %get3A_241, %div3A_227 : vector<16xf32>
        %swap3A_243 = arith.index_cast %add3A_212 : i32 to index
        %swap3A_244 = arith.constant 32 : index
        %swap3A_245 = tpu.vector_load %arg13[%swap3A_243, %swap3A_244] {strides = array<i32>} : memref<128x48xf32, #tpu.memory_space<vmem>>, vector<16xf32>,
        tpu.vector_store %arg13[%swap3A_243, %swap3A_244], %mul3A_242 {strides = array<i32>} : memref<128x48xf32, #tpu.memory_space<vmem>>, vector<16xf32>,
        %mul3A_246 = arith.constant 4 : i32
        %mul3A_247 = arith.muli %scan3A_176, %mul3A_246 : i32
        %add3A_248 = arith.constant 2 : i32
        %add3A_249 = arith.addi %mul3A_247, %add3A_248 : i32
        %get3A_250 = arith.index_cast %add3A_249 : i32 to index
        %get3A_251 = arith.constant 0 : index
        %get3A_252 = tpu.vector_load %arg11[%get3A_250, %get3A_251] {strides = array<i32>} : memref<128x48xf32, #tpu.memory_space<vmem>>, vector<16xf32>,
        %get3A_253 = arith.index_cast %add3A_249 : i32 to index
        %get3A_254 = arith.constant 0 : index
        %get3A_255 = tpu.vector_load %arg9[%get3A_253, %get3A_254] {strides = array<i32>} : memref<128x16xf32, #tpu.memory_space<vmem>>, vector<16xf32>,
        %mul3A_256 = arith.mulf %get3A_255, %get3A_252 : vector<16xf32>
        %reduce_sum3A_257 = arith.constant true
        %reduce_sum3A_258 = vector.broadcast %reduce_sum3A_257 : i1 to vector<16xi1>
        %reduce_sum3A_259 = tpu.scan <sum>, %mul3A_256 masked %reduce_sum3A_258 : vector<16xf32>, vector<16xi1> -> vector<16xf32>
        %reduce_sum3A_260 = vector.extract %reduce_sum3A_259[15] : f32 from vector<16xf32>
        %broadcast_in_dim3A_261 = vector.broadcast %reduce_sum3A_260 : f32 to vector<16xf32>
        %div3A_262 = arith.constant 1.000000e+00 : f32
        %div3A_263 = vector.broadcast %div3A_262 : f32 to vector<16xf32>
        %div3A_264 = arith.divf %div3A_263, %broadcast_in_dim3A_261 : vector<16xf32>
        %mul3A_265 = arith.mulf %get3A_252, %div3A_264 : vector<16xf32>
        %swap3A_266 = arith.index_cast %add3A_249 : i32 to index
        %swap3A_267 = arith.constant 0 : index
        %swap3A_268 = tpu.vector_load %arg13[%swap3A_266, %swap3A_267] {strides = array<i32>} : memref<128x48xf32, #tpu.memory_space<vmem>>, vector<16xf32>,
        tpu.vector_store %arg13[%swap3A_266, %swap3A_267], %mul3A_265 {strides = array<i32>} : memref<128x48xf32, #tpu.memory_space<vmem>>, vector<16xf32>,
        %get3A_269 = arith.index_cast %add3A_249 : i32 to index
        %get3A_270 = arith.constant 16 : index
        %get3A_271 = tpu.vector_load %arg11[%get3A_269, %get3A_270] {strides = array<i32>} : memref<128x48xf32, #tpu.memory_space<vmem>>, vector<16xf32>,
        %mul3A_272 = arith.mulf %get3A_271, %div3A_264 : vector<16xf32>
        %swap3A_273 = arith.index_cast %add3A_249 : i32 to index
        %swap3A_274 = arith.constant 16 : index
        %swap3A_275 = tpu.vector_load %arg13[%swap3A_273, %swap3A_274] {strides = array<i32>} : memref<128x48xf32, #tpu.memory_space<vmem>>, vector<16xf32>,
        tpu.vector_store %arg13[%swap3A_273, %swap3A_274], %mul3A_272 {strides = array<i32>} : memref<128x48xf32, #tpu.memory_space<vmem>>, vector<16xf32>,
        %get3A_276 = arith.index_cast %add3A_249 : i32 to index
        %get3A_277 = arith.constant 32 : index
        %get3A_278 = tpu.vector_load %arg11[%get3A_276, %get3A_277] {strides = array<i32>} : memref<128x48xf32, #tpu.memory_space<vmem>>, vector<16xf32>,
        %mul3A_279 = arith.mulf %get3A_278, %div3A_264 : vector<16xf32>
        %swap3A_280 = arith.index_cast %add3A_249 : i32 to index
        %swap3A_281 = arith.constant 32 : index
        %swap3A_282 = tpu.vector_load %arg13[%swap3A_280, %swap3A_281] {strides = array<i32>} : memref<128x48xf32, #tpu.memory_space<vmem>>, vector<16xf32>,
        tpu.vector_store %arg13[%swap3A_280, %swap3A_281], %mul3A_279 {strides = array<i32>} : memref<128x48xf32, #tpu.memory_space<vmem>>, vector<16xf32>,
        %mul3A_283 = arith.constant 4 : i32
        %mul3A_284 = arith.muli %scan3A_176, %mul3A_283 : i32
        %add3A_285 = arith.constant 3 : i32
        %add3A_286 = arith.addi %mul3A_284, %add3A_285 : i32
        %get3A_287 = arith.index_cast %add3A_286 : i32 to index
        %get3A_288 = arith.constant 0 : index
        %get3A_289 = tpu.vector_load %arg11[%get3A_287, %get3A_288] {strides = array<i32>} : memref<128x48xf32, #tpu.memory_space<vmem>>, vector<16xf32>,
        %get3A_290 = arith.index_cast %add3A_286 : i32 to index
        %get3A_291 = arith.constant 0 : index
        %get3A_292 = tpu.vector_load %arg9[%get3A_290, %get3A_291] {strides = array<i32>} : memref<128x16xf32, #tpu.memory_space<vmem>>, vector<16xf32>,
        %mul3A_293 = arith.mulf %get3A_292, %get3A_289 : vector<16xf32>
        %reduce_sum3A_294 = arith.constant true
        %reduce_sum3A_295 = vector.broadcast %reduce_sum3A_294 : i1 to vector<16xi1>
        %reduce_sum3A_296 = tpu.scan <sum>, %mul3A_293 masked %reduce_sum3A_295 : vector<16xf32>, vector<16xi1> -> vector<16xf32>
        %reduce_sum3A_297 = vector.extract %reduce_sum3A_296[15] : f32 from vector<16xf32>
        %broadcast_in_dim3A_298 = vector.broadcast %reduce_sum3A_297 : f32 to vector<16xf32>
        %div3A_299 = arith.constant 1.000000e+00 : f32
        %div3A_300 = vector.broadcast %div3A_299 : f32 to vector<16xf32>
        %div3A_301 = arith.divf %div3A_300, %broadcast_in_dim3A_298 : vector<16xf32>
        %mul3A_302 = arith.mulf %get3A_289, %div3A_301 : vector<16xf32>
        %swap3A_303 = arith.index_cast %add3A_286 : i32 to index
        %swap3A_304 = arith.constant 0 : index
        %swap3A_305 = tpu.vector_load %arg13[%swap3A_303, %swap3A_304] {strides = array<i32>} : memref<128x48xf32, #tpu.memory_space<vmem>>, vector<16xf32>,
        tpu.vector_store %arg13[%swap3A_303, %swap3A_304], %mul3A_302 {strides = array<i32>} : memref<128x48xf32, #tpu.memory_space<vmem>>, vector<16xf32>,
        %get3A_306 = arith.index_cast %add3A_286 : i32 to index
        %get3A_307 = arith.constant 16 : index
        %get3A_308 = tpu.vector_load %arg11[%get3A_306, %get3A_307] {strides = array<i32>} : memref<128x48xf32, #tpu.memory_space<vmem>>, vector<16xf32>,
        %mul3A_309 = arith.mulf %get3A_308, %div3A_301 : vector<16xf32>
        %swap3A_310 = arith.index_cast %add3A_286 : i32 to index
        %swap3A_311 = arith.constant 16 : index
        %swap3A_312 = tpu.vector_load %arg13[%swap3A_310, %swap3A_311] {strides = array<i32>} : memref<128x48xf32, #tpu.memory_space<vmem>>, vector<16xf32>,
        tpu.vector_store %arg13[%swap3A_310, %swap3A_311], %mul3A_309 {strides = array<i32>} : memref<128x48xf32, #tpu.memory_space<vmem>>, vector<16xf32>,
        %get3A_313 = arith.index_cast %add3A_286 : i32 to index
        %get3A_314 = arith.constant 32 : index
        %get3A_315 = tpu.vector_load %arg11[%get3A_313, %get3A_314] {strides = array<i32>} : memref<128x48xf32, #tpu.memory_space<vmem>>, vector<16xf32>,
        %mul3A_316 = arith.mulf %get3A_315, %div3A_301 : vector<16xf32>
        %swap3A_317 = arith.index_cast %add3A_286 : i32 to index
        %swap3A_318 = arith.constant 32 : index
        %swap3A_319 = tpu.vector_load %arg13[%swap3A_317, %swap3A_318] {strides = array<i32>} : memref<128x48xf32, #tpu.memory_space<vmem>>, vector<16xf32>,
        tpu.vector_store %arg13[%swap3A_317, %swap3A_318], %mul3A_316 {strides = array<i32>} : memref<128x48xf32, #tpu.memory_space<vmem>>, vector<16xf32>,
      }
      %scan3A_113 = arith.constant 32 : i32
      %dma_start3A_114 = arith.constant 0 : i32
      %dma_start3A_115 = arith.constant 0 : i32
      %dma_start3A_116 = tpu.memref_slice %arg17[%dma_start3A_114, %dma_start3A_115] : memref<25008x48xf32, #tpu.memory_space<vmem_shared>> -> memref<25008x48xf32, #tpu.memory_space<vmem_shared>>
      tpu.enqueue_indirect_dma source(%arg13 : memref<128x48xf32, #tpu.memory_space<vmem>>) target(%dma_start3A_116 : memref<25008x48xf32, #tpu.memory_space<vmem_shared>>) offsets(%arg15 : memref<128xi32, #tpu.memory_space<vmem>>) semaphore(%arg24 : memref<!tpu.dma_semaphore, #tpu.memory_space<semaphore_mem>>) {add = true}
      %add3A_117 = arith.constant 2 : i32
      %add3A_118 = arith.addi %add3A_76, %add3A_117 : i32
      %lt3A_119 = arith.constant 400 : i32
      %lt3A_120 = arith.cmpi slt, %add3A_118, %lt3A_119 : i32
      %convert_element_type3A_121 = arith.extui %lt3A_120 : i1 to i32
      %cond3A_122 = arith.constant 0 : i32
      %cond3A_123 = arith.cmpi ne, %convert_element_type3A_121, %cond3A_122 : i32
      scf.if %cond3A_123 {
        %add3A_176 = arith.constant 2 : i32
        %add3A_177 = arith.addi %add3A_76, %add3A_176 : i32
        %add3A_178 = arith.addi %mul3A_8, %add3A_177 : i32
        %dma_start3A_179 = arith.constant 0 : i32
        %dma_start3A_180 = arith.constant 0 : i32
        %dma_start3A_181 = tpu.memref_slice %arg2[%add3A_178, %dma_start3A_179, %dma_start3A_180] : memref<6400x2x128xi32, #tpu.memory_space<hbm>> -> memref<1x2x128xi32, #tpu.memory_space<hbm>>
        %dma_start3A_182 = tpu.memref_squeeze %dma_start3A_181 : memref<1x2x128xi32, #tpu.memory_space<hbm>> -> memref<2x128xi32, #tpu.memory_space<hbm>>
        %dma_start3A_183 = arith.constant 0 : i32
        %dma_start3A_184 = arith.constant 0 : i32
        %dma_start3A_185 = tpu.memref_slice %arg2[%add3A_178, %dma_start3A_183, %dma_start3A_184] : memref<6400x2x128xi32, #tpu.memory_space<hbm>> -> memref<1x2x128xi32, #tpu.memory_space<hbm>>
        %dma_start3A_186 = tpu.memref_squeeze %dma_start3A_185 : memref<1x2x128xi32, #tpu.memory_space<hbm>> -> memref<2x128xi32, #tpu.memory_space<hbm>>
        tpu.enqueue_dma source(%dma_start3A_186 : memref<2x128xi32, #tpu.memory_space<hbm>>) target(%arg7 : memref<2x128xi32, #tpu.memory_space<vmem>>) target_semaphore(%arg18 : memref<!tpu.dma_semaphore, #tpu.memory_space<semaphore_mem>>)
      } else {
      }
      %mul3A_124 = arith.constant 2 : i32
      %mul3A_125 = arith.muli %scan3A_72, %mul3A_124 : i32
      %add3A_126 = arith.constant 1 : i32
      %add3A_127 = arith.addi %mul3A_125, %add3A_126 : i32
      %dma_wait3A_128 = arith.constant 0 : i32
      %dma_wait3A_129 = arith.constant 0 : i32
      %dma_wait3A_130 = tpu.memref_slice %arg8[%dma_wait3A_128, %dma_wait3A_129] : memref<2x128xi32, #tpu.memory_space<vmem>> -> memref<1x128xi32, #tpu.memory_space<vmem>>
      %dma_wait3A_131 = tpu.memref_squeeze %dma_wait3A_130 : memref<1x128xi32, #tpu.memory_space<vmem>> -> memref<128xi32, #tpu.memory_space<vmem>>
      %dma_wait3A_132 = arith.constant 0 : i32
      %dma_wait3A_133 = arith.constant 0 : i32
      %dma_wait3A_134 = tpu.memref_slice %arg4[%dma_wait3A_132, %dma_wait3A_133] : memref<50000x48xf32, #tpu.memory_space<hbm>> -> memref<50000x48xf32, #tpu.memory_space<hbm>>
      tpu.wait_indirect_dma semaphore(%arg21 : memref<!tpu.dma_semaphore, #tpu.memory_space<semaphore_mem>>) src(%dma_wait3A_134 : memref<50000x48xf32, #tpu.memory_space<hbm>>) dst(%arg12 : memref<128x48xf32, #tpu.memory_space<vmem>>)
      %dma_wait3A_135 = arith.constant 1 : i32
      %dma_wait3A_136 = arith.constant 0 : i32
      %dma_wait3A_137 = tpu.memref_slice %arg8[%dma_wait3A_135, %dma_wait3A_136] : memref<2x128xi32, #tpu.memory_space<vmem>> -> memref<1x128xi32, #tpu.memory_space<vmem>>
      %dma_wait3A_138 = tpu.memref_squeeze %dma_wait3A_137 : memref<1x128xi32, #tpu.memory_space<vmem>> -> memref<128xi32, #tpu.memory_space<vmem>>
      %dma_wait3A_139 = arith.constant 0 : i32
      %dma_wait3A_140 = arith.constant 0 : i32
      %dma_wait3A_141 = tpu.memref_slice %arg3[%dma_wait3A_139, %dma_wait3A_140] : memref<50008x16xf32, #tpu.memory_space<hbm>> -> memref<50008x16xf32, #tpu.memory_space<hbm>>
      tpu.wait_indirect_dma semaphore(%arg23 : memref<!tpu.dma_semaphore, #tpu.memory_space<semaphore_mem>>) src(%dma_wait3A_141 : memref<50008x16xf32, #tpu.memory_space<hbm>>) dst(%arg10 : memref<128x16xf32, #tpu.memory_space<vmem>>)
      %add3A_142 = arith.constant 1 : i32
      %add3A_143 = arith.addi %add3A_127, %add3A_142 : i32
      %lt3A_144 = arith.constant 400 : i32
      %lt3A_145 = arith.cmpi slt, %add3A_143, %lt3A_144 : i32
      %convert_element_type3A_146 = arith.extui %lt3A_145 : i1 to i32
      %cond3A_147 = arith.constant 0 : i32
      %cond3A_148 = arith.cmpi ne, %convert_element_type3A_146, %cond3A_147 : i32
      scf.if %cond3A_148 {
        %add3A_176 = arith.constant 1 : i32
        %add3A_177 = arith.addi %add3A_127, %add3A_176 : i32
        %add3A_178 = arith.addi %mul3A_8, %add3A_177 : i32
        %dma_wait3A_179 = arith.constant 0 : i32
        %dma_wait3A_180 = arith.constant 0 : i32
        %dma_wait3A_181 = tpu.memref_slice %arg2[%add3A_178, %dma_wait3A_179, %dma_wait3A_180] : memref<6400x2x128xi32, #tpu.memory_space<hbm>> -> memref<1x2x128xi32, #tpu.memory_space<hbm>>
        %dma_wait3A_182 = tpu.memref_squeeze %dma_wait3A_181 : memref<1x2x128xi32, #tpu.memory_space<hbm>> -> memref<2x128xi32, #tpu.memory_space<hbm>>
        %dma_wait3A_183 = arith.constant 0 : i32
        %dma_wait3A_184 = arith.constant 0 : i32
        %dma_wait3A_185 = tpu.memref_slice %arg2[%add3A_178, %dma_wait3A_183, %dma_wait3A_184] : memref<6400x2x128xi32, #tpu.memory_space<hbm>> -> memref<1x2x128xi32, #tpu.memory_space<hbm>>
        %dma_wait3A_186 = tpu.memref_squeeze %dma_wait3A_185 : memref<1x2x128xi32, #tpu.memory_space<hbm>> -> memref<2x128xi32, #tpu.memory_space<hbm>>
        tpu.wait_dma2 semaphore(%arg18 : memref<!tpu.dma_semaphore, #tpu.memory_space<semaphore_mem>>) src(%dma_wait3A_186 : memref<2x128xi32, #tpu.memory_space<hbm>>) dst(%arg7 : memref<2x128xi32, #tpu.memory_space<vmem>>)
        %dma_start3A_187 = arith.constant 0 : i32
        %dma_start3A_188 = arith.constant 0 : i32
        %dma_start3A_189 = tpu.memref_slice %arg7[%dma_start3A_187, %dma_start3A_188] : memref<2x128xi32, #tpu.memory_space<vmem>> -> memref<1x128xi32, #tpu.memory_space<vmem>>
        %dma_start3A_190 = tpu.memref_squeeze %dma_start3A_189 : memref<1x128xi32, #tpu.memory_space<vmem>> -> memref<128xi32, #tpu.memory_space<vmem>>
        %dma_start3A_191 = arith.constant 0 : i32
        %dma_start3A_192 = arith.constant 0 : i32
        %dma_start3A_193 = tpu.memref_slice %arg4[%dma_start3A_191, %dma_start3A_192] : memref<50000x48xf32, #tpu.memory_space<hbm>> -> memref<50000x48xf32, #tpu.memory_space<hbm>>
        tpu.enqueue_indirect_dma source(%dma_start3A_193 : memref<50000x48xf32, #tpu.memory_space<hbm>>) target(%arg11 : memref<128x48xf32, #tpu.memory_space<vmem>>) offsets(%dma_start3A_190 : memref<128xi32, #tpu.memory_space<vmem>>) semaphore(%arg20 : memref<!tpu.dma_semaphore, #tpu.memory_space<semaphore_mem>>)
        %dma_start3A_194 = arith.constant 1 : i32
        %dma_start3A_195 = arith.constant 0 : i32
        %dma_start3A_196 = tpu.memref_slice %arg7[%dma_start3A_194, %dma_start3A_195] : memref<2x128xi32, #tpu.memory_space<vmem>> -> memref<1x128xi32, #tpu.memory_space<vmem>>
        %dma_start3A_197 = tpu.memref_squeeze %dma_start3A_196 : memref<1x128xi32, #tpu.memory_space<vmem>> -> memref<128xi32, #tpu.memory_space<vmem>>
        %dma_start3A_198 = arith.constant 0 : i32
        %dma_start3A_199 = arith.constant 0 : i32
        %dma_start3A_200 = tpu.memref_slice %arg3[%dma_start3A_198, %dma_start3A_199] : memref<50008x16xf32, #tpu.memory_space<hbm>> -> memref<50008x16xf32, #tpu.memory_space<hbm>>
        tpu.enqueue_indirect_dma source(%dma_start3A_200 : memref<50008x16xf32, #tpu.memory_space<hbm>>) target(%arg9 : memref<128x16xf32, #tpu.memory_space<vmem>>) offsets(%dma_start3A_197 : memref<128xi32, #tpu.memory_space<vmem>>) semaphore(%arg22 : memref<!tpu.dma_semaphore, #tpu.memory_space<semaphore_mem>>)
      } else {
      }
      %ge3A_149 = arith.constant 1 : i32
      %ge3A_150 = arith.cmpi sge, %scan3A_72, %ge3A_149 : i32
      %convert_element_type3A_151 = arith.extui %ge3A_150 : i1 to i32
      %cond3A_152 = arith.constant 0 : i32
      %cond3A_153 = arith.cmpi ne, %convert_element_type3A_151, %cond3A_152 : i32
      scf.if %cond3A_153 {
        %dma_wait3A_176 = arith.constant 0 : i32
        %dma_wait3A_177 = arith.constant 0 : i32
        %dma_wait3A_178 = tpu.memref_slice %arg17[%dma_wait3A_176, %dma_wait3A_177] : memref<25008x48xf32, #tpu.memory_space<vmem_shared>> -> memref<25008x48xf32, #tpu.memory_space<vmem_shared>>
        tpu.wait_indirect_dma semaphore(%arg25 : memref<!tpu.dma_semaphore, #tpu.memory_space<semaphore_mem>>) src(%arg14 : memref<128x48xf32, #tpu.memory_space<vmem>>) dst(%dma_wait3A_178 : memref<25008x48xf32, #tpu.memory_space<vmem_shared>>)
      } else {
      }
      %scan3A_154 = arith.constant 0 : i32
      %scan3A_155 = arith.constant 0 : i32
      %scan3A_156 = arith.constant 8 : i32
      %scan3A_157 = arith.addi %scan3A_155, %scan3A_156 : i32
      %scan3A_158 = arith.constant 1 : i32
      scf.for %scan3A_176 = %scan3A_155 to %scan3A_157 step %scan3A_158  : i32 {
        %mul3A_177 = arith.constant 16 : i32
        %mul3A_178 = arith.muli %scan3A_176, %mul3A_177 : i32
        %get3A = arith.constant 1 : i32
        %get3A_179 = arith.index_cast %get3A : i32 to index
        %get3A_180 = arith.index_cast %mul3A_178 : i32 to index
        %get3A_181 = tpu.vector_load %arg8[%get3A_179, %get3A_180] {strides = array<i32>} : memref<2x128xi32, #tpu.memory_space<vmem>>, vector<16xi32>,
        %ge3A_182 = vector.broadcast %mul3A_6 : i32 to vector<16xi32>
        %ge3A_183 = arith.cmpi sge, %get3A_181, %ge3A_182 : vector<16xi32>
        %add3A_184 = arith.constant 25000 : i32
        %add3A_185 = arith.addi %mul3A_6, %add3A_184 : i32
        %lt3A_186 = vector.broadcast %add3A_185 : i32 to vector<16xi32>
        %lt3A_187 = arith.cmpi slt, %get3A_181, %lt3A_186 : vector<16xi32>
        %and3A = arith.andi %ge3A_183, %lt3A_187 : vector<16xi1>
        %sub3A = vector.broadcast %mul3A_6 : i32 to vector<16xi32>
        %sub3A_188 = arith.subi %get3A_181, %sub3A : vector<16xi32>
        %jit3A = arith.constant 25000 : i32
        %broadcast_in_dim3A = vector.broadcast %jit3A : i32 to vector<16xi32>
        %select_n3A = arith.select %and3A, %sub3A_188, %broadcast_in_dim3A : vector<16xi1>, vector<16xi32>
        %mul3A_189 = arith.constant 16 : i32
        %mul3A_190 = arith.muli %scan3A_176, %mul3A_189 : i32
        %swap3A = arith.index_cast %mul3A_190 : i32 to index
        %swap3A_191 = tpu.vector_load %arg16[%swap3A] {strides = array<i32>} : memref<128xi32, #tpu.memory_space<vmem>>, vector<16xi32>,
        tpu.vector_store %arg16[%swap3A], %select_n3A {strides = array<i32>} : memref<128xi32, #tpu.memory_space<vmem>>, vector<16xi32>,
      }
      %scan3A_159 = arith.constant 8 : i32
      %scan3A_160 = arith.constant 0 : i32
      %scan3A_161 = arith.constant 0 : i32
      %scan3A_162 = arith.constant 32 : i32
      %scan3A_163 = arith.addi %scan3A_161, %scan3A_162 : i32
      %scan3A_164 = arith.constant 1 : i32
      scf.for %scan3A_176 = %scan3A_161 to %scan3A_163 step %scan3A_164  : i32 {
        %mul3A_177 = arith.constant 4 : i32
        %mul3A_178 = arith.muli %scan3A_176, %mul3A_177 : i32
        %add3A_179 = arith.constant 0 : i32
        %add3A_180 = arith.addi %mul3A_178, %add3A_179 : i32
        %get3A = arith.index_cast %add3A_180 : i32 to index
        %get3A_181 = arith.constant 0 : index
        %get3A_182 = tpu.vector_load %arg12[%get3A, %get3A_181] {strides = array<i32>} : memref<128x48xf32, #tpu.memory_space<vmem>>, vector<16xf32>,
        %get3A_183 = arith.index_cast %add3A_180 : i32 to index
        %get3A_184 = arith.constant 0 : index
        %get3A_185 = tpu.vector_load %arg10[%get3A_183, %get3A_184] {strides = array<i32>} : memref<128x16xf32, #tpu.memory_space<vmem>>, vector<16xf32>,
        %mul3A_186 = arith.mulf %get3A_185, %get3A_182 : vector<16xf32>
        %reduce_sum3A = arith.constant true
        %reduce_sum3A_187 = vector.broadcast %reduce_sum3A : i1 to vector<16xi1>
        %reduce_sum3A_188 = tpu.scan <sum>, %mul3A_186 masked %reduce_sum3A_187 : vector<16xf32>, vector<16xi1> -> vector<16xf32>
        %reduce_sum3A_189 = vector.extract %reduce_sum3A_188[15] : f32 from vector<16xf32>
        %broadcast_in_dim3A = vector.broadcast %reduce_sum3A_189 : f32 to vector<16xf32>
        %div3A = arith.constant 1.000000e+00 : f32
        %div3A_190 = vector.broadcast %div3A : f32 to vector<16xf32>
        %div3A_191 = arith.divf %div3A_190, %broadcast_in_dim3A : vector<16xf32>
        %mul3A_192 = arith.mulf %get3A_182, %div3A_191 : vector<16xf32>
        %swap3A = arith.index_cast %add3A_180 : i32 to index
        %swap3A_193 = arith.constant 0 : index
        %swap3A_194 = tpu.vector_load %arg14[%swap3A, %swap3A_193] {strides = array<i32>} : memref<128x48xf32, #tpu.memory_space<vmem>>, vector<16xf32>,
        tpu.vector_store %arg14[%swap3A, %swap3A_193], %mul3A_192 {strides = array<i32>} : memref<128x48xf32, #tpu.memory_space<vmem>>, vector<16xf32>,
        %get3A_195 = arith.index_cast %add3A_180 : i32 to index
        %get3A_196 = arith.constant 16 : index
        %get3A_197 = tpu.vector_load %arg12[%get3A_195, %get3A_196] {strides = array<i32>} : memref<128x48xf32, #tpu.memory_space<vmem>>, vector<16xf32>,
        %mul3A_198 = arith.mulf %get3A_197, %div3A_191 : vector<16xf32>
        %swap3A_199 = arith.index_cast %add3A_180 : i32 to index
        %swap3A_200 = arith.constant 16 : index
        %swap3A_201 = tpu.vector_load %arg14[%swap3A_199, %swap3A_200] {strides = array<i32>} : memref<128x48xf32, #tpu.memory_space<vmem>>, vector<16xf32>,
        tpu.vector_store %arg14[%swap3A_199, %swap3A_200], %mul3A_198 {strides = array<i32>} : memref<128x48xf32, #tpu.memory_space<vmem>>, vector<16xf32>,
        %get3A_202 = arith.index_cast %add3A_180 : i32 to index
        %get3A_203 = arith.constant 32 : index
        %get3A_204 = tpu.vector_load %arg12[%get3A_202, %get3A_203] {strides = array<i32>} : memref<128x48xf32, #tpu.memory_space<vmem>>, vector<16xf32>,
        %mul3A_205 = arith.mulf %get3A_204, %div3A_191 : vector<16xf32>
        %swap3A_206 = arith.index_cast %add3A_180 : i32 to index
        %swap3A_207 = arith.constant 32 : index
        %swap3A_208 = tpu.vector_load %arg14[%swap3A_206, %swap3A_207] {strides = array<i32>} : memref<128x48xf32, #tpu.memory_space<vmem>>, vector<16xf32>,
        tpu.vector_store %arg14[%swap3A_206, %swap3A_207], %mul3A_205 {strides = array<i32>} : memref<128x48xf32, #tpu.memory_space<vmem>>, vector<16xf32>,
        %mul3A_209 = arith.constant 4 : i32
        %mul3A_210 = arith.muli %scan3A_176, %mul3A_209 : i32
        %add3A_211 = arith.constant 1 : i32
        %add3A_212 = arith.addi %mul3A_210, %add3A_211 : i32
        %get3A_213 = arith.index_cast %add3A_212 : i32 to index
        %get3A_214 = arith.constant 0 : index
        %get3A_215 = tpu.vector_load %arg12[%get3A_213, %get3A_214] {strides = array<i32>} : memref<128x48xf32, #tpu.memory_space<vmem>>, vector<16xf32>,
        %get3A_216 = arith.index_cast %add3A_212 : i32 to index
        %get3A_217 = arith.constant 0 : index
        %get3A_218 = tpu.vector_load %arg10[%get3A_216, %get3A_217] {strides = array<i32>} : memref<128x16xf32, #tpu.memory_space<vmem>>, vector<16xf32>,
        %mul3A_219 = arith.mulf %get3A_218, %get3A_215 : vector<16xf32>
        %reduce_sum3A_220 = arith.constant true
        %reduce_sum3A_221 = vector.broadcast %reduce_sum3A_220 : i1 to vector<16xi1>
        %reduce_sum3A_222 = tpu.scan <sum>, %mul3A_219 masked %reduce_sum3A_221 : vector<16xf32>, vector<16xi1> -> vector<16xf32>
        %reduce_sum3A_223 = vector.extract %reduce_sum3A_222[15] : f32 from vector<16xf32>
        %broadcast_in_dim3A_224 = vector.broadcast %reduce_sum3A_223 : f32 to vector<16xf32>
        %div3A_225 = arith.constant 1.000000e+00 : f32
        %div3A_226 = vector.broadcast %div3A_225 : f32 to vector<16xf32>
        %div3A_227 = arith.divf %div3A_226, %broadcast_in_dim3A_224 : vector<16xf32>
        %mul3A_228 = arith.mulf %get3A_215, %div3A_227 : vector<16xf32>
        %swap3A_229 = arith.index_cast %add3A_212 : i32 to index
        %swap3A_230 = arith.constant 0 : index
        %swap3A_231 = tpu.vector_load %arg14[%swap3A_229, %swap3A_230] {strides = array<i32>} : memref<128x48xf32, #tpu.memory_space<vmem>>, vector<16xf32>,
        tpu.vector_store %arg14[%swap3A_229, %swap3A_230], %mul3A_228 {strides = array<i32>} : memref<128x48xf32, #tpu.memory_space<vmem>>, vector<16xf32>,
        %get3A_232 = arith.index_cast %add3A_212 : i32 to index
        %get3A_233 = arith.constant 16 : index
        %get3A_234 = tpu.vector_load %arg12[%get3A_232, %get3A_233] {strides = array<i32>} : memref<128x48xf32, #tpu.memory_space<vmem>>, vector<16xf32>,
        %mul3A_235 = arith.mulf %get3A_234, %div3A_227 : vector<16xf32>
        %swap3A_236 = arith.index_cast %add3A_212 : i32 to index
        %swap3A_237 = arith.constant 16 : index
        %swap3A_238 = tpu.vector_load %arg14[%swap3A_236, %swap3A_237] {strides = array<i32>} : memref<128x48xf32, #tpu.memory_space<vmem>>, vector<16xf32>,
        tpu.vector_store %arg14[%swap3A_236, %swap3A_237], %mul3A_235 {strides = array<i32>} : memref<128x48xf32, #tpu.memory_space<vmem>>, vector<16xf32>,
        %get3A_239 = arith.index_cast %add3A_212 : i32 to index
        %get3A_240 = arith.constant 32 : index
        %get3A_241 = tpu.vector_load %arg12[%get3A_239, %get3A_240] {strides = array<i32>} : memref<128x48xf32, #tpu.memory_space<vmem>>, vector<16xf32>,
        %mul3A_242 = arith.mulf %get3A_241, %div3A_227 : vector<16xf32>
        %swap3A_243 = arith.index_cast %add3A_212 : i32 to index
        %swap3A_244 = arith.constant 32 : index
        %swap3A_245 = tpu.vector_load %arg14[%swap3A_243, %swap3A_244] {strides = array<i32>} : memref<128x48xf32, #tpu.memory_space<vmem>>, vector<16xf32>,
        tpu.vector_store %arg14[%swap3A_243, %swap3A_244], %mul3A_242 {strides = array<i32>} : memref<128x48xf32, #tpu.memory_space<vmem>>, vector<16xf32>,
        %mul3A_246 = arith.constant 4 : i32
        %mul3A_247 = arith.muli %scan3A_176, %mul3A_246 : i32
        %add3A_248 = arith.constant 2 : i32
        %add3A_249 = arith.addi %mul3A_247, %add3A_248 : i32
        %get3A_250 = arith.index_cast %add3A_249 : i32 to index
        %get3A_251 = arith.constant 0 : index
        %get3A_252 = tpu.vector_load %arg12[%get3A_250, %get3A_251] {strides = array<i32>} : memref<128x48xf32, #tpu.memory_space<vmem>>, vector<16xf32>,
        %get3A_253 = arith.index_cast %add3A_249 : i32 to index
        %get3A_254 = arith.constant 0 : index
        %get3A_255 = tpu.vector_load %arg10[%get3A_253, %get3A_254] {strides = array<i32>} : memref<128x16xf32, #tpu.memory_space<vmem>>, vector<16xf32>,
        %mul3A_256 = arith.mulf %get3A_255, %get3A_252 : vector<16xf32>
        %reduce_sum3A_257 = arith.constant true
        %reduce_sum3A_258 = vector.broadcast %reduce_sum3A_257 : i1 to vector<16xi1>
        %reduce_sum3A_259 = tpu.scan <sum>, %mul3A_256 masked %reduce_sum3A_258 : vector<16xf32>, vector<16xi1> -> vector<16xf32>
        %reduce_sum3A_260 = vector.extract %reduce_sum3A_259[15] : f32 from vector<16xf32>
        %broadcast_in_dim3A_261 = vector.broadcast %reduce_sum3A_260 : f32 to vector<16xf32>
        %div3A_262 = arith.constant 1.000000e+00 : f32
        %div3A_263 = vector.broadcast %div3A_262 : f32 to vector<16xf32>
        %div3A_264 = arith.divf %div3A_263, %broadcast_in_dim3A_261 : vector<16xf32>
        %mul3A_265 = arith.mulf %get3A_252, %div3A_264 : vector<16xf32>
        %swap3A_266 = arith.index_cast %add3A_249 : i32 to index
        %swap3A_267 = arith.constant 0 : index
        %swap3A_268 = tpu.vector_load %arg14[%swap3A_266, %swap3A_267] {strides = array<i32>} : memref<128x48xf32, #tpu.memory_space<vmem>>, vector<16xf32>,
        tpu.vector_store %arg14[%swap3A_266, %swap3A_267], %mul3A_265 {strides = array<i32>} : memref<128x48xf32, #tpu.memory_space<vmem>>, vector<16xf32>,
        %get3A_269 = arith.index_cast %add3A_249 : i32 to index
        %get3A_270 = arith.constant 16 : index
        %get3A_271 = tpu.vector_load %arg12[%get3A_269, %get3A_270] {strides = array<i32>} : memref<128x48xf32, #tpu.memory_space<vmem>>, vector<16xf32>,
        %mul3A_272 = arith.mulf %get3A_271, %div3A_264 : vector<16xf32>
        %swap3A_273 = arith.index_cast %add3A_249 : i32 to index
        %swap3A_274 = arith.constant 16 : index
        %swap3A_275 = tpu.vector_load %arg14[%swap3A_273, %swap3A_274] {strides = array<i32>} : memref<128x48xf32, #tpu.memory_space<vmem>>, vector<16xf32>,
        tpu.vector_store %arg14[%swap3A_273, %swap3A_274], %mul3A_272 {strides = array<i32>} : memref<128x48xf32, #tpu.memory_space<vmem>>, vector<16xf32>,
        %get3A_276 = arith.index_cast %add3A_249 : i32 to index
        %get3A_277 = arith.constant 32 : index
        %get3A_278 = tpu.vector_load %arg12[%get3A_276, %get3A_277] {strides = array<i32>} : memref<128x48xf32, #tpu.memory_space<vmem>>, vector<16xf32>,
        %mul3A_279 = arith.mulf %get3A_278, %div3A_264 : vector<16xf32>
        %swap3A_280 = arith.index_cast %add3A_249 : i32 to index
        %swap3A_281 = arith.constant 32 : index
        %swap3A_282 = tpu.vector_load %arg14[%swap3A_280, %swap3A_281] {strides = array<i32>} : memref<128x48xf32, #tpu.memory_space<vmem>>, vector<16xf32>,
        tpu.vector_store %arg14[%swap3A_280, %swap3A_281], %mul3A_279 {strides = array<i32>} : memref<128x48xf32, #tpu.memory_space<vmem>>, vector<16xf32>,
        %mul3A_283 = arith.constant 4 : i32
        %mul3A_284 = arith.muli %scan3A_176, %mul3A_283 : i32
        %add3A_285 = arith.constant 3 : i32
        %add3A_286 = arith.addi %mul3A_284, %add3A_285 : i32
        %get3A_287 = arith.index_cast %add3A_286 : i32 to index
        %get3A_288 = arith.constant 0 : index
        %get3A_289 = tpu.vector_load %arg12[%get3A_287, %get3A_288] {strides = array<i32>} : memref<128x48xf32, #tpu.memory_space<vmem>>, vector<16xf32>,
        %get3A_290 = arith.index_cast %add3A_286 : i32 to index
        %get3A_291 = arith.constant 0 : index
        %get3A_292 = tpu.vector_load %arg10[%get3A_290, %get3A_291] {strides = array<i32>} : memref<128x16xf32, #tpu.memory_space<vmem>>, vector<16xf32>,
        %mul3A_293 = arith.mulf %get3A_292, %get3A_289 : vector<16xf32>
        %reduce_sum3A_294 = arith.constant true
        %reduce_sum3A_295 = vector.broadcast %reduce_sum3A_294 : i1 to vector<16xi1>
        %reduce_sum3A_296 = tpu.scan <sum>, %mul3A_293 masked %reduce_sum3A_295 : vector<16xf32>, vector<16xi1> -> vector<16xf32>
        %reduce_sum3A_297 = vector.extract %reduce_sum3A_296[15] : f32 from vector<16xf32>
        %broadcast_in_dim3A_298 = vector.broadcast %reduce_sum3A_297 : f32 to vector<16xf32>
        %div3A_299 = arith.constant 1.000000e+00 : f32
        %div3A_300 = vector.broadcast %div3A_299 : f32 to vector<16xf32>
        %div3A_301 = arith.divf %div3A_300, %broadcast_in_dim3A_298 : vector<16xf32>
        %mul3A_302 = arith.mulf %get3A_289, %div3A_301 : vector<16xf32>
        %swap3A_303 = arith.index_cast %add3A_286 : i32 to index
        %swap3A_304 = arith.constant 0 : index
        %swap3A_305 = tpu.vector_load %arg14[%swap3A_303, %swap3A_304] {strides = array<i32>} : memref<128x48xf32, #tpu.memory_space<vmem>>, vector<16xf32>,
        tpu.vector_store %arg14[%swap3A_303, %swap3A_304], %mul3A_302 {strides = array<i32>} : memref<128x48xf32, #tpu.memory_space<vmem>>, vector<16xf32>,
        %get3A_306 = arith.index_cast %add3A_286 : i32 to index
        %get3A_307 = arith.constant 16 : index
        %get3A_308 = tpu.vector_load %arg12[%get3A_306, %get3A_307] {strides = array<i32>} : memref<128x48xf32, #tpu.memory_space<vmem>>, vector<16xf32>,
        %mul3A_309 = arith.mulf %get3A_308, %div3A_301 : vector<16xf32>
        %swap3A_310 = arith.index_cast %add3A_286 : i32 to index
        %swap3A_311 = arith.constant 16 : index
        %swap3A_312 = tpu.vector_load %arg14[%swap3A_310, %swap3A_311] {strides = array<i32>} : memref<128x48xf32, #tpu.memory_space<vmem>>, vector<16xf32>,
        tpu.vector_store %arg14[%swap3A_310, %swap3A_311], %mul3A_309 {strides = array<i32>} : memref<128x48xf32, #tpu.memory_space<vmem>>, vector<16xf32>,
        %get3A_313 = arith.index_cast %add3A_286 : i32 to index
        %get3A_314 = arith.constant 32 : index
        %get3A_315 = tpu.vector_load %arg12[%get3A_313, %get3A_314] {strides = array<i32>} : memref<128x48xf32, #tpu.memory_space<vmem>>, vector<16xf32>,
        %mul3A_316 = arith.mulf %get3A_315, %div3A_301 : vector<16xf32>
        %swap3A_317 = arith.index_cast %add3A_286 : i32 to index
        %swap3A_318 = arith.constant 32 : index
        %swap3A_319 = tpu.vector_load %arg14[%swap3A_317, %swap3A_318] {strides = array<i32>} : memref<128x48xf32, #tpu.memory_space<vmem>>, vector<16xf32>,
        tpu.vector_store %arg14[%swap3A_317, %swap3A_318], %mul3A_316 {strides = array<i32>} : memref<128x48xf32, #tpu.memory_space<vmem>>, vector<16xf32>,
      }
      %scan3A_165 = arith.constant 32 : i32
      %dma_start3A_166 = arith.constant 0 : i32
      %dma_start3A_167 = arith.constant 0 : i32
      %dma_start3A_168 = tpu.memref_slice %arg17[%dma_start3A_166, %dma_start3A_167] : memref<25008x48xf32, #tpu.memory_space<vmem_shared>> -> memref<25008x48xf32, #tpu.memory_space<vmem_shared>>
      tpu.enqueue_indirect_dma source(%arg14 : memref<128x48xf32, #tpu.memory_space<vmem>>) target(%dma_start3A_168 : memref<25008x48xf32, #tpu.memory_space<vmem_shared>>) offsets(%arg16 : memref<128xi32, #tpu.memory_space<vmem>>) semaphore(%arg25 : memref<!tpu.dma_semaphore, #tpu.memory_space<semaphore_mem>>) {add = true}
      %add3A_169 = arith.constant 2 : i32
      %add3A_170 = arith.addi %add3A_127, %add3A_169 : i32
      %lt3A_171 = arith.constant 400 : i32
      %lt3A_172 = arith.cmpi slt, %add3A_170, %lt3A_171 : i32
      %convert_element_type3A_173 = arith.extui %lt3A_172 : i1 to i32
      %cond3A_174 = arith.constant 0 : i32
      %cond3A_175 = arith.cmpi ne, %convert_element_type3A_173, %cond3A_174 : i32
      scf.if %cond3A_175 {
        %add3A_176 = arith.constant 2 : i32
        %add3A_177 = arith.addi %add3A_127, %add3A_176 : i32
        %add3A_178 = arith.addi %mul3A_8, %add3A_177 : i32
        %dma_start3A_179 = arith.constant 0 : i32
        %dma_start3A_180 = arith.constant 0 : i32
        %dma_start3A_181 = tpu.memref_slice %arg2[%add3A_178, %dma_start3A_179, %dma_start3A_180] : memref<6400x2x128xi32, #tpu.memory_space<hbm>> -> memref<1x2x128xi32, #tpu.memory_space<hbm>>
        %dma_start3A_182 = tpu.memref_squeeze %dma_start3A_181 : memref<1x2x128xi32, #tpu.memory_space<hbm>> -> memref<2x128xi32, #tpu.memory_space<hbm>>
        %dma_start3A_183 = arith.constant 0 : i32
        %dma_start3A_184 = arith.constant 0 : i32
        %dma_start3A_185 = tpu.memref_slice %arg2[%add3A_178, %dma_start3A_183, %dma_start3A_184] : memref<6400x2x128xi32, #tpu.memory_space<hbm>> -> memref<1x2x128xi32, #tpu.memory_space<hbm>>
        %dma_start3A_186 = tpu.memref_squeeze %dma_start3A_185 : memref<1x2x128xi32, #tpu.memory_space<hbm>> -> memref<2x128xi32, #tpu.memory_space<hbm>>
        tpu.enqueue_dma source(%dma_start3A_186 : memref<2x128xi32, #tpu.memory_space<hbm>>) target(%arg8 : memref<2x128xi32, #tpu.memory_space<vmem>>) target_semaphore(%arg19 : memref<!tpu.dma_semaphore, #tpu.memory_space<semaphore_mem>>)
      } else {
      }
    }
    %scan3A_54 = arith.constant 200 : i32
    %dma_wait3A_55 = arith.constant 0 : i32
    %dma_wait3A_56 = arith.constant 0 : i32
    %dma_wait3A_57 = tpu.memref_slice %arg17[%dma_wait3A_55, %dma_wait3A_56] : memref<25008x48xf32, #tpu.memory_space<vmem_shared>> -> memref<25008x48xf32, #tpu.memory_space<vmem_shared>>
    tpu.wait_indirect_dma semaphore(%arg24 : memref<!tpu.dma_semaphore, #tpu.memory_space<semaphore_mem>>) src(%arg13 : memref<128x48xf32, #tpu.memory_space<vmem>>) dst(%dma_wait3A_57 : memref<25008x48xf32, #tpu.memory_space<vmem_shared>>)
    %dma_wait3A_58 = arith.constant 0 : i32
    %dma_wait3A_59 = arith.constant 0 : i32
    %dma_wait3A_60 = tpu.memref_slice %arg17[%dma_wait3A_58, %dma_wait3A_59] : memref<25008x48xf32, #tpu.memory_space<vmem_shared>> -> memref<25008x48xf32, #tpu.memory_space<vmem_shared>>
    tpu.wait_indirect_dma semaphore(%arg25 : memref<!tpu.dma_semaphore, #tpu.memory_space<semaphore_mem>>) src(%arg14 : memref<128x48xf32, #tpu.memory_space<vmem>>) dst(%dma_wait3A_60 : memref<25008x48xf32, #tpu.memory_space<vmem_shared>>)
    %barrier3A_61 = arith.constant 0 : index
    tpu.barrier barrier_id(%barrier3A_61)
    %lt3A_62 = arith.constant 15 : i32
    %lt3A_63 = arith.cmpi slt, %arg1, %lt3A_62 : i32
    %convert_element_type3A_64 = arith.extui %lt3A_63 : i1 to i32
    %cond3A_65 = arith.constant 0 : i32
    %cond3A_66 = arith.cmpi ne, %convert_element_type3A_64, %cond3A_65 : i32
    scf.if %cond3A_66 {
      %mul3A_72 = arith.constant 1568 : i32
      %mul3A_73 = arith.muli %arg1, %mul3A_72 : i32
      %mul3A_74 = arith.constant 1568 : i32
      %mul3A_75 = arith.muli %arg1, %mul3A_74 : i32
      "tpu.region"() ({
        %run_scoped3A = tpu.sem_alloc : memref<!tpu.dma_semaphore, #tpu.memory_space<semaphore_mem>>
        %dma_start3A_76 = arith.constant 0 : i32
        %dma_start3A_77 = tpu.memref_slice %arg6[%arg0, %mul3A_75, %dma_start3A_76] : memref<2x25000x48xf32, #tpu.memory_space<hbm>> -> memref<1x1568x48xf32, #tpu.memory_space<hbm>>
        %dma_start3A_78 = tpu.memref_squeeze %dma_start3A_77 : memref<1x1568x48xf32, #tpu.memory_space<hbm>> -> memref<1568x48xf32, #tpu.memory_space<hbm>>
        %dma_start3A_79 = arith.constant 0 : i32
        %dma_start3A_80 = tpu.memref_slice %arg17[%mul3A_73, %dma_start3A_79] : memref<25008x48xf32, #tpu.memory_space<vmem_shared>> -> memref<1568x48xf32, #tpu.memory_space<vmem_shared>>
        tpu.enqueue_dma source(%dma_start3A_80 : memref<1568x48xf32, #tpu.memory_space<vmem_shared>>) target(%dma_start3A_78 : memref<1568x48xf32, #tpu.memory_space<hbm>>) target_semaphore(%run_scoped3A : memref<!tpu.dma_semaphore, #tpu.memory_space<semaphore_mem>>)
        %dma_wait3A_81 = arith.constant 0 : i32
        %dma_wait3A_82 = tpu.memref_slice %arg6[%arg0, %mul3A_75, %dma_wait3A_81] : memref<2x25000x48xf32, #tpu.memory_space<hbm>> -> memref<1x1568x48xf32, #tpu.memory_space<hbm>>
        %dma_wait3A_83 = tpu.memref_squeeze %dma_wait3A_82 : memref<1x1568x48xf32, #tpu.memory_space<hbm>> -> memref<1568x48xf32, #tpu.memory_space<hbm>>
        %dma_wait3A_84 = arith.constant 0 : i32
        %dma_wait3A_85 = tpu.memref_slice %arg17[%mul3A_73, %dma_wait3A_84] : memref<25008x48xf32, #tpu.memory_space<vmem_shared>> -> memref<1568x48xf32, #tpu.memory_space<vmem_shared>>
        tpu.wait_dma2 semaphore(%run_scoped3A : memref<!tpu.dma_semaphore, #tpu.memory_space<semaphore_mem>>) src(%dma_wait3A_85 : memref<1568x48xf32, #tpu.memory_space<vmem_shared>>) dst(%dma_wait3A_83 : memref<1568x48xf32, #tpu.memory_space<hbm>>)
        tpu.yield
      }) : () -> ()
    } else {
    }
    %eq3A_67 = arith.constant 15 : i32
    %eq3A_68 = arith.cmpi eq, %arg1, %eq3A_67 : i32
    %convert_element_type3A_69 = arith.extui %eq3A_68 : i1 to i32
    %cond3A_70 = arith.constant 0 : i32
    %cond3A_71 = arith.cmpi ne, %convert_element_type3A_69, %cond3A_70 : i32
    scf.if %cond3A_71 {
      "tpu.region"() ({
        %run_scoped3A = tpu.sem_alloc : memref<!tpu.dma_semaphore, #tpu.memory_space<semaphore_mem>>
        %dma_start3A_72 = arith.constant 23520 : i32
        %dma_start3A_73 = arith.constant 0 : i32
        %dma_start3A_74 = tpu.memref_slice %arg6[%arg0, %dma_start3A_72, %dma_start3A_73] : memref<2x25000x48xf32, #tpu.memory_space<hbm>> -> memref<1x1480x48xf32, #tpu.memory_space<hbm>>
        %dma_start3A_75 = tpu.memref_squeeze %dma_start3A_74 : memref<1x1480x48xf32, #tpu.memory_space<hbm>> -> memref<1480x48xf32, #tpu.memory_space<hbm>>
        %dma_start3A_76 = arith.constant 23520 : i32
        %dma_start3A_77 = arith.constant 0 : i32
        %dma_start3A_78 = tpu.memref_slice %arg17[%dma_start3A_76, %dma_start3A_77] : memref<25008x48xf32, #tpu.memory_space<vmem_shared>> -> memref<1480x48xf32, #tpu.memory_space<vmem_shared>>
        tpu.enqueue_dma source(%dma_start3A_78 : memref<1480x48xf32, #tpu.memory_space<vmem_shared>>) target(%dma_start3A_75 : memref<1480x48xf32, #tpu.memory_space<hbm>>) target_semaphore(%run_scoped3A : memref<!tpu.dma_semaphore, #tpu.memory_space<semaphore_mem>>)
        %dma_wait3A_79 = arith.constant 23520 : i32
        %dma_wait3A_80 = arith.constant 0 : i32
        %dma_wait3A_81 = tpu.memref_slice %arg6[%arg0, %dma_wait3A_79, %dma_wait3A_80] : memref<2x25000x48xf32, #tpu.memory_space<hbm>> -> memref<1x1480x48xf32, #tpu.memory_space<hbm>>
        %dma_wait3A_82 = tpu.memref_squeeze %dma_wait3A_81 : memref<1x1480x48xf32, #tpu.memory_space<hbm>> -> memref<1480x48xf32, #tpu.memory_space<hbm>>
        %dma_wait3A_83 = arith.constant 23520 : i32
        %dma_wait3A_84 = arith.constant 0 : i32
        %dma_wait3A_85 = tpu.memref_slice %arg17[%dma_wait3A_83, %dma_wait3A_84] : memref<25008x48xf32, #tpu.memory_space<vmem_shared>> -> memref<1480x48xf32, #tpu.memory_space<vmem_shared>>
        tpu.wait_dma2 semaphore(%run_scoped3A : memref<!tpu.dma_semaphore, #tpu.memory_space<semaphore_mem>>) src(%dma_wait3A_85 : memref<1480x48xf32, #tpu.memory_space<vmem_shared>>) dst(%dma_wait3A_82 : memref<1480x48xf32, #tpu.memory_space<hbm>>)
        tpu.yield
      }) : () -> ()
    } else {
    }
    return
  }
}

#map = affine_map<(d0, d1) -> (0, 0, 0)>
#map1 = affine_map<(d0, d1) -> (0, 0)>
module attributes {stable_mosaic.version = 14 : i64} {
  func.func @_edge_body(%arg0: i32, %arg1: i32, %arg2: memref<6400x2x128xi32, #tpu.memory_space<hbm>>, %arg3: memref<50008x16xf32, #tpu.memory_space<hbm>>, %arg4: memref<50000x48xf32, #tpu.memory_space<hbm>>, %arg5: memref<1568x48xf32, #tpu.memory_space<hbm>>, %arg6: memref<2x25000x48xf32, #tpu.memory_space<hbm>>, %arg7: memref<2x128xi32, #tpu.memory_space<vmem>>, %arg8: memref<2x128xi32, #tpu.memory_space<vmem>>, %arg9: memref<128x16xf32, #tpu.memory_space<vmem>>, %arg10: memref<128x16xf32, #tpu.memory_space<vmem>>, %arg11: memref<128x48xf32, #tpu.memory_space<vmem>>, %arg12: memref<128x48xf32, #tpu.memory_space<vmem>>, %arg13: memref<128x48xf32, #tpu.memory_space<vmem>>, %arg14: memref<128x48xf32, #tpu.memory_space<vmem>>, %arg15: memref<128xi32, #tpu.memory_space<vmem>>, %arg16: memref<128xi32, #tpu.memory_space<vmem>>, %arg17: memref<25008x48xf32, #tpu.memory_space<vmem_shared>>, %arg18: memref<!tpu.dma_semaphore, #tpu.memory_space<semaphore_mem>>, %arg19: memref<!tpu.dma_semaphore, #tpu.memory_space<semaphore_mem>>, %arg20: memref<!tpu.dma_semaphore, #tpu.memory_space<semaphore_mem>>, %arg21: memref<!tpu.dma_semaphore, #tpu.memory_space<semaphore_mem>>, %arg22: memref<!tpu.dma_semaphore, #tpu.memory_space<semaphore_mem>>, %arg23: memref<!tpu.dma_semaphore, #tpu.memory_space<semaphore_mem>>, %arg24: memref<!tpu.dma_semaphore, #tpu.memory_space<semaphore_mem>>, %arg25: memref<!tpu.dma_semaphore, #tpu.memory_space<semaphore_mem>>) attributes {dimension_semantics = [#tpu.dimension_semantics<core_parallel>, #tpu.dimension_semantics<subcore_parallel>], iteration_bounds = array<i64: 2, 16>, scalar_prefetch = 0 : i64, scratch_operands = 19 : i64, tpu.core_type = #tpu.core_type<sc_vector_subcore>, window_params = [{transform_indices = #map}, {transform_indices = #map1}, {transform_indices = #map1}, {transform_indices = #map1}, {transform_indices = #map}]} {
    %lt3A = arith.constant 15 : i32
    %lt3A_0 = arith.cmpi slt, %arg1, %lt3A : i32
    %convert_element_type3A = arith.extui %lt3A_0 : i1 to i32
    %cond3A = arith.constant 0 : i32
    %cond3A_1 = arith.cmpi ne, %convert_element_type3A, %cond3A : i32
    scf.if %cond3A_1 {
      %mul3A_72 = arith.constant 1568 : i32
      %mul3A_73 = arith.muli %arg1, %mul3A_72 : i32
      "tpu.region"() ({
        %run_scoped3A = tpu.sem_alloc : memref<!tpu.dma_semaphore, #tpu.memory_space<semaphore_mem>>
        %dma_start3A_74 = arith.constant 0 : i32
        %dma_start3A_75 = tpu.memref_slice %arg17[%mul3A_73, %dma_start3A_74] : memref<25008x48xf32, #tpu.memory_space<vmem_shared>> -> memref<1568x48xf32, #tpu.memory_space<vmem_shared>>
        tpu.enqueue_dma source(%arg5 : memref<1568x48xf32, #tpu.memory_space<hbm>>) target(%dma_start3A_75 : memref<1568x48xf32, #tpu.memory_space<vmem_shared>>) target_semaphore(%run_scoped3A : memref<!tpu.dma_semaphore, #tpu.memory_space<semaphore_mem>>)
        %dma_wait3A_76 = arith.constant 0 : i32
        %dma_wait3A_77 = tpu.memref_slice %arg17[%mul3A_73, %dma_wait3A_76] : memref<25008x48xf32, #tpu.memory_space<vmem_shared>> -> memref<1568x48xf32, #tpu.memory_space<vmem_shared>>
        tpu.wait_dma2 semaphore(%run_scoped3A : memref<!tpu.dma_semaphore, #tpu.memory_space<semaphore_mem>>) src(%arg5 : memref<1568x48xf32, #tpu.memory_space<hbm>>) dst(%dma_wait3A_77 : memref<1568x48xf32, #tpu.memory_space<vmem_shared>>)
        tpu.yield
      }) : () -> ()
    } else {
    }
    %eq3A = arith.constant 15 : i32
    %eq3A_2 = arith.cmpi eq, %arg1, %eq3A : i32
    %convert_element_type3A_3 = arith.extui %eq3A_2 : i1 to i32
    %cond3A_4 = arith.constant 0 : i32
    %cond3A_5 = arith.cmpi ne, %convert_element_type3A_3, %cond3A_4 : i32
    scf.if %cond3A_5 {
      "tpu.region"() ({
        %run_scoped3A = tpu.sem_alloc : memref<!tpu.dma_semaphore, #tpu.memory_space<semaphore_mem>>
        %dma_start3A_72 = arith.constant 23520 : i32
        %dma_start3A_73 = arith.constant 0 : i32
        %dma_start3A_74 = tpu.memref_slice %arg17[%dma_start3A_72, %dma_start3A_73] : memref<25008x48xf32, #tpu.memory_space<vmem_shared>> -> memref<1488x48xf32, #tpu.memory_space<vmem_shared>>
        %dma_start3A_75 = arith.constant 0 : i32
        %dma_start3A_76 = arith.constant 0 : i32
        %dma_start3A_77 = tpu.memref_slice %arg5[%dma_start3A_75, %dma_start3A_76] : memref<1568x48xf32, #tpu.memory_space<hbm>> -> memref<1488x48xf32, #tpu.memory_space<hbm>>
        tpu.enqueue_dma source(%dma_start3A_77 : memref<1488x48xf32, #tpu.memory_space<hbm>>) target(%dma_start3A_74 : memref<1488x48xf32, #tpu.memory_space<vmem_shared>>) target_semaphore(%run_scoped3A : memref<!tpu.dma_semaphore, #tpu.memory_space<semaphore_mem>>)
        %dma_wait3A_78 = arith.constant 23520 : i32
        %dma_wait3A_79 = arith.constant 0 : i32
        %dma_wait3A_80 = tpu.memref_slice %arg17[%dma_wait3A_78, %dma_wait3A_79] : memref<25008x48xf32, #tpu.memory_space<vmem_shared>> -> memref<1488x48xf32, #tpu.memory_space<vmem_shared>>
        %dma_wait3A_81 = arith.constant 0 : i32
        %dma_wait3A_82 = arith.constant 0 : i32
        %dma_wait3A_83 = tpu.memref_slice %arg5[%dma_wait3A_81, %dma_wait3A_82] : memref<1568x48xf32, #tpu.memory_space<hbm>> -> memref<1488x48xf32, #tpu.memory_space<hbm>>
        tpu.wait_dma2 semaphore(%run_scoped3A : memref<!tpu.dma_semaphore, #tpu.memory_space<semaphore_mem>>) src(%dma_wait3A_83 : memref<1488x48xf32, #tpu.memory_space<hbm>>) dst(%dma_wait3A_80 : memref<1488x48xf32, #tpu.memory_space<vmem_shared>>)
        tpu.yield
      }) : () -> ()
    } else {
    }
    %barrier3A = arith.constant 0 : index
    tpu.barrier barrier_id(%barrier3A)
    %mul3A = arith.constant 25000 : i32
    %mul3A_6 = arith.muli %arg0, %mul3A : i32
    %mul3A_7 = arith.constant 400 : i32
    %mul3A_8 = arith.muli %arg1, %mul3A_7 : i32
    %add3A = arith.constant 0 : i32
    %add3A_9 = arith.addi %mul3A_8, %add3A : i32
    %dma_start3A = arith.constant 0 : i32
    %dma_start3A_10 = arith.constant 0 : i32
    %dma_start3A_11 = tpu.memref_slice %arg2[%add3A_9, %dma_start3A, %dma_start3A_10] : memref<6400x2x128xi32, #tpu.memory_space<hbm>> -> memref<1x2x128xi32, #tpu.memory_space<hbm>>
    %dma_start3A_12 = tpu.memref_squeeze %dma_start3A_11 : memref<1x2x128xi32, #tpu.memory_space<hbm>> -> memref<2x128xi32, #tpu.memory_space<hbm>>
    %dma_start3A_13 = arith.constant 0 : i32
    %dma_start3A_14 = arith.constant 0 : i32
    %dma_start3A_15 = tpu.memref_slice %arg2[%add3A_9, %dma_start3A_13, %dma_start3A_14] : memref<6400x2x128xi32, #tpu.memory_space<hbm>> -> memref<1x2x128xi32, #tpu.memory_space<hbm>>
    %dma_start3A_16 = tpu.memref_squeeze %dma_start3A_15 : memref<1x2x128xi32, #tpu.memory_space<hbm>> -> memref<2x128xi32, #tpu.memory_space<hbm>>
    tpu.enqueue_dma source(%dma_start3A_16 : memref<2x128xi32, #tpu.memory_space<hbm>>) target(%arg7 : memref<2x128xi32, #tpu.memory_space<vmem>>) target_semaphore(%arg18 : memref<!tpu.dma_semaphore, #tpu.memory_space<semaphore_mem>>)
    %add3A_17 = arith.constant 1 : i32
    %add3A_18 = arith.addi %mul3A_8, %add3A_17 : i32
    %dma_start3A_19 = arith.constant 0 : i32
    %dma_start3A_20 = arith.constant 0 : i32
    %dma_start3A_21 = tpu.memref_slice %arg2[%add3A_18, %dma_start3A_19, %dma_start3A_20] : memref<6400x2x128xi32, #tpu.memory_space<hbm>> -> memref<1x2x128xi32, #tpu.memory_space<hbm>>
    %dma_start3A_22 = tpu.memref_squeeze %dma_start3A_21 : memref<1x2x128xi32, #tpu.memory_space<hbm>> -> memref<2x128xi32, #tpu.memory_space<hbm>>
    %dma_start3A_23 = arith.constant 0 : i32
    %dma_start3A_24 = arith.constant 0 : i32
    %dma_start3A_25 = tpu.memref_slice %arg2[%add3A_18, %dma_start3A_23, %dma_start3A_24] : memref<6400x2x128xi32, #tpu.memory_space<hbm>> -> memref<1x2x128xi32, #tpu.memory_space<hbm>>
    %dma_start3A_26 = tpu.memref_squeeze %dma_start3A_25 : memref<1x2x128xi32, #tpu.memory_space<hbm>> -> memref<2x128xi32, #tpu.memory_space<hbm>>
    tpu.enqueue_dma source(%dma_start3A_26 : memref<2x128xi32, #tpu.memory_space<hbm>>) target(%arg8 : memref<2x128xi32, #tpu.memory_space<vmem>>) target_semaphore(%arg19 : memref<!tpu.dma_semaphore, #tpu.memory_space<semaphore_mem>>)
    %add3A_27 = arith.constant 0 : i32
    %add3A_28 = arith.addi %mul3A_8, %add3A_27 : i32
    %dma_wait3A = arith.constant 0 : i32
    %dma_wait3A_29 = arith.constant 0 : i32
    %dma_wait3A_30 = tpu.memref_slice %arg2[%add3A_28, %dma_wait3A, %dma_wait3A_29] : memref<6400x2x128xi32, #tpu.memory_space<hbm>> -> memref<1x2x128xi32, #tpu.memory_space<hbm>>
    %dma_wait3A_31 = tpu.memref_squeeze %dma_wait3A_30 : memref<1x2x128xi32, #tpu.memory_space<hbm>> -> memref<2x128xi32, #tpu.memory_space<hbm>>
    %dma_wait3A_32 = arith.constant 0 : i32
    %dma_wait3A_33 = arith.constant 0 : i32
    %dma_wait3A_34 = tpu.memref_slice %arg2[%add3A_28, %dma_wait3A_32, %dma_wait3A_33] : memref<6400x2x128xi32, #tpu.memory_space<hbm>> -> memref<1x2x128xi32, #tpu.memory_space<hbm>>
    %dma_wait3A_35 = tpu.memref_squeeze %dma_wait3A_34 : memref<1x2x128xi32, #tpu.memory_space<hbm>> -> memref<2x128xi32, #tpu.memory_space<hbm>>
    tpu.wait_dma2 semaphore(%arg18 : memref<!tpu.dma_semaphore, #tpu.memory_space<semaphore_mem>>) src(%dma_wait3A_35 : memref<2x128xi32, #tpu.memory_space<hbm>>) dst(%arg7 : memref<2x128xi32, #tpu.memory_space<vmem>>)
    %dma_start3A_36 = arith.constant 0 : i32
    %dma_start3A_37 = arith.constant 0 : i32
    %dma_start3A_38 = tpu.memref_slice %arg7[%dma_start3A_36, %dma_start3A_37] : memref<2x128xi32, #tpu.memory_space<vmem>> -> memref<1x128xi32, #tpu.memory_space<vmem>>
    %dma_start3A_39 = tpu.memref_squeeze %dma_start3A_38 : memref<1x128xi32, #tpu.memory_space<vmem>> -> memref<128xi32, #tpu.memory_space<vmem>>
    %dma_start3A_40 = arith.constant 0 : i32
    %dma_start3A_41 = arith.constant 0 : i32
    %dma_start3A_42 = tpu.memref_slice %arg4[%dma_start3A_40, %dma_start3A_41] : memref<50000x48xf32, #tpu.memory_space<hbm>> -> memref<50000x48xf32, #tpu.memory_space<hbm>>
    tpu.enqueue_indirect_dma source(%dma_start3A_42 : memref<50000x48xf32, #tpu.memory_space<hbm>>) target(%arg11 : memref<128x48xf32, #tpu.memory_space<vmem>>) offsets(%dma_start3A_39 : memref<128xi32, #tpu.memory_space<vmem>>) semaphore(%arg20 : memref<!tpu.dma_semaphore, #tpu.memory_space<semaphore_mem>>)
    %dma_start3A_43 = arith.constant 1 : i32
    %dma_start3A_44 = arith.constant 0 : i32
    %dma_start3A_45 = tpu.memref_slice %arg7[%dma_start3A_43, %dma_start3A_44] : memref<2x128xi32, #tpu.memory_space<vmem>> -> memref<1x128xi32, #tpu.memory_space<vmem>>
    %dma_start3A_46 = tpu.memref_squeeze %dma_start3A_45 : memref<1x128xi32, #tpu.memory_space<vmem>> -> memref<128xi32, #tpu.memory_space<vmem>>
    %dma_start3A_47 = arith.constant 0 : i32
    %dma_start3A_48 = arith.constant 0 : i32
    %dma_start3A_49 = tpu.memref_slice %arg3[%dma_start3A_47, %dma_start3A_48] : memref<50008x16xf32, #tpu.memory_space<hbm>> -> memref<50008x16xf32, #tpu.memory_space<hbm>>
    tpu.enqueue_indirect_dma source(%dma_start3A_49 : memref<50008x16xf32, #tpu.memory_space<hbm>>) target(%arg9 : memref<128x16xf32, #tpu.memory_space<vmem>>) offsets(%dma_start3A_46 : memref<128xi32, #tpu.memory_space<vmem>>) semaphore(%arg22 : memref<!tpu.dma_semaphore, #tpu.memory_space<semaphore_mem>>)
    %scan3A = arith.constant 0 : i32
    %scan3A_50 = arith.constant 0 : i32
    %scan3A_51 = arith.constant 200 : i32
    %scan3A_52 = arith.addi %scan3A_50, %scan3A_51 : i32
    %scan3A_53 = arith.constant 1 : i32
    scf.for %scan3A_72 = %scan3A_50 to %scan3A_52 step %scan3A_53  : i32 {
      %mul3A_73 = arith.constant 2 : i32
      %mul3A_74 = arith.muli %scan3A_72, %mul3A_73 : i32
      %add3A_75 = arith.constant 0 : i32
      %add3A_76 = arith.addi %mul3A_74, %add3A_75 : i32
      %dma_wait3A_77 = arith.constant 0 : i32
      %dma_wait3A_78 = arith.constant 0 : i32
      %dma_wait3A_79 = tpu.memref_slice %arg7[%dma_wait3A_77, %dma_wait3A_78] : memref<2x128xi32, #tpu.memory_space<vmem>> -> memref<1x128xi32, #tpu.memory_space<vmem>>
      %dma_wait3A_80 = tpu.memref_squeeze %dma_wait3A_79 : memref<1x128xi32, #tpu.memory_space<vmem>> -> memref<128xi32, #tpu.memory_space<vmem>>
      %dma_wait3A_81 = arith.constant 0 : i32
      %dma_wait3A_82 = arith.constant 0 : i32
      %dma_wait3A_83 = tpu.memref_slice %arg4[%dma_wait3A_81, %dma_wait3A_82] : memref<50000x48xf32, #tpu.memory_space<hbm>> -> memref<50000x48xf32, #tpu.memory_space<hbm>>
      tpu.wait_indirect_dma semaphore(%arg20 : memref<!tpu.dma_semaphore, #tpu.memory_space<semaphore_mem>>) src(%dma_wait3A_83 : memref<50000x48xf32, #tpu.memory_space<hbm>>) dst(%arg11 : memref<128x48xf32, #tpu.memory_space<vmem>>)
      %dma_wait3A_84 = arith.constant 1 : i32
      %dma_wait3A_85 = arith.constant 0 : i32
      %dma_wait3A_86 = tpu.memref_slice %arg7[%dma_wait3A_84, %dma_wait3A_85] : memref<2x128xi32, #tpu.memory_space<vmem>> -> memref<1x128xi32, #tpu.memory_space<vmem>>
      %dma_wait3A_87 = tpu.memref_squeeze %dma_wait3A_86 : memref<1x128xi32, #tpu.memory_space<vmem>> -> memref<128xi32, #tpu.memory_space<vmem>>
      %dma_wait3A_88 = arith.constant 0 : i32
      %dma_wait3A_89 = arith.constant 0 : i32
      %dma_wait3A_90 = tpu.memref_slice %arg3[%dma_wait3A_88, %dma_wait3A_89] : memref<50008x16xf32, #tpu.memory_space<hbm>> -> memref<50008x16xf32, #tpu.memory_space<hbm>>
      tpu.wait_indirect_dma semaphore(%arg22 : memref<!tpu.dma_semaphore, #tpu.memory_space<semaphore_mem>>) src(%dma_wait3A_90 : memref<50008x16xf32, #tpu.memory_space<hbm>>) dst(%arg9 : memref<128x16xf32, #tpu.memory_space<vmem>>)
      %add3A_91 = arith.constant 1 : i32
      %add3A_92 = arith.addi %add3A_76, %add3A_91 : i32
      %lt3A_93 = arith.constant 400 : i32
      %lt3A_94 = arith.cmpi slt, %add3A_92, %lt3A_93 : i32
      %convert_element_type3A_95 = arith.extui %lt3A_94 : i1 to i32
      %cond3A_96 = arith.constant 0 : i32
      %cond3A_97 = arith.cmpi ne, %convert_element_type3A_95, %cond3A_96 : i32
      scf.if %cond3A_97 {
        %add3A_176 = arith.constant 1 : i32
        %add3A_177 = arith.addi %add3A_76, %add3A_176 : i32
        %add3A_178 = arith.addi %mul3A_8, %add3A_177 : i32
        %dma_wait3A_179 = arith.constant 0 : i32
        %dma_wait3A_180 = arith.constant 0 : i32
        %dma_wait3A_181 = tpu.memref_slice %arg2[%add3A_178, %dma_wait3A_179, %dma_wait3A_180] : memref<6400x2x128xi32, #tpu.memory_space<hbm>> -> memref<1x2x128xi32, #tpu.memory_space<hbm>>
        %dma_wait3A_182 = tpu.memref_squeeze %dma_wait3A_181 : memref<1x2x128xi32, #tpu.memory_space<hbm>> -> memref<2x128xi32, #tpu.memory_space<hbm>>
        %dma_wait3A_183 = arith.constant 0 : i32
        %dma_wait3A_184 = arith.constant 0 : i32
        %dma_wait3A_185 = tpu.memref_slice %arg2[%add3A_178, %dma_wait3A_183, %dma_wait3A_184] : memref<6400x2x128xi32, #tpu.memory_space<hbm>> -> memref<1x2x128xi32, #tpu.memory_space<hbm>>
        %dma_wait3A_186 = tpu.memref_squeeze %dma_wait3A_185 : memref<1x2x128xi32, #tpu.memory_space<hbm>> -> memref<2x128xi32, #tpu.memory_space<hbm>>
        tpu.wait_dma2 semaphore(%arg19 : memref<!tpu.dma_semaphore, #tpu.memory_space<semaphore_mem>>) src(%dma_wait3A_186 : memref<2x128xi32, #tpu.memory_space<hbm>>) dst(%arg8 : memref<2x128xi32, #tpu.memory_space<vmem>>)
        %dma_start3A_187 = arith.constant 0 : i32
        %dma_start3A_188 = arith.constant 0 : i32
        %dma_start3A_189 = tpu.memref_slice %arg8[%dma_start3A_187, %dma_start3A_188] : memref<2x128xi32, #tpu.memory_space<vmem>> -> memref<1x128xi32, #tpu.memory_space<vmem>>
        %dma_start3A_190 = tpu.memref_squeeze %dma_start3A_189 : memref<1x128xi32, #tpu.memory_space<vmem>> -> memref<128xi32, #tpu.memory_space<vmem>>
        %dma_start3A_191 = arith.constant 0 : i32
        %dma_start3A_192 = arith.constant 0 : i32
        %dma_start3A_193 = tpu.memref_slice %arg4[%dma_start3A_191, %dma_start3A_192] : memref<50000x48xf32, #tpu.memory_space<hbm>> -> memref<50000x48xf32, #tpu.memory_space<hbm>>
        tpu.enqueue_indirect_dma source(%dma_start3A_193 : memref<50000x48xf32, #tpu.memory_space<hbm>>) target(%arg12 : memref<128x48xf32, #tpu.memory_space<vmem>>) offsets(%dma_start3A_190 : memref<128xi32, #tpu.memory_space<vmem>>) semaphore(%arg21 : memref<!tpu.dma_semaphore, #tpu.memory_space<semaphore_mem>>)
        %dma_start3A_194 = arith.constant 1 : i32
        %dma_start3A_195 = arith.constant 0 : i32
        %dma_start3A_196 = tpu.memref_slice %arg8[%dma_start3A_194, %dma_start3A_195] : memref<2x128xi32, #tpu.memory_space<vmem>> -> memref<1x128xi32, #tpu.memory_space<vmem>>
        %dma_start3A_197 = tpu.memref_squeeze %dma_start3A_196 : memref<1x128xi32, #tpu.memory_space<vmem>> -> memref<128xi32, #tpu.memory_space<vmem>>
        %dma_start3A_198 = arith.constant 0 : i32
        %dma_start3A_199 = arith.constant 0 : i32
        %dma_start3A_200 = tpu.memref_slice %arg3[%dma_start3A_198, %dma_start3A_199] : memref<50008x16xf32, #tpu.memory_space<hbm>> -> memref<50008x16xf32, #tpu.memory_space<hbm>>
        tpu.enqueue_indirect_dma source(%dma_start3A_200 : memref<50008x16xf32, #tpu.memory_space<hbm>>) target(%arg10 : memref<128x16xf32, #tpu.memory_space<vmem>>) offsets(%dma_start3A_197 : memref<128xi32, #tpu.memory_space<vmem>>) semaphore(%arg23 : memref<!tpu.dma_semaphore, #tpu.memory_space<semaphore_mem>>)
      } else {
      }
      %ge3A = arith.constant 1 : i32
      %ge3A_98 = arith.cmpi sge, %scan3A_72, %ge3A : i32
      %convert_element_type3A_99 = arith.extui %ge3A_98 : i1 to i32
      %cond3A_100 = arith.constant 0 : i32
      %cond3A_101 = arith.cmpi ne, %convert_element_type3A_99, %cond3A_100 : i32
      scf.if %cond3A_101 {
        %dma_wait3A_176 = arith.constant 0 : i32
        %dma_wait3A_177 = arith.constant 0 : i32
        %dma_wait3A_178 = tpu.memref_slice %arg17[%dma_wait3A_176, %dma_wait3A_177] : memref<25008x48xf32, #tpu.memory_space<vmem_shared>> -> memref<25008x48xf32, #tpu.memory_space<vmem_shared>>
        tpu.wait_indirect_dma semaphore(%arg24 : memref<!tpu.dma_semaphore, #tpu.memory_space<semaphore_mem>>) src(%arg13 : memref<128x48xf32, #tpu.memory_space<vmem>>) dst(%dma_wait3A_178 : memref<25008x48xf32, #tpu.memory_space<vmem_shared>>)
      } else {
      }
      %scan3A_102 = arith.constant 0 : i32
      %scan3A_103 = arith.constant 0 : i32
      %scan3A_104 = arith.constant 8 : i32
      %scan3A_105 = arith.addi %scan3A_103, %scan3A_104 : i32
      %scan3A_106 = arith.constant 1 : i32
      scf.for %scan3A_176 = %scan3A_103 to %scan3A_105 step %scan3A_106  : i32 {
        %mul3A_177 = arith.constant 16 : i32
        %mul3A_178 = arith.muli %scan3A_176, %mul3A_177 : i32
        %get3A = arith.constant 1 : i32
        %get3A_179 = arith.index_cast %get3A : i32 to index
        %get3A_180 = arith.index_cast %mul3A_178 : i32 to index
        %get3A_181 = tpu.vector_load %arg7[%get3A_179, %get3A_180] {strides = array<i32>} : memref<2x128xi32, #tpu.memory_space<vmem>>, vector<16xi32>,
        %ge3A_182 = vector.broadcast %mul3A_6 : i32 to vector<16xi32>
        %ge3A_183 = arith.cmpi sge, %get3A_181, %ge3A_182 : vector<16xi32>
        %add3A_184 = arith.constant 25000 : i32
        %add3A_185 = arith.addi %mul3A_6, %add3A_184 : i32
        %lt3A_186 = vector.broadcast %add3A_185 : i32 to vector<16xi32>
        %lt3A_187 = arith.cmpi slt, %get3A_181, %lt3A_186 : vector<16xi32>
        %and3A = arith.andi %ge3A_183, %lt3A_187 : vector<16xi1>
        %sub3A = vector.broadcast %mul3A_6 : i32 to vector<16xi32>
        %sub3A_188 = arith.subi %get3A_181, %sub3A : vector<16xi32>
        %jit3A = arith.constant 25000 : i32
        %broadcast_in_dim3A = vector.broadcast %jit3A : i32 to vector<16xi32>
        %select_n3A = arith.select %and3A, %sub3A_188, %broadcast_in_dim3A : vector<16xi1>, vector<16xi32>
        %mul3A_189 = arith.constant 16 : i32
        %mul3A_190 = arith.muli %scan3A_176, %mul3A_189 : i32
        %swap3A = arith.index_cast %mul3A_190 : i32 to index
        %swap3A_191 = tpu.vector_load %arg15[%swap3A] {strides = array<i32>} : memref<128xi32, #tpu.memory_space<vmem>>, vector<16xi32>,
        tpu.vector_store %arg15[%swap3A], %select_n3A {strides = array<i32>} : memref<128xi32, #tpu.memory_space<vmem>>, vector<16xi32>,
      }
      %scan3A_107 = arith.constant 8 : i32
      %scan3A_108 = arith.constant 0 : i32
      %scan3A_109 = arith.constant 0 : i32
      %scan3A_110 = arith.constant 32 : i32
      %scan3A_111 = arith.addi %scan3A_109, %scan3A_110 : i32
      %scan3A_112 = arith.constant 1 : i32
      scf.for %scan3A_176 = %scan3A_109 to %scan3A_111 step %scan3A_112  : i32 {
        %mul3A_177 = arith.constant 4 : i32
        %mul3A_178 = arith.muli %scan3A_176, %mul3A_177 : i32
        %add3A_179 = arith.constant 0 : i32
        %add3A_180 = arith.addi %mul3A_178, %add3A_179 : i32
        %get3A = arith.index_cast %add3A_180 : i32 to index
        %get3A_181 = arith.constant 0 : index
        %get3A_182 = tpu.vector_load %arg11[%get3A, %get3A_181] {strides = array<i32>} : memref<128x48xf32, #tpu.memory_space<vmem>>, vector<16xf32>,
        %get3A_183 = arith.index_cast %add3A_180 : i32 to index
        %get3A_184 = arith.constant 0 : index
        %get3A_185 = tpu.vector_load %arg9[%get3A_183, %get3A_184] {strides = array<i32>} : memref<128x16xf32, #tpu.memory_space<vmem>>, vector<16xf32>,
        %mul3A_186 = arith.mulf %get3A_185, %get3A_182 : vector<16xf32>
        %reduce_sum3A = arith.constant true
        %reduce_sum3A_187 = vector.broadcast %reduce_sum3A : i1 to vector<16xi1>
        %reduce_sum3A_188 = tpu.scan <sum>, %mul3A_186 masked %reduce_sum3A_187 : vector<16xf32>, vector<16xi1> -> vector<16xf32>
        %reduce_sum3A_189 = vector.extract %reduce_sum3A_188[15] : f32 from vector<16xf32>
        %broadcast_in_dim3A = vector.broadcast %reduce_sum3A_189 : f32 to vector<16xf32>
        %div3A = arith.constant 1.000000e+00 : f32
        %div3A_190 = vector.broadcast %div3A : f32 to vector<16xf32>
        %div3A_191 = arith.divf %div3A_190, %broadcast_in_dim3A : vector<16xf32>
        %mul3A_192 = arith.mulf %get3A_182, %div3A_191 : vector<16xf32>
        %swap3A = arith.index_cast %add3A_180 : i32 to index
        %swap3A_193 = arith.constant 0 : index
        %swap3A_194 = tpu.vector_load %arg13[%swap3A, %swap3A_193] {strides = array<i32>} : memref<128x48xf32, #tpu.memory_space<vmem>>, vector<16xf32>,
        tpu.vector_store %arg13[%swap3A, %swap3A_193], %mul3A_192 {strides = array<i32>} : memref<128x48xf32, #tpu.memory_space<vmem>>, vector<16xf32>,
        %get3A_195 = arith.index_cast %add3A_180 : i32 to index
        %get3A_196 = arith.constant 16 : index
        %get3A_197 = tpu.vector_load %arg11[%get3A_195, %get3A_196] {strides = array<i32>} : memref<128x48xf32, #tpu.memory_space<vmem>>, vector<16xf32>,
        %mul3A_198 = arith.mulf %get3A_197, %div3A_191 : vector<16xf32>
        %swap3A_199 = arith.index_cast %add3A_180 : i32 to index
        %swap3A_200 = arith.constant 16 : index
        %swap3A_201 = tpu.vector_load %arg13[%swap3A_199, %swap3A_200] {strides = array<i32>} : memref<128x48xf32, #tpu.memory_space<vmem>>, vector<16xf32>,
        tpu.vector_store %arg13[%swap3A_199, %swap3A_200], %mul3A_198 {strides = array<i32>} : memref<128x48xf32, #tpu.memory_space<vmem>>, vector<16xf32>,
        %get3A_202 = arith.index_cast %add3A_180 : i32 to index
        %get3A_203 = arith.constant 32 : index
        %get3A_204 = tpu.vector_load %arg11[%get3A_202, %get3A_203] {strides = array<i32>} : memref<128x48xf32, #tpu.memory_space<vmem>>, vector<16xf32>,
        %mul3A_205 = arith.mulf %get3A_204, %div3A_191 : vector<16xf32>
        %swap3A_206 = arith.index_cast %add3A_180 : i32 to index
        %swap3A_207 = arith.constant 32 : index
        %swap3A_208 = tpu.vector_load %arg13[%swap3A_206, %swap3A_207] {strides = array<i32>} : memref<128x48xf32, #tpu.memory_space<vmem>>, vector<16xf32>,
        tpu.vector_store %arg13[%swap3A_206, %swap3A_207], %mul3A_205 {strides = array<i32>} : memref<128x48xf32, #tpu.memory_space<vmem>>, vector<16xf32>,
        %mul3A_209 = arith.constant 4 : i32
        %mul3A_210 = arith.muli %scan3A_176, %mul3A_209 : i32
        %add3A_211 = arith.constant 1 : i32
        %add3A_212 = arith.addi %mul3A_210, %add3A_211 : i32
        %get3A_213 = arith.index_cast %add3A_212 : i32 to index
        %get3A_214 = arith.constant 0 : index
        %get3A_215 = tpu.vector_load %arg11[%get3A_213, %get3A_214] {strides = array<i32>} : memref<128x48xf32, #tpu.memory_space<vmem>>, vector<16xf32>,
        %get3A_216 = arith.index_cast %add3A_212 : i32 to index
        %get3A_217 = arith.constant 0 : index
        %get3A_218 = tpu.vector_load %arg9[%get3A_216, %get3A_217] {strides = array<i32>} : memref<128x16xf32, #tpu.memory_space<vmem>>, vector<16xf32>,
        %mul3A_219 = arith.mulf %get3A_218, %get3A_215 : vector<16xf32>
        %reduce_sum3A_220 = arith.constant true
        %reduce_sum3A_221 = vector.broadcast %reduce_sum3A_220 : i1 to vector<16xi1>
        %reduce_sum3A_222 = tpu.scan <sum>, %mul3A_219 masked %reduce_sum3A_221 : vector<16xf32>, vector<16xi1> -> vector<16xf32>
        %reduce_sum3A_223 = vector.extract %reduce_sum3A_222[15] : f32 from vector<16xf32>
        %broadcast_in_dim3A_224 = vector.broadcast %reduce_sum3A_223 : f32 to vector<16xf32>
        %div3A_225 = arith.constant 1.000000e+00 : f32
        %div3A_226 = vector.broadcast %div3A_225 : f32 to vector<16xf32>
        %div3A_227 = arith.divf %div3A_226, %broadcast_in_dim3A_224 : vector<16xf32>
        %mul3A_228 = arith.mulf %get3A_215, %div3A_227 : vector<16xf32>
        %swap3A_229 = arith.index_cast %add3A_212 : i32 to index
        %swap3A_230 = arith.constant 0 : index
        %swap3A_231 = tpu.vector_load %arg13[%swap3A_229, %swap3A_230] {strides = array<i32>} : memref<128x48xf32, #tpu.memory_space<vmem>>, vector<16xf32>,
        tpu.vector_store %arg13[%swap3A_229, %swap3A_230], %mul3A_228 {strides = array<i32>} : memref<128x48xf32, #tpu.memory_space<vmem>>, vector<16xf32>,
        %get3A_232 = arith.index_cast %add3A_212 : i32 to index
        %get3A_233 = arith.constant 16 : index
        %get3A_234 = tpu.vector_load %arg11[%get3A_232, %get3A_233] {strides = array<i32>} : memref<128x48xf32, #tpu.memory_space<vmem>>, vector<16xf32>,
        %mul3A_235 = arith.mulf %get3A_234, %div3A_227 : vector<16xf32>
        %swap3A_236 = arith.index_cast %add3A_212 : i32 to index
        %swap3A_237 = arith.constant 16 : index
        %swap3A_238 = tpu.vector_load %arg13[%swap3A_236, %swap3A_237] {strides = array<i32>} : memref<128x48xf32, #tpu.memory_space<vmem>>, vector<16xf32>,
        tpu.vector_store %arg13[%swap3A_236, %swap3A_237], %mul3A_235 {strides = array<i32>} : memref<128x48xf32, #tpu.memory_space<vmem>>, vector<16xf32>,
        %get3A_239 = arith.index_cast %add3A_212 : i32 to index
        %get3A_240 = arith.constant 32 : index
        %get3A_241 = tpu.vector_load %arg11[%get3A_239, %get3A_240] {strides = array<i32>} : memref<128x48xf32, #tpu.memory_space<vmem>>, vector<16xf32>,
        %mul3A_242 = arith.mulf %get3A_241, %div3A_227 : vector<16xf32>
        %swap3A_243 = arith.index_cast %add3A_212 : i32 to index
        %swap3A_244 = arith.constant 32 : index
        %swap3A_245 = tpu.vector_load %arg13[%swap3A_243, %swap3A_244] {strides = array<i32>} : memref<128x48xf32, #tpu.memory_space<vmem>>, vector<16xf32>,
        tpu.vector_store %arg13[%swap3A_243, %swap3A_244], %mul3A_242 {strides = array<i32>} : memref<128x48xf32, #tpu.memory_space<vmem>>, vector<16xf32>,
        %mul3A_246 = arith.constant 4 : i32
        %mul3A_247 = arith.muli %scan3A_176, %mul3A_246 : i32
        %add3A_248 = arith.constant 2 : i32
        %add3A_249 = arith.addi %mul3A_247, %add3A_248 : i32
        %get3A_250 = arith.index_cast %add3A_249 : i32 to index
        %get3A_251 = arith.constant 0 : index
        %get3A_252 = tpu.vector_load %arg11[%get3A_250, %get3A_251] {strides = array<i32>} : memref<128x48xf32, #tpu.memory_space<vmem>>, vector<16xf32>,
        %get3A_253 = arith.index_cast %add3A_249 : i32 to index
        %get3A_254 = arith.constant 0 : index
        %get3A_255 = tpu.vector_load %arg9[%get3A_253, %get3A_254] {strides = array<i32>} : memref<128x16xf32, #tpu.memory_space<vmem>>, vector<16xf32>,
        %mul3A_256 = arith.mulf %get3A_255, %get3A_252 : vector<16xf32>
        %reduce_sum3A_257 = arith.constant true
        %reduce_sum3A_258 = vector.broadcast %reduce_sum3A_257 : i1 to vector<16xi1>
        %reduce_sum3A_259 = tpu.scan <sum>, %mul3A_256 masked %reduce_sum3A_258 : vector<16xf32>, vector<16xi1> -> vector<16xf32>
        %reduce_sum3A_260 = vector.extract %reduce_sum3A_259[15] : f32 from vector<16xf32>
        %broadcast_in_dim3A_261 = vector.broadcast %reduce_sum3A_260 : f32 to vector<16xf32>
        %div3A_262 = arith.constant 1.000000e+00 : f32
        %div3A_263 = vector.broadcast %div3A_262 : f32 to vector<16xf32>
        %div3A_264 = arith.divf %div3A_263, %broadcast_in_dim3A_261 : vector<16xf32>
        %mul3A_265 = arith.mulf %get3A_252, %div3A_264 : vector<16xf32>
        %swap3A_266 = arith.index_cast %add3A_249 : i32 to index
        %swap3A_267 = arith.constant 0 : index
        %swap3A_268 = tpu.vector_load %arg13[%swap3A_266, %swap3A_267] {strides = array<i32>} : memref<128x48xf32, #tpu.memory_space<vmem>>, vector<16xf32>,
        tpu.vector_store %arg13[%swap3A_266, %swap3A_267], %mul3A_265 {strides = array<i32>} : memref<128x48xf32, #tpu.memory_space<vmem>>, vector<16xf32>,
        %get3A_269 = arith.index_cast %add3A_249 : i32 to index
        %get3A_270 = arith.constant 16 : index
        %get3A_271 = tpu.vector_load %arg11[%get3A_269, %get3A_270] {strides = array<i32>} : memref<128x48xf32, #tpu.memory_space<vmem>>, vector<16xf32>,
        %mul3A_272 = arith.mulf %get3A_271, %div3A_264 : vector<16xf32>
        %swap3A_273 = arith.index_cast %add3A_249 : i32 to index
        %swap3A_274 = arith.constant 16 : index
        %swap3A_275 = tpu.vector_load %arg13[%swap3A_273, %swap3A_274] {strides = array<i32>} : memref<128x48xf32, #tpu.memory_space<vmem>>, vector<16xf32>,
        tpu.vector_store %arg13[%swap3A_273, %swap3A_274], %mul3A_272 {strides = array<i32>} : memref<128x48xf32, #tpu.memory_space<vmem>>, vector<16xf32>,
        %get3A_276 = arith.index_cast %add3A_249 : i32 to index
        %get3A_277 = arith.constant 32 : index
        %get3A_278 = tpu.vector_load %arg11[%get3A_276, %get3A_277] {strides = array<i32>} : memref<128x48xf32, #tpu.memory_space<vmem>>, vector<16xf32>,
        %mul3A_279 = arith.mulf %get3A_278, %div3A_264 : vector<16xf32>
        %swap3A_280 = arith.index_cast %add3A_249 : i32 to index
        %swap3A_281 = arith.constant 32 : index
        %swap3A_282 = tpu.vector_load %arg13[%swap3A_280, %swap3A_281] {strides = array<i32>} : memref<128x48xf32, #tpu.memory_space<vmem>>, vector<16xf32>,
        tpu.vector_store %arg13[%swap3A_280, %swap3A_281], %mul3A_279 {strides = array<i32>} : memref<128x48xf32, #tpu.memory_space<vmem>>, vector<16xf32>,
        %mul3A_283 = arith.constant 4 : i32
        %mul3A_284 = arith.muli %scan3A_176, %mul3A_283 : i32
        %add3A_285 = arith.constant 3 : i32
        %add3A_286 = arith.addi %mul3A_284, %add3A_285 : i32
        %get3A_287 = arith.index_cast %add3A_286 : i32 to index
        %get3A_288 = arith.constant 0 : index
        %get3A_289 = tpu.vector_load %arg11[%get3A_287, %get3A_288] {strides = array<i32>} : memref<128x48xf32, #tpu.memory_space<vmem>>, vector<16xf32>,
        %get3A_290 = arith.index_cast %add3A_286 : i32 to index
        %get3A_291 = arith.constant 0 : index
        %get3A_292 = tpu.vector_load %arg9[%get3A_290, %get3A_291] {strides = array<i32>} : memref<128x16xf32, #tpu.memory_space<vmem>>, vector<16xf32>,
        %mul3A_293 = arith.mulf %get3A_292, %get3A_289 : vector<16xf32>
        %reduce_sum3A_294 = arith.constant true
        %reduce_sum3A_295 = vector.broadcast %reduce_sum3A_294 : i1 to vector<16xi1>
        %reduce_sum3A_296 = tpu.scan <sum>, %mul3A_293 masked %reduce_sum3A_295 : vector<16xf32>, vector<16xi1> -> vector<16xf32>
        %reduce_sum3A_297 = vector.extract %reduce_sum3A_296[15] : f32 from vector<16xf32>
        %broadcast_in_dim3A_298 = vector.broadcast %reduce_sum3A_297 : f32 to vector<16xf32>
        %div3A_299 = arith.constant 1.000000e+00 : f32
        %div3A_300 = vector.broadcast %div3A_299 : f32 to vector<16xf32>
        %div3A_301 = arith.divf %div3A_300, %broadcast_in_dim3A_298 : vector<16xf32>
        %mul3A_302 = arith.mulf %get3A_289, %div3A_301 : vector<16xf32>
        %swap3A_303 = arith.index_cast %add3A_286 : i32 to index
        %swap3A_304 = arith.constant 0 : index
        %swap3A_305 = tpu.vector_load %arg13[%swap3A_303, %swap3A_304] {strides = array<i32>} : memref<128x48xf32, #tpu.memory_space<vmem>>, vector<16xf32>,
        tpu.vector_store %arg13[%swap3A_303, %swap3A_304], %mul3A_302 {strides = array<i32>} : memref<128x48xf32, #tpu.memory_space<vmem>>, vector<16xf32>,
        %get3A_306 = arith.index_cast %add3A_286 : i32 to index
        %get3A_307 = arith.constant 16 : index
        %get3A_308 = tpu.vector_load %arg11[%get3A_306, %get3A_307] {strides = array<i32>} : memref<128x48xf32, #tpu.memory_space<vmem>>, vector<16xf32>,
        %mul3A_309 = arith.mulf %get3A_308, %div3A_301 : vector<16xf32>
        %swap3A_310 = arith.index_cast %add3A_286 : i32 to index
        %swap3A_311 = arith.constant 16 : index
        %swap3A_312 = tpu.vector_load %arg13[%swap3A_310, %swap3A_311] {strides = array<i32>} : memref<128x48xf32, #tpu.memory_space<vmem>>, vector<16xf32>,
        tpu.vector_store %arg13[%swap3A_310, %swap3A_311], %mul3A_309 {strides = array<i32>} : memref<128x48xf32, #tpu.memory_space<vmem>>, vector<16xf32>,
        %get3A_313 = arith.index_cast %add3A_286 : i32 to index
        %get3A_314 = arith.constant 32 : index
        %get3A_315 = tpu.vector_load %arg11[%get3A_313, %get3A_314] {strides = array<i32>} : memref<128x48xf32, #tpu.memory_space<vmem>>, vector<16xf32>,
        %mul3A_316 = arith.mulf %get3A_315, %div3A_301 : vector<16xf32>
        %swap3A_317 = arith.index_cast %add3A_286 : i32 to index
        %swap3A_318 = arith.constant 32 : index
        %swap3A_319 = tpu.vector_load %arg13[%swap3A_317, %swap3A_318] {strides = array<i32>} : memref<128x48xf32, #tpu.memory_space<vmem>>, vector<16xf32>,
        tpu.vector_store %arg13[%swap3A_317, %swap3A_318], %mul3A_316 {strides = array<i32>} : memref<128x48xf32, #tpu.memory_space<vmem>>, vector<16xf32>,
      }
      %scan3A_113 = arith.constant 32 : i32
      %dma_start3A_114 = arith.constant 0 : i32
      %dma_start3A_115 = arith.constant 0 : i32
      %dma_start3A_116 = tpu.memref_slice %arg17[%dma_start3A_114, %dma_start3A_115] : memref<25008x48xf32, #tpu.memory_space<vmem_shared>> -> memref<25008x48xf32, #tpu.memory_space<vmem_shared>>
      tpu.enqueue_indirect_dma source(%arg13 : memref<128x48xf32, #tpu.memory_space<vmem>>) target(%dma_start3A_116 : memref<25008x48xf32, #tpu.memory_space<vmem_shared>>) offsets(%arg15 : memref<128xi32, #tpu.memory_space<vmem>>) semaphore(%arg24 : memref<!tpu.dma_semaphore, #tpu.memory_space<semaphore_mem>>) {add = true}
      %add3A_117 = arith.constant 2 : i32
      %add3A_118 = arith.addi %add3A_76, %add3A_117 : i32
      %lt3A_119 = arith.constant 400 : i32
      %lt3A_120 = arith.cmpi slt, %add3A_118, %lt3A_119 : i32
      %convert_element_type3A_121 = arith.extui %lt3A_120 : i1 to i32
      %cond3A_122 = arith.constant 0 : i32
      %cond3A_123 = arith.cmpi ne, %convert_element_type3A_121, %cond3A_122 : i32
      scf.if %cond3A_123 {
        %add3A_176 = arith.constant 2 : i32
        %add3A_177 = arith.addi %add3A_76, %add3A_176 : i32
        %add3A_178 = arith.addi %mul3A_8, %add3A_177 : i32
        %dma_start3A_179 = arith.constant 0 : i32
        %dma_start3A_180 = arith.constant 0 : i32
        %dma_start3A_181 = tpu.memref_slice %arg2[%add3A_178, %dma_start3A_179, %dma_start3A_180] : memref<6400x2x128xi32, #tpu.memory_space<hbm>> -> memref<1x2x128xi32, #tpu.memory_space<hbm>>
        %dma_start3A_182 = tpu.memref_squeeze %dma_start3A_181 : memref<1x2x128xi32, #tpu.memory_space<hbm>> -> memref<2x128xi32, #tpu.memory_space<hbm>>
        %dma_start3A_183 = arith.constant 0 : i32
        %dma_start3A_184 = arith.constant 0 : i32
        %dma_start3A_185 = tpu.memref_slice %arg2[%add3A_178, %dma_start3A_183, %dma_start3A_184] : memref<6400x2x128xi32, #tpu.memory_space<hbm>> -> memref<1x2x128xi32, #tpu.memory_space<hbm>>
        %dma_start3A_186 = tpu.memref_squeeze %dma_start3A_185 : memref<1x2x128xi32, #tpu.memory_space<hbm>> -> memref<2x128xi32, #tpu.memory_space<hbm>>
        tpu.enqueue_dma source(%dma_start3A_186 : memref<2x128xi32, #tpu.memory_space<hbm>>) target(%arg7 : memref<2x128xi32, #tpu.memory_space<vmem>>) target_semaphore(%arg18 : memref<!tpu.dma_semaphore, #tpu.memory_space<semaphore_mem>>)
      } else {
      }
      %mul3A_124 = arith.constant 2 : i32
      %mul3A_125 = arith.muli %scan3A_72, %mul3A_124 : i32
      %add3A_126 = arith.constant 1 : i32
      %add3A_127 = arith.addi %mul3A_125, %add3A_126 : i32
      %dma_wait3A_128 = arith.constant 0 : i32
      %dma_wait3A_129 = arith.constant 0 : i32
      %dma_wait3A_130 = tpu.memref_slice %arg8[%dma_wait3A_128, %dma_wait3A_129] : memref<2x128xi32, #tpu.memory_space<vmem>> -> memref<1x128xi32, #tpu.memory_space<vmem>>
      %dma_wait3A_131 = tpu.memref_squeeze %dma_wait3A_130 : memref<1x128xi32, #tpu.memory_space<vmem>> -> memref<128xi32, #tpu.memory_space<vmem>>
      %dma_wait3A_132 = arith.constant 0 : i32
      %dma_wait3A_133 = arith.constant 0 : i32
      %dma_wait3A_134 = tpu.memref_slice %arg4[%dma_wait3A_132, %dma_wait3A_133] : memref<50000x48xf32, #tpu.memory_space<hbm>> -> memref<50000x48xf32, #tpu.memory_space<hbm>>
      tpu.wait_indirect_dma semaphore(%arg21 : memref<!tpu.dma_semaphore, #tpu.memory_space<semaphore_mem>>) src(%dma_wait3A_134 : memref<50000x48xf32, #tpu.memory_space<hbm>>) dst(%arg12 : memref<128x48xf32, #tpu.memory_space<vmem>>)
      %dma_wait3A_135 = arith.constant 1 : i32
      %dma_wait3A_136 = arith.constant 0 : i32
      %dma_wait3A_137 = tpu.memref_slice %arg8[%dma_wait3A_135, %dma_wait3A_136] : memref<2x128xi32, #tpu.memory_space<vmem>> -> memref<1x128xi32, #tpu.memory_space<vmem>>
      %dma_wait3A_138 = tpu.memref_squeeze %dma_wait3A_137 : memref<1x128xi32, #tpu.memory_space<vmem>> -> memref<128xi32, #tpu.memory_space<vmem>>
      %dma_wait3A_139 = arith.constant 0 : i32
      %dma_wait3A_140 = arith.constant 0 : i32
      %dma_wait3A_141 = tpu.memref_slice %arg3[%dma_wait3A_139, %dma_wait3A_140] : memref<50008x16xf32, #tpu.memory_space<hbm>> -> memref<50008x16xf32, #tpu.memory_space<hbm>>
      tpu.wait_indirect_dma semaphore(%arg23 : memref<!tpu.dma_semaphore, #tpu.memory_space<semaphore_mem>>) src(%dma_wait3A_141 : memref<50008x16xf32, #tpu.memory_space<hbm>>) dst(%arg10 : memref<128x16xf32, #tpu.memory_space<vmem>>)
      %add3A_142 = arith.constant 1 : i32
      %add3A_143 = arith.addi %add3A_127, %add3A_142 : i32
      %lt3A_144 = arith.constant 400 : i32
      %lt3A_145 = arith.cmpi slt, %add3A_143, %lt3A_144 : i32
      %convert_element_type3A_146 = arith.extui %lt3A_145 : i1 to i32
      %cond3A_147 = arith.constant 0 : i32
      %cond3A_148 = arith.cmpi ne, %convert_element_type3A_146, %cond3A_147 : i32
      scf.if %cond3A_148 {
        %add3A_176 = arith.constant 1 : i32
        %add3A_177 = arith.addi %add3A_127, %add3A_176 : i32
        %add3A_178 = arith.addi %mul3A_8, %add3A_177 : i32
        %dma_wait3A_179 = arith.constant 0 : i32
        %dma_wait3A_180 = arith.constant 0 : i32
        %dma_wait3A_181 = tpu.memref_slice %arg2[%add3A_178, %dma_wait3A_179, %dma_wait3A_180] : memref<6400x2x128xi32, #tpu.memory_space<hbm>> -> memref<1x2x128xi32, #tpu.memory_space<hbm>>
        %dma_wait3A_182 = tpu.memref_squeeze %dma_wait3A_181 : memref<1x2x128xi32, #tpu.memory_space<hbm>> -> memref<2x128xi32, #tpu.memory_space<hbm>>
        %dma_wait3A_183 = arith.constant 0 : i32
        %dma_wait3A_184 = arith.constant 0 : i32
        %dma_wait3A_185 = tpu.memref_slice %arg2[%add3A_178, %dma_wait3A_183, %dma_wait3A_184] : memref<6400x2x128xi32, #tpu.memory_space<hbm>> -> memref<1x2x128xi32, #tpu.memory_space<hbm>>
        %dma_wait3A_186 = tpu.memref_squeeze %dma_wait3A_185 : memref<1x2x128xi32, #tpu.memory_space<hbm>> -> memref<2x128xi32, #tpu.memory_space<hbm>>
        tpu.wait_dma2 semaphore(%arg18 : memref<!tpu.dma_semaphore, #tpu.memory_space<semaphore_mem>>) src(%dma_wait3A_186 : memref<2x128xi32, #tpu.memory_space<hbm>>) dst(%arg7 : memref<2x128xi32, #tpu.memory_space<vmem>>)
        %dma_start3A_187 = arith.constant 0 : i32
        %dma_start3A_188 = arith.constant 0 : i32
        %dma_start3A_189 = tpu.memref_slice %arg7[%dma_start3A_187, %dma_start3A_188] : memref<2x128xi32, #tpu.memory_space<vmem>> -> memref<1x128xi32, #tpu.memory_space<vmem>>
        %dma_start3A_190 = tpu.memref_squeeze %dma_start3A_189 : memref<1x128xi32, #tpu.memory_space<vmem>> -> memref<128xi32, #tpu.memory_space<vmem>>
        %dma_start3A_191 = arith.constant 0 : i32
        %dma_start3A_192 = arith.constant 0 : i32
        %dma_start3A_193 = tpu.memref_slice %arg4[%dma_start3A_191, %dma_start3A_192] : memref<50000x48xf32, #tpu.memory_space<hbm>> -> memref<50000x48xf32, #tpu.memory_space<hbm>>
        tpu.enqueue_indirect_dma source(%dma_start3A_193 : memref<50000x48xf32, #tpu.memory_space<hbm>>) target(%arg11 : memref<128x48xf32, #tpu.memory_space<vmem>>) offsets(%dma_start3A_190 : memref<128xi32, #tpu.memory_space<vmem>>) semaphore(%arg20 : memref<!tpu.dma_semaphore, #tpu.memory_space<semaphore_mem>>)
        %dma_start3A_194 = arith.constant 1 : i32
        %dma_start3A_195 = arith.constant 0 : i32
        %dma_start3A_196 = tpu.memref_slice %arg7[%dma_start3A_194, %dma_start3A_195] : memref<2x128xi32, #tpu.memory_space<vmem>> -> memref<1x128xi32, #tpu.memory_space<vmem>>
        %dma_start3A_197 = tpu.memref_squeeze %dma_start3A_196 : memref<1x128xi32, #tpu.memory_space<vmem>> -> memref<128xi32, #tpu.memory_space<vmem>>
        %dma_start3A_198 = arith.constant 0 : i32
        %dma_start3A_199 = arith.constant 0 : i32
        %dma_start3A_200 = tpu.memref_slice %arg3[%dma_start3A_198, %dma_start3A_199] : memref<50008x16xf32, #tpu.memory_space<hbm>> -> memref<50008x16xf32, #tpu.memory_space<hbm>>
        tpu.enqueue_indirect_dma source(%dma_start3A_200 : memref<50008x16xf32, #tpu.memory_space<hbm>>) target(%arg9 : memref<128x16xf32, #tpu.memory_space<vmem>>) offsets(%dma_start3A_197 : memref<128xi32, #tpu.memory_space<vmem>>) semaphore(%arg22 : memref<!tpu.dma_semaphore, #tpu.memory_space<semaphore_mem>>)
      } else {
      }
      %ge3A_149 = arith.constant 1 : i32
      %ge3A_150 = arith.cmpi sge, %scan3A_72, %ge3A_149 : i32
      %convert_element_type3A_151 = arith.extui %ge3A_150 : i1 to i32
      %cond3A_152 = arith.constant 0 : i32
      %cond3A_153 = arith.cmpi ne, %convert_element_type3A_151, %cond3A_152 : i32
      scf.if %cond3A_153 {
        %dma_wait3A_176 = arith.constant 0 : i32
        %dma_wait3A_177 = arith.constant 0 : i32
        %dma_wait3A_178 = tpu.memref_slice %arg17[%dma_wait3A_176, %dma_wait3A_177] : memref<25008x48xf32, #tpu.memory_space<vmem_shared>> -> memref<25008x48xf32, #tpu.memory_space<vmem_shared>>
        tpu.wait_indirect_dma semaphore(%arg25 : memref<!tpu.dma_semaphore, #tpu.memory_space<semaphore_mem>>) src(%arg14 : memref<128x48xf32, #tpu.memory_space<vmem>>) dst(%dma_wait3A_178 : memref<25008x48xf32, #tpu.memory_space<vmem_shared>>)
      } else {
      }
      %scan3A_154 = arith.constant 0 : i32
      %scan3A_155 = arith.constant 0 : i32
      %scan3A_156 = arith.constant 8 : i32
      %scan3A_157 = arith.addi %scan3A_155, %scan3A_156 : i32
      %scan3A_158 = arith.constant 1 : i32
      scf.for %scan3A_176 = %scan3A_155 to %scan3A_157 step %scan3A_158  : i32 {
        %mul3A_177 = arith.constant 16 : i32
        %mul3A_178 = arith.muli %scan3A_176, %mul3A_177 : i32
        %get3A = arith.constant 1 : i32
        %get3A_179 = arith.index_cast %get3A : i32 to index
        %get3A_180 = arith.index_cast %mul3A_178 : i32 to index
        %get3A_181 = tpu.vector_load %arg8[%get3A_179, %get3A_180] {strides = array<i32>} : memref<2x128xi32, #tpu.memory_space<vmem>>, vector<16xi32>,
        %ge3A_182 = vector.broadcast %mul3A_6 : i32 to vector<16xi32>
        %ge3A_183 = arith.cmpi sge, %get3A_181, %ge3A_182 : vector<16xi32>
        %add3A_184 = arith.constant 25000 : i32
        %add3A_185 = arith.addi %mul3A_6, %add3A_184 : i32
        %lt3A_186 = vector.broadcast %add3A_185 : i32 to vector<16xi32>
        %lt3A_187 = arith.cmpi slt, %get3A_181, %lt3A_186 : vector<16xi32>
        %and3A = arith.andi %ge3A_183, %lt3A_187 : vector<16xi1>
        %sub3A = vector.broadcast %mul3A_6 : i32 to vector<16xi32>
        %sub3A_188 = arith.subi %get3A_181, %sub3A : vector<16xi32>
        %jit3A = arith.constant 25000 : i32
        %broadcast_in_dim3A = vector.broadcast %jit3A : i32 to vector<16xi32>
        %select_n3A = arith.select %and3A, %sub3A_188, %broadcast_in_dim3A : vector<16xi1>, vector<16xi32>
        %mul3A_189 = arith.constant 16 : i32
        %mul3A_190 = arith.muli %scan3A_176, %mul3A_189 : i32
        %swap3A = arith.index_cast %mul3A_190 : i32 to index
        %swap3A_191 = tpu.vector_load %arg16[%swap3A] {strides = array<i32>} : memref<128xi32, #tpu.memory_space<vmem>>, vector<16xi32>,
        tpu.vector_store %arg16[%swap3A], %select_n3A {strides = array<i32>} : memref<128xi32, #tpu.memory_space<vmem>>, vector<16xi32>,
      }
      %scan3A_159 = arith.constant 8 : i32
      %scan3A_160 = arith.constant 0 : i32
      %scan3A_161 = arith.constant 0 : i32
      %scan3A_162 = arith.constant 32 : i32
      %scan3A_163 = arith.addi %scan3A_161, %scan3A_162 : i32
      %scan3A_164 = arith.constant 1 : i32
      scf.for %scan3A_176 = %scan3A_161 to %scan3A_163 step %scan3A_164  : i32 {
        %mul3A_177 = arith.constant 4 : i32
        %mul3A_178 = arith.muli %scan3A_176, %mul3A_177 : i32
        %add3A_179 = arith.constant 0 : i32
        %add3A_180 = arith.addi %mul3A_178, %add3A_179 : i32
        %get3A = arith.index_cast %add3A_180 : i32 to index
        %get3A_181 = arith.constant 0 : index
        %get3A_182 = tpu.vector_load %arg12[%get3A, %get3A_181] {strides = array<i32>} : memref<128x48xf32, #tpu.memory_space<vmem>>, vector<16xf32>,
        %get3A_183 = arith.index_cast %add3A_180 : i32 to index
        %get3A_184 = arith.constant 0 : index
        %get3A_185 = tpu.vector_load %arg10[%get3A_183, %get3A_184] {strides = array<i32>} : memref<128x16xf32, #tpu.memory_space<vmem>>, vector<16xf32>,
        %mul3A_186 = arith.mulf %get3A_185, %get3A_182 : vector<16xf32>
        %reduce_sum3A = arith.constant true
        %reduce_sum3A_187 = vector.broadcast %reduce_sum3A : i1 to vector<16xi1>
        %reduce_sum3A_188 = tpu.scan <sum>, %mul3A_186 masked %reduce_sum3A_187 : vector<16xf32>, vector<16xi1> -> vector<16xf32>
        %reduce_sum3A_189 = vector.extract %reduce_sum3A_188[15] : f32 from vector<16xf32>
        %broadcast_in_dim3A = vector.broadcast %reduce_sum3A_189 : f32 to vector<16xf32>
        %div3A = arith.constant 1.000000e+00 : f32
        %div3A_190 = vector.broadcast %div3A : f32 to vector<16xf32>
        %div3A_191 = arith.divf %div3A_190, %broadcast_in_dim3A : vector<16xf32>
        %mul3A_192 = arith.mulf %get3A_182, %div3A_191 : vector<16xf32>
        %swap3A = arith.index_cast %add3A_180 : i32 to index
        %swap3A_193 = arith.constant 0 : index
        %swap3A_194 = tpu.vector_load %arg14[%swap3A, %swap3A_193] {strides = array<i32>} : memref<128x48xf32, #tpu.memory_space<vmem>>, vector<16xf32>,
        tpu.vector_store %arg14[%swap3A, %swap3A_193], %mul3A_192 {strides = array<i32>} : memref<128x48xf32, #tpu.memory_space<vmem>>, vector<16xf32>,
        %get3A_195 = arith.index_cast %add3A_180 : i32 to index
        %get3A_196 = arith.constant 16 : index
        %get3A_197 = tpu.vector_load %arg12[%get3A_195, %get3A_196] {strides = array<i32>} : memref<128x48xf32, #tpu.memory_space<vmem>>, vector<16xf32>,
        %mul3A_198 = arith.mulf %get3A_197, %div3A_191 : vector<16xf32>
        %swap3A_199 = arith.index_cast %add3A_180 : i32 to index
        %swap3A_200 = arith.constant 16 : index
        %swap3A_201 = tpu.vector_load %arg14[%swap3A_199, %swap3A_200] {strides = array<i32>} : memref<128x48xf32, #tpu.memory_space<vmem>>, vector<16xf32>,
        tpu.vector_store %arg14[%swap3A_199, %swap3A_200], %mul3A_198 {strides = array<i32>} : memref<128x48xf32, #tpu.memory_space<vmem>>, vector<16xf32>,
        %get3A_202 = arith.index_cast %add3A_180 : i32 to index
        %get3A_203 = arith.constant 32 : index
        %get3A_204 = tpu.vector_load %arg12[%get3A_202, %get3A_203] {strides = array<i32>} : memref<128x48xf32, #tpu.memory_space<vmem>>, vector<16xf32>,
        %mul3A_205 = arith.mulf %get3A_204, %div3A_191 : vector<16xf32>
        %swap3A_206 = arith.index_cast %add3A_180 : i32 to index
        %swap3A_207 = arith.constant 32 : index
        %swap3A_208 = tpu.vector_load %arg14[%swap3A_206, %swap3A_207] {strides = array<i32>} : memref<128x48xf32, #tpu.memory_space<vmem>>, vector<16xf32>,
        tpu.vector_store %arg14[%swap3A_206, %swap3A_207], %mul3A_205 {strides = array<i32>} : memref<128x48xf32, #tpu.memory_space<vmem>>, vector<16xf32>,
        %mul3A_209 = arith.constant 4 : i32
        %mul3A_210 = arith.muli %scan3A_176, %mul3A_209 : i32
        %add3A_211 = arith.constant 1 : i32
        %add3A_212 = arith.addi %mul3A_210, %add3A_211 : i32
        %get3A_213 = arith.index_cast %add3A_212 : i32 to index
        %get3A_214 = arith.constant 0 : index
        %get3A_215 = tpu.vector_load %arg12[%get3A_213, %get3A_214] {strides = array<i32>} : memref<128x48xf32, #tpu.memory_space<vmem>>, vector<16xf32>,
        %get3A_216 = arith.index_cast %add3A_212 : i32 to index
        %get3A_217 = arith.constant 0 : index
        %get3A_218 = tpu.vector_load %arg10[%get3A_216, %get3A_217] {strides = array<i32>} : memref<128x16xf32, #tpu.memory_space<vmem>>, vector<16xf32>,
        %mul3A_219 = arith.mulf %get3A_218, %get3A_215 : vector<16xf32>
        %reduce_sum3A_220 = arith.constant true
        %reduce_sum3A_221 = vector.broadcast %reduce_sum3A_220 : i1 to vector<16xi1>
        %reduce_sum3A_222 = tpu.scan <sum>, %mul3A_219 masked %reduce_sum3A_221 : vector<16xf32>, vector<16xi1> -> vector<16xf32>
        %reduce_sum3A_223 = vector.extract %reduce_sum3A_222[15] : f32 from vector<16xf32>
        %broadcast_in_dim3A_224 = vector.broadcast %reduce_sum3A_223 : f32 to vector<16xf32>
        %div3A_225 = arith.constant 1.000000e+00 : f32
        %div3A_226 = vector.broadcast %div3A_225 : f32 to vector<16xf32>
        %div3A_227 = arith.divf %div3A_226, %broadcast_in_dim3A_224 : vector<16xf32>
        %mul3A_228 = arith.mulf %get3A_215, %div3A_227 : vector<16xf32>
        %swap3A_229 = arith.index_cast %add3A_212 : i32 to index
        %swap3A_230 = arith.constant 0 : index
        %swap3A_231 = tpu.vector_load %arg14[%swap3A_229, %swap3A_230] {strides = array<i32>} : memref<128x48xf32, #tpu.memory_space<vmem>>, vector<16xf32>,
        tpu.vector_store %arg14[%swap3A_229, %swap3A_230], %mul3A_228 {strides = array<i32>} : memref<128x48xf32, #tpu.memory_space<vmem>>, vector<16xf32>,
        %get3A_232 = arith.index_cast %add3A_212 : i32 to index
        %get3A_233 = arith.constant 16 : index
        %get3A_234 = tpu.vector_load %arg12[%get3A_232, %get3A_233] {strides = array<i32>} : memref<128x48xf32, #tpu.memory_space<vmem>>, vector<16xf32>,
        %mul3A_235 = arith.mulf %get3A_234, %div3A_227 : vector<16xf32>
        %swap3A_236 = arith.index_cast %add3A_212 : i32 to index
        %swap3A_237 = arith.constant 16 : index
        %swap3A_238 = tpu.vector_load %arg14[%swap3A_236, %swap3A_237] {strides = array<i32>} : memref<128x48xf32, #tpu.memory_space<vmem>>, vector<16xf32>,
        tpu.vector_store %arg14[%swap3A_236, %swap3A_237], %mul3A_235 {strides = array<i32>} : memref<128x48xf32, #tpu.memory_space<vmem>>, vector<16xf32>,
        %get3A_239 = arith.index_cast %add3A_212 : i32 to index
        %get3A_240 = arith.constant 32 : index
        %get3A_241 = tpu.vector_load %arg12[%get3A_239, %get3A_240] {strides = array<i32>} : memref<128x48xf32, #tpu.memory_space<vmem>>, vector<16xf32>,
        %mul3A_242 = arith.mulf %get3A_241, %div3A_227 : vector<16xf32>
        %swap3A_243 = arith.index_cast %add3A_212 : i32 to index
        %swap3A_244 = arith.constant 32 : index
        %swap3A_245 = tpu.vector_load %arg14[%swap3A_243, %swap3A_244] {strides = array<i32>} : memref<128x48xf32, #tpu.memory_space<vmem>>, vector<16xf32>,
        tpu.vector_store %arg14[%swap3A_243, %swap3A_244], %mul3A_242 {strides = array<i32>} : memref<128x48xf32, #tpu.memory_space<vmem>>, vector<16xf32>,
        %mul3A_246 = arith.constant 4 : i32
        %mul3A_247 = arith.muli %scan3A_176, %mul3A_246 : i32
        %add3A_248 = arith.constant 2 : i32
        %add3A_249 = arith.addi %mul3A_247, %add3A_248 : i32
        %get3A_250 = arith.index_cast %add3A_249 : i32 to index
        %get3A_251 = arith.constant 0 : index
        %get3A_252 = tpu.vector_load %arg12[%get3A_250, %get3A_251] {strides = array<i32>} : memref<128x48xf32, #tpu.memory_space<vmem>>, vector<16xf32>,
        %get3A_253 = arith.index_cast %add3A_249 : i32 to index
        %get3A_254 = arith.constant 0 : index
        %get3A_255 = tpu.vector_load %arg10[%get3A_253, %get3A_254] {strides = array<i32>} : memref<128x16xf32, #tpu.memory_space<vmem>>, vector<16xf32>,
        %mul3A_256 = arith.mulf %get3A_255, %get3A_252 : vector<16xf32>
        %reduce_sum3A_257 = arith.constant true
        %reduce_sum3A_258 = vector.broadcast %reduce_sum3A_257 : i1 to vector<16xi1>
        %reduce_sum3A_259 = tpu.scan <sum>, %mul3A_256 masked %reduce_sum3A_258 : vector<16xf32>, vector<16xi1> -> vector<16xf32>
        %reduce_sum3A_260 = vector.extract %reduce_sum3A_259[15] : f32 from vector<16xf32>
        %broadcast_in_dim3A_261 = vector.broadcast %reduce_sum3A_260 : f32 to vector<16xf32>
        %div3A_262 = arith.constant 1.000000e+00 : f32
        %div3A_263 = vector.broadcast %div3A_262 : f32 to vector<16xf32>
        %div3A_264 = arith.divf %div3A_263, %broadcast_in_dim3A_261 : vector<16xf32>
        %mul3A_265 = arith.mulf %get3A_252, %div3A_264 : vector<16xf32>
        %swap3A_266 = arith.index_cast %add3A_249 : i32 to index
        %swap3A_267 = arith.constant 0 : index
        %swap3A_268 = tpu.vector_load %arg14[%swap3A_266, %swap3A_267] {strides = array<i32>} : memref<128x48xf32, #tpu.memory_space<vmem>>, vector<16xf32>,
        tpu.vector_store %arg14[%swap3A_266, %swap3A_267], %mul3A_265 {strides = array<i32>} : memref<128x48xf32, #tpu.memory_space<vmem>>, vector<16xf32>,
        %get3A_269 = arith.index_cast %add3A_249 : i32 to index
        %get3A_270 = arith.constant 16 : index
        %get3A_271 = tpu.vector_load %arg12[%get3A_269, %get3A_270] {strides = array<i32>} : memref<128x48xf32, #tpu.memory_space<vmem>>, vector<16xf32>,
        %mul3A_272 = arith.mulf %get3A_271, %div3A_264 : vector<16xf32>
        %swap3A_273 = arith.index_cast %add3A_249 : i32 to index
        %swap3A_274 = arith.constant 16 : index
        %swap3A_275 = tpu.vector_load %arg14[%swap3A_273, %swap3A_274] {strides = array<i32>} : memref<128x48xf32, #tpu.memory_space<vmem>>, vector<16xf32>,
        tpu.vector_store %arg14[%swap3A_273, %swap3A_274], %mul3A_272 {strides = array<i32>} : memref<128x48xf32, #tpu.memory_space<vmem>>, vector<16xf32>,
        %get3A_276 = arith.index_cast %add3A_249 : i32 to index
        %get3A_277 = arith.constant 32 : index
        %get3A_278 = tpu.vector_load %arg12[%get3A_276, %get3A_277] {strides = array<i32>} : memref<128x48xf32, #tpu.memory_space<vmem>>, vector<16xf32>,
        %mul3A_279 = arith.mulf %get3A_278, %div3A_264 : vector<16xf32>
        %swap3A_280 = arith.index_cast %add3A_249 : i32 to index
        %swap3A_281 = arith.constant 32 : index
        %swap3A_282 = tpu.vector_load %arg14[%swap3A_280, %swap3A_281] {strides = array<i32>} : memref<128x48xf32, #tpu.memory_space<vmem>>, vector<16xf32>,
        tpu.vector_store %arg14[%swap3A_280, %swap3A_281], %mul3A_279 {strides = array<i32>} : memref<128x48xf32, #tpu.memory_space<vmem>>, vector<16xf32>,
        %mul3A_283 = arith.constant 4 : i32
        %mul3A_284 = arith.muli %scan3A_176, %mul3A_283 : i32
        %add3A_285 = arith.constant 3 : i32
        %add3A_286 = arith.addi %mul3A_284, %add3A_285 : i32
        %get3A_287 = arith.index_cast %add3A_286 : i32 to index
        %get3A_288 = arith.constant 0 : index
        %get3A_289 = tpu.vector_load %arg12[%get3A_287, %get3A_288] {strides = array<i32>} : memref<128x48xf32, #tpu.memory_space<vmem>>, vector<16xf32>,
        %get3A_290 = arith.index_cast %add3A_286 : i32 to index
        %get3A_291 = arith.constant 0 : index
        %get3A_292 = tpu.vector_load %arg10[%get3A_290, %get3A_291] {strides = array<i32>} : memref<128x16xf32, #tpu.memory_space<vmem>>, vector<16xf32>,
        %mul3A_293 = arith.mulf %get3A_292, %get3A_289 : vector<16xf32>
        %reduce_sum3A_294 = arith.constant true
        %reduce_sum3A_295 = vector.broadcast %reduce_sum3A_294 : i1 to vector<16xi1>
        %reduce_sum3A_296 = tpu.scan <sum>, %mul3A_293 masked %reduce_sum3A_295 : vector<16xf32>, vector<16xi1> -> vector<16xf32>
        %reduce_sum3A_297 = vector.extract %reduce_sum3A_296[15] : f32 from vector<16xf32>
        %broadcast_in_dim3A_298 = vector.broadcast %reduce_sum3A_297 : f32 to vector<16xf32>
        %div3A_299 = arith.constant 1.000000e+00 : f32
        %div3A_300 = vector.broadcast %div3A_299 : f32 to vector<16xf32>
        %div3A_301 = arith.divf %div3A_300, %broadcast_in_dim3A_298 : vector<16xf32>
        %mul3A_302 = arith.mulf %get3A_289, %div3A_301 : vector<16xf32>
        %swap3A_303 = arith.index_cast %add3A_286 : i32 to index
        %swap3A_304 = arith.constant 0 : index
        %swap3A_305 = tpu.vector_load %arg14[%swap3A_303, %swap3A_304] {strides = array<i32>} : memref<128x48xf32, #tpu.memory_space<vmem>>, vector<16xf32>,
        tpu.vector_store %arg14[%swap3A_303, %swap3A_304], %mul3A_302 {strides = array<i32>} : memref<128x48xf32, #tpu.memory_space<vmem>>, vector<16xf32>,
        %get3A_306 = arith.index_cast %add3A_286 : i32 to index
        %get3A_307 = arith.constant 16 : index
        %get3A_308 = tpu.vector_load %arg12[%get3A_306, %get3A_307] {strides = array<i32>} : memref<128x48xf32, #tpu.memory_space<vmem>>, vector<16xf32>,
        %mul3A_309 = arith.mulf %get3A_308, %div3A_301 : vector<16xf32>
        %swap3A_310 = arith.index_cast %add3A_286 : i32 to index
        %swap3A_311 = arith.constant 16 : index
        %swap3A_312 = tpu.vector_load %arg14[%swap3A_310, %swap3A_311] {strides = array<i32>} : memref<128x48xf32, #tpu.memory_space<vmem>>, vector<16xf32>,
        tpu.vector_store %arg14[%swap3A_310, %swap3A_311], %mul3A_309 {strides = array<i32>} : memref<128x48xf32, #tpu.memory_space<vmem>>, vector<16xf32>,
        %get3A_313 = arith.index_cast %add3A_286 : i32 to index
        %get3A_314 = arith.constant 32 : index
        %get3A_315 = tpu.vector_load %arg12[%get3A_313, %get3A_314] {strides = array<i32>} : memref<128x48xf32, #tpu.memory_space<vmem>>, vector<16xf32>,
        %mul3A_316 = arith.mulf %get3A_315, %div3A_301 : vector<16xf32>
        %swap3A_317 = arith.index_cast %add3A_286 : i32 to index
        %swap3A_318 = arith.constant 32 : index
        %swap3A_319 = tpu.vector_load %arg14[%swap3A_317, %swap3A_318] {strides = array<i32>} : memref<128x48xf32, #tpu.memory_space<vmem>>, vector<16xf32>,
        tpu.vector_store %arg14[%swap3A_317, %swap3A_318], %mul3A_316 {strides = array<i32>} : memref<128x48xf32, #tpu.memory_space<vmem>>, vector<16xf32>,
      }
      %scan3A_165 = arith.constant 32 : i32
      %dma_start3A_166 = arith.constant 0 : i32
      %dma_start3A_167 = arith.constant 0 : i32
      %dma_start3A_168 = tpu.memref_slice %arg17[%dma_start3A_166, %dma_start3A_167] : memref<25008x48xf32, #tpu.memory_space<vmem_shared>> -> memref<25008x48xf32, #tpu.memory_space<vmem_shared>>
      tpu.enqueue_indirect_dma source(%arg14 : memref<128x48xf32, #tpu.memory_space<vmem>>) target(%dma_start3A_168 : memref<25008x48xf32, #tpu.memory_space<vmem_shared>>) offsets(%arg16 : memref<128xi32, #tpu.memory_space<vmem>>) semaphore(%arg25 : memref<!tpu.dma_semaphore, #tpu.memory_space<semaphore_mem>>) {add = true}
      %add3A_169 = arith.constant 2 : i32
      %add3A_170 = arith.addi %add3A_127, %add3A_169 : i32
      %lt3A_171 = arith.constant 400 : i32
      %lt3A_172 = arith.cmpi slt, %add3A_170, %lt3A_171 : i32
      %convert_element_type3A_173 = arith.extui %lt3A_172 : i1 to i32
      %cond3A_174 = arith.constant 0 : i32
      %cond3A_175 = arith.cmpi ne, %convert_element_type3A_173, %cond3A_174 : i32
      scf.if %cond3A_175 {
        %add3A_176 = arith.constant 2 : i32
        %add3A_177 = arith.addi %add3A_127, %add3A_176 : i32
        %add3A_178 = arith.addi %mul3A_8, %add3A_177 : i32
        %dma_start3A_179 = arith.constant 0 : i32
        %dma_start3A_180 = arith.constant 0 : i32
        %dma_start3A_181 = tpu.memref_slice %arg2[%add3A_178, %dma_start3A_179, %dma_start3A_180] : memref<6400x2x128xi32, #tpu.memory_space<hbm>> -> memref<1x2x128xi32, #tpu.memory_space<hbm>>
        %dma_start3A_182 = tpu.memref_squeeze %dma_start3A_181 : memref<1x2x128xi32, #tpu.memory_space<hbm>> -> memref<2x128xi32, #tpu.memory_space<hbm>>
        %dma_start3A_183 = arith.constant 0 : i32
        %dma_start3A_184 = arith.constant 0 : i32
        %dma_start3A_185 = tpu.memref_slice %arg2[%add3A_178, %dma_start3A_183, %dma_start3A_184] : memref<6400x2x128xi32, #tpu.memory_space<hbm>> -> memref<1x2x128xi32, #tpu.memory_space<hbm>>
        %dma_start3A_186 = tpu.memref_squeeze %dma_start3A_185 : memref<1x2x128xi32, #tpu.memory_space<hbm>> -> memref<2x128xi32, #tpu.memory_space<hbm>>
        tpu.enqueue_dma source(%dma_start3A_186 : memref<2x128xi32, #tpu.memory_space<hbm>>) target(%arg8 : memref<2x128xi32, #tpu.memory_space<vmem>>) target_semaphore(%arg19 : memref<!tpu.dma_semaphore, #tpu.memory_space<semaphore_mem>>)
      } else {
      }
    }
    %scan3A_54 = arith.constant 200 : i32
    %dma_wait3A_55 = arith.constant 0 : i32
    %dma_wait3A_56 = arith.constant 0 : i32
    %dma_wait3A_57 = tpu.memref_slice %arg17[%dma_wait3A_55, %dma_wait3A_56] : memref<25008x48xf32, #tpu.memory_space<vmem_shared>> -> memref<25008x48xf32, #tpu.memory_space<vmem_shared>>
    tpu.wait_indirect_dma semaphore(%arg24 : memref<!tpu.dma_semaphore, #tpu.memory_space<semaphore_mem>>) src(%arg13 : memref<128x48xf32, #tpu.memory_space<vmem>>) dst(%dma_wait3A_57 : memref<25008x48xf32, #tpu.memory_space<vmem_shared>>)
    %dma_wait3A_58 = arith.constant 0 : i32
    %dma_wait3A_59 = arith.constant 0 : i32
    %dma_wait3A_60 = tpu.memref_slice %arg17[%dma_wait3A_58, %dma_wait3A_59] : memref<25008x48xf32, #tpu.memory_space<vmem_shared>> -> memref<25008x48xf32, #tpu.memory_space<vmem_shared>>
    tpu.wait_indirect_dma semaphore(%arg25 : memref<!tpu.dma_semaphore, #tpu.memory_space<semaphore_mem>>) src(%arg14 : memref<128x48xf32, #tpu.memory_space<vmem>>) dst(%dma_wait3A_60 : memref<25008x48xf32, #tpu.memory_space<vmem_shared>>)
    %barrier3A_61 = arith.constant 0 : index
    tpu.barrier barrier_id(%barrier3A_61)
    %lt3A_62 = arith.constant 15 : i32
    %lt3A_63 = arith.cmpi slt, %arg1, %lt3A_62 : i32
    %convert_element_type3A_64 = arith.extui %lt3A_63 : i1 to i32
    %cond3A_65 = arith.constant 0 : i32
    %cond3A_66 = arith.cmpi ne, %convert_element_type3A_64, %cond3A_65 : i32
    scf.if %cond3A_66 {
      %mul3A_72 = arith.constant 1568 : i32
      %mul3A_73 = arith.muli %arg1, %mul3A_72 : i32
      %mul3A_74 = arith.constant 1568 : i32
      %mul3A_75 = arith.muli %arg1, %mul3A_74 : i32
      "tpu.region"() ({
        %run_scoped3A = tpu.sem_alloc : memref<!tpu.dma_semaphore, #tpu.memory_space<semaphore_mem>>
        %dma_start3A_76 = arith.constant 0 : i32
        %dma_start3A_77 = tpu.memref_slice %arg6[%arg0, %mul3A_75, %dma_start3A_76] : memref<2x25000x48xf32, #tpu.memory_space<hbm>> -> memref<1x1568x48xf32, #tpu.memory_space<hbm>>
        %dma_start3A_78 = tpu.memref_squeeze %dma_start3A_77 : memref<1x1568x48xf32, #tpu.memory_space<hbm>> -> memref<1568x48xf32, #tpu.memory_space<hbm>>
        %dma_start3A_79 = arith.constant 0 : i32
        %dma_start3A_80 = tpu.memref_slice %arg17[%mul3A_73, %dma_start3A_79] : memref<25008x48xf32, #tpu.memory_space<vmem_shared>> -> memref<1568x48xf32, #tpu.memory_space<vmem_shared>>
        tpu.enqueue_dma source(%dma_start3A_80 : memref<1568x48xf32, #tpu.memory_space<vmem_shared>>) target(%dma_start3A_78 : memref<1568x48xf32, #tpu.memory_space<hbm>>) target_semaphore(%run_scoped3A : memref<!tpu.dma_semaphore, #tpu.memory_space<semaphore_mem>>)
        %dma_wait3A_81 = arith.constant 0 : i32
        %dma_wait3A_82 = tpu.memref_slice %arg6[%arg0, %mul3A_75, %dma_wait3A_81] : memref<2x25000x48xf32, #tpu.memory_space<hbm>> -> memref<1x1568x48xf32, #tpu.memory_space<hbm>>
        %dma_wait3A_83 = tpu.memref_squeeze %dma_wait3A_82 : memref<1x1568x48xf32, #tpu.memory_space<hbm>> -> memref<1568x48xf32, #tpu.memory_space<hbm>>
        %dma_wait3A_84 = arith.constant 0 : i32
        %dma_wait3A_85 = tpu.memref_slice %arg17[%mul3A_73, %dma_wait3A_84] : memref<25008x48xf32, #tpu.memory_space<vmem_shared>> -> memref<1568x48xf32, #tpu.memory_space<vmem_shared>>
        tpu.wait_dma2 semaphore(%run_scoped3A : memref<!tpu.dma_semaphore, #tpu.memory_space<semaphore_mem>>) src(%dma_wait3A_85 : memref<1568x48xf32, #tpu.memory_space<vmem_shared>>) dst(%dma_wait3A_83 : memref<1568x48xf32, #tpu.memory_space<hbm>>)
        tpu.yield
      }) : () -> ()
    } else {
    }
    %eq3A_67 = arith.constant 15 : i32
    %eq3A_68 = arith.cmpi eq, %arg1, %eq3A_67 : i32
    %convert_element_type3A_69 = arith.extui %eq3A_68 : i1 to i32
    %cond3A_70 = arith.constant 0 : i32
    %cond3A_71 = arith.cmpi ne, %convert_element_type3A_69, %cond3A_70 : i32
    scf.if %cond3A_71 {
      "tpu.region"() ({
        %run_scoped3A = tpu.sem_alloc : memref<!tpu.dma_semaphore, #tpu.memory_space<semaphore_mem>>
        %dma_start3A_72 = arith.constant 23520 : i32
        %dma_start3A_73 = arith.constant 0 : i32
        %dma_start3A_74 = tpu.memref_slice %arg6[%arg0, %dma_start3A_72, %dma_start3A_73] : memref<2x25000x48xf32, #tpu.memory_space<hbm>> -> memref<1x1480x48xf32, #tpu.memory_space<hbm>>
        %dma_start3A_75 = tpu.memref_squeeze %dma_start3A_74 : memref<1x1480x48xf32, #tpu.memory_space<hbm>> -> memref<1480x48xf32, #tpu.memory_space<hbm>>
        %dma_start3A_76 = arith.constant 23520 : i32
        %dma_start3A_77 = arith.constant 0 : i32
        %dma_start3A_78 = tpu.memref_slice %arg17[%dma_start3A_76, %dma_start3A_77] : memref<25008x48xf32, #tpu.memory_space<vmem_shared>> -> memref<1480x48xf32, #tpu.memory_space<vmem_shared>>
        tpu.enqueue_dma source(%dma_start3A_78 : memref<1480x48xf32, #tpu.memory_space<vmem_shared>>) target(%dma_start3A_75 : memref<1480x48xf32, #tpu.memory_space<hbm>>) target_semaphore(%run_scoped3A : memref<!tpu.dma_semaphore, #tpu.memory_space<semaphore_mem>>)
        %dma_wait3A_79 = arith.constant 23520 : i32
        %dma_wait3A_80 = arith.constant 0 : i32
        %dma_wait3A_81 = tpu.memref_slice %arg6[%arg0, %dma_wait3A_79, %dma_wait3A_80] : memref<2x25000x48xf32, #tpu.memory_space<hbm>> -> memref<1x1480x48xf32, #tpu.memory_space<hbm>>
        %dma_wait3A_82 = tpu.memref_squeeze %dma_wait3A_81 : memref<1x1480x48xf32, #tpu.memory_space<hbm>> -> memref<1480x48xf32, #tpu.memory_space<hbm>>
        %dma_wait3A_83 = arith.constant 23520 : i32
        %dma_wait3A_84 = arith.constant 0 : i32
        %dma_wait3A_85 = tpu.memref_slice %arg17[%dma_wait3A_83, %dma_wait3A_84] : memref<25008x48xf32, #tpu.memory_space<vmem_shared>> -> memref<1480x48xf32, #tpu.memory_space<vmem_shared>>
        tpu.wait_dma2 semaphore(%run_scoped3A : memref<!tpu.dma_semaphore, #tpu.memory_space<semaphore_mem>>) src(%dma_wait3A_85 : memref<1480x48xf32, #tpu.memory_space<vmem_shared>>) dst(%dma_wait3A_82 : memref<1480x48xf32, #tpu.memory_space<hbm>>)
        tpu.yield
      }) : () -> ()
    } else {
    }
    return
  }
}

#map = affine_map<(d0, d1) -> (0, 0, 0)>
#map1 = affine_map<(d0, d1) -> (0, 0)>
module attributes {stable_mosaic.version = 14 : i64} {
  func.func @_edge_body(%arg0: i32, %arg1: i32, %arg2: memref<6400x2x128xi32, #tpu.memory_space<hbm>>, %arg3: memref<50008x16xf32, #tpu.memory_space<hbm>>, %arg4: memref<50000x48xf32, #tpu.memory_space<hbm>>, %arg5: memref<1568x48xf32, #tpu.memory_space<hbm>>, %arg6: memref<2x25000x48xf32, #tpu.memory_space<hbm>>, %arg7: memref<2x128xi32, #tpu.memory_space<vmem>>, %arg8: memref<2x128xi32, #tpu.memory_space<vmem>>, %arg9: memref<128x16xf32, #tpu.memory_space<vmem>>, %arg10: memref<128x16xf32, #tpu.memory_space<vmem>>, %arg11: memref<128x48xf32, #tpu.memory_space<vmem>>, %arg12: memref<128x48xf32, #tpu.memory_space<vmem>>, %arg13: memref<128x48xf32, #tpu.memory_space<vmem>>, %arg14: memref<128x48xf32, #tpu.memory_space<vmem>>, %arg15: memref<128xi32, #tpu.memory_space<vmem>>, %arg16: memref<128xi32, #tpu.memory_space<vmem>>, %arg17: memref<25008x48xf32, #tpu.memory_space<vmem_shared>>, %arg18: memref<!tpu.dma_semaphore, #tpu.memory_space<semaphore_mem>>, %arg19: memref<!tpu.dma_semaphore, #tpu.memory_space<semaphore_mem>>, %arg20: memref<!tpu.dma_semaphore, #tpu.memory_space<semaphore_mem>>, %arg21: memref<!tpu.dma_semaphore, #tpu.memory_space<semaphore_mem>>, %arg22: memref<!tpu.dma_semaphore, #tpu.memory_space<semaphore_mem>>, %arg23: memref<!tpu.dma_semaphore, #tpu.memory_space<semaphore_mem>>, %arg24: memref<!tpu.dma_semaphore, #tpu.memory_space<semaphore_mem>>, %arg25: memref<!tpu.dma_semaphore, #tpu.memory_space<semaphore_mem>>) attributes {dimension_semantics = [#tpu.dimension_semantics<core_parallel>, #tpu.dimension_semantics<subcore_parallel>], iteration_bounds = array<i64: 2, 16>, scalar_prefetch = 0 : i64, scratch_operands = 19 : i64, tpu.core_type = #tpu.core_type<sc_vector_subcore>, window_params = [{transform_indices = #map}, {transform_indices = #map1}, {transform_indices = #map1}, {transform_indices = #map1}, {transform_indices = #map}]} {
    %lt3A = arith.constant 15 : i32
    %lt3A_0 = arith.cmpi slt, %arg1, %lt3A : i32
    %convert_element_type3A = arith.extui %lt3A_0 : i1 to i32
    %cond3A = arith.constant 0 : i32
    %cond3A_1 = arith.cmpi ne, %convert_element_type3A, %cond3A : i32
    scf.if %cond3A_1 {
      %mul3A_72 = arith.constant 1568 : i32
      %mul3A_73 = arith.muli %arg1, %mul3A_72 : i32
      "tpu.region"() ({
        %run_scoped3A = tpu.sem_alloc : memref<!tpu.dma_semaphore, #tpu.memory_space<semaphore_mem>>
        %dma_start3A_74 = arith.constant 0 : i32
        %dma_start3A_75 = tpu.memref_slice %arg17[%mul3A_73, %dma_start3A_74] : memref<25008x48xf32, #tpu.memory_space<vmem_shared>> -> memref<1568x48xf32, #tpu.memory_space<vmem_shared>>
        tpu.enqueue_dma source(%arg5 : memref<1568x48xf32, #tpu.memory_space<hbm>>) target(%dma_start3A_75 : memref<1568x48xf32, #tpu.memory_space<vmem_shared>>) target_semaphore(%run_scoped3A : memref<!tpu.dma_semaphore, #tpu.memory_space<semaphore_mem>>)
        %dma_wait3A_76 = arith.constant 0 : i32
        %dma_wait3A_77 = tpu.memref_slice %arg17[%mul3A_73, %dma_wait3A_76] : memref<25008x48xf32, #tpu.memory_space<vmem_shared>> -> memref<1568x48xf32, #tpu.memory_space<vmem_shared>>
        tpu.wait_dma2 semaphore(%run_scoped3A : memref<!tpu.dma_semaphore, #tpu.memory_space<semaphore_mem>>) src(%arg5 : memref<1568x48xf32, #tpu.memory_space<hbm>>) dst(%dma_wait3A_77 : memref<1568x48xf32, #tpu.memory_space<vmem_shared>>)
        tpu.yield
      }) : () -> ()
    } else {
    }
    %eq3A = arith.constant 15 : i32
    %eq3A_2 = arith.cmpi eq, %arg1, %eq3A : i32
    %convert_element_type3A_3 = arith.extui %eq3A_2 : i1 to i32
    %cond3A_4 = arith.constant 0 : i32
    %cond3A_5 = arith.cmpi ne, %convert_element_type3A_3, %cond3A_4 : i32
    scf.if %cond3A_5 {
      "tpu.region"() ({
        %run_scoped3A = tpu.sem_alloc : memref<!tpu.dma_semaphore, #tpu.memory_space<semaphore_mem>>
        %dma_start3A_72 = arith.constant 23520 : i32
        %dma_start3A_73 = arith.constant 0 : i32
        %dma_start3A_74 = tpu.memref_slice %arg17[%dma_start3A_72, %dma_start3A_73] : memref<25008x48xf32, #tpu.memory_space<vmem_shared>> -> memref<1488x48xf32, #tpu.memory_space<vmem_shared>>
        %dma_start3A_75 = arith.constant 0 : i32
        %dma_start3A_76 = arith.constant 0 : i32
        %dma_start3A_77 = tpu.memref_slice %arg5[%dma_start3A_75, %dma_start3A_76] : memref<1568x48xf32, #tpu.memory_space<hbm>> -> memref<1488x48xf32, #tpu.memory_space<hbm>>
        tpu.enqueue_dma source(%dma_start3A_77 : memref<1488x48xf32, #tpu.memory_space<hbm>>) target(%dma_start3A_74 : memref<1488x48xf32, #tpu.memory_space<vmem_shared>>) target_semaphore(%run_scoped3A : memref<!tpu.dma_semaphore, #tpu.memory_space<semaphore_mem>>)
        %dma_wait3A_78 = arith.constant 23520 : i32
        %dma_wait3A_79 = arith.constant 0 : i32
        %dma_wait3A_80 = tpu.memref_slice %arg17[%dma_wait3A_78, %dma_wait3A_79] : memref<25008x48xf32, #tpu.memory_space<vmem_shared>> -> memref<1488x48xf32, #tpu.memory_space<vmem_shared>>
        %dma_wait3A_81 = arith.constant 0 : i32
        %dma_wait3A_82 = arith.constant 0 : i32
        %dma_wait3A_83 = tpu.memref_slice %arg5[%dma_wait3A_81, %dma_wait3A_82] : memref<1568x48xf32, #tpu.memory_space<hbm>> -> memref<1488x48xf32, #tpu.memory_space<hbm>>
        tpu.wait_dma2 semaphore(%run_scoped3A : memref<!tpu.dma_semaphore, #tpu.memory_space<semaphore_mem>>) src(%dma_wait3A_83 : memref<1488x48xf32, #tpu.memory_space<hbm>>) dst(%dma_wait3A_80 : memref<1488x48xf32, #tpu.memory_space<vmem_shared>>)
        tpu.yield
      }) : () -> ()
    } else {
    }
    %barrier3A = arith.constant 0 : index
    tpu.barrier barrier_id(%barrier3A)
    %mul3A = arith.constant 25000 : i32
    %mul3A_6 = arith.muli %arg0, %mul3A : i32
    %mul3A_7 = arith.constant 400 : i32
    %mul3A_8 = arith.muli %arg1, %mul3A_7 : i32
    %add3A = arith.constant 0 : i32
    %add3A_9 = arith.addi %mul3A_8, %add3A : i32
    %dma_start3A = arith.constant 0 : i32
    %dma_start3A_10 = arith.constant 0 : i32
    %dma_start3A_11 = tpu.memref_slice %arg2[%add3A_9, %dma_start3A, %dma_start3A_10] : memref<6400x2x128xi32, #tpu.memory_space<hbm>> -> memref<1x2x128xi32, #tpu.memory_space<hbm>>
    %dma_start3A_12 = tpu.memref_squeeze %dma_start3A_11 : memref<1x2x128xi32, #tpu.memory_space<hbm>> -> memref<2x128xi32, #tpu.memory_space<hbm>>
    %dma_start3A_13 = arith.constant 0 : i32
    %dma_start3A_14 = arith.constant 0 : i32
    %dma_start3A_15 = tpu.memref_slice %arg2[%add3A_9, %dma_start3A_13, %dma_start3A_14] : memref<6400x2x128xi32, #tpu.memory_space<hbm>> -> memref<1x2x128xi32, #tpu.memory_space<hbm>>
    %dma_start3A_16 = tpu.memref_squeeze %dma_start3A_15 : memref<1x2x128xi32, #tpu.memory_space<hbm>> -> memref<2x128xi32, #tpu.memory_space<hbm>>
    tpu.enqueue_dma source(%dma_start3A_16 : memref<2x128xi32, #tpu.memory_space<hbm>>) target(%arg7 : memref<2x128xi32, #tpu.memory_space<vmem>>) target_semaphore(%arg18 : memref<!tpu.dma_semaphore, #tpu.memory_space<semaphore_mem>>)
    %add3A_17 = arith.constant 1 : i32
    %add3A_18 = arith.addi %mul3A_8, %add3A_17 : i32
    %dma_start3A_19 = arith.constant 0 : i32
    %dma_start3A_20 = arith.constant 0 : i32
    %dma_start3A_21 = tpu.memref_slice %arg2[%add3A_18, %dma_start3A_19, %dma_start3A_20] : memref<6400x2x128xi32, #tpu.memory_space<hbm>> -> memref<1x2x128xi32, #tpu.memory_space<hbm>>
    %dma_start3A_22 = tpu.memref_squeeze %dma_start3A_21 : memref<1x2x128xi32, #tpu.memory_space<hbm>> -> memref<2x128xi32, #tpu.memory_space<hbm>>
    %dma_start3A_23 = arith.constant 0 : i32
    %dma_start3A_24 = arith.constant 0 : i32
    %dma_start3A_25 = tpu.memref_slice %arg2[%add3A_18, %dma_start3A_23, %dma_start3A_24] : memref<6400x2x128xi32, #tpu.memory_space<hbm>> -> memref<1x2x128xi32, #tpu.memory_space<hbm>>
    %dma_start3A_26 = tpu.memref_squeeze %dma_start3A_25 : memref<1x2x128xi32, #tpu.memory_space<hbm>> -> memref<2x128xi32, #tpu.memory_space<hbm>>
    tpu.enqueue_dma source(%dma_start3A_26 : memref<2x128xi32, #tpu.memory_space<hbm>>) target(%arg8 : memref<2x128xi32, #tpu.memory_space<vmem>>) target_semaphore(%arg19 : memref<!tpu.dma_semaphore, #tpu.memory_space<semaphore_mem>>)
    %add3A_27 = arith.constant 0 : i32
    %add3A_28 = arith.addi %mul3A_8, %add3A_27 : i32
    %dma_wait3A = arith.constant 0 : i32
    %dma_wait3A_29 = arith.constant 0 : i32
    %dma_wait3A_30 = tpu.memref_slice %arg2[%add3A_28, %dma_wait3A, %dma_wait3A_29] : memref<6400x2x128xi32, #tpu.memory_space<hbm>> -> memref<1x2x128xi32, #tpu.memory_space<hbm>>
    %dma_wait3A_31 = tpu.memref_squeeze %dma_wait3A_30 : memref<1x2x128xi32, #tpu.memory_space<hbm>> -> memref<2x128xi32, #tpu.memory_space<hbm>>
    %dma_wait3A_32 = arith.constant 0 : i32
    %dma_wait3A_33 = arith.constant 0 : i32
    %dma_wait3A_34 = tpu.memref_slice %arg2[%add3A_28, %dma_wait3A_32, %dma_wait3A_33] : memref<6400x2x128xi32, #tpu.memory_space<hbm>> -> memref<1x2x128xi32, #tpu.memory_space<hbm>>
    %dma_wait3A_35 = tpu.memref_squeeze %dma_wait3A_34 : memref<1x2x128xi32, #tpu.memory_space<hbm>> -> memref<2x128xi32, #tpu.memory_space<hbm>>
    tpu.wait_dma2 semaphore(%arg18 : memref<!tpu.dma_semaphore, #tpu.memory_space<semaphore_mem>>) src(%dma_wait3A_35 : memref<2x128xi32, #tpu.memory_space<hbm>>) dst(%arg7 : memref<2x128xi32, #tpu.memory_space<vmem>>)
    %dma_start3A_36 = arith.constant 0 : i32
    %dma_start3A_37 = arith.constant 0 : i32
    %dma_start3A_38 = tpu.memref_slice %arg7[%dma_start3A_36, %dma_start3A_37] : memref<2x128xi32, #tpu.memory_space<vmem>> -> memref<1x128xi32, #tpu.memory_space<vmem>>
    %dma_start3A_39 = tpu.memref_squeeze %dma_start3A_38 : memref<1x128xi32, #tpu.memory_space<vmem>> -> memref<128xi32, #tpu.memory_space<vmem>>
    %dma_start3A_40 = arith.constant 0 : i32
    %dma_start3A_41 = arith.constant 0 : i32
    %dma_start3A_42 = tpu.memref_slice %arg4[%dma_start3A_40, %dma_start3A_41] : memref<50000x48xf32, #tpu.memory_space<hbm>> -> memref<50000x48xf32, #tpu.memory_space<hbm>>
    tpu.enqueue_indirect_dma source(%dma_start3A_42 : memref<50000x48xf32, #tpu.memory_space<hbm>>) target(%arg11 : memref<128x48xf32, #tpu.memory_space<vmem>>) offsets(%dma_start3A_39 : memref<128xi32, #tpu.memory_space<vmem>>) semaphore(%arg20 : memref<!tpu.dma_semaphore, #tpu.memory_space<semaphore_mem>>)
    %dma_start3A_43 = arith.constant 1 : i32
    %dma_start3A_44 = arith.constant 0 : i32
    %dma_start3A_45 = tpu.memref_slice %arg7[%dma_start3A_43, %dma_start3A_44] : memref<2x128xi32, #tpu.memory_space<vmem>> -> memref<1x128xi32, #tpu.memory_space<vmem>>
    %dma_start3A_46 = tpu.memref_squeeze %dma_start3A_45 : memref<1x128xi32, #tpu.memory_space<vmem>> -> memref<128xi32, #tpu.memory_space<vmem>>
    %dma_start3A_47 = arith.constant 0 : i32
    %dma_start3A_48 = arith.constant 0 : i32
    %dma_start3A_49 = tpu.memref_slice %arg3[%dma_start3A_47, %dma_start3A_48] : memref<50008x16xf32, #tpu.memory_space<hbm>> -> memref<50008x16xf32, #tpu.memory_space<hbm>>
    tpu.enqueue_indirect_dma source(%dma_start3A_49 : memref<50008x16xf32, #tpu.memory_space<hbm>>) target(%arg9 : memref<128x16xf32, #tpu.memory_space<vmem>>) offsets(%dma_start3A_46 : memref<128xi32, #tpu.memory_space<vmem>>) semaphore(%arg22 : memref<!tpu.dma_semaphore, #tpu.memory_space<semaphore_mem>>)
    %scan3A = arith.constant 0 : i32
    %scan3A_50 = arith.constant 0 : i32
    %scan3A_51 = arith.constant 200 : i32
    %scan3A_52 = arith.addi %scan3A_50, %scan3A_51 : i32
    %scan3A_53 = arith.constant 1 : i32
    scf.for %scan3A_72 = %scan3A_50 to %scan3A_52 step %scan3A_53  : i32 {
      %mul3A_73 = arith.constant 2 : i32
      %mul3A_74 = arith.muli %scan3A_72, %mul3A_73 : i32
      %add3A_75 = arith.constant 0 : i32
      %add3A_76 = arith.addi %mul3A_74, %add3A_75 : i32
      %dma_wait3A_77 = arith.constant 0 : i32
      %dma_wait3A_78 = arith.constant 0 : i32
      %dma_wait3A_79 = tpu.memref_slice %arg7[%dma_wait3A_77, %dma_wait3A_78] : memref<2x128xi32, #tpu.memory_space<vmem>> -> memref<1x128xi32, #tpu.memory_space<vmem>>
      %dma_wait3A_80 = tpu.memref_squeeze %dma_wait3A_79 : memref<1x128xi32, #tpu.memory_space<vmem>> -> memref<128xi32, #tpu.memory_space<vmem>>
      %dma_wait3A_81 = arith.constant 0 : i32
      %dma_wait3A_82 = arith.constant 0 : i32
      %dma_wait3A_83 = tpu.memref_slice %arg4[%dma_wait3A_81, %dma_wait3A_82] : memref<50000x48xf32, #tpu.memory_space<hbm>> -> memref<50000x48xf32, #tpu.memory_space<hbm>>
      tpu.wait_indirect_dma semaphore(%arg20 : memref<!tpu.dma_semaphore, #tpu.memory_space<semaphore_mem>>) src(%dma_wait3A_83 : memref<50000x48xf32, #tpu.memory_space<hbm>>) dst(%arg11 : memref<128x48xf32, #tpu.memory_space<vmem>>)
      %dma_wait3A_84 = arith.constant 1 : i32
      %dma_wait3A_85 = arith.constant 0 : i32
      %dma_wait3A_86 = tpu.memref_slice %arg7[%dma_wait3A_84, %dma_wait3A_85] : memref<2x128xi32, #tpu.memory_space<vmem>> -> memref<1x128xi32, #tpu.memory_space<vmem>>
      %dma_wait3A_87 = tpu.memref_squeeze %dma_wait3A_86 : memref<1x128xi32, #tpu.memory_space<vmem>> -> memref<128xi32, #tpu.memory_space<vmem>>
      %dma_wait3A_88 = arith.constant 0 : i32
      %dma_wait3A_89 = arith.constant 0 : i32
      %dma_wait3A_90 = tpu.memref_slice %arg3[%dma_wait3A_88, %dma_wait3A_89] : memref<50008x16xf32, #tpu.memory_space<hbm>> -> memref<50008x16xf32, #tpu.memory_space<hbm>>
      tpu.wait_indirect_dma semaphore(%arg22 : memref<!tpu.dma_semaphore, #tpu.memory_space<semaphore_mem>>) src(%dma_wait3A_90 : memref<50008x16xf32, #tpu.memory_space<hbm>>) dst(%arg9 : memref<128x16xf32, #tpu.memory_space<vmem>>)
      %add3A_91 = arith.constant 1 : i32
      %add3A_92 = arith.addi %add3A_76, %add3A_91 : i32
      %lt3A_93 = arith.constant 400 : i32
      %lt3A_94 = arith.cmpi slt, %add3A_92, %lt3A_93 : i32
      %convert_element_type3A_95 = arith.extui %lt3A_94 : i1 to i32
      %cond3A_96 = arith.constant 0 : i32
      %cond3A_97 = arith.cmpi ne, %convert_element_type3A_95, %cond3A_96 : i32
      scf.if %cond3A_97 {
        %add3A_176 = arith.constant 1 : i32
        %add3A_177 = arith.addi %add3A_76, %add3A_176 : i32
        %add3A_178 = arith.addi %mul3A_8, %add3A_177 : i32
        %dma_wait3A_179 = arith.constant 0 : i32
        %dma_wait3A_180 = arith.constant 0 : i32
        %dma_wait3A_181 = tpu.memref_slice %arg2[%add3A_178, %dma_wait3A_179, %dma_wait3A_180] : memref<6400x2x128xi32, #tpu.memory_space<hbm>> -> memref<1x2x128xi32, #tpu.memory_space<hbm>>
        %dma_wait3A_182 = tpu.memref_squeeze %dma_wait3A_181 : memref<1x2x128xi32, #tpu.memory_space<hbm>> -> memref<2x128xi32, #tpu.memory_space<hbm>>
        %dma_wait3A_183 = arith.constant 0 : i32
        %dma_wait3A_184 = arith.constant 0 : i32
        %dma_wait3A_185 = tpu.memref_slice %arg2[%add3A_178, %dma_wait3A_183, %dma_wait3A_184] : memref<6400x2x128xi32, #tpu.memory_space<hbm>> -> memref<1x2x128xi32, #tpu.memory_space<hbm>>
        %dma_wait3A_186 = tpu.memref_squeeze %dma_wait3A_185 : memref<1x2x128xi32, #tpu.memory_space<hbm>> -> memref<2x128xi32, #tpu.memory_space<hbm>>
        tpu.wait_dma2 semaphore(%arg19 : memref<!tpu.dma_semaphore, #tpu.memory_space<semaphore_mem>>) src(%dma_wait3A_186 : memref<2x128xi32, #tpu.memory_space<hbm>>) dst(%arg8 : memref<2x128xi32, #tpu.memory_space<vmem>>)
        %dma_start3A_187 = arith.constant 0 : i32
        %dma_start3A_188 = arith.constant 0 : i32
        %dma_start3A_189 = tpu.memref_slice %arg8[%dma_start3A_187, %dma_start3A_188] : memref<2x128xi32, #tpu.memory_space<vmem>> -> memref<1x128xi32, #tpu.memory_space<vmem>>
        %dma_start3A_190 = tpu.memref_squeeze %dma_start3A_189 : memref<1x128xi32, #tpu.memory_space<vmem>> -> memref<128xi32, #tpu.memory_space<vmem>>
        %dma_start3A_191 = arith.constant 0 : i32
        %dma_start3A_192 = arith.constant 0 : i32
        %dma_start3A_193 = tpu.memref_slice %arg4[%dma_start3A_191, %dma_start3A_192] : memref<50000x48xf32, #tpu.memory_space<hbm>> -> memref<50000x48xf32, #tpu.memory_space<hbm>>
        tpu.enqueue_indirect_dma source(%dma_start3A_193 : memref<50000x48xf32, #tpu.memory_space<hbm>>) target(%arg12 : memref<128x48xf32, #tpu.memory_space<vmem>>) offsets(%dma_start3A_190 : memref<128xi32, #tpu.memory_space<vmem>>) semaphore(%arg21 : memref<!tpu.dma_semaphore, #tpu.memory_space<semaphore_mem>>)
        %dma_start3A_194 = arith.constant 1 : i32
        %dma_start3A_195 = arith.constant 0 : i32
        %dma_start3A_196 = tpu.memref_slice %arg8[%dma_start3A_194, %dma_start3A_195] : memref<2x128xi32, #tpu.memory_space<vmem>> -> memref<1x128xi32, #tpu.memory_space<vmem>>
        %dma_start3A_197 = tpu.memref_squeeze %dma_start3A_196 : memref<1x128xi32, #tpu.memory_space<vmem>> -> memref<128xi32, #tpu.memory_space<vmem>>
        %dma_start3A_198 = arith.constant 0 : i32
        %dma_start3A_199 = arith.constant 0 : i32
        %dma_start3A_200 = tpu.memref_slice %arg3[%dma_start3A_198, %dma_start3A_199] : memref<50008x16xf32, #tpu.memory_space<hbm>> -> memref<50008x16xf32, #tpu.memory_space<hbm>>
        tpu.enqueue_indirect_dma source(%dma_start3A_200 : memref<50008x16xf32, #tpu.memory_space<hbm>>) target(%arg10 : memref<128x16xf32, #tpu.memory_space<vmem>>) offsets(%dma_start3A_197 : memref<128xi32, #tpu.memory_space<vmem>>) semaphore(%arg23 : memref<!tpu.dma_semaphore, #tpu.memory_space<semaphore_mem>>)
      } else {
      }
      %ge3A = arith.constant 1 : i32
      %ge3A_98 = arith.cmpi sge, %scan3A_72, %ge3A : i32
      %convert_element_type3A_99 = arith.extui %ge3A_98 : i1 to i32
      %cond3A_100 = arith.constant 0 : i32
      %cond3A_101 = arith.cmpi ne, %convert_element_type3A_99, %cond3A_100 : i32
      scf.if %cond3A_101 {
        %dma_wait3A_176 = arith.constant 0 : i32
        %dma_wait3A_177 = arith.constant 0 : i32
        %dma_wait3A_178 = tpu.memref_slice %arg17[%dma_wait3A_176, %dma_wait3A_177] : memref<25008x48xf32, #tpu.memory_space<vmem_shared>> -> memref<25008x48xf32, #tpu.memory_space<vmem_shared>>
        tpu.wait_indirect_dma semaphore(%arg24 : memref<!tpu.dma_semaphore, #tpu.memory_space<semaphore_mem>>) src(%arg13 : memref<128x48xf32, #tpu.memory_space<vmem>>) dst(%dma_wait3A_178 : memref<25008x48xf32, #tpu.memory_space<vmem_shared>>)
      } else {
      }
      %scan3A_102 = arith.constant 0 : i32
      %scan3A_103 = arith.constant 0 : i32
      %scan3A_104 = arith.constant 8 : i32
      %scan3A_105 = arith.addi %scan3A_103, %scan3A_104 : i32
      %scan3A_106 = arith.constant 1 : i32
      scf.for %scan3A_176 = %scan3A_103 to %scan3A_105 step %scan3A_106  : i32 {
        %mul3A_177 = arith.constant 16 : i32
        %mul3A_178 = arith.muli %scan3A_176, %mul3A_177 : i32
        %get3A = arith.constant 1 : i32
        %get3A_179 = arith.index_cast %get3A : i32 to index
        %get3A_180 = arith.index_cast %mul3A_178 : i32 to index
        %get3A_181 = tpu.vector_load %arg7[%get3A_179, %get3A_180] {strides = array<i32>} : memref<2x128xi32, #tpu.memory_space<vmem>>, vector<16xi32>,
        %ge3A_182 = vector.broadcast %mul3A_6 : i32 to vector<16xi32>
        %ge3A_183 = arith.cmpi sge, %get3A_181, %ge3A_182 : vector<16xi32>
        %add3A_184 = arith.constant 25000 : i32
        %add3A_185 = arith.addi %mul3A_6, %add3A_184 : i32
        %lt3A_186 = vector.broadcast %add3A_185 : i32 to vector<16xi32>
        %lt3A_187 = arith.cmpi slt, %get3A_181, %lt3A_186 : vector<16xi32>
        %and3A = arith.andi %ge3A_183, %lt3A_187 : vector<16xi1>
        %sub3A = vector.broadcast %mul3A_6 : i32 to vector<16xi32>
        %sub3A_188 = arith.subi %get3A_181, %sub3A : vector<16xi32>
        %jit3A = arith.constant 25000 : i32
        %broadcast_in_dim3A = vector.broadcast %jit3A : i32 to vector<16xi32>
        %select_n3A = arith.select %and3A, %sub3A_188, %broadcast_in_dim3A : vector<16xi1>, vector<16xi32>
        %mul3A_189 = arith.constant 16 : i32
        %mul3A_190 = arith.muli %scan3A_176, %mul3A_189 : i32
        %swap3A = arith.index_cast %mul3A_190 : i32 to index
        %swap3A_191 = tpu.vector_load %arg15[%swap3A] {strides = array<i32>} : memref<128xi32, #tpu.memory_space<vmem>>, vector<16xi32>,
        tpu.vector_store %arg15[%swap3A], %select_n3A {strides = array<i32>} : memref<128xi32, #tpu.memory_space<vmem>>, vector<16xi32>,
      }
      %scan3A_107 = arith.constant 8 : i32
      %scan3A_108 = arith.constant 0 : i32
      %scan3A_109 = arith.constant 0 : i32
      %scan3A_110 = arith.constant 32 : i32
      %scan3A_111 = arith.addi %scan3A_109, %scan3A_110 : i32
      %scan3A_112 = arith.constant 1 : i32
      scf.for %scan3A_176 = %scan3A_109 to %scan3A_111 step %scan3A_112  : i32 {
        %mul3A_177 = arith.constant 4 : i32
        %mul3A_178 = arith.muli %scan3A_176, %mul3A_177 : i32
        %add3A_179 = arith.constant 0 : i32
        %add3A_180 = arith.addi %mul3A_178, %add3A_179 : i32
        %get3A = arith.index_cast %add3A_180 : i32 to index
        %get3A_181 = arith.constant 0 : index
        %get3A_182 = tpu.vector_load %arg11[%get3A, %get3A_181] {strides = array<i32>} : memref<128x48xf32, #tpu.memory_space<vmem>>, vector<16xf32>,
        %get3A_183 = arith.index_cast %add3A_180 : i32 to index
        %get3A_184 = arith.constant 0 : index
        %get3A_185 = tpu.vector_load %arg9[%get3A_183, %get3A_184] {strides = array<i32>} : memref<128x16xf32, #tpu.memory_space<vmem>>, vector<16xf32>,
        %mul3A_186 = arith.mulf %get3A_185, %get3A_182 : vector<16xf32>
        %reduce_sum3A = arith.constant true
        %reduce_sum3A_187 = vector.broadcast %reduce_sum3A : i1 to vector<16xi1>
        %reduce_sum3A_188 = tpu.scan <sum>, %mul3A_186 masked %reduce_sum3A_187 : vector<16xf32>, vector<16xi1> -> vector<16xf32>
        %reduce_sum3A_189 = vector.extract %reduce_sum3A_188[15] : f32 from vector<16xf32>
        %broadcast_in_dim3A = vector.broadcast %reduce_sum3A_189 : f32 to vector<16xf32>
        %div3A = arith.constant 1.000000e+00 : f32
        %div3A_190 = vector.broadcast %div3A : f32 to vector<16xf32>
        %div3A_191 = arith.divf %div3A_190, %broadcast_in_dim3A : vector<16xf32>
        %mul3A_192 = arith.mulf %get3A_182, %div3A_191 : vector<16xf32>
        %swap3A = arith.index_cast %add3A_180 : i32 to index
        %swap3A_193 = arith.constant 0 : index
        %swap3A_194 = tpu.vector_load %arg13[%swap3A, %swap3A_193] {strides = array<i32>} : memref<128x48xf32, #tpu.memory_space<vmem>>, vector<16xf32>,
        tpu.vector_store %arg13[%swap3A, %swap3A_193], %mul3A_192 {strides = array<i32>} : memref<128x48xf32, #tpu.memory_space<vmem>>, vector<16xf32>,
        %get3A_195 = arith.index_cast %add3A_180 : i32 to index
        %get3A_196 = arith.constant 16 : index
        %get3A_197 = tpu.vector_load %arg11[%get3A_195, %get3A_196] {strides = array<i32>} : memref<128x48xf32, #tpu.memory_space<vmem>>, vector<16xf32>,
        %mul3A_198 = arith.mulf %get3A_197, %div3A_191 : vector<16xf32>
        %swap3A_199 = arith.index_cast %add3A_180 : i32 to index
        %swap3A_200 = arith.constant 16 : index
        %swap3A_201 = tpu.vector_load %arg13[%swap3A_199, %swap3A_200] {strides = array<i32>} : memref<128x48xf32, #tpu.memory_space<vmem>>, vector<16xf32>,
        tpu.vector_store %arg13[%swap3A_199, %swap3A_200], %mul3A_198 {strides = array<i32>} : memref<128x48xf32, #tpu.memory_space<vmem>>, vector<16xf32>,
        %get3A_202 = arith.index_cast %add3A_180 : i32 to index
        %get3A_203 = arith.constant 32 : index
        %get3A_204 = tpu.vector_load %arg11[%get3A_202, %get3A_203] {strides = array<i32>} : memref<128x48xf32, #tpu.memory_space<vmem>>, vector<16xf32>,
        %mul3A_205 = arith.mulf %get3A_204, %div3A_191 : vector<16xf32>
        %swap3A_206 = arith.index_cast %add3A_180 : i32 to index
        %swap3A_207 = arith.constant 32 : index
        %swap3A_208 = tpu.vector_load %arg13[%swap3A_206, %swap3A_207] {strides = array<i32>} : memref<128x48xf32, #tpu.memory_space<vmem>>, vector<16xf32>,
        tpu.vector_store %arg13[%swap3A_206, %swap3A_207], %mul3A_205 {strides = array<i32>} : memref<128x48xf32, #tpu.memory_space<vmem>>, vector<16xf32>,
        %mul3A_209 = arith.constant 4 : i32
        %mul3A_210 = arith.muli %scan3A_176, %mul3A_209 : i32
        %add3A_211 = arith.constant 1 : i32
        %add3A_212 = arith.addi %mul3A_210, %add3A_211 : i32
        %get3A_213 = arith.index_cast %add3A_212 : i32 to index
        %get3A_214 = arith.constant 0 : index
        %get3A_215 = tpu.vector_load %arg11[%get3A_213, %get3A_214] {strides = array<i32>} : memref<128x48xf32, #tpu.memory_space<vmem>>, vector<16xf32>,
        %get3A_216 = arith.index_cast %add3A_212 : i32 to index
        %get3A_217 = arith.constant 0 : index
        %get3A_218 = tpu.vector_load %arg9[%get3A_216, %get3A_217] {strides = array<i32>} : memref<128x16xf32, #tpu.memory_space<vmem>>, vector<16xf32>,
        %mul3A_219 = arith.mulf %get3A_218, %get3A_215 : vector<16xf32>
        %reduce_sum3A_220 = arith.constant true
        %reduce_sum3A_221 = vector.broadcast %reduce_sum3A_220 : i1 to vector<16xi1>
        %reduce_sum3A_222 = tpu.scan <sum>, %mul3A_219 masked %reduce_sum3A_221 : vector<16xf32>, vector<16xi1> -> vector<16xf32>
        %reduce_sum3A_223 = vector.extract %reduce_sum3A_222[15] : f32 from vector<16xf32>
        %broadcast_in_dim3A_224 = vector.broadcast %reduce_sum3A_223 : f32 to vector<16xf32>
        %div3A_225 = arith.constant 1.000000e+00 : f32
        %div3A_226 = vector.broadcast %div3A_225 : f32 to vector<16xf32>
        %div3A_227 = arith.divf %div3A_226, %broadcast_in_dim3A_224 : vector<16xf32>
        %mul3A_228 = arith.mulf %get3A_215, %div3A_227 : vector<16xf32>
        %swap3A_229 = arith.index_cast %add3A_212 : i32 to index
        %swap3A_230 = arith.constant 0 : index
        %swap3A_231 = tpu.vector_load %arg13[%swap3A_229, %swap3A_230] {strides = array<i32>} : memref<128x48xf32, #tpu.memory_space<vmem>>, vector<16xf32>,
        tpu.vector_store %arg13[%swap3A_229, %swap3A_230], %mul3A_228 {strides = array<i32>} : memref<128x48xf32, #tpu.memory_space<vmem>>, vector<16xf32>,
        %get3A_232 = arith.index_cast %add3A_212 : i32 to index
        %get3A_233 = arith.constant 16 : index
        %get3A_234 = tpu.vector_load %arg11[%get3A_232, %get3A_233] {strides = array<i32>} : memref<128x48xf32, #tpu.memory_space<vmem>>, vector<16xf32>,
        %mul3A_235 = arith.mulf %get3A_234, %div3A_227 : vector<16xf32>
        %swap3A_236 = arith.index_cast %add3A_212 : i32 to index
        %swap3A_237 = arith.constant 16 : index
        %swap3A_238 = tpu.vector_load %arg13[%swap3A_236, %swap3A_237] {strides = array<i32>} : memref<128x48xf32, #tpu.memory_space<vmem>>, vector<16xf32>,
        tpu.vector_store %arg13[%swap3A_236, %swap3A_237], %mul3A_235 {strides = array<i32>} : memref<128x48xf32, #tpu.memory_space<vmem>>, vector<16xf32>,
        %get3A_239 = arith.index_cast %add3A_212 : i32 to index
        %get3A_240 = arith.constant 32 : index
        %get3A_241 = tpu.vector_load %arg11[%get3A_239, %get3A_240] {strides = array<i32>} : memref<128x48xf32, #tpu.memory_space<vmem>>, vector<16xf32>,
        %mul3A_242 = arith.mulf %get3A_241, %div3A_227 : vector<16xf32>
        %swap3A_243 = arith.index_cast %add3A_212 : i32 to index
        %swap3A_244 = arith.constant 32 : index
        %swap3A_245 = tpu.vector_load %arg13[%swap3A_243, %swap3A_244] {strides = array<i32>} : memref<128x48xf32, #tpu.memory_space<vmem>>, vector<16xf32>,
        tpu.vector_store %arg13[%swap3A_243, %swap3A_244], %mul3A_242 {strides = array<i32>} : memref<128x48xf32, #tpu.memory_space<vmem>>, vector<16xf32>,
        %mul3A_246 = arith.constant 4 : i32
        %mul3A_247 = arith.muli %scan3A_176, %mul3A_246 : i32
        %add3A_248 = arith.constant 2 : i32
        %add3A_249 = arith.addi %mul3A_247, %add3A_248 : i32
        %get3A_250 = arith.index_cast %add3A_249 : i32 to index
        %get3A_251 = arith.constant 0 : index
        %get3A_252 = tpu.vector_load %arg11[%get3A_250, %get3A_251] {strides = array<i32>} : memref<128x48xf32, #tpu.memory_space<vmem>>, vector<16xf32>,
        %get3A_253 = arith.index_cast %add3A_249 : i32 to index
        %get3A_254 = arith.constant 0 : index
        %get3A_255 = tpu.vector_load %arg9[%get3A_253, %get3A_254] {strides = array<i32>} : memref<128x16xf32, #tpu.memory_space<vmem>>, vector<16xf32>,
        %mul3A_256 = arith.mulf %get3A_255, %get3A_252 : vector<16xf32>
        %reduce_sum3A_257 = arith.constant true
        %reduce_sum3A_258 = vector.broadcast %reduce_sum3A_257 : i1 to vector<16xi1>
        %reduce_sum3A_259 = tpu.scan <sum>, %mul3A_256 masked %reduce_sum3A_258 : vector<16xf32>, vector<16xi1> -> vector<16xf32>
        %reduce_sum3A_260 = vector.extract %reduce_sum3A_259[15] : f32 from vector<16xf32>
        %broadcast_in_dim3A_261 = vector.broadcast %reduce_sum3A_260 : f32 to vector<16xf32>
        %div3A_262 = arith.constant 1.000000e+00 : f32
        %div3A_263 = vector.broadcast %div3A_262 : f32 to vector<16xf32>
        %div3A_264 = arith.divf %div3A_263, %broadcast_in_dim3A_261 : vector<16xf32>
        %mul3A_265 = arith.mulf %get3A_252, %div3A_264 : vector<16xf32>
        %swap3A_266 = arith.index_cast %add3A_249 : i32 to index
        %swap3A_267 = arith.constant 0 : index
        %swap3A_268 = tpu.vector_load %arg13[%swap3A_266, %swap3A_267] {strides = array<i32>} : memref<128x48xf32, #tpu.memory_space<vmem>>, vector<16xf32>,
        tpu.vector_store %arg13[%swap3A_266, %swap3A_267], %mul3A_265 {strides = array<i32>} : memref<128x48xf32, #tpu.memory_space<vmem>>, vector<16xf32>,
        %get3A_269 = arith.index_cast %add3A_249 : i32 to index
        %get3A_270 = arith.constant 16 : index
        %get3A_271 = tpu.vector_load %arg11[%get3A_269, %get3A_270] {strides = array<i32>} : memref<128x48xf32, #tpu.memory_space<vmem>>, vector<16xf32>,
        %mul3A_272 = arith.mulf %get3A_271, %div3A_264 : vector<16xf32>
        %swap3A_273 = arith.index_cast %add3A_249 : i32 to index
        %swap3A_274 = arith.constant 16 : index
        %swap3A_275 = tpu.vector_load %arg13[%swap3A_273, %swap3A_274] {strides = array<i32>} : memref<128x48xf32, #tpu.memory_space<vmem>>, vector<16xf32>,
        tpu.vector_store %arg13[%swap3A_273, %swap3A_274], %mul3A_272 {strides = array<i32>} : memref<128x48xf32, #tpu.memory_space<vmem>>, vector<16xf32>,
        %get3A_276 = arith.index_cast %add3A_249 : i32 to index
        %get3A_277 = arith.constant 32 : index
        %get3A_278 = tpu.vector_load %arg11[%get3A_276, %get3A_277] {strides = array<i32>} : memref<128x48xf32, #tpu.memory_space<vmem>>, vector<16xf32>,
        %mul3A_279 = arith.mulf %get3A_278, %div3A_264 : vector<16xf32>
        %swap3A_280 = arith.index_cast %add3A_249 : i32 to index
        %swap3A_281 = arith.constant 32 : index
        %swap3A_282 = tpu.vector_load %arg13[%swap3A_280, %swap3A_281] {strides = array<i32>} : memref<128x48xf32, #tpu.memory_space<vmem>>, vector<16xf32>,
        tpu.vector_store %arg13[%swap3A_280, %swap3A_281], %mul3A_279 {strides = array<i32>} : memref<128x48xf32, #tpu.memory_space<vmem>>, vector<16xf32>,
        %mul3A_283 = arith.constant 4 : i32
        %mul3A_284 = arith.muli %scan3A_176, %mul3A_283 : i32
        %add3A_285 = arith.constant 3 : i32
        %add3A_286 = arith.addi %mul3A_284, %add3A_285 : i32
        %get3A_287 = arith.index_cast %add3A_286 : i32 to index
        %get3A_288 = arith.constant 0 : index
        %get3A_289 = tpu.vector_load %arg11[%get3A_287, %get3A_288] {strides = array<i32>} : memref<128x48xf32, #tpu.memory_space<vmem>>, vector<16xf32>,
        %get3A_290 = arith.index_cast %add3A_286 : i32 to index
        %get3A_291 = arith.constant 0 : index
        %get3A_292 = tpu.vector_load %arg9[%get3A_290, %get3A_291] {strides = array<i32>} : memref<128x16xf32, #tpu.memory_space<vmem>>, vector<16xf32>,
        %mul3A_293 = arith.mulf %get3A_292, %get3A_289 : vector<16xf32>
        %reduce_sum3A_294 = arith.constant true
        %reduce_sum3A_295 = vector.broadcast %reduce_sum3A_294 : i1 to vector<16xi1>
        %reduce_sum3A_296 = tpu.scan <sum>, %mul3A_293 masked %reduce_sum3A_295 : vector<16xf32>, vector<16xi1> -> vector<16xf32>
        %reduce_sum3A_297 = vector.extract %reduce_sum3A_296[15] : f32 from vector<16xf32>
        %broadcast_in_dim3A_298 = vector.broadcast %reduce_sum3A_297 : f32 to vector<16xf32>
        %div3A_299 = arith.constant 1.000000e+00 : f32
        %div3A_300 = vector.broadcast %div3A_299 : f32 to vector<16xf32>
        %div3A_301 = arith.divf %div3A_300, %broadcast_in_dim3A_298 : vector<16xf32>
        %mul3A_302 = arith.mulf %get3A_289, %div3A_301 : vector<16xf32>
        %swap3A_303 = arith.index_cast %add3A_286 : i32 to index
        %swap3A_304 = arith.constant 0 : index
        %swap3A_305 = tpu.vector_load %arg13[%swap3A_303, %swap3A_304] {strides = array<i32>} : memref<128x48xf32, #tpu.memory_space<vmem>>, vector<16xf32>,
        tpu.vector_store %arg13[%swap3A_303, %swap3A_304], %mul3A_302 {strides = array<i32>} : memref<128x48xf32, #tpu.memory_space<vmem>>, vector<16xf32>,
        %get3A_306 = arith.index_cast %add3A_286 : i32 to index
        %get3A_307 = arith.constant 16 : index
        %get3A_308 = tpu.vector_load %arg11[%get3A_306, %get3A_307] {strides = array<i32>} : memref<128x48xf32, #tpu.memory_space<vmem>>, vector<16xf32>,
        %mul3A_309 = arith.mulf %get3A_308, %div3A_301 : vector<16xf32>
        %swap3A_310 = arith.index_cast %add3A_286 : i32 to index
        %swap3A_311 = arith.constant 16 : index
        %swap3A_312 = tpu.vector_load %arg13[%swap3A_310, %swap3A_311] {strides = array<i32>} : memref<128x48xf32, #tpu.memory_space<vmem>>, vector<16xf32>,
        tpu.vector_store %arg13[%swap3A_310, %swap3A_311], %mul3A_309 {strides = array<i32>} : memref<128x48xf32, #tpu.memory_space<vmem>>, vector<16xf32>,
        %get3A_313 = arith.index_cast %add3A_286 : i32 to index
        %get3A_314 = arith.constant 32 : index
        %get3A_315 = tpu.vector_load %arg11[%get3A_313, %get3A_314] {strides = array<i32>} : memref<128x48xf32, #tpu.memory_space<vmem>>, vector<16xf32>,
        %mul3A_316 = arith.mulf %get3A_315, %div3A_301 : vector<16xf32>
        %swap3A_317 = arith.index_cast %add3A_286 : i32 to index
        %swap3A_318 = arith.constant 32 : index
        %swap3A_319 = tpu.vector_load %arg13[%swap3A_317, %swap3A_318] {strides = array<i32>} : memref<128x48xf32, #tpu.memory_space<vmem>>, vector<16xf32>,
        tpu.vector_store %arg13[%swap3A_317, %swap3A_318], %mul3A_316 {strides = array<i32>} : memref<128x48xf32, #tpu.memory_space<vmem>>, vector<16xf32>,
      }
      %scan3A_113 = arith.constant 32 : i32
      %dma_start3A_114 = arith.constant 0 : i32
      %dma_start3A_115 = arith.constant 0 : i32
      %dma_start3A_116 = tpu.memref_slice %arg17[%dma_start3A_114, %dma_start3A_115] : memref<25008x48xf32, #tpu.memory_space<vmem_shared>> -> memref<25008x48xf32, #tpu.memory_space<vmem_shared>>
      tpu.enqueue_indirect_dma source(%arg13 : memref<128x48xf32, #tpu.memory_space<vmem>>) target(%dma_start3A_116 : memref<25008x48xf32, #tpu.memory_space<vmem_shared>>) offsets(%arg15 : memref<128xi32, #tpu.memory_space<vmem>>) semaphore(%arg24 : memref<!tpu.dma_semaphore, #tpu.memory_space<semaphore_mem>>) {add = true}
      %add3A_117 = arith.constant 2 : i32
      %add3A_118 = arith.addi %add3A_76, %add3A_117 : i32
      %lt3A_119 = arith.constant 400 : i32
      %lt3A_120 = arith.cmpi slt, %add3A_118, %lt3A_119 : i32
      %convert_element_type3A_121 = arith.extui %lt3A_120 : i1 to i32
      %cond3A_122 = arith.constant 0 : i32
      %cond3A_123 = arith.cmpi ne, %convert_element_type3A_121, %cond3A_122 : i32
      scf.if %cond3A_123 {
        %add3A_176 = arith.constant 2 : i32
        %add3A_177 = arith.addi %add3A_76, %add3A_176 : i32
        %add3A_178 = arith.addi %mul3A_8, %add3A_177 : i32
        %dma_start3A_179 = arith.constant 0 : i32
        %dma_start3A_180 = arith.constant 0 : i32
        %dma_start3A_181 = tpu.memref_slice %arg2[%add3A_178, %dma_start3A_179, %dma_start3A_180] : memref<6400x2x128xi32, #tpu.memory_space<hbm>> -> memref<1x2x128xi32, #tpu.memory_space<hbm>>
        %dma_start3A_182 = tpu.memref_squeeze %dma_start3A_181 : memref<1x2x128xi32, #tpu.memory_space<hbm>> -> memref<2x128xi32, #tpu.memory_space<hbm>>
        %dma_start3A_183 = arith.constant 0 : i32
        %dma_start3A_184 = arith.constant 0 : i32
        %dma_start3A_185 = tpu.memref_slice %arg2[%add3A_178, %dma_start3A_183, %dma_start3A_184] : memref<6400x2x128xi32, #tpu.memory_space<hbm>> -> memref<1x2x128xi32, #tpu.memory_space<hbm>>
        %dma_start3A_186 = tpu.memref_squeeze %dma_start3A_185 : memref<1x2x128xi32, #tpu.memory_space<hbm>> -> memref<2x128xi32, #tpu.memory_space<hbm>>
        tpu.enqueue_dma source(%dma_start3A_186 : memref<2x128xi32, #tpu.memory_space<hbm>>) target(%arg7 : memref<2x128xi32, #tpu.memory_space<vmem>>) target_semaphore(%arg18 : memref<!tpu.dma_semaphore, #tpu.memory_space<semaphore_mem>>)
      } else {
      }
      %mul3A_124 = arith.constant 2 : i32
      %mul3A_125 = arith.muli %scan3A_72, %mul3A_124 : i32
      %add3A_126 = arith.constant 1 : i32
      %add3A_127 = arith.addi %mul3A_125, %add3A_126 : i32
      %dma_wait3A_128 = arith.constant 0 : i32
      %dma_wait3A_129 = arith.constant 0 : i32
      %dma_wait3A_130 = tpu.memref_slice %arg8[%dma_wait3A_128, %dma_wait3A_129] : memref<2x128xi32, #tpu.memory_space<vmem>> -> memref<1x128xi32, #tpu.memory_space<vmem>>
      %dma_wait3A_131 = tpu.memref_squeeze %dma_wait3A_130 : memref<1x128xi32, #tpu.memory_space<vmem>> -> memref<128xi32, #tpu.memory_space<vmem>>
      %dma_wait3A_132 = arith.constant 0 : i32
      %dma_wait3A_133 = arith.constant 0 : i32
      %dma_wait3A_134 = tpu.memref_slice %arg4[%dma_wait3A_132, %dma_wait3A_133] : memref<50000x48xf32, #tpu.memory_space<hbm>> -> memref<50000x48xf32, #tpu.memory_space<hbm>>
      tpu.wait_indirect_dma semaphore(%arg21 : memref<!tpu.dma_semaphore, #tpu.memory_space<semaphore_mem>>) src(%dma_wait3A_134 : memref<50000x48xf32, #tpu.memory_space<hbm>>) dst(%arg12 : memref<128x48xf32, #tpu.memory_space<vmem>>)
      %dma_wait3A_135 = arith.constant 1 : i32
      %dma_wait3A_136 = arith.constant 0 : i32
      %dma_wait3A_137 = tpu.memref_slice %arg8[%dma_wait3A_135, %dma_wait3A_136] : memref<2x128xi32, #tpu.memory_space<vmem>> -> memref<1x128xi32, #tpu.memory_space<vmem>>
      %dma_wait3A_138 = tpu.memref_squeeze %dma_wait3A_137 : memref<1x128xi32, #tpu.memory_space<vmem>> -> memref<128xi32, #tpu.memory_space<vmem>>
      %dma_wait3A_139 = arith.constant 0 : i32
      %dma_wait3A_140 = arith.constant 0 : i32
      %dma_wait3A_141 = tpu.memref_slice %arg3[%dma_wait3A_139, %dma_wait3A_140] : memref<50008x16xf32, #tpu.memory_space<hbm>> -> memref<50008x16xf32, #tpu.memory_space<hbm>>
      tpu.wait_indirect_dma semaphore(%arg23 : memref<!tpu.dma_semaphore, #tpu.memory_space<semaphore_mem>>) src(%dma_wait3A_141 : memref<50008x16xf32, #tpu.memory_space<hbm>>) dst(%arg10 : memref<128x16xf32, #tpu.memory_space<vmem>>)
      %add3A_142 = arith.constant 1 : i32
      %add3A_143 = arith.addi %add3A_127, %add3A_142 : i32
      %lt3A_144 = arith.constant 400 : i32
      %lt3A_145 = arith.cmpi slt, %add3A_143, %lt3A_144 : i32
      %convert_element_type3A_146 = arith.extui %lt3A_145 : i1 to i32
      %cond3A_147 = arith.constant 0 : i32
      %cond3A_148 = arith.cmpi ne, %convert_element_type3A_146, %cond3A_147 : i32
      scf.if %cond3A_148 {
        %add3A_176 = arith.constant 1 : i32
        %add3A_177 = arith.addi %add3A_127, %add3A_176 : i32
        %add3A_178 = arith.addi %mul3A_8, %add3A_177 : i32
        %dma_wait3A_179 = arith.constant 0 : i32
        %dma_wait3A_180 = arith.constant 0 : i32
        %dma_wait3A_181 = tpu.memref_slice %arg2[%add3A_178, %dma_wait3A_179, %dma_wait3A_180] : memref<6400x2x128xi32, #tpu.memory_space<hbm>> -> memref<1x2x128xi32, #tpu.memory_space<hbm>>
        %dma_wait3A_182 = tpu.memref_squeeze %dma_wait3A_181 : memref<1x2x128xi32, #tpu.memory_space<hbm>> -> memref<2x128xi32, #tpu.memory_space<hbm>>
        %dma_wait3A_183 = arith.constant 0 : i32
        %dma_wait3A_184 = arith.constant 0 : i32
        %dma_wait3A_185 = tpu.memref_slice %arg2[%add3A_178, %dma_wait3A_183, %dma_wait3A_184] : memref<6400x2x128xi32, #tpu.memory_space<hbm>> -> memref<1x2x128xi32, #tpu.memory_space<hbm>>
        %dma_wait3A_186 = tpu.memref_squeeze %dma_wait3A_185 : memref<1x2x128xi32, #tpu.memory_space<hbm>> -> memref<2x128xi32, #tpu.memory_space<hbm>>
        tpu.wait_dma2 semaphore(%arg18 : memref<!tpu.dma_semaphore, #tpu.memory_space<semaphore_mem>>) src(%dma_wait3A_186 : memref<2x128xi32, #tpu.memory_space<hbm>>) dst(%arg7 : memref<2x128xi32, #tpu.memory_space<vmem>>)
        %dma_start3A_187 = arith.constant 0 : i32
        %dma_start3A_188 = arith.constant 0 : i32
        %dma_start3A_189 = tpu.memref_slice %arg7[%dma_start3A_187, %dma_start3A_188] : memref<2x128xi32, #tpu.memory_space<vmem>> -> memref<1x128xi32, #tpu.memory_space<vmem>>
        %dma_start3A_190 = tpu.memref_squeeze %dma_start3A_189 : memref<1x128xi32, #tpu.memory_space<vmem>> -> memref<128xi32, #tpu.memory_space<vmem>>
        %dma_start3A_191 = arith.constant 0 : i32
        %dma_start3A_192 = arith.constant 0 : i32
        %dma_start3A_193 = tpu.memref_slice %arg4[%dma_start3A_191, %dma_start3A_192] : memref<50000x48xf32, #tpu.memory_space<hbm>> -> memref<50000x48xf32, #tpu.memory_space<hbm>>
        tpu.enqueue_indirect_dma source(%dma_start3A_193 : memref<50000x48xf32, #tpu.memory_space<hbm>>) target(%arg11 : memref<128x48xf32, #tpu.memory_space<vmem>>) offsets(%dma_start3A_190 : memref<128xi32, #tpu.memory_space<vmem>>) semaphore(%arg20 : memref<!tpu.dma_semaphore, #tpu.memory_space<semaphore_mem>>)
        %dma_start3A_194 = arith.constant 1 : i32
        %dma_start3A_195 = arith.constant 0 : i32
        %dma_start3A_196 = tpu.memref_slice %arg7[%dma_start3A_194, %dma_start3A_195] : memref<2x128xi32, #tpu.memory_space<vmem>> -> memref<1x128xi32, #tpu.memory_space<vmem>>
        %dma_start3A_197 = tpu.memref_squeeze %dma_start3A_196 : memref<1x128xi32, #tpu.memory_space<vmem>> -> memref<128xi32, #tpu.memory_space<vmem>>
        %dma_start3A_198 = arith.constant 0 : i32
        %dma_start3A_199 = arith.constant 0 : i32
        %dma_start3A_200 = tpu.memref_slice %arg3[%dma_start3A_198, %dma_start3A_199] : memref<50008x16xf32, #tpu.memory_space<hbm>> -> memref<50008x16xf32, #tpu.memory_space<hbm>>
        tpu.enqueue_indirect_dma source(%dma_start3A_200 : memref<50008x16xf32, #tpu.memory_space<hbm>>) target(%arg9 : memref<128x16xf32, #tpu.memory_space<vmem>>) offsets(%dma_start3A_197 : memref<128xi32, #tpu.memory_space<vmem>>) semaphore(%arg22 : memref<!tpu.dma_semaphore, #tpu.memory_space<semaphore_mem>>)
      } else {
      }
      %ge3A_149 = arith.constant 1 : i32
      %ge3A_150 = arith.cmpi sge, %scan3A_72, %ge3A_149 : i32
      %convert_element_type3A_151 = arith.extui %ge3A_150 : i1 to i32
      %cond3A_152 = arith.constant 0 : i32
      %cond3A_153 = arith.cmpi ne, %convert_element_type3A_151, %cond3A_152 : i32
      scf.if %cond3A_153 {
        %dma_wait3A_176 = arith.constant 0 : i32
        %dma_wait3A_177 = arith.constant 0 : i32
        %dma_wait3A_178 = tpu.memref_slice %arg17[%dma_wait3A_176, %dma_wait3A_177] : memref<25008x48xf32, #tpu.memory_space<vmem_shared>> -> memref<25008x48xf32, #tpu.memory_space<vmem_shared>>
        tpu.wait_indirect_dma semaphore(%arg25 : memref<!tpu.dma_semaphore, #tpu.memory_space<semaphore_mem>>) src(%arg14 : memref<128x48xf32, #tpu.memory_space<vmem>>) dst(%dma_wait3A_178 : memref<25008x48xf32, #tpu.memory_space<vmem_shared>>)
      } else {
      }
      %scan3A_154 = arith.constant 0 : i32
      %scan3A_155 = arith.constant 0 : i32
      %scan3A_156 = arith.constant 8 : i32
      %scan3A_157 = arith.addi %scan3A_155, %scan3A_156 : i32
      %scan3A_158 = arith.constant 1 : i32
      scf.for %scan3A_176 = %scan3A_155 to %scan3A_157 step %scan3A_158  : i32 {
        %mul3A_177 = arith.constant 16 : i32
        %mul3A_178 = arith.muli %scan3A_176, %mul3A_177 : i32
        %get3A = arith.constant 1 : i32
        %get3A_179 = arith.index_cast %get3A : i32 to index
        %get3A_180 = arith.index_cast %mul3A_178 : i32 to index
        %get3A_181 = tpu.vector_load %arg8[%get3A_179, %get3A_180] {strides = array<i32>} : memref<2x128xi32, #tpu.memory_space<vmem>>, vector<16xi32>,
        %ge3A_182 = vector.broadcast %mul3A_6 : i32 to vector<16xi32>
        %ge3A_183 = arith.cmpi sge, %get3A_181, %ge3A_182 : vector<16xi32>
        %add3A_184 = arith.constant 25000 : i32
        %add3A_185 = arith.addi %mul3A_6, %add3A_184 : i32
        %lt3A_186 = vector.broadcast %add3A_185 : i32 to vector<16xi32>
        %lt3A_187 = arith.cmpi slt, %get3A_181, %lt3A_186 : vector<16xi32>
        %and3A = arith.andi %ge3A_183, %lt3A_187 : vector<16xi1>
        %sub3A = vector.broadcast %mul3A_6 : i32 to vector<16xi32>
        %sub3A_188 = arith.subi %get3A_181, %sub3A : vector<16xi32>
        %jit3A = arith.constant 25000 : i32
        %broadcast_in_dim3A = vector.broadcast %jit3A : i32 to vector<16xi32>
        %select_n3A = arith.select %and3A, %sub3A_188, %broadcast_in_dim3A : vector<16xi1>, vector<16xi32>
        %mul3A_189 = arith.constant 16 : i32
        %mul3A_190 = arith.muli %scan3A_176, %mul3A_189 : i32
        %swap3A = arith.index_cast %mul3A_190 : i32 to index
        %swap3A_191 = tpu.vector_load %arg16[%swap3A] {strides = array<i32>} : memref<128xi32, #tpu.memory_space<vmem>>, vector<16xi32>,
        tpu.vector_store %arg16[%swap3A], %select_n3A {strides = array<i32>} : memref<128xi32, #tpu.memory_space<vmem>>, vector<16xi32>,
      }
      %scan3A_159 = arith.constant 8 : i32
      %scan3A_160 = arith.constant 0 : i32
      %scan3A_161 = arith.constant 0 : i32
      %scan3A_162 = arith.constant 32 : i32
      %scan3A_163 = arith.addi %scan3A_161, %scan3A_162 : i32
      %scan3A_164 = arith.constant 1 : i32
      scf.for %scan3A_176 = %scan3A_161 to %scan3A_163 step %scan3A_164  : i32 {
        %mul3A_177 = arith.constant 4 : i32
        %mul3A_178 = arith.muli %scan3A_176, %mul3A_177 : i32
        %add3A_179 = arith.constant 0 : i32
        %add3A_180 = arith.addi %mul3A_178, %add3A_179 : i32
        %get3A = arith.index_cast %add3A_180 : i32 to index
        %get3A_181 = arith.constant 0 : index
        %get3A_182 = tpu.vector_load %arg12[%get3A, %get3A_181] {strides = array<i32>} : memref<128x48xf32, #tpu.memory_space<vmem>>, vector<16xf32>,
        %get3A_183 = arith.index_cast %add3A_180 : i32 to index
        %get3A_184 = arith.constant 0 : index
        %get3A_185 = tpu.vector_load %arg10[%get3A_183, %get3A_184] {strides = array<i32>} : memref<128x16xf32, #tpu.memory_space<vmem>>, vector<16xf32>,
        %mul3A_186 = arith.mulf %get3A_185, %get3A_182 : vector<16xf32>
        %reduce_sum3A = arith.constant true
        %reduce_sum3A_187 = vector.broadcast %reduce_sum3A : i1 to vector<16xi1>
        %reduce_sum3A_188 = tpu.scan <sum>, %mul3A_186 masked %reduce_sum3A_187 : vector<16xf32>, vector<16xi1> -> vector<16xf32>
        %reduce_sum3A_189 = vector.extract %reduce_sum3A_188[15] : f32 from vector<16xf32>
        %broadcast_in_dim3A = vector.broadcast %reduce_sum3A_189 : f32 to vector<16xf32>
        %div3A = arith.constant 1.000000e+00 : f32
        %div3A_190 = vector.broadcast %div3A : f32 to vector<16xf32>
        %div3A_191 = arith.divf %div3A_190, %broadcast_in_dim3A : vector<16xf32>
        %mul3A_192 = arith.mulf %get3A_182, %div3A_191 : vector<16xf32>
        %swap3A = arith.index_cast %add3A_180 : i32 to index
        %swap3A_193 = arith.constant 0 : index
        %swap3A_194 = tpu.vector_load %arg14[%swap3A, %swap3A_193] {strides = array<i32>} : memref<128x48xf32, #tpu.memory_space<vmem>>, vector<16xf32>,
        tpu.vector_store %arg14[%swap3A, %swap3A_193], %mul3A_192 {strides = array<i32>} : memref<128x48xf32, #tpu.memory_space<vmem>>, vector<16xf32>,
        %get3A_195 = arith.index_cast %add3A_180 : i32 to index
        %get3A_196 = arith.constant 16 : index
        %get3A_197 = tpu.vector_load %arg12[%get3A_195, %get3A_196] {strides = array<i32>} : memref<128x48xf32, #tpu.memory_space<vmem>>, vector<16xf32>,
        %mul3A_198 = arith.mulf %get3A_197, %div3A_191 : vector<16xf32>
        %swap3A_199 = arith.index_cast %add3A_180 : i32 to index
        %swap3A_200 = arith.constant 16 : index
        %swap3A_201 = tpu.vector_load %arg14[%swap3A_199, %swap3A_200] {strides = array<i32>} : memref<128x48xf32, #tpu.memory_space<vmem>>, vector<16xf32>,
        tpu.vector_store %arg14[%swap3A_199, %swap3A_200], %mul3A_198 {strides = array<i32>} : memref<128x48xf32, #tpu.memory_space<vmem>>, vector<16xf32>,
        %get3A_202 = arith.index_cast %add3A_180 : i32 to index
        %get3A_203 = arith.constant 32 : index
        %get3A_204 = tpu.vector_load %arg12[%get3A_202, %get3A_203] {strides = array<i32>} : memref<128x48xf32, #tpu.memory_space<vmem>>, vector<16xf32>,
        %mul3A_205 = arith.mulf %get3A_204, %div3A_191 : vector<16xf32>
        %swap3A_206 = arith.index_cast %add3A_180 : i32 to index
        %swap3A_207 = arith.constant 32 : index
        %swap3A_208 = tpu.vector_load %arg14[%swap3A_206, %swap3A_207] {strides = array<i32>} : memref<128x48xf32, #tpu.memory_space<vmem>>, vector<16xf32>,
        tpu.vector_store %arg14[%swap3A_206, %swap3A_207], %mul3A_205 {strides = array<i32>} : memref<128x48xf32, #tpu.memory_space<vmem>>, vector<16xf32>,
        %mul3A_209 = arith.constant 4 : i32
        %mul3A_210 = arith.muli %scan3A_176, %mul3A_209 : i32
        %add3A_211 = arith.constant 1 : i32
        %add3A_212 = arith.addi %mul3A_210, %add3A_211 : i32
        %get3A_213 = arith.index_cast %add3A_212 : i32 to index
        %get3A_214 = arith.constant 0 : index
        %get3A_215 = tpu.vector_load %arg12[%get3A_213, %get3A_214] {strides = array<i32>} : memref<128x48xf32, #tpu.memory_space<vmem>>, vector<16xf32>,
        %get3A_216 = arith.index_cast %add3A_212 : i32 to index
        %get3A_217 = arith.constant 0 : index
        %get3A_218 = tpu.vector_load %arg10[%get3A_216, %get3A_217] {strides = array<i32>} : memref<128x16xf32, #tpu.memory_space<vmem>>, vector<16xf32>,
        %mul3A_219 = arith.mulf %get3A_218, %get3A_215 : vector<16xf32>
        %reduce_sum3A_220 = arith.constant true
        %reduce_sum3A_221 = vector.broadcast %reduce_sum3A_220 : i1 to vector<16xi1>
        %reduce_sum3A_222 = tpu.scan <sum>, %mul3A_219 masked %reduce_sum3A_221 : vector<16xf32>, vector<16xi1> -> vector<16xf32>
        %reduce_sum3A_223 = vector.extract %reduce_sum3A_222[15] : f32 from vector<16xf32>
        %broadcast_in_dim3A_224 = vector.broadcast %reduce_sum3A_223 : f32 to vector<16xf32>
        %div3A_225 = arith.constant 1.000000e+00 : f32
        %div3A_226 = vector.broadcast %div3A_225 : f32 to vector<16xf32>
        %div3A_227 = arith.divf %div3A_226, %broadcast_in_dim3A_224 : vector<16xf32>
        %mul3A_228 = arith.mulf %get3A_215, %div3A_227 : vector<16xf32>
        %swap3A_229 = arith.index_cast %add3A_212 : i32 to index
        %swap3A_230 = arith.constant 0 : index
        %swap3A_231 = tpu.vector_load %arg14[%swap3A_229, %swap3A_230] {strides = array<i32>} : memref<128x48xf32, #tpu.memory_space<vmem>>, vector<16xf32>,
        tpu.vector_store %arg14[%swap3A_229, %swap3A_230], %mul3A_228 {strides = array<i32>} : memref<128x48xf32, #tpu.memory_space<vmem>>, vector<16xf32>,
        %get3A_232 = arith.index_cast %add3A_212 : i32 to index
        %get3A_233 = arith.constant 16 : index
        %get3A_234 = tpu.vector_load %arg12[%get3A_232, %get3A_233] {strides = array<i32>} : memref<128x48xf32, #tpu.memory_space<vmem>>, vector<16xf32>,
        %mul3A_235 = arith.mulf %get3A_234, %div3A_227 : vector<16xf32>
        %swap3A_236 = arith.index_cast %add3A_212 : i32 to index
        %swap3A_237 = arith.constant 16 : index
        %swap3A_238 = tpu.vector_load %arg14[%swap3A_236, %swap3A_237] {strides = array<i32>} : memref<128x48xf32, #tpu.memory_space<vmem>>, vector<16xf32>,
        tpu.vector_store %arg14[%swap3A_236, %swap3A_237], %mul3A_235 {strides = array<i32>} : memref<128x48xf32, #tpu.memory_space<vmem>>, vector<16xf32>,
        %get3A_239 = arith.index_cast %add3A_212 : i32 to index
        %get3A_240 = arith.constant 32 : index
        %get3A_241 = tpu.vector_load %arg12[%get3A_239, %get3A_240] {strides = array<i32>} : memref<128x48xf32, #tpu.memory_space<vmem>>, vector<16xf32>,
        %mul3A_242 = arith.mulf %get3A_241, %div3A_227 : vector<16xf32>
        %swap3A_243 = arith.index_cast %add3A_212 : i32 to index
        %swap3A_244 = arith.constant 32 : index
        %swap3A_245 = tpu.vector_load %arg14[%swap3A_243, %swap3A_244] {strides = array<i32>} : memref<128x48xf32, #tpu.memory_space<vmem>>, vector<16xf32>,
        tpu.vector_store %arg14[%swap3A_243, %swap3A_244], %mul3A_242 {strides = array<i32>} : memref<128x48xf32, #tpu.memory_space<vmem>>, vector<16xf32>,
        %mul3A_246 = arith.constant 4 : i32
        %mul3A_247 = arith.muli %scan3A_176, %mul3A_246 : i32
        %add3A_248 = arith.constant 2 : i32
        %add3A_249 = arith.addi %mul3A_247, %add3A_248 : i32
        %get3A_250 = arith.index_cast %add3A_249 : i32 to index
        %get3A_251 = arith.constant 0 : index
        %get3A_252 = tpu.vector_load %arg12[%get3A_250, %get3A_251] {strides = array<i32>} : memref<128x48xf32, #tpu.memory_space<vmem>>, vector<16xf32>,
        %get3A_253 = arith.index_cast %add3A_249 : i32 to index
        %get3A_254 = arith.constant 0 : index
        %get3A_255 = tpu.vector_load %arg10[%get3A_253, %get3A_254] {strides = array<i32>} : memref<128x16xf32, #tpu.memory_space<vmem>>, vector<16xf32>,
        %mul3A_256 = arith.mulf %get3A_255, %get3A_252 : vector<16xf32>
        %reduce_sum3A_257 = arith.constant true
        %reduce_sum3A_258 = vector.broadcast %reduce_sum3A_257 : i1 to vector<16xi1>
        %reduce_sum3A_259 = tpu.scan <sum>, %mul3A_256 masked %reduce_sum3A_258 : vector<16xf32>, vector<16xi1> -> vector<16xf32>
        %reduce_sum3A_260 = vector.extract %reduce_sum3A_259[15] : f32 from vector<16xf32>
        %broadcast_in_dim3A_261 = vector.broadcast %reduce_sum3A_260 : f32 to vector<16xf32>
        %div3A_262 = arith.constant 1.000000e+00 : f32
        %div3A_263 = vector.broadcast %div3A_262 : f32 to vector<16xf32>
        %div3A_264 = arith.divf %div3A_263, %broadcast_in_dim3A_261 : vector<16xf32>
        %mul3A_265 = arith.mulf %get3A_252, %div3A_264 : vector<16xf32>
        %swap3A_266 = arith.index_cast %add3A_249 : i32 to index
        %swap3A_267 = arith.constant 0 : index
        %swap3A_268 = tpu.vector_load %arg14[%swap3A_266, %swap3A_267] {strides = array<i32>} : memref<128x48xf32, #tpu.memory_space<vmem>>, vector<16xf32>,
        tpu.vector_store %arg14[%swap3A_266, %swap3A_267], %mul3A_265 {strides = array<i32>} : memref<128x48xf32, #tpu.memory_space<vmem>>, vector<16xf32>,
        %get3A_269 = arith.index_cast %add3A_249 : i32 to index
        %get3A_270 = arith.constant 16 : index
        %get3A_271 = tpu.vector_load %arg12[%get3A_269, %get3A_270] {strides = array<i32>} : memref<128x48xf32, #tpu.memory_space<vmem>>, vector<16xf32>,
        %mul3A_272 = arith.mulf %get3A_271, %div3A_264 : vector<16xf32>
        %swap3A_273 = arith.index_cast %add3A_249 : i32 to index
        %swap3A_274 = arith.constant 16 : index
        %swap3A_275 = tpu.vector_load %arg14[%swap3A_273, %swap3A_274] {strides = array<i32>} : memref<128x48xf32, #tpu.memory_space<vmem>>, vector<16xf32>,
        tpu.vector_store %arg14[%swap3A_273, %swap3A_274], %mul3A_272 {strides = array<i32>} : memref<128x48xf32, #tpu.memory_space<vmem>>, vector<16xf32>,
        %get3A_276 = arith.index_cast %add3A_249 : i32 to index
        %get3A_277 = arith.constant 32 : index
        %get3A_278 = tpu.vector_load %arg12[%get3A_276, %get3A_277] {strides = array<i32>} : memref<128x48xf32, #tpu.memory_space<vmem>>, vector<16xf32>,
        %mul3A_279 = arith.mulf %get3A_278, %div3A_264 : vector<16xf32>
        %swap3A_280 = arith.index_cast %add3A_249 : i32 to index
        %swap3A_281 = arith.constant 32 : index
        %swap3A_282 = tpu.vector_load %arg14[%swap3A_280, %swap3A_281] {strides = array<i32>} : memref<128x48xf32, #tpu.memory_space<vmem>>, vector<16xf32>,
        tpu.vector_store %arg14[%swap3A_280, %swap3A_281], %mul3A_279 {strides = array<i32>} : memref<128x48xf32, #tpu.memory_space<vmem>>, vector<16xf32>,
        %mul3A_283 = arith.constant 4 : i32
        %mul3A_284 = arith.muli %scan3A_176, %mul3A_283 : i32
        %add3A_285 = arith.constant 3 : i32
        %add3A_286 = arith.addi %mul3A_284, %add3A_285 : i32
        %get3A_287 = arith.index_cast %add3A_286 : i32 to index
        %get3A_288 = arith.constant 0 : index
        %get3A_289 = tpu.vector_load %arg12[%get3A_287, %get3A_288] {strides = array<i32>} : memref<128x48xf32, #tpu.memory_space<vmem>>, vector<16xf32>,
        %get3A_290 = arith.index_cast %add3A_286 : i32 to index
        %get3A_291 = arith.constant 0 : index
        %get3A_292 = tpu.vector_load %arg10[%get3A_290, %get3A_291] {strides = array<i32>} : memref<128x16xf32, #tpu.memory_space<vmem>>, vector<16xf32>,
        %mul3A_293 = arith.mulf %get3A_292, %get3A_289 : vector<16xf32>
        %reduce_sum3A_294 = arith.constant true
        %reduce_sum3A_295 = vector.broadcast %reduce_sum3A_294 : i1 to vector<16xi1>
        %reduce_sum3A_296 = tpu.scan <sum>, %mul3A_293 masked %reduce_sum3A_295 : vector<16xf32>, vector<16xi1> -> vector<16xf32>
        %reduce_sum3A_297 = vector.extract %reduce_sum3A_296[15] : f32 from vector<16xf32>
        %broadcast_in_dim3A_298 = vector.broadcast %reduce_sum3A_297 : f32 to vector<16xf32>
        %div3A_299 = arith.constant 1.000000e+00 : f32
        %div3A_300 = vector.broadcast %div3A_299 : f32 to vector<16xf32>
        %div3A_301 = arith.divf %div3A_300, %broadcast_in_dim3A_298 : vector<16xf32>
        %mul3A_302 = arith.mulf %get3A_289, %div3A_301 : vector<16xf32>
        %swap3A_303 = arith.index_cast %add3A_286 : i32 to index
        %swap3A_304 = arith.constant 0 : index
        %swap3A_305 = tpu.vector_load %arg14[%swap3A_303, %swap3A_304] {strides = array<i32>} : memref<128x48xf32, #tpu.memory_space<vmem>>, vector<16xf32>,
        tpu.vector_store %arg14[%swap3A_303, %swap3A_304], %mul3A_302 {strides = array<i32>} : memref<128x48xf32, #tpu.memory_space<vmem>>, vector<16xf32>,
        %get3A_306 = arith.index_cast %add3A_286 : i32 to index
        %get3A_307 = arith.constant 16 : index
        %get3A_308 = tpu.vector_load %arg12[%get3A_306, %get3A_307] {strides = array<i32>} : memref<128x48xf32, #tpu.memory_space<vmem>>, vector<16xf32>,
        %mul3A_309 = arith.mulf %get3A_308, %div3A_301 : vector<16xf32>
        %swap3A_310 = arith.index_cast %add3A_286 : i32 to index
        %swap3A_311 = arith.constant 16 : index
        %swap3A_312 = tpu.vector_load %arg14[%swap3A_310, %swap3A_311] {strides = array<i32>} : memref<128x48xf32, #tpu.memory_space<vmem>>, vector<16xf32>,
        tpu.vector_store %arg14[%swap3A_310, %swap3A_311], %mul3A_309 {strides = array<i32>} : memref<128x48xf32, #tpu.memory_space<vmem>>, vector<16xf32>,
        %get3A_313 = arith.index_cast %add3A_286 : i32 to index
        %get3A_314 = arith.constant 32 : index
        %get3A_315 = tpu.vector_load %arg12[%get3A_313, %get3A_314] {strides = array<i32>} : memref<128x48xf32, #tpu.memory_space<vmem>>, vector<16xf32>,
        %mul3A_316 = arith.mulf %get3A_315, %div3A_301 : vector<16xf32>
        %swap3A_317 = arith.index_cast %add3A_286 : i32 to index
        %swap3A_318 = arith.constant 32 : index
        %swap3A_319 = tpu.vector_load %arg14[%swap3A_317, %swap3A_318] {strides = array<i32>} : memref<128x48xf32, #tpu.memory_space<vmem>>, vector<16xf32>,
        tpu.vector_store %arg14[%swap3A_317, %swap3A_318], %mul3A_316 {strides = array<i32>} : memref<128x48xf32, #tpu.memory_space<vmem>>, vector<16xf32>,
      }
      %scan3A_165 = arith.constant 32 : i32
      %dma_start3A_166 = arith.constant 0 : i32
      %dma_start3A_167 = arith.constant 0 : i32
      %dma_start3A_168 = tpu.memref_slice %arg17[%dma_start3A_166, %dma_start3A_167] : memref<25008x48xf32, #tpu.memory_space<vmem_shared>> -> memref<25008x48xf32, #tpu.memory_space<vmem_shared>>
      tpu.enqueue_indirect_dma source(%arg14 : memref<128x48xf32, #tpu.memory_space<vmem>>) target(%dma_start3A_168 : memref<25008x48xf32, #tpu.memory_space<vmem_shared>>) offsets(%arg16 : memref<128xi32, #tpu.memory_space<vmem>>) semaphore(%arg25 : memref<!tpu.dma_semaphore, #tpu.memory_space<semaphore_mem>>) {add = true}
      %add3A_169 = arith.constant 2 : i32
      %add3A_170 = arith.addi %add3A_127, %add3A_169 : i32
      %lt3A_171 = arith.constant 400 : i32
      %lt3A_172 = arith.cmpi slt, %add3A_170, %lt3A_171 : i32
      %convert_element_type3A_173 = arith.extui %lt3A_172 : i1 to i32
      %cond3A_174 = arith.constant 0 : i32
      %cond3A_175 = arith.cmpi ne, %convert_element_type3A_173, %cond3A_174 : i32
      scf.if %cond3A_175 {
        %add3A_176 = arith.constant 2 : i32
        %add3A_177 = arith.addi %add3A_127, %add3A_176 : i32
        %add3A_178 = arith.addi %mul3A_8, %add3A_177 : i32
        %dma_start3A_179 = arith.constant 0 : i32
        %dma_start3A_180 = arith.constant 0 : i32
        %dma_start3A_181 = tpu.memref_slice %arg2[%add3A_178, %dma_start3A_179, %dma_start3A_180] : memref<6400x2x128xi32, #tpu.memory_space<hbm>> -> memref<1x2x128xi32, #tpu.memory_space<hbm>>
        %dma_start3A_182 = tpu.memref_squeeze %dma_start3A_181 : memref<1x2x128xi32, #tpu.memory_space<hbm>> -> memref<2x128xi32, #tpu.memory_space<hbm>>
        %dma_start3A_183 = arith.constant 0 : i32
        %dma_start3A_184 = arith.constant 0 : i32
        %dma_start3A_185 = tpu.memref_slice %arg2[%add3A_178, %dma_start3A_183, %dma_start3A_184] : memref<6400x2x128xi32, #tpu.memory_space<hbm>> -> memref<1x2x128xi32, #tpu.memory_space<hbm>>
        %dma_start3A_186 = tpu.memref_squeeze %dma_start3A_185 : memref<1x2x128xi32, #tpu.memory_space<hbm>> -> memref<2x128xi32, #tpu.memory_space<hbm>>
        tpu.enqueue_dma source(%dma_start3A_186 : memref<2x128xi32, #tpu.memory_space<hbm>>) target(%arg8 : memref<2x128xi32, #tpu.memory_space<vmem>>) target_semaphore(%arg19 : memref<!tpu.dma_semaphore, #tpu.memory_space<semaphore_mem>>)
      } else {
      }
    }
    %scan3A_54 = arith.constant 200 : i32
    %dma_wait3A_55 = arith.constant 0 : i32
    %dma_wait3A_56 = arith.constant 0 : i32
    %dma_wait3A_57 = tpu.memref_slice %arg17[%dma_wait3A_55, %dma_wait3A_56] : memref<25008x48xf32, #tpu.memory_space<vmem_shared>> -> memref<25008x48xf32, #tpu.memory_space<vmem_shared>>
    tpu.wait_indirect_dma semaphore(%arg24 : memref<!tpu.dma_semaphore, #tpu.memory_space<semaphore_mem>>) src(%arg13 : memref<128x48xf32, #tpu.memory_space<vmem>>) dst(%dma_wait3A_57 : memref<25008x48xf32, #tpu.memory_space<vmem_shared>>)
    %dma_wait3A_58 = arith.constant 0 : i32
    %dma_wait3A_59 = arith.constant 0 : i32
    %dma_wait3A_60 = tpu.memref_slice %arg17[%dma_wait3A_58, %dma_wait3A_59] : memref<25008x48xf32, #tpu.memory_space<vmem_shared>> -> memref<25008x48xf32, #tpu.memory_space<vmem_shared>>
    tpu.wait_indirect_dma semaphore(%arg25 : memref<!tpu.dma_semaphore, #tpu.memory_space<semaphore_mem>>) src(%arg14 : memref<128x48xf32, #tpu.memory_space<vmem>>) dst(%dma_wait3A_60 : memref<25008x48xf32, #tpu.memory_space<vmem_shared>>)
    %barrier3A_61 = arith.constant 0 : index
    tpu.barrier barrier_id(%barrier3A_61)
    %lt3A_62 = arith.constant 15 : i32
    %lt3A_63 = arith.cmpi slt, %arg1, %lt3A_62 : i32
    %convert_element_type3A_64 = arith.extui %lt3A_63 : i1 to i32
    %cond3A_65 = arith.constant 0 : i32
    %cond3A_66 = arith.cmpi ne, %convert_element_type3A_64, %cond3A_65 : i32
    scf.if %cond3A_66 {
      %mul3A_72 = arith.constant 1568 : i32
      %mul3A_73 = arith.muli %arg1, %mul3A_72 : i32
      %mul3A_74 = arith.constant 1568 : i32
      %mul3A_75 = arith.muli %arg1, %mul3A_74 : i32
      "tpu.region"() ({
        %run_scoped3A = tpu.sem_alloc : memref<!tpu.dma_semaphore, #tpu.memory_space<semaphore_mem>>
        %dma_start3A_76 = arith.constant 0 : i32
        %dma_start3A_77 = tpu.memref_slice %arg6[%arg0, %mul3A_75, %dma_start3A_76] : memref<2x25000x48xf32, #tpu.memory_space<hbm>> -> memref<1x1568x48xf32, #tpu.memory_space<hbm>>
        %dma_start3A_78 = tpu.memref_squeeze %dma_start3A_77 : memref<1x1568x48xf32, #tpu.memory_space<hbm>> -> memref<1568x48xf32, #tpu.memory_space<hbm>>
        %dma_start3A_79 = arith.constant 0 : i32
        %dma_start3A_80 = tpu.memref_slice %arg17[%mul3A_73, %dma_start3A_79] : memref<25008x48xf32, #tpu.memory_space<vmem_shared>> -> memref<1568x48xf32, #tpu.memory_space<vmem_shared>>
        tpu.enqueue_dma source(%dma_start3A_80 : memref<1568x48xf32, #tpu.memory_space<vmem_shared>>) target(%dma_start3A_78 : memref<1568x48xf32, #tpu.memory_space<hbm>>) target_semaphore(%run_scoped3A : memref<!tpu.dma_semaphore, #tpu.memory_space<semaphore_mem>>)
        %dma_wait3A_81 = arith.constant 0 : i32
        %dma_wait3A_82 = tpu.memref_slice %arg6[%arg0, %mul3A_75, %dma_wait3A_81] : memref<2x25000x48xf32, #tpu.memory_space<hbm>> -> memref<1x1568x48xf32, #tpu.memory_space<hbm>>
        %dma_wait3A_83 = tpu.memref_squeeze %dma_wait3A_82 : memref<1x1568x48xf32, #tpu.memory_space<hbm>> -> memref<1568x48xf32, #tpu.memory_space<hbm>>
        %dma_wait3A_84 = arith.constant 0 : i32
        %dma_wait3A_85 = tpu.memref_slice %arg17[%mul3A_73, %dma_wait3A_84] : memref<25008x48xf32, #tpu.memory_space<vmem_shared>> -> memref<1568x48xf32, #tpu.memory_space<vmem_shared>>
        tpu.wait_dma2 semaphore(%run_scoped3A : memref<!tpu.dma_semaphore, #tpu.memory_space<semaphore_mem>>) src(%dma_wait3A_85 : memref<1568x48xf32, #tpu.memory_space<vmem_shared>>) dst(%dma_wait3A_83 : memref<1568x48xf32, #tpu.memory_space<hbm>>)
        tpu.yield
      }) : () -> ()
    } else {
    }
    %eq3A_67 = arith.constant 15 : i32
    %eq3A_68 = arith.cmpi eq, %arg1, %eq3A_67 : i32
    %convert_element_type3A_69 = arith.extui %eq3A_68 : i1 to i32
    %cond3A_70 = arith.constant 0 : i32
    %cond3A_71 = arith.cmpi ne, %convert_element_type3A_69, %cond3A_70 : i32
    scf.if %cond3A_71 {
      "tpu.region"() ({
        %run_scoped3A = tpu.sem_alloc : memref<!tpu.dma_semaphore, #tpu.memory_space<semaphore_mem>>
        %dma_start3A_72 = arith.constant 23520 : i32
        %dma_start3A_73 = arith.constant 0 : i32
        %dma_start3A_74 = tpu.memref_slice %arg6[%arg0, %dma_start3A_72, %dma_start3A_73] : memref<2x25000x48xf32, #tpu.memory_space<hbm>> -> memref<1x1480x48xf32, #tpu.memory_space<hbm>>
        %dma_start3A_75 = tpu.memref_squeeze %dma_start3A_74 : memref<1x1480x48xf32, #tpu.memory_space<hbm>> -> memref<1480x48xf32, #tpu.memory_space<hbm>>
        %dma_start3A_76 = arith.constant 23520 : i32
        %dma_start3A_77 = arith.constant 0 : i32
        %dma_start3A_78 = tpu.memref_slice %arg17[%dma_start3A_76, %dma_start3A_77] : memref<25008x48xf32, #tpu.memory_space<vmem_shared>> -> memref<1480x48xf32, #tpu.memory_space<vmem_shared>>
        tpu.enqueue_dma source(%dma_start3A_78 : memref<1480x48xf32, #tpu.memory_space<vmem_shared>>) target(%dma_start3A_75 : memref<1480x48xf32, #tpu.memory_space<hbm>>) target_semaphore(%run_scoped3A : memref<!tpu.dma_semaphore, #tpu.memory_space<semaphore_mem>>)
        %dma_wait3A_79 = arith.constant 23520 : i32
        %dma_wait3A_80 = arith.constant 0 : i32
        %dma_wait3A_81 = tpu.memref_slice %arg6[%arg0, %dma_wait3A_79, %dma_wait3A_80] : memref<2x25000x48xf32, #tpu.memory_space<hbm>> -> memref<1x1480x48xf32, #tpu.memory_space<hbm>>
        %dma_wait3A_82 = tpu.memref_squeeze %dma_wait3A_81 : memref<1x1480x48xf32, #tpu.memory_space<hbm>> -> memref<1480x48xf32, #tpu.memory_space<hbm>>
        %dma_wait3A_83 = arith.constant 23520 : i32
        %dma_wait3A_84 = arith.constant 0 : i32
        %dma_wait3A_85 = tpu.memref_slice %arg17[%dma_wait3A_83, %dma_wait3A_84] : memref<25008x48xf32, #tpu.memory_space<vmem_shared>> -> memref<1480x48xf32, #tpu.memory_space<vmem_shared>>
        tpu.wait_dma2 semaphore(%run_scoped3A : memref<!tpu.dma_semaphore, #tpu.memory_space<semaphore_mem>>) src(%dma_wait3A_85 : memref<1480x48xf32, #tpu.memory_space<vmem_shared>>) dst(%dma_wait3A_82 : memref<1480x48xf32, #tpu.memory_space<hbm>>)
        tpu.yield
      }) : () -> ()
    } else {
    }
    return
  }
}

module attributes {stable_mosaic.version = 14 : i64} {
  func.func @_pre_body(%arg0: i32, %arg1: memref<5000x60xf32, #tpu.memory_space<vmem>>, %arg2: memref<60x5xf32, #tpu.memory_space<vmem>>, %arg3: memref<60x5xf32, #tpu.memory_space<vmem>>, %arg4: memref<1x5xf32, #tpu.memory_space<vmem>>, %arg5: memref<5x60xf32, #tpu.memory_space<vmem>>, %arg6: memref<60x40xf32, #tpu.memory_space<vmem>>, %arg7: memref<60x40xf32, #tpu.memory_space<vmem>>, %arg8: memref<1x40xf32, #tpu.memory_space<vmem>>, %arg9: memref<5000x8xf32, #tpu.memory_space<vmem>>, %arg10: memref<5000x48xf32, #tpu.memory_space<vmem>>, %arg11: memref<5000x40xf32, #tpu.memory_space<vmem>>) attributes {dimension_semantics = [#tpu.dimension_semantics<arbitrary>], iteration_bounds = array<i64: 10>, scalar_prefetch = 0 : i64, scratch_operands = 0 : i64, tpu.core_type = #tpu.core_type<tc>, window_params = [{transform_indices = @transform_0, window_bounds = array<i64: 5000, 60>}, {pipeline_mode = #tpu.pipeline_mode<synchronous>, transform_indices = @transform_1, window_bounds = array<i64: 60, 5>}, {pipeline_mode = #tpu.pipeline_mode<synchronous>, transform_indices = @transform_2, window_bounds = array<i64: 60, 5>}, {pipeline_mode = #tpu.pipeline_mode<synchronous>, transform_indices = @transform_3, window_bounds = array<i64: 1, 5>}, {pipeline_mode = #tpu.pipeline_mode<synchronous>, transform_indices = @transform_4, window_bounds = array<i64: 5, 60>}, {pipeline_mode = #tpu.pipeline_mode<synchronous>, transform_indices = @transform_5, window_bounds = array<i64: 60, 40>}, {pipeline_mode = #tpu.pipeline_mode<synchronous>, transform_indices = @transform_6, window_bounds = array<i64: 60, 40>}, {pipeline_mode = #tpu.pipeline_mode<synchronous>, transform_indices = @transform_7, window_bounds = array<i64: 1, 40>}, {transform_indices = @transform_8, window_bounds = array<i64: 5000, 8>}, {transform_indices = @transform_9, window_bounds = array<i64: 5000, 48>}, {transform_indices = @transform_10, window_bounds = array<i64: 5000, 40>}]} {
    %get3A = arith.constant 0 : index
    %get3A_0 = arith.constant 0 : index
    %get3A_1 = vector.load %arg1[%get3A, %get3A_0] : memref<5000x60xf32, #tpu.memory_space<vmem>>, vector<5000x60xf32>
    %get3A_2 = arith.constant 0 : index
    %get3A_3 = arith.constant 0 : index
    %get3A_4 = vector.load %arg2[%get3A_2, %get3A_3] : memref<60x5xf32, #tpu.memory_space<vmem>>, vector<60x5xf32>
    %dot_general3A = arith.constant dense<0.000000e+00> : vector<5000x5xf32>
    %dot_general3A_5 = tpu.matmul %get3A_1, %get3A_4, %dot_general3A {dimension_numbers = #tpu.dot_dimension_numbers<[1], [0], [0], [1], [0, 0, 1, 1], [], []>, transpose_lhs_hint = false} : vector<5000x60xf32>, vector<60x5xf32>, vector<5000x5xf32> -> vector<5000x5xf32>
    %get3A_6 = arith.constant 0 : index
    %get3A_7 = arith.constant 0 : index
    %get3A_8 = vector.load %arg3[%get3A_6, %get3A_7] : memref<60x5xf32, #tpu.memory_space<vmem>>, vector<60x5xf32>
    %dot_general3A_9 = arith.constant dense<0.000000e+00> : vector<5000x5xf32>
    %dot_general3A_10 = tpu.matmul %get3A_1, %get3A_8, %dot_general3A_9 {dimension_numbers = #tpu.dot_dimension_numbers<[1], [0], [0], [1], [0, 0, 1, 1], [], []>, transpose_lhs_hint = false} : vector<5000x60xf32>, vector<60x5xf32>, vector<5000x5xf32> -> vector<5000x5xf32>
    %get3A_11 = arith.constant 0 : index
    %get3A_12 = arith.constant 0 : index
    %get3A_13 = vector.load %arg4[%get3A_11, %get3A_12] : memref<1x5xf32, #tpu.memory_space<vmem>>, vector<1x5xf32>
    %add3A = vector.broadcast %get3A_13 : vector<1x5xf32> to vector<5000x5xf32>
    %add3A_14 = arith.addf %dot_general3A_10, %add3A : vector<5000x5xf32>
    %reduce_max3A = arith.constant dense<0xFF800000> : vector<5000xf32>
    %reduce_max3A_15 = vector.multi_reduction <maximumf>, %dot_general3A_5, %reduce_max3A [1] : vector<5000x5xf32> to vector<5000xf32>
    %broadcast_in_dim3A = vector.shape_cast %reduce_max3A_15 : vector<5000xf32> to vector<5000x1xf32>
    %sub3A = vector.broadcast %broadcast_in_dim3A : vector<5000x1xf32> to vector<5000x5xf32>
    %sub3A_16 = arith.subf %dot_general3A_5, %sub3A : vector<5000x5xf32>
    %exp3A = math.exp %sub3A_16 : vector<5000x5xf32>
    %reduce_max3A_17 = arith.constant dense<0xFF800000> : vector<5000xf32>
    %reduce_max3A_18 = vector.multi_reduction <maximumf>, %add3A_14, %reduce_max3A_17 [1] : vector<5000x5xf32> to vector<5000xf32>
    %broadcast_in_dim3A_19 = vector.shape_cast %reduce_max3A_18 : vector<5000xf32> to vector<5000x1xf32>
    %sub3A_20 = vector.broadcast %broadcast_in_dim3A_19 : vector<5000x1xf32> to vector<5000x5xf32>
    %sub3A_21 = arith.subf %add3A_14, %sub3A_20 : vector<5000x5xf32>
    %exp3A_22 = math.exp %sub3A_21 : vector<5000x5xf32>
    %get3A_23 = arith.constant 0 : index
    %get3A_24 = arith.constant 0 : index
    %get3A_25 = vector.load %arg5[%get3A_23, %get3A_24] : memref<5x60xf32, #tpu.memory_space<vmem>>, vector<5x60xf32>
    %dot_general3A_26 = arith.constant dense<0.000000e+00> : vector<5000x60xf32>
    %dot_general3A_27 = tpu.matmul %exp3A_22, %get3A_25, %dot_general3A_26 {dimension_numbers = #tpu.dot_dimension_numbers<[1], [0], [0], [1], [0, 0, 1, 1], [], []>, transpose_lhs_hint = false} : vector<5000x5xf32>, vector<5x60xf32>, vector<5000x60xf32> -> vector<5000x60xf32>
    %mul3A = arith.mulf %get3A_1, %dot_general3A_27 : vector<5000x60xf32>
    %get3A_28 = arith.constant 0 : index
    %get3A_29 = arith.constant 0 : index
    %get3A_30 = vector.load %arg7[%get3A_28, %get3A_29] : memref<60x40xf32, #tpu.memory_space<vmem>>, vector<60x40xf32>
    %dot_general3A_31 = arith.constant dense<0.000000e+00> : vector<5000x40xf32>
    %dot_general3A_32 = tpu.matmul %mul3A, %get3A_30, %dot_general3A_31 {dimension_numbers = #tpu.dot_dimension_numbers<[1], [0], [0], [1], [0, 0, 1, 1], [], []>, transpose_lhs_hint = false} : vector<5000x60xf32>, vector<60x40xf32>, vector<5000x40xf32> -> vector<5000x40xf32>
    %get3A_33 = arith.constant 0 : index
    %get3A_34 = arith.constant 0 : index
    %get3A_35 = vector.load %arg6[%get3A_33, %get3A_34] : memref<60x40xf32, #tpu.memory_space<vmem>>, vector<60x40xf32>
    %dot_general3A_36 = arith.constant dense<0.000000e+00> : vector<5000x40xf32>
    %dot_general3A_37 = tpu.matmul %get3A_1, %get3A_35, %dot_general3A_36 {dimension_numbers = #tpu.dot_dimension_numbers<[1], [0], [0], [1], [0, 0, 1, 1], [], []>, transpose_lhs_hint = false} : vector<5000x60xf32>, vector<60x40xf32>, vector<5000x40xf32> -> vector<5000x40xf32>
    %broadcast_in_dim3A_38 = arith.constant 0.000000e+00 : f32
    %broadcast_in_dim3A_39 = vector.broadcast %broadcast_in_dim3A_38 : f32 to vector<5000x3xf32>
    %concatenate3A = tpu.concatenate %exp3A, %broadcast_in_dim3A_39 in 1 : vector<5000x5xf32>, vector<5000x3xf32> -> vector<5000x8xf32>
    %swap3A = arith.constant 0 : index
    %swap3A_40 = arith.constant 0 : index
    %swap3A_41 = vector.load %arg9[%swap3A, %swap3A_40] : memref<5000x8xf32, #tpu.memory_space<vmem>>, vector<5000x8xf32>
    tpu.vector_store %arg9[%swap3A, %swap3A_40], %concatenate3A {strides = array<i32>} : memref<5000x8xf32, #tpu.memory_space<vmem>>, vector<5000x8xf32>,
    %concatenate3A_42 = tpu.concatenate %exp3A_22, %broadcast_in_dim3A_39, %dot_general3A_32 in 1 : vector<5000x5xf32>, vector<5000x3xf32>, vector<5000x40xf32> -> vector<5000x48xf32>
    %swap3A_43 = arith.constant 0 : index
    %swap3A_44 = arith.constant 0 : index
    %swap3A_45 = vector.load %arg10[%swap3A_43, %swap3A_44] : memref<5000x48xf32, #tpu.memory_space<vmem>>, vector<5000x48xf32>
    tpu.vector_store %arg10[%swap3A_43, %swap3A_44], %concatenate3A_42 {strides = array<i32>} : memref<5000x48xf32, #tpu.memory_space<vmem>>, vector<5000x48xf32>,
    %get3A_46 = arith.constant 0 : index
    %get3A_47 = arith.constant 0 : index
    %get3A_48 = vector.load %arg8[%get3A_46, %get3A_47] : memref<1x40xf32, #tpu.memory_space<vmem>>, vector<1x40xf32>
    %add3A_49 = vector.broadcast %get3A_48 : vector<1x40xf32> to vector<5000x40xf32>
    %add3A_50 = arith.addf %dot_general3A_37, %add3A_49 : vector<5000x40xf32>
    %swap3A_51 = arith.constant 0 : index
    %swap3A_52 = arith.constant 0 : index
    %swap3A_53 = vector.load %arg11[%swap3A_51, %swap3A_52] : memref<5000x40xf32, #tpu.memory_space<vmem>>, vector<5000x40xf32>
    tpu.vector_store %arg11[%swap3A_51, %swap3A_52], %add3A_50 {strides = array<i32>} : memref<5000x40xf32, #tpu.memory_space<vmem>>, vector<5000x40xf32>,
    return
  }
  func.func @transform_0(%arg0: i32) -> (i32, i32) {
    %c0_i32 = arith.constant 0 : i32
    %c0_i32_0 = arith.constant 0 : i32
    return %arg0, %c0_i32 : i32, i32
  }
  func.func @transform_1(%arg0: i32) -> (i32, i32) {
    %c0_i32 = arith.constant 0 : i32
    %c0_i32_0 = arith.constant 0 : i32
    %c0_i32_1 = arith.constant 0 : i32
    return %c0_i32, %c0_i32_0 : i32, i32
  }
  func.func @transform_2(%arg0: i32) -> (i32, i32) {
    %c0_i32 = arith.constant 0 : i32
    %c0_i32_0 = arith.constant 0 : i32
    %c0_i32_1 = arith.constant 0 : i32
    return %c0_i32, %c0_i32_0 : i32, i32
  }
  func.func @transform_3(%arg0: i32) -> (i32, i32) {
    %c0_i32 = arith.constant 0 : i32
    %c0_i32_0 = arith.constant 0 : i32
    %c0_i32_1 = arith.constant 0 : i32
    return %c0_i32, %c0_i32_0 : i32, i32
  }
  func.func @transform_4(%arg0: i32) -> (i32, i32) {
    %c0_i32 = arith.constant 0 : i32
    %c0_i32_0 = arith.constant 0 : i32
    %c0_i32_1 = arith.constant 0 : i32
    return %c0_i32, %c0_i32_0 : i32, i32
  }
  func.func @transform_5(%arg0: i32) -> (i32, i32) {
    %c0_i32 = arith.constant 0 : i32
    %c0_i32_0 = arith.constant 0 : i32
    %c0_i32_1 = arith.constant 0 : i32
    return %c0_i32, %c0_i32_0 : i32, i32
  }
  func.func @transform_6(%arg0: i32) -> (i32, i32) {
    %c0_i32 = arith.constant 0 : i32
    %c0_i32_0 = arith.constant 0 : i32
    %c0_i32_1 = arith.constant 0 : i32
    return %c0_i32, %c0_i32_0 : i32, i32
  }
  func.func @transform_7(%arg0: i32) -> (i32, i32) {
    %c0_i32 = arith.constant 0 : i32
    %c0_i32_0 = arith.constant 0 : i32
    %c0_i32_1 = arith.constant 0 : i32
    return %c0_i32, %c0_i32_0 : i32, i32
  }
  func.func @transform_8(%arg0: i32) -> (i32, i32) {
    %c0_i32 = arith.constant 0 : i32
    %c0_i32_0 = arith.constant 0 : i32
    return %arg0, %c0_i32 : i32, i32
  }
  func.func @transform_9(%arg0: i32) -> (i32, i32) {
    %c0_i32 = arith.constant 0 : i32
    %c0_i32_0 = arith.constant 0 : i32
    return %arg0, %c0_i32 : i32, i32
  }
  func.func @transform_10(%arg0: i32) -> (i32, i32) {
    %c0_i32 = arith.constant 0 : i32
    %c0_i32_0 = arith.constant 0 : i32
    return %arg0, %c0_i32 : i32, i32
  }
}

module attributes {stable_mosaic.version = 14 : i64} {
  func.func @_post_body(%arg0: i32, %arg1: memref<5000x8xf32, #tpu.memory_space<vmem>>, %arg2: memref<5000x40xf32, #tpu.memory_space<vmem>>, %arg3: memref<5000x48xf32, #tpu.memory_space<vmem>>, %arg4: memref<5x40xf32, #tpu.memory_space<vmem>>, %arg5: memref<40x40xf32, #tpu.memory_space<vmem>>, %arg6: memref<1x40xf32, #tpu.memory_space<vmem>>, %arg7: memref<5000x40xf32, #tpu.memory_space<vmem>>) attributes {dimension_semantics = [#tpu.dimension_semantics<arbitrary>], iteration_bounds = array<i64: 10>, scalar_prefetch = 0 : i64, scratch_operands = 0 : i64, tpu.core_type = #tpu.core_type<tc>, window_params = [{transform_indices = @transform_0, window_bounds = array<i64: 5000, 8>}, {transform_indices = @transform_1, window_bounds = array<i64: 5000, 40>}, {transform_indices = @transform_2, window_bounds = array<i64: 5000, 48>}, {pipeline_mode = #tpu.pipeline_mode<synchronous>, transform_indices = @transform_3, window_bounds = array<i64: 5, 40>}, {pipeline_mode = #tpu.pipeline_mode<synchronous>, transform_indices = @transform_4, window_bounds = array<i64: 40, 40>}, {pipeline_mode = #tpu.pipeline_mode<synchronous>, transform_indices = @transform_5, window_bounds = array<i64: 1, 40>}, {transform_indices = @transform_6, window_bounds = array<i64: 5000, 40>}]} {
    %get3A = arith.constant 0 : index
    %get3A_0 = arith.constant 0 : index
    %get3A_1 = vector.load %arg3[%get3A, %get3A_0] : memref<5000x48xf32, #tpu.memory_space<vmem>>, vector<5000x48xf32>
    %slice3A = vector.extract_strided_slice %get3A_1 {offsets = [0, 8], sizes = [5000, 40], strides = [1, 1]} : vector<5000x48xf32> to vector<5000x40xf32>
    %get3A_2 = arith.constant 0 : index
    %get3A_3 = arith.constant 0 : index
    %get3A_4 = vector.load %arg1[%get3A_2, %get3A_3] : memref<5000x8xf32, #tpu.memory_space<vmem>>, vector<5000x8xf32>
    %slice3A_5 = vector.extract_strided_slice %get3A_4 {offsets = [0, 0], sizes = [5000, 5], strides = [1, 1]} : vector<5000x8xf32> to vector<5000x5xf32>
    %get3A_6 = arith.constant 0 : index
    %get3A_7 = arith.constant 0 : index
    %get3A_8 = vector.load %arg4[%get3A_6, %get3A_7] : memref<5x40xf32, #tpu.memory_space<vmem>>, vector<5x40xf32>
    %dot_general3A = arith.constant dense<0.000000e+00> : vector<5000x40xf32>
    %dot_general3A_9 = tpu.matmul %slice3A_5, %get3A_8, %dot_general3A {dimension_numbers = #tpu.dot_dimension_numbers<[1], [0], [0], [1], [0, 0, 1, 1], [], []>, transpose_lhs_hint = false} : vector<5000x5xf32>, vector<5x40xf32>, vector<5000x40xf32> -> vector<5000x40xf32>
    %get3A_10 = arith.constant 0 : index
    %get3A_11 = arith.constant 0 : index
    %get3A_12 = vector.load %arg2[%get3A_10, %get3A_11] : memref<5000x40xf32, #tpu.memory_space<vmem>>, vector<5000x40xf32>
    %mul3A = arith.mulf %dot_general3A_9, %slice3A : vector<5000x40xf32>
    %add3A = arith.addf %get3A_12, %mul3A : vector<5000x40xf32>
    %tanh3A = math.tanh %add3A : vector<5000x40xf32>
    %get3A_13 = arith.constant 0 : index
    %get3A_14 = arith.constant 0 : index
    %get3A_15 = vector.load %arg5[%get3A_13, %get3A_14] : memref<40x40xf32, #tpu.memory_space<vmem>>, vector<40x40xf32>
    %dot_general3A_16 = arith.constant dense<0.000000e+00> : vector<5000x40xf32>
    %dot_general3A_17 = tpu.matmul %tanh3A, %get3A_15, %dot_general3A_16 {dimension_numbers = #tpu.dot_dimension_numbers<[1], [0], [0], [1], [0, 0, 1, 1], [], []>, transpose_lhs_hint = false} : vector<5000x40xf32>, vector<40x40xf32>, vector<5000x40xf32> -> vector<5000x40xf32>
    %get3A_18 = arith.constant 0 : index
    %get3A_19 = arith.constant 0 : index
    %get3A_20 = vector.load %arg6[%get3A_18, %get3A_19] : memref<1x40xf32, #tpu.memory_space<vmem>>, vector<1x40xf32>
    %add3A_21 = vector.broadcast %get3A_20 : vector<1x40xf32> to vector<5000x40xf32>
    %add3A_22 = arith.addf %dot_general3A_17, %add3A_21 : vector<5000x40xf32>
    %tanh3A_23 = math.tanh %add3A_22 : vector<5000x40xf32>
    %swap3A = arith.constant 0 : index
    %swap3A_24 = arith.constant 0 : index
    %swap3A_25 = vector.load %arg7[%swap3A, %swap3A_24] : memref<5000x40xf32, #tpu.memory_space<vmem>>, vector<5000x40xf32>
    tpu.vector_store %arg7[%swap3A, %swap3A_24], %tanh3A_23 {strides = array<i32>} : memref<5000x40xf32, #tpu.memory_space<vmem>>, vector<5000x40xf32>,
    return
  }
  func.func @transform_0(%arg0: i32) -> (i32, i32) {
    %c0_i32 = arith.constant 0 : i32
    %c0_i32_0 = arith.constant 0 : i32
    return %arg0, %c0_i32 : i32, i32
  }
  func.func @transform_1(%arg0: i32) -> (i32, i32) {
    %c0_i32 = arith.constant 0 : i32
    %c0_i32_0 = arith.constant 0 : i32
    return %arg0, %c0_i32 : i32, i32
  }
  func.func @transform_2(%arg0: i32) -> (i32, i32) {
    %c0_i32 = arith.constant 0 : i32
    %c0_i32_0 = arith.constant 0 : i32
    return %arg0, %c0_i32 : i32, i32
  }
  func.func @transform_3(%arg0: i32) -> (i32, i32) {
    %c0_i32 = arith.constant 0 : i32
    %c0_i32_0 = arith.constant 0 : i32
    %c0_i32_1 = arith.constant 0 : i32
    return %c0_i32, %c0_i32_0 : i32, i32
  }
  func.func @transform_4(%arg0: i32) -> (i32, i32) {
    %c0_i32 = arith.constant 0 : i32
    %c0_i32_0 = arith.constant 0 : i32
    %c0_i32_1 = arith.constant 0 : i32
    return %c0_i32, %c0_i32_0 : i32, i32
  }
  func.func @transform_5(%arg0: i32) -> (i32, i32) {
    %c0_i32 = arith.constant 0 : i32
    %c0_i32_0 = arith.constant 0 : i32
    %c0_i32_1 = arith.constant 0 : i32
    return %c0_i32, %c0_i32_0 : i32, i32
  }
  func.func @transform_6(%arg0: i32) -> (i32, i32) {
    %c0_i32 = arith.constant 0 : i32
    %c0_i32_0 = arith.constant 0 : i32
    return %arg0, %c0_i32 : i32, i32
  }
}

</mosaic_0001>

<sc_bundles>
// kernel: kernel.11.cloned.1.call-start
scs
__scs_entry_jumppad:
0x0: {  	(pc) =	sbr.rel $0x88, $3  }
0x1: {  	(tag) =	ssettag $0x0;
	lr =	simm.s32 $0x1  }
0x2: {  	[smem:$0x3F89] =	sst lr;
	_ =	strace $0xD0000000  }
0x3: {  	_ = 	snop  }
0x4: {  	_ = 	snop  }
0x5: {  	_ = 	snop  }
0x6: {  	_ = 	snop  }
0x7: {  	_ = 	snop  }
__scs_overlays_trampoline_lowered:
0x8: {  	[smem:$0x3F98] =	sst s0  }
0x9: {  	[smem:$0x3F99] =	sst s1  }
0xa: {  	[smem:$0x3F9A] =	sst s2  }
0xb: {  	[smem:$0x3F9B] =	sst s3  }
0xc: {  	[smem:$0x3F9C] =	sst s4  }
0xd: {  	[smem:$0x3F9D] =	sst s5  }
0xe: {  	[smem:$0x3F9E] =	sst s6  }
0xf: {  	[smem:$0x3F9F] =	sst s7  }
0x10: {  	[smem:$0x3FA0] =	sst s8  }
0x11: {  	[smem:$0x3FA1] =	sst s9;
	s0 =	simm.s32 @!p0 $0x0  }
0x12: {  	s1 =	sld [smem:$0x3F87];
	s0 =	simm.s32 @p0 $0x1  }
0x13: {  	[smem:$0x3FA2] =	sst s0;
	s0 =	simm.s32 @!p1 $0x0  }
0x14: {  	s2 =	sld [smem:$0x3F86];
	s0 =	simm.s32 @p1 $0x1  }
0x15: {  	[smem:$0x3FA3] =	sst s0;
	s0 =	simm.s32 @!p2 $0x0  }
0x16: {  	s3 =	sld [smem:$0x3FDB];
	s0 =	simm.s32 @p2 $0x1  }
0x17: {  	s4 =	simm.s32 $0x1BF5;
	[smem:$0x3FA5] =	sst s0  }
0x18: {  	s0 =	sld [smem:$0x3F88];
	_ =	swait.ge [sflag:s4], $0x0  }
0x19: {  	s7 =	sld [smem:$0x3F89]  }
0x1a: {  	s8 =	sadd.s32 $0xFFFFE003, lr  }
0x1b: {  	s9 =	sadd.s32 $0xFFFFFEF7, lr;
	s5 =	simm.s32 $0xFFFFFFFF;
	p2 =	slt.u32 s8, $0xFFFFF086  }
0x1c: {  	p1 =	slt.u32 s9, $0xF7A;
	s5 =	simm.s32 @!p2 $0x0  }
0x1d: {  	s5 =	simm.s32 @p1 $0x1;
	p0 =	seq.s32 s7, s2  }
0x1e: {  	s7 =	smul.u32 @!p0 $0xF7A, s2;
	p2 =	seq.s32 @!p0 s5, $0x0  }
0x1f: {  	s9 =	smul.u32 $0xF7A, s1;
	s8 =	simm.s32 @!p0 $0x1BF5;
	p2 =	por !p2, p0  }
0x20: {  	[sflag:s8] =	ssyncset.s32 @!p0 $0xFFFFF086;
	s6 =	sadd.s32 @!p0 s3, s7;
	s7 =	simm.s32 @!p0 $0x108  }
0x21: {  	s3 =	sadd.s32 s3, s9;
	s6 =	sadd.s32 @!p0 $0x88, s6;
	s7 =	simm.s32 @p2 $0x1082  }
0x22: {  	[simem:s7], [sflag:s8] =	dma.local @!p0 [hbm:s6], $0xF7A  }
0x23: {  	s9 =	sor.u32 $0xD0000000, s2;
	s6 =	simm.s32 $0x108;
	_ =	swait.ge @!p0 [sflag:s8], $0x0  }
0x24: {  	s3 =	sadd.s32 $0x88, s3;
	s6 =	simm.s32 @!p1 $0x1082;
	[sflag:s4] =	ssyncset.s32 $0xFFFFF086  }
0x25: {  	[simem:s6], [sflag:s4] =	dma.local [hbm:s3], $0xF7A  }
0x26: {  	[smem:$0x3F89] =	sst s1;
	(tag) =	ssettag s2;
	_ =	strace s9  }
0x27: {  	s1 =	sld [smem:$0x3F99]  }
0x28: {  	s2 =	sld [smem:$0x3F9A]  }
0x29: {  	s4 =	sld [smem:$0x3F9C]  }
0x2a: {  	p0 =	seq.s32 s5, $0x0;
	s5 =	sld [smem:$0x3F9D]  }
0x2b: {  	s6 =	sld [smem:$0x3F9E]  }
0x2c: {  	s7 =	sld [smem:$0x3F9F]  }
0x2d: {  	s3 =	simm.s32 $0x108;
	s8 =	sld [smem:$0x3FA0]  }
0x2e: {  	s3 =	simm.s32 @!p0 $0x1082;
	s9 =	sld [smem:$0x3FA1]  }
0x2f: {  	lr =	sadd.s32 s0, s3;
	s0 =	sld [smem:$0x3F98]  }
0x30: {  	s3 =	sld [smem:$0x3F9B]  }
0x31: {  	[smem:$0x3FA4] =	sst s10  }
0x32: {  	s10 =	sld [smem:$0x3FA2];
	_ =	sdelay $0x3  }
0x33: {  	p0 =	seq.s32 s10, $0x1;
	s10 =	sld [smem:$0x3FA4];
	_ =	sdelay $0x3  }
0x34: {  	[smem:$0x3FA4] =	sst s10  }
0x35: {  	s10 =	sld [smem:$0x3FA3];
	_ =	sdelay $0x3  }
0x36: {  	p1 =	seq.s32 s10, $0x1;
	s10 =	sld [smem:$0x3FA4];
	_ =	sdelay $0x3  }
0x37: {  	[smem:$0x3FA4] =	sst s10  }
0x38: {  	s10 =	sld [smem:$0x3FA5]  }
0x39: {  	_ = 	snop;
	(pc) =	sbr.ind lr, $3  }
0x3a: {  	_ = 	snop  }
0x3b: {  	_ = 	snop  }
0x3c: {  	p2 =	seq.s32 s10, $0x1;
	s10 =	sld [smem:$0x3FA4]  }
0x3d: {  	_ =	shalt  }
0x3e: {  	_ =	shalt  }
0x3f: {  	_ =	shalt  }
0x40: {  	_ =	shalt  }
0x41: {  	_ =	shalt  }
0x42: {  	_ =	shalt  }
0x43: {  	_ =	shalt  }
0x44: {  	_ =	shalt  }
0x45: {  	_ =	shalt  }
0x46: {  	_ =	shalt  }
0x47: {  	_ =	shalt  }
0x48: {  	_ =	shalt  }
0x49: {  	_ =	shalt  }
0x4a: {  	_ =	shalt  }
0x4b: {  	_ =	shalt  }
0x4c: {  	_ =	shalt  }
0x4d: {  	_ =	shalt  }
0x4e: {  	_ =	shalt  }
0x4f: {  	_ =	shalt  }
0x50: {  	_ =	shalt  }
0x51: {  	_ =	shalt  }
0x52: {  	_ =	shalt  }
0x53: {  	_ =	shalt  }
0x54: {  	_ =	shalt  }
0x55: {  	_ =	shalt  }
0x56: {  	_ =	shalt  }
0x57: {  	_ =	shalt  }
0x58: {  	_ =	shalt  }
0x59: {  	_ =	shalt  }
0x5a: {  	_ =	shalt  }
0x5b: {  	_ =	shalt  }
0x5c: {  	_ =	shalt  }
0x5d: {  	_ =	shalt  }
0x5e: {  	_ =	shalt  }
0x5f: {  	_ =	shalt  }
0x60: {  	_ =	shalt  }
0x61: {  	_ =	shalt  }
0x62: {  	_ =	shalt  }
0x63: {  	_ =	shalt  }
0x64: {  	_ =	shalt  }
0x65: {  	_ =	shalt  }
0x66: {  	_ =	shalt  }
0x67: {  	_ =	shalt  }
0x68: {  	_ =	shalt  }
0x69: {  	_ =	shalt  }
0x6a: {  	_ =	shalt  }
0x6b: {  	_ =	shalt  }
0x6c: {  	_ =	shalt  }
0x6d: {  	_ =	shalt  }
0x6e: {  	_ =	shalt  }
0x6f: {  	_ =	shalt  }
0x70: {  	_ =	shalt  }
0x71: {  	_ =	shalt  }
0x72: {  	_ =	shalt  }
0x73: {  	_ =	shalt  }
0x74: {  	_ =	shalt  }
0x75: {  	_ =	shalt  }
0x76: {  	_ =	shalt  }
0x77: {  	_ =	shalt  }
0x78: {  	_ =	shalt  }
0x79: {  	_ =	shalt  }
0x7a: {  	_ =	shalt  }
0x7b: {  	_ =	shalt  }
0x7c: {  	_ =	shalt  }
0x7d: {  	_ =	shalt  }
0x7e: {  	_ =	shalt  }
0x7f: {  	_ =	shalt  }
0x80: {  	_ =	shalt  }
0x81: {  	_ =	shalt  }
0x82: {  	_ =	shalt  }
0x83: {  	_ =	shalt  }
0x84: {  	_ =	shalt  }
0x85: {  	_ =	shalt  }
0x86: {  	_ =	shalt  }
0x87: {  	_ =	shalt  }
.Lfunc_end0:
.L_simem_size_0:
called_computation_lowered:
.L_overlay_start_0:
0x88: {  	s2 =	sld [smem:$0x3FD9]  }
0x89: {  	s3 =	sld [smem:$0x3FFE];
	_ =	sdelay $0x1  }
0x8a: {  	s1 =	srdreg.scid  }
0x8b: {  	s0 =	sand.u32 $0x1, s1  }
0x8c: {  	s15 =	sshll.u32 s0, $0xA;
	s2 =	sadd.s32 s3, s2  }
0x8d: {  	s2 =	sadd.s32 s2, s15  }
0x8e: {  	[smem:$0x3FB0] =	sst s2  }
0x8f: {  	_ = 	snop  }
0x90: {  	s2 =	sld [smem:$0x3FD0];
	_ =	sdelay $0x2  }
0x91: {  	s16 =	simm.s32 $0xC;
	s4 =	simm.s32 $0x10  }
0x92: {  	[smem:s4], [sflag:s16] =	dma.local [hbm:s2], $0x1  }
0x93: {  	_ =	swait.eq [sflag:s16], $0x1  }
0x94: {  	[sflag:s16] =	ssyncset.done $0x0  }
0x95: {  	[sflag:s16] =	ssyncadd.s32 $0xFFFFFFFF  }
0x96: {  	s17 =	sld [smem:$0x10];
	(tm) =	ssettm $0x1  }
0x97: {  	s18 =	sld [smem:$0x3FFB];
	_ =	sdelay $0x3  }
0x98: {  	_ =	strace s18  }
0x99: {  	s2 =	sld [smem:$0x3FFC];
	_ =	sdelay $0x3  }
0x9a: {  	_ =	strace s2  }
0x9b: {  	s2 =	sld [smem:$0x3FFD];
	_ =	sdelay $0x3  }
0x9c: {  	_ =	strace s2  }
0x9d: {  	_ =	strace $0x8FFFFFFF  }
0x9e: {  	s19 =	sld [smem:$0x3FDB];
	_ =	sdelay $0x1  }
0x9f: {  	s20 =	simm.s32 $_scs_section_size  }
0xa0: {  	s5 =	simm.s32 $_size__tile_overlayer_lowered;
	s6 =	simm.s32 $_tile_overlayer_lowered  }
0xa1: {  	s7 =	simm.s32 $0x1BFF;
	s21 =	sshll.u32 s6, $0x1;
	s4 =	sadd.s32 s20, s19  }
0xa2: {  	s22 =	simm.s32 $0x0;
	s5 =	sshll.u32 s5, $0x1;
	s6 =	sadd.s32 s21, s4  }
0xa3: {  	[timem:s22], [sflag:s7] =	dma.local [hbm:s6], s5  }
0xa4: {  	_ =	swait.ge [sflag:s7], s5  }
0xa5: {  	s5 =	ssub.s32 $0x0, s5;
	[sflag:s7] =	ssyncset.done $0x0  }
0xa6: {  	[sflag:s7] =	ssyncadd.s32 s5;
	_ =	sdelay $0x1  }
0xa7: {  	s23 =	simm.s32 $0x1B8B  }
0xa8: {  	_ =	swait.ge [sflag:s23], $0x1  }
0xa9: {  	[sflag:s23] =	ssyncset.done $0x0  }
0xaa: {  	[sflag:s23] =	ssyncadd.s32 $0xFFFFFFFF  }
0xab: {  	s5 =	sld [smem:$0x0]  }
0xac: {  	s6 =	sand.u32 $0xFFFFFFFE, s1  }
0xad: {  	p0 =	sne.s32 s1, s6  }
0xae: {  	s6 =	sshll.u32 @p0 s6, $0xE  }
0xaf: {  	s6 =	sadd.s32 @p0 $0x11B8D, s6;
	s7 =	sshll.u32 @p0 s5, $0x11  }
0xb0: {  	s6 =	sor.u32 @p0 s7, s6  }
0xb1: {  	[sflag:s6] =	ssyncadd.remote.s32 @p0 $0x1;
	_ =	sdelay $0x1  }
0xb2: {  	s6 =	simm.s32 @p0 $0x1B8D  }
0xb3: {  	_ =	swait.eq @p0 [sflag:s6], $0x1  }
0xb4: {  	[sflag:s6] =	ssyncadd.s32 @p0 $0xFFFFFFFF  }
0xb5: {  	s7 =	sshll.u32 @!p0 s1, $0xE  }
0xb6: {  	s7 =	sor.u32 @!p0 $0x4000, s7;
	s6 =	simm.s32 @!p0 $0x1B8D  }
0xb7: {  	s5 =	sshll.u32 @!p0 s5, $0x11;
	s7 =	sadd.s32 @!p0 $0x11B8D, s7;
	_ =	swait.eq @!p0 [sflag:s6], $0x1  }
0xb8: {  	s5 =	sor.u32 @!p0 s5, s7;
	[sflag:s6] =	ssyncadd.s32 @!p0 $0xFFFFFFFF  }
0xb9: {  	s25 =	simm.s32 $0x1B8E;
	s24 =	sld [smem:$0x3FFE];
	[sflag:s5] =	ssyncadd.remote.s32 @!p0 $0x1  }
0xba: {  	s26 =	simm.s32 $execute0_lowered;
	[smem:$0x3FD2] =	sst s25  }
0xbb: {  	s6 =	sshll.u32 s26, $0x1;
	_ =	strace $0x8000004C;
	[dreg:$0x1] =	wrdreg $0xFFFFFFFF  }
0xbc: {  	s28 =	simm.s32 $_size_execute0_lowered;
	s4 =	sadd.s32 s4, s6;
	[dreg:$0x0] =	wrdreg $0x0  }
0xbd: {  	s6 =	sshll.u32 s28, $0x1;
	[dreg:$0x2] =	wrdreg s4  }
0xbe: {  	[dreg:$0x3] =	wrdreg s6  }
0xbf: {  	[dreg:$0x4] =	wrdreg $0xC0  }
0xc0: {  	_ =	task [dreg:s22], $0x5FFFF  }
0xc1: {  	[dreg:$0x1] =	wrdreg $0xFFFFFFFF  }
0xc2: {  	[dreg:$0x0] =	wrdreg $0x60  }
0xc3: {  	[dreg:$0x2] =	wrdreg s17  }
0xc4: {  	[dreg:$0x3] =	wrdreg s24  }
0xc5: {  	[dreg:$0x4] =	wrdreg $0x73000  }
0xc6: {  	[dreg:$0x5] =	wrdreg $0x9  }
0xc7: {  	_ =	task.clear_ibuf [dreg:s22], $0x6FFFF;
	_ =	strace $0x9000004C  }
0xc8: {  	s29 =	simm.s32 $0x9;
	_ =	strace $0x8000004E  }
0xc9: {  	_ =	swait.ge [sflag:s29], $0x1  }
0xca: {  	[sflag:s29] =	ssyncadd.s32 $0xFFFFFFFF  }
0xcb: {  	_ =	strace $0x9000004E  }
0xcc: {  	_ =	sfence  }
0xcd: {  	s30 =	sld [smem:$0x0];
	_ =	sdelay $0x2  }
0xce: {  	s31 =	sshll.u32 s1, $0xD;
	s1 =	sshrl.u32 s1, $0x2  }
0xcf: {  	s4 =	sand.u32 $0x4000, s31;
	s1 =	sadd.s32 s1, s30  }
0xd0: {  	s0 =	sor.u32 s4, s0;
	s1 =	sshll.u32 s1, $0x11  }
0xd1: {  	s0 =	sor.u32 s1, s0  }
0xd2: {  	s0 =	sadd.s32 $0x8F2B, s0  }
0xd3: {  	[sflag:s0] =	ssyncadd.remote.s32 $0x1  }
0xd4: {  	_ =	sfence.sel $0xFFFF  }
0xd5: {  	[dreg:$0x0] =	wrdreg $0xFFFFFFFF;
	(pc) =	sbr.abs _section_cstart, $3  }
0xd6: {  	[dreg:$0x1] =	wrdreg $0xFFFFFFFF  }
0xd7: {  	_ =	task.clear_ibuf [dreg:s22], $0x2FFFF;
	_ =	strace $0x9FFFFFFF  }
0xd8: {  	(tm) =	ssettm $0x7FFFFFFF  }
0xd9: {  	_ =	shalt  }
tec
execute0_lowered:
.L_overlay_start_1:
0x0: {  	(tag) =	ssettag $0x1  }
0x1: {  	s1 =	rddreg [dreg:$0x0]  }
0x2: {  	s0 =	rddreg [dreg:$0x1]  }
0x3: {  	s2 =	rddreg [dreg:$0x2];
	s4 =	simm.s32 $0x0;
	s3 =	srdreg.scid  }
0x4: {  	s16 =	stileid.u32;
	s18 =	simm.s32 $0x100;
	s19 =	simm.s32 $0x1  }
0x5: {  	s20 =	simm.s32 $0x80;
	s21 =	simm.s32 $0x1200;
	s22 =	simm.s32 $0x200  }
0x6: {  	s28 =	simm.s32 $0x2A00;
	s29 =	simm.s32 $0x180;
	s5 =	sadd.s32 $0x21DA00, s0  }
0x7: {  	s30 =	simm.s32 $0xA00;
	s7 =	smul.u32 $0x49800, s16;
	s6 =	sadd.s32 $0x1D4600, s0  }
0x8: {  	s31 =	simm.s32 $0x7200;
	s9 =	sadd.s32 $0x2B0400, s0;
	s10 =	smul.u32 $0x3200, s16  }
0x9: {  	[smem:$0x7FF] =	sst s4;
	s0 =	sadd.s32 $0x236200, s0;
	s12 =	smul.u32 $0x12600, s16  }
0xa: {  	s3 =	sand.u32 $0x1, s3;
	s25 =	smul.u32 $0x190, s16;
	s13 =	sadd.s32 $0x113A00, s2  }
0xb: {  	p0 =	seq.s32 s16, $0xF;
	_ =	strace $0x8000004D;
	s8 =	smul.u32 $0x61A8, s3  }
0xc: {  	[dreg:$0x4] =	wrdreg s9;
	s24 =	ssub.s32 $0x2, s3;
	s3 =	smul.u32 $0x124F80, s3  }
0xd: {  	s11 =	sshrl.u32 s24, $0x1;
	s7 =	sshrl.u32 s7, $0x2;
	s10 =	sadd.s32 s1, s10  }
0xe: {  	s9 =	ssub.s32 s24, s11;
	s7 =	sadd.s32 s7, s2;
	[dreg:$0x5] =	wrdreg s10  }
0xf: {  	s10 =	sadd.s32 $0x20, s10;
	s14 =	sadd.s32 s12, s3;
	s15 =	sadd.s32 $0x61A8, s8  }
0x10: {  	s11 =	sor.u32 $0x3, s25;
	s3 =	sshrl.u32 s3, $0x3;
	s12 =	sadd.s32 s12, s2  }
0x11: {  	s24 =	simm.s32 $0x3;
	[dreg:$0x6] =	wrdreg s10;
	s10 =	sor.u32 $0x2, s25  }
0x12: {  	s14 =	sshrl.u32 s14, $0x3;
	s26 =	smax.u32 s9, $0x1;
	s25 =	simm.s32 $0x5  }
0x13: {  	s14 =	sadd.s32 s0, s14;
	s0 =	sadd.s32 s0, s3;
	[dreg:$0x9] =	wrdreg s26  }
0x14: {  	s9 =	simm.s32 $0x6;
	[dreg:$0x7] =	wrdreg s14;
	s0 =	sadd.s32 $0x22740, s0  }
0x15: {  	v1 =	vmov s15;
	s15 =	simm.s32 $0x0;
	s26 =	simm.s32 $0x2;
	[dreg:$0x8] =	wrdreg s0  }
.Ltmp0:
0x16: {  	s0 =	sshll.u32 @!p0 s16, $0x6;
	s16 =	sshrl.u32 @p0 s13, $0x3;
	(pc) =	sbr.rel .LBB2_1-.Ltmp0, $4  }
0x17: {  	s17 =	sor.u32 @!p0 $0x1C09, s0;
	s0 =	sshrl.u32 @!p0 s7, $0x3;
	[dreg:$0xa] =	wrdreg s16  }
0x18: {  	s3 =	simm.s32 $0x4;
	s14 =	simm.s32 $0x5A00;
	[dreg:$0xc] =	wrdreg s0  }
0x19: {  	s13 =	simm.s32 $0x7280;
	s0 =	sshrl.u32 @!p0 s12, $0x3;
	[dreg:$0xb] =	wrdreg s17  }
0x1a: {  	v0 =	vmov s8;
	s12 =	simm.s32 $0x8;
	[dreg:$0xd] =	wrdreg s0;
	s0 =	simm.s32 $0x4200  }
.LBB2_12:
0x1b: {  	s7 =	simm.s32 $0x7  }
0x1c: {  	_ =	swait.ge [sflag:s7], $0x1800  }
0x1d: {  	[sflag:s7] =	ssyncset.done $0x0  }
0x1e: {  	[sflag:s7] =	ssyncadd.s32 $0xFFFFE800  }
0x1f: {  	_ =	swait.ge [sflag:s12], $0x1800  }
0x20: {  	[sflag:s12] =	ssyncset.done $0x0  }
0x21: {  	[sflag:s12] =	ssyncadd.s32 $0xFFFFE800  }
0x22: {  	[bflag:$0x0] =	sbarrier.arrive $0xFFFF  }
0x23: {  	s8 =	rddreg [dreg:$0x8]  }
0x24: {  	s7 =	simm.s32 @p0 $0x1FC9;
	s16 =	rddreg [dreg:$0xa]  }
0x25: {  	[hbm:s8], [sflag:s7] =	dma.local @p0 [spmem:s16], $0x22B0  }
0x26: {  	s7 =	simm.s32 @p0 $0x9  }
0x27: {  	_ =	swait.ge @p0 [sflag:s7], $0x22B0  }
0x28: {  	s17 =	rddreg [dreg:$0xb]  }
0x29: {  	[sflag:s7] =	ssyncset.done @p0 $0x0;
	s8 =	rddreg [dreg:$0xd]  }
0x2a: {  	[sflag:s7] =	ssyncadd.s32 @p0 $0xFFFFDD50;
	s7 =	rddreg [dreg:$0x7]  }
0x2b: {  	[hbm:s7], [sflag:s17] =	dma.local @!p0 [spmem:s8], $0x24C0  }
0x2c: {  	s7 =	simm.s32 @!p0 $0x9  }
0x2d: {  	_ =	swait.ge @!p0 [sflag:s7], $0x24C0  }
0x2e: {  	s15 =	rddreg [dreg:$0xe]  }
0x2f: {  	s23 =	rddreg [dreg:$0x9];
	s15 =	sadd.s32 $0x1, s15  }
0x30: {  	p1 =	sne.s32 s15, s23  }
.Ltmp1:
0x31: {  	_ = 	snop;
	(pc) =	sbr.rel @!p1 .LBB2_13-.Ltmp1, $3  }
0x32: {  	_ =	sdelay $0x1  }
0x33: {  	[sflag:s7] =	ssyncset.done @!p0 $0x0  }
0x34: {  	[sflag:s7] =	ssyncadd.s32 @!p0 $0xFFFFDB40  }
.LBB2_1:
0x35: {  	[dreg:$0xe] =	wrdreg s15  }
0x36: {  	s7 =	simm.s32 @p0 $0x1FC9;
	s8 =	rddreg [dreg:$0x4]  }
0x37: {  	[spmem:s16], [sflag:s7] =	dma.local @p0 [hbm:s8], $0x22E0  }
0x38: {  	s7 =	simm.s32 @p0 $0x9  }
0x39: {  	_ =	swait.ge @p0 [sflag:s7], $0x22E0  }
0x3a: {  	[sflag:s7] =	ssyncset.done @p0 $0x0  }
0x3b: {  	[sflag:s7] =	ssyncadd.s32 @p0 $0xFFFFDD20;
	s7 =	rddreg [dreg:$0xc]  }
0x3c: {  	[spmem:s7], [sflag:s17] =	dma.local @!p0 [hbm:s8], $0x24C0  }
0x3d: {  	s7 =	simm.s32 @!p0 $0x9  }
0x3e: {  	_ =	swait.ge @!p0 [sflag:s7], $0x24C0  }
0x3f: {  	[sflag:s7] =	ssyncset.done @!p0 $0x0  }
0x40: {  	[sflag:s7] =	ssyncadd.s32 @!p0 $0xFFFFDB40  }
0x41: {  	[bflag:$0x0] =	sbarrier.arrive $0xFFFF  }
0x42: {  	s17 =	rddreg [dreg:$0x5]  }
0x43: {  	[tilespmem:s4], [sflag:$0x1] =	stream.linear.gather [hbm4b:s17+s4], $0x100, $0x38;
	[tilespmem:$0x19810] =	vst v63  }
0x44: {  	s23 =	rddreg [dreg:$0x6]  }
0x45: {  	[tilespmem:s18], [sflag:$0x2] =	stream.linear.gather [hbm4b:s23+s4], $0x100, $0x38;
	[tilespmem:$0x19810] =	vst v63  }
0x46: {  	_ =	swait.ge [sflag:s19], $0x100  }
0x47: {  	[sflag:s19] =	ssyncset.done $0x0  }
0x48: {  	[sflag:s19] =	ssyncadd.s32 $0xFFFFFF00  }
0x49: {  	[tilespmem:s21], [sflag:$0x3] =	stream.indirect.gather [hbm4b:s6+s20], $0x30, s4, s20, $0xb8;
	[tilespmem:$0x19810] =	vst v63  }
0x4a: {  	s8 =	simm.s32 $0x0  }
0x4b: {  	[tilespmem:s22], [sflag:$0x5] =	stream.indirect.gather [hbm4b:s5+s20], $0x10, s20, s20, $0xb8;
	[tilespmem:$0x19810] =	vst v63  }
.LBB2_2:
0x4c: {  	_ =	swait.ge [sflag:s24], $0x1800  }
0x4d: {  	[sflag:s24] =	ssyncset.done $0x0  }
0x4e: {  	[sflag:s24] =	ssyncadd.s32 $0xFFFFE800  }
0x4f: {  	_ =	swait.ge [sflag:s25], $0x800  }
0x50: {  	[sflag:s25] =	ssyncset.done $0x0  }
0x51: {  	[sflag:s25] =	ssyncadd.s32 $0xFFFFF800  }
0x52: {  	_ =	swait.ge [sflag:s26], $0x100  }
0x53: {  	[sflag:s26] =	ssyncset.done $0x0  }
0x54: {  	p1 =	seq.s32 s8, $0x0;
	[sflag:s26] =	ssyncadd.s32 $0xFFFFFF00  }
0x55: {  	[tilespmem:s28], [sflag:$0x4] =	stream.indirect.gather [hbm4b:s6+s20], $0x30, s18, s20, $0xb8;
	[tilespmem:$0x19810] =	vst v63  }
0x56: {  	s7 =	simm.s32 @!p1 $0x7  }
0x57: {  	[tilespmem:s30], [sflag:$0x6] =	stream.indirect.gather [hbm4b:s5+s20], $0x10, s29, s20, $0xb8;
	[tilespmem:$0x19810] =	vst v63  }
0x58: {  	_ =	swait.ge @!p1 [sflag:s7], $0x1800  }
0x59: {  	[sflag:s7] =	ssyncset.done @!p1 $0x0  }
0x5a: {  	[sflag:s7] =	ssyncadd.s32 @!p1 $0xFFFFE800  }
0x5b: {  	v2 =	vld [tilespmem:$0x80]  }
0x5c: {  	v3 =	vld [tilespmem:$0x90]  }
0x5d: {  	v4 =	vld [tilespmem:$0xA0]  }
0x5e: {  	v5 =	vld [tilespmem:$0xB0]  }
0x5f: {  	v6 =	vld [tilespmem:$0xC0]  }
0x60: {  	v7 =	vld [tilespmem:$0xD0]  }
0x61: {  	v8 =	vld [tilespmem:$0xE0];
	vm0 =	vge.s32 v2, v0;
	vm1 =	vlt.s32 v2, v1;
	v2 =	vsub.s32 v2, v0  }
0x62: {  	vm12 =	vge.s32 v3, v0;
	vm2 =	vlt.s32 v3, v1;
	v3 =	vsub.s32 v3, v0  }
0x63: {  	vm14 =	vge.s32 v4, v0;
	vm15 =	vlt.s32 v4, v1;
	vm4 =	vge.s32 v5, v0  }
0x64: {  	vm5 =	vlt.s32 v5, v1;
	v4 =	vsub.s32 v4, v0;
	v5 =	vsub.s32 v5, v0  }
0x65: {  	vm6 =	vge.s32 v6, v0;
	vm7 =	vlt.s32 v6, v1;
	vm8 =	vge.s32 v7, v0  }
0x66: {  	v9 =	vld [tilespmem:$0xF0];
	vm3 =	vlt.s32 v7, v1;
	vm10 =	vge.s32 v8, v0;
	vm0 =	vmand vm0, vm1  }
0x67: {  	vm11 =	vlt.s32 v8, v1;
	vm13 =	vmand vm12, vm2;
	v2 =	vnsel vm0, $0x61A8, v2  }
0x68: {  	vm1 =	vmand vm4, vm5;
	vm9 =	vmand vm8, vm3;
	v3 =	vnsel vm13, $0x61A8, v3;
	[tilespmem:$0x7200] =	vst v2  }
0x69: {  	vm12 =	vmand vm10, vm11;
	vm0 =	vmand vm14, vm15;
	v5 =	vnsel vm1, $0x61A8, v5;
	[tilespmem:$0x7210] =	vst v3  }
0x6a: {  	v4 =	vnsel vm0, $0x61A8, v4;
	vm0 =	vmand vm6, vm7;
	v2 =	vsub.s32 v6, v0;
	[tilespmem:$0x7230] =	vst v5  }
0x6b: {  	vm13 =	vge.s32 v9, v0;
	v3 =	vsub.s32 v7, v0;
	[tilespmem:$0x7220] =	vst v4;
	v2 =	vnsel vm0, $0x61A8, v2  }
0x6c: {  	vm14 =	vlt.s32 v9, v1;
	v3 =	vnsel vm9, $0x61A8, v3;
	[tilespmem:$0x7240] =	vst v2;
	v2 =	vsub.s32 v8, v0  }
0x6d: {  	vm15 =	vmand vm13, vm14;
	[tilespmem:$0x7250] =	vst v3;
	v3 =	vsub.s32 v9, v0;
	v2 =	vnsel vm12, $0x61A8, v2  }
0x6e: {  	[tilespmem:$0x7260] =	vst v2;
	v2 =	vnsel vm15, $0x61A8, v3  }
0x6f: {  	s7 =	simm.s32 $0x0;
	[tilespmem:$0x7270] =	vst v2  }
0x70: {  	s15 =	simm.s32 $0x220;
	v2 =	vld [tilespmem:s7+$0x1200]  }
0x71: {  	v3 =	vld [tilespmem:s15+$0xFFFFFFE0];
	_ =	sdelay $0x2  }
0x72: {  	s17 =	sshll.u32 s8, $0x1;
	s16 =	simm.s32 $0x300  }
.LBB2_3:
0x73: {  	p2 =	sne.s32 s16, $0x5D00  }
0x74: {  	v3 =	vmul.f32 v3, v2;
	_ =	sdelay $0x1  }
0x75: {  	(xrf2) =	vadd.scan.msk.f32 $0xffff, v3;
	_ =	sdelay $0x9  }
0x76: {  	v3, _, _ =	vpop (xrf2)  }
0x77: {  	v3 =	vbroadcast v3, $0xF;
	_ =	sdelay $0x1  }
0x78: {  	(erf) = vrcp.f32 v3;
	_ =	sdelay $0x5  }
0x79: {  	v3 =	vld [tilespmem:s7+$0x1210]  }
0x7a: {  	v4 =	vld [tilespmem:s7+$0x1220];
	_ =	sdelay $0x1  }
0x7b: {  	v5 =	vpop (erf)  }
0x7c: {  	v2 =	vmul.f32 v5, v2  }
0x7d: {  	v3 =	vmul.f32 v5, v3  }
0x7e: {  	[tilespmem:s7+$0x4200] =	vst v2;
	v2 =	vmul.f32 v5, v4  }
0x7f: {  	[tilespmem:s7+$0x4210] =	vst v3  }
0x80: {  	[tilespmem:s7+$0x4220] =	vst v2;
	v2 =	vld [tilespmem:s7+$0x1230]  }
0x81: {  	v3 =	vld [tilespmem:s15+$0xFFFFFFF0];
	_ =	sdelay $0x4  }
0x82: {  	v3 =	vmul.f32 v3, v2;
	_ =	sdelay $0x1  }
0x83: {  	(xrf2) =	vadd.scan.msk.f32 $0xffff, v3;
	_ =	sdelay $0x9  }
0x84: {  	v3, _, _ =	vpop (xrf2)  }
0x85: {  	v3 =	vbroadcast v3, $0xF;
	_ =	sdelay $0x1  }
0x86: {  	(erf) = vrcp.f32 v3;
	_ =	sdelay $0x5  }
0x87: {  	v3 =	vld [tilespmem:s7+$0x1240]  }
0x88: {  	v4 =	vld [tilespmem:s7+$0x1250];
	_ =	sdelay $0x1  }
0x89: {  	v5 =	vpop (erf)  }
0x8a: {  	v2 =	vmul.f32 v5, v2  }
0x8b: {  	v3 =	vmul.f32 v5, v3  }
0x8c: {  	[tilespmem:s7+$0x4230] =	vst v2;
	v2 =	vmul.f32 v5, v4  }
0x8d: {  	[tilespmem:s7+$0x4240] =	vst v3  }
0x8e: {  	[tilespmem:s7+$0x4250] =	vst v2;
	v2 =	vld [tilespmem:s7+$0x1260]  }
0x8f: {  	v3 =	vld [tilespmem:s15+$0x0];
	_ =	sdelay $0x4  }
0x90: {  	v3 =	vmul.f32 v3, v2;
	_ =	sdelay $0x1  }
0x91: {  	(xrf2) =	vadd.scan.msk.f32 $0xffff, v3;
	_ =	sdelay $0x9  }
0x92: {  	v3, _, _ =	vpop (xrf2)  }
0x93: {  	v3 =	vbroadcast v3, $0xF;
	_ =	sdelay $0x1  }
0x94: {  	(erf) = vrcp.f32 v3;
	_ =	sdelay $0x3  }
0x95: {  	v3 =	vld [tilespmem:s7+$0x1270]  }
0x96: {  	v4 =	vld [tilespmem:s7+$0x1280];
	_ =	sdelay $0x3  }
0x97: {  	v5 =	vpop (erf)  }
0x98: {  	v3 =	vmul.f32 v5, v3;
	v4 =	vmul.f32 v5, v4  }
0x99: {  	v2 =	vmul.f32 v5, v2  }
0x9a: {  	[tilespmem:s7+$0x4280] =	vst v4  }
0x9b: {  	[tilespmem:s7+$0x4270] =	vst v3  }
0x9c: {  	[tilespmem:s7+$0x4260] =	vst v2;
	v2 =	vld [tilespmem:s7+$0x1290]  }
0x9d: {  	v3 =	vld [tilespmem:s15+$0x10];
	_ =	sdelay $0x4  }
0x9e: {  	v3 =	vmul.f32 v3, v2;
	_ =	sdelay $0x1  }
0x9f: {  	(xrf2) =	vadd.scan.msk.f32 $0xffff, v3;
	_ =	sdelay $0x9  }
0xa0: {  	v3, _, _ =	vpop (xrf2)  }
0xa1: {  	v3 =	vbroadcast v3, $0xF;
	_ =	sdelay $0x1  }
0xa2: {  	(erf) = vrcp.f32 v3;
	_ =	sdelay $0x4  }
0xa3: {  	v3 =	vld [tilespmem:s7+$0x12A0]  }
0xa4: {  	v4 =	vld [tilespmem:s7+$0x12B0];
	_ =	sdelay $0x2  }
0xa5: {  	v5 =	vpop (erf)  }
0xa6: {  	v2 =	vmul.f32 v5, v2;
	v3 =	vmul.f32 v5, v3  }
0xa7: {  	v4 =	vmul.f32 v5, v4  }
0xa8: {  	[tilespmem:s7+$0x4290] =	vst v2  }
0xa9: {  	s23 =	sshra.s32 s16, $0x2;
	[tilespmem:s7+$0x42A0] =	vst v3  }
.Ltmp2:
0xaa: {  	s15 =	sadd.s32 $0x40, s15;
	v2 =	vld [tilespmem:s23+$0x1200];
	[tilespmem:s7+$0x42B0] =	vst v4;
	s7 =	smov.u32 s23;
	(pc) =	sbr.rel @p2 .LBB2_3-.Ltmp2, $2  }
0xab: {  	v3 =	vld [tilespmem:s15+$0xFFFFFFE0];
	_ =	sdelay $0x2  }
0xac: {  	s16 =	sadd.s32 $0x300, s16  }
0xad: {  	_ = 	snop  }
0xae: {  	v3 =	vmul.f32 v3, v2;
	_ =	sdelay $0x1  }
0xaf: {  	(xrf2) =	vadd.scan.msk.f32 $0xffff, v3;
	_ =	sdelay $0x9  }
0xb0: {  	v3, _, _ =	vpop (xrf2)  }
0xb1: {  	v3 =	vbroadcast v3, $0xF;
	_ =	sdelay $0x1  }
0xb2: {  	(erf) = vrcp.f32 v3;
	_ =	sdelay $0x5  }
0xb3: {  	v3 =	vld [tilespmem:s7+$0x1210]  }
0xb4: {  	v4 =	vld [tilespmem:s7+$0x1220];
	_ =	sdelay $0x1  }
0xb5: {  	v5 =	vpop (erf)  }
0xb6: {  	v2 =	vmul.f32 v5, v2  }
0xb7: {  	v3 =	vmul.f32 v5, v3  }
0xb8: {  	[tilespmem:s7+$0x4200] =	vst v2;
	v2 =	vmul.f32 v5, v4  }
0xb9: {  	[tilespmem:s7+$0x4210] =	vst v3  }
0xba: {  	[tilespmem:s7+$0x4220] =	vst v2;
	v2 =	vld [tilespmem:s7+$0x1230]  }
0xbb: {  	v3 =	vld [tilespmem:s15+$0xFFFFFFF0];
	_ =	sdelay $0x4  }
0xbc: {  	v3 =	vmul.f32 v3, v2;
	_ =	sdelay $0x1  }
0xbd: {  	(xrf2) =	vadd.scan.msk.f32 $0xffff, v3;
	_ =	sdelay $0x9  }
0xbe: {  	v3, _, _ =	vpop (xrf2)  }
0xbf: {  	v3 =	vbroadcast v3, $0xF;
	_ =	sdelay $0x1  }
0xc0: {  	(erf) = vrcp.f32 v3;
	_ =	sdelay $0x5  }
0xc1: {  	v3 =	vld [tilespmem:s7+$0x1240]  }
0xc2: {  	v58 =	vld [tilespmem:s7+$0x1250];
	_ =	sdelay $0x1  }
0xc3: {  	v59 =	vpop (erf)  }
0xc4: {  	v2 =	vmul.f32 v59, v2  }
0xc5: {  	v3 =	vmul.f32 v59, v3  }
0xc6: {  	[tilespmem:s7+$0x4230] =	vst v2;
	v2 =	vmul.f32 v59, v58  }
0xc7: {  	[tilespmem:s7+$0x4240] =	vst v3  }
0xc8: {  	[tilespmem:s7+$0x4250] =	vst v2;
	v2 =	vld [tilespmem:s7+$0x1260]  }
0xc9: {  	v3 =	vld [tilespmem:s15+$0x0];
	_ =	sdelay $0x4  }
0xca: {  	v3 =	vmul.f32 v3, v2;
	_ =	sdelay $0x1  }
0xcb: {  	(xrf2) =	vadd.scan.msk.f32 $0xffff, v3;
	_ =	sdelay $0x9  }
0xcc: {  	v3, _, _ =	vpop (xrf2)  }
0xcd: {  	v3 =	vbroadcast v3, $0xF;
	_ =	sdelay $0x1  }
0xce: {  	(erf) = vrcp.f32 v3;
	_ =	sdelay $0x4  }
0xcf: {  	v3 =	vld [tilespmem:s7+$0x1280]  }
0xd0: {  	v60 =	vld [tilespmem:s7+$0x1270];
	_ =	sdelay $0x2  }
0xd1: {  	v61 =	vpop (erf)  }
0xd2: {  	v3 =	vmul.f32 v61, v3  }
0xd3: {  	v4 =	vmul.f32 v61, v60  }
0xd4: {  	v2 =	vmul.f32 v61, v2;
	[tilespmem:s7+$0x4280] =	vst v3  }
0xd5: {  	[tilespmem:s7+$0x4270] =	vst v4  }
0xd6: {  	[tilespmem:s7+$0x4260] =	vst v2;
	v2 =	vld [tilespmem:s7+$0x1290]  }
0xd7: {  	v3 =	vld [tilespmem:s15+$0x10];
	_ =	sdelay $0x4  }
0xd8: {  	v3 =	vmul.f32 v3, v2;
	_ =	sdelay $0x1  }
0xd9: {  	(xrf2) =	vadd.scan.msk.f32 $0xffff, v3;
	_ =	sdelay $0x9  }
0xda: {  	v3, _, _ =	vpop (xrf2)  }
0xdb: {  	v3 =	vbroadcast v3, $0xF;
	_ =	sdelay $0x1  }
0xdc: {  	(erf) = vrcp.f32 v3;
	_ =	sdelay $0x5  }
0xdd: {  	v3 =	vld [tilespmem:s7+$0x12A0]  }
0xde: {  	v62 =	vld [tilespmem:s7+$0x12B0];
	_ =	sdelay $0x1  }
0xdf: {  	v63 =	vpop (erf)  }
0xe0: {  	p2 =	sne.s32 s8, $0xC7;
	v2 =	vmul.f32 v63, v2  }
.Ltmp3:
0xe1: {  	v3 =	vmul.f32 v63, v3;
	(pc) =	sbr.rel @p2 .LBB2_6-.Ltmp3, $4  }
0xe2: {  	v4 =	vmul.f32 v63, v62;
	[tilespmem:s7+$0x4290] =	vst v2  }
0xe3: {  	[tilespmem:s7+$0x42A0] =	vst v3  }
0xe4: {  	[tilespmem:s7+$0x42B0] =	vst v4  }
0xe5: {  	[spmem:s2] =	stream.indirect.scatter.add.f32 [tilespmem:s0], [sflag:$0x7], $0x30, s31, s20, $0xb8;
	[tilespmem:$0x19810] =	vst v63  }
0xe6: {  	_ =	swait.ge [sflag:s3], $0x1800  }
.Ltmp4:
0xe7: {  	[sflag:s3] =	ssyncset.done $0x0;
	(pc) =	sbr.rel .LBB2_7-.Ltmp4, $4  }
0xe8: {  	[sflag:s3] =	ssyncadd.s32 $0xFFFFE800  }
0xe9: {  	_ =	swait.ge [sflag:s9], $0x800  }
0xea: {  	[sflag:s9] =	ssyncset.done $0x0  }
0xeb: {  	[sflag:s9] =	ssyncadd.s32 $0xFFFFF800  }
.LBB2_6:
0xec: {  	s7 =	sadd.s32 s17, s10  }
0xed: {  	s7 =	sshll.u32 s7, $0x5  }
0xee: {  	s7 =	sadd.s32 s1, s7  }
0xef: {  	[tilespmem:s4], [sflag:$0x1] =	stream.linear.gather [hbm4b:s7+s4], $0x100, $0x38;
	[tilespmem:$0x19810] =	vst v63  }
0xf0: {  	_ =	swait.ge [sflag:s3], $0x1800  }
0xf1: {  	[sflag:s3] =	ssyncset.done $0x0  }
0xf2: {  	[sflag:s3] =	ssyncadd.s32 $0xFFFFE800  }
0xf3: {  	_ =	swait.ge [sflag:s9], $0x800  }
0xf4: {  	[sflag:s9] =	ssyncset.done $0x0  }
0xf5: {  	[sflag:s9] =	ssyncadd.s32 $0xFFFFF800  }
0xf6: {  	_ =	swait.ge [sflag:s19], $0x100  }
.Ltmp5:
0xf7: {  	[sflag:s19] =	ssyncset.done $0x0;
	(pc) =	sbr.rel @p1 .LBB2_8-.Ltmp5, $4  }
0xf8: {  	[sflag:s19] =	ssyncadd.s32 $0xFFFFFF00  }
0xf9: {  	[tilespmem:s21], [sflag:$0x3] =	stream.indirect.gather [hbm4b:s6+s20], $0x30, s4, s20, $0xb8;
	[tilespmem:$0x19810] =	vst v63  }
0xfa: {  	_ = 	snop  }
0xfb: {  	[tilespmem:s22], [sflag:$0x5] =	stream.indirect.gather [hbm4b:s5+s20], $0x10, s20, s20, $0xb8;
	[tilespmem:$0x19810] =	vst v63  }
.LBB2_7:
0xfc: {  	_ =	swait.ge [sflag:s12], $0x1800  }
0xfd: {  	[sflag:s12] =	ssyncset.done $0x0  }
0xfe: {  	[sflag:s12] =	ssyncadd.s32 $0xFFFFE800  }
.LBB2_8:
0xff: {  	v2 =	vld [tilespmem:$0x180]  }
0x100: {  	v3 =	vld [tilespmem:$0x190]  }
0x101: {  	v4 =	vld [tilespmem:$0x1A0]  }
0x102: {  	v5 =	vld [tilespmem:$0x1B0]  }
0x103: {  	v6 =	vld [tilespmem:$0x1C0]  }
0x104: {  	v7 =	vld [tilespmem:$0x1D0]  }
0x105: {  	v8 =	vld [tilespmem:$0x1E0];
	vm0 =	vge.s32 v2, v0;
	vm1 =	vlt.s32 v2, v1;
	v2 =	vsub.s32 v2, v0  }
0x106: {  	vm12 =	vge.s32 v3, v0;
	vm2 =	vlt.s32 v3, v1;
	v3 =	vsub.s32 v3, v0  }
0x107: {  	vm14 =	vge.s32 v4, v0;
	vm15 =	vlt.s32 v4, v1;
	vm4 =	vge.s32 v5, v0  }
0x108: {  	vm5 =	vlt.s32 v5, v1;
	v4 =	vsub.s32 v4, v0;
	v5 =	vsub.s32 v5, v0  }
0x109: {  	vm6 =	vge.s32 v6, v0;
	vm7 =	vlt.s32 v6, v1;
	vm8 =	vge.s32 v7, v0  }
0x10a: {  	v9 =	vld [tilespmem:$0x1F0];
	vm3 =	vlt.s32 v7, v1;
	vm10 =	vge.s32 v8, v0;
	vm0 =	vmand vm0, vm1  }
0x10b: {  	vm11 =	vlt.s32 v8, v1;
	vm13 =	vmand vm12, vm2;
	v2 =	vnsel vm0, $0x61A8, v2  }
0x10c: {  	vm1 =	vmand vm4, vm5;
	vm9 =	vmand vm8, vm3;
	v3 =	vnsel vm13, $0x61A8, v3;
	[tilespmem:$0x7280] =	vst v2  }
0x10d: {  	vm12 =	vmand vm10, vm11;
	vm0 =	vmand vm14, vm15;
	v5 =	vnsel vm1, $0x61A8, v5;
	[tilespmem:$0x7290] =	vst v3  }
0x10e: {  	v4 =	vnsel vm0, $0x61A8, v4;
	vm0 =	vmand vm6, vm7;
	v2 =	vsub.s32 v6, v0;
	[tilespmem:$0x72B0] =	vst v5  }
0x10f: {  	vm13 =	vge.s32 v9, v0;
	v3 =	vsub.s32 v7, v0;
	[tilespmem:$0x72A0] =	vst v4;
	v2 =	vnsel vm0, $0x61A8, v2  }
0x110: {  	vm14 =	vlt.s32 v9, v1;
	v3 =	vnsel vm9, $0x61A8, v3;
	[tilespmem:$0x72C0] =	vst v2;
	v2 =	vsub.s32 v8, v0  }
0x111: {  	vm15 =	vmand vm13, vm14;
	[tilespmem:$0x72D0] =	vst v3;
	v3 =	vsub.s32 v9, v0;
	v2 =	vnsel vm12, $0x61A8, v2  }
0x112: {  	[tilespmem:$0x72E0] =	vst v2;
	v2 =	vnsel vm15, $0x61A8, v3  }
0x113: {  	s7 =	simm.s32 $0x0;
	[tilespmem:$0x72F0] =	vst v2  }
0x114: {  	s15 =	simm.s32 $0xA20;
	v2 =	vld [tilespmem:s7+$0x2A00]  }
0x115: {  	v3 =	vld [tilespmem:s15+$0xFFFFFFE0];
	_ =	sdelay $0x2  }
0x116: {  	s16 =	simm.s32 $0x300  }
.LBB2_9:
0x117: {  	p1 =	sne.s32 s16, $0x5D00  }
0x118: {  	v3 =	vmul.f32 v3, v2;
	_ =	sdelay $0x1  }
0x119: {  	(xrf2) =	vadd.scan.msk.f32 $0xffff, v3;
	_ =	sdelay $0x9  }
0x11a: {  	v3, _, _ =	vpop (xrf2)  }
0x11b: {  	v3 =	vbroadcast v3, $0xF;
	_ =	sdelay $0x1  }
0x11c: {  	(erf) = vrcp.f32 v3;
	_ =	sdelay $0x5  }
0x11d: {  	v3 =	vld [tilespmem:s7+$0x2A10]  }
0x11e: {  	v4 =	vld [tilespmem:s7+$0x2A20];
	_ =	sdelay $0x1  }
0x11f: {  	v5 =	vpop (erf)  }
0x120: {  	v2 =	vmul.f32 v5, v2  }
0x121: {  	v3 =	vmul.f32 v5, v3  }
0x122: {  	[tilespmem:s7+$0x5A00] =	vst v2;
	v2 =	vmul.f32 v5, v4  }
0x123: {  	[tilespmem:s7+$0x5A10] =	vst v3  }
0x124: {  	[tilespmem:s7+$0x5A20] =	vst v2;
	v2 =	vld [tilespmem:s7+$0x2A30]  }
0x125: {  	v3 =	vld [tilespmem:s15+$0xFFFFFFF0];
	_ =	sdelay $0x4  }
0x126: {  	v3 =	vmul.f32 v3, v2;
	_ =	sdelay $0x1  }
0x127: {  	(xrf2) =	vadd.scan.msk.f32 $0xffff, v3;
	_ =	sdelay $0x9  }
0x128: {  	v3, _, _ =	vpop (xrf2)  }
0x129: {  	v3 =	vbroadcast v3, $0xF;
	_ =	sdelay $0x1  }
0x12a: {  	(erf) = vrcp.f32 v3;
	_ =	sdelay $0x5  }
0x12b: {  	v3 =	vld [tilespmem:s7+$0x2A40]  }
0x12c: {  	v4 =	vld [tilespmem:s7+$0x2A50];
	_ =	sdelay $0x1  }
0x12d: {  	v5 =	vpop (erf)  }
0x12e: {  	v2 =	vmul.f32 v5, v2  }
0x12f: {  	v3 =	vmul.f32 v5, v3  }
0x130: {  	[tilespmem:s7+$0x5A30] =	vst v2;
	v2 =	vmul.f32 v5, v4  }
0x131: {  	[tilespmem:s7+$0x5A40] =	vst v3  }
0x132: {  	[tilespmem:s7+$0x5A50] =	vst v2;
	v2 =	vld [tilespmem:s7+$0x2A60]  }
0x133: {  	v3 =	vld [tilespmem:s15+$0x0];
	_ =	sdelay $0x4  }
0x134: {  	v3 =	vmul.f32 v3, v2;
	_ =	sdelay $0x1  }
0x135: {  	(xrf2) =	vadd.scan.msk.f32 $0xffff, v3;
	_ =	sdelay $0x9  }
0x136: {  	v3, _, _ =	vpop (xrf2)  }
0x137: {  	v3 =	vbroadcast v3, $0xF;
	_ =	sdelay $0x1  }
0x138: {  	(erf) = vrcp.f32 v3;
	_ =	sdelay $0x3  }
0x139: {  	v3 =	vld [tilespmem:s7+$0x2A70]  }
0x13a: {  	v4 =	vld [tilespmem:s7+$0x2A80];
	_ =	sdelay $0x3  }
0x13b: {  	v5 =	vpop (erf)  }
0x13c: {  	v3 =	vmul.f32 v5, v3;
	v4 =	vmul.f32 v5, v4  }
0x13d: {  	v2 =	vmul.f32 v5, v2  }
0x13e: {  	[tilespmem:s7+$0x5A80] =	vst v4  }
0x13f: {  	[tilespmem:s7+$0x5A70] =	vst v3  }
0x140: {  	[tilespmem:s7+$0x5A60] =	vst v2;
	v2 =	vld [tilespmem:s7+$0x2A90]  }
0x141: {  	v3 =	vld [tilespmem:s15+$0x10];
	_ =	sdelay $0x4  }
0x142: {  	v3 =	vmul.f32 v3, v2;
	_ =	sdelay $0x1  }
0x143: {  	(xrf2) =	vadd.scan.msk.f32 $0xffff, v3;
	_ =	sdelay $0x9  }
0x144: {  	v3, _, _ =	vpop (xrf2)  }
0x145: {  	v3 =	vbroadcast v3, $0xF;
	_ =	sdelay $0x1  }
0x146: {  	(erf) = vrcp.f32 v3;
	_ =	sdelay $0x4  }
0x147: {  	v3 =	vld [tilespmem:s7+$0x2AA0]  }
0x148: {  	v4 =	vld [tilespmem:s7+$0x2AB0];
	_ =	sdelay $0x2  }
0x149: {  	v5 =	vpop (erf)  }
0x14a: {  	v2 =	vmul.f32 v5, v2;
	v3 =	vmul.f32 v5, v3  }
0x14b: {  	v4 =	vmul.f32 v5, v4  }
0x14c: {  	[tilespmem:s7+$0x5A90] =	vst v2  }
0x14d: {  	s23 =	sshra.s32 s16, $0x2;
	[tilespmem:s7+$0x5AA0] =	vst v3  }
.Ltmp6:
0x14e: {  	s15 =	sadd.s32 $0x40, s15;
	v2 =	vld [tilespmem:s23+$0x2A00];
	[tilespmem:s7+$0x5AB0] =	vst v4;
	s7 =	smov.u32 s23;
	(pc) =	sbr.rel @p1 .LBB2_9-.Ltmp6, $2  }
0x14f: {  	v3 =	vld [tilespmem:s15+$0xFFFFFFE0];
	_ =	sdelay $0x2  }
0x150: {  	s16 =	sadd.s32 $0x300, s16  }
0x151: {  	_ = 	snop  }
0x152: {  	v3 =	vmul.f32 v3, v2;
	_ =	sdelay $0x1  }
0x153: {  	(xrf2) =	vadd.scan.msk.f32 $0xffff, v3;
	_ =	sdelay $0x9  }
0x154: {  	v3, _, _ =	vpop (xrf2)  }
0x155: {  	v3 =	vbroadcast v3, $0xF;
	_ =	sdelay $0x1  }
0x156: {  	(erf) = vrcp.f32 v3;
	_ =	sdelay $0x5  }
0x157: {  	v3 =	vld [tilespmem:s7+$0x2A10]  }
0x158: {  	v4 =	vld [tilespmem:s7+$0x2A20];
	_ =	sdelay $0x1  }
0x159: {  	v5 =	vpop (erf)  }
0x15a: {  	v2 =	vmul.f32 v5, v2  }
0x15b: {  	v3 =	vmul.f32 v5, v3  }
0x15c: {  	[tilespmem:s7+$0x5A00] =	vst v2;
	v2 =	vmul.f32 v5, v4  }
0x15d: {  	[tilespmem:s7+$0x5A10] =	vst v3  }
0x15e: {  	[tilespmem:s7+$0x5A20] =	vst v2;
	v2 =	vld [tilespmem:s7+$0x2A30]  }
0x15f: {  	v3 =	vld [tilespmem:s15+$0xFFFFFFF0];
	_ =	sdelay $0x4  }
0x160: {  	v3 =	vmul.f32 v3, v2;
	_ =	sdelay $0x1  }
0x161: {  	(xrf2) =	vadd.scan.msk.f32 $0xffff, v3;
	_ =	sdelay $0x9  }
0x162: {  	v3, _, _ =	vpop (xrf2)  }
0x163: {  	v3 =	vbroadcast v3, $0xF;
	_ =	sdelay $0x1  }
0x164: {  	(erf) = vrcp.f32 v3;
	_ =	sdelay $0x5  }
0x165: {  	v3 =	vld [tilespmem:s7+$0x2A40]  }
0x166: {  	v58 =	vld [tilespmem:s7+$0x2A50];
	_ =	sdelay $0x1  }
0x167: {  	v59 =	vpop (erf)  }
0x168: {  	v2 =	vmul.f32 v59, v2  }
0x169: {  	v3 =	vmul.f32 v59, v3  }
0x16a: {  	[tilespmem:s7+$0x5A30] =	vst v2;
	v2 =	vmul.f32 v59, v58  }
0x16b: {  	[tilespmem:s7+$0x5A40] =	vst v3  }
0x16c: {  	[tilespmem:s7+$0x5A50] =	vst v2;
	v2 =	vld [tilespmem:s7+$0x2A60]  }
0x16d: {  	v3 =	vld [tilespmem:s15+$0x0];
	_ =	sdelay $0x4  }
0x16e: {  	v3 =	vmul.f32 v3, v2;
	_ =	sdelay $0x1  }
0x16f: {  	(xrf2) =	vadd.scan.msk.f32 $0xffff, v3;
	_ =	sdelay $0x9  }
0x170: {  	v3, _, _ =	vpop (xrf2)  }
0x171: {  	v3 =	vbroadcast v3, $0xF;
	_ =	sdelay $0x1  }
0x172: {  	(erf) = vrcp.f32 v3;
	_ =	sdelay $0x4  }
0x173: {  	v3 =	vld [tilespmem:s7+$0x2A80]  }
0x174: {  	v60 =	vld [tilespmem:s7+$0x2A70];
	_ =	sdelay $0x2  }
0x175: {  	v61 =	vpop (erf)  }
0x176: {  	v3 =	vmul.f32 v61, v3  }
0x177: {  	v4 =	vmul.f32 v61, v60  }
0x178: {  	v2 =	vmul.f32 v61, v2;
	[tilespmem:s7+$0x5A80] =	vst v3  }
0x179: {  	[tilespmem:s7+$0x5A70] =	vst v4  }
0x17a: {  	[tilespmem:s7+$0x5A60] =	vst v2;
	v2 =	vld [tilespmem:s7+$0x2A90]  }
0x17b: {  	v3 =	vld [tilespmem:s15+$0x10];
	_ =	sdelay $0x4  }
0x17c: {  	v3 =	vmul.f32 v3, v2;
	_ =	sdelay $0x1  }
0x17d: {  	(xrf2) =	vadd.scan.msk.f32 $0xffff, v3;
	_ =	sdelay $0x9  }
0x17e: {  	v3, _, _ =	vpop (xrf2)  }
0x17f: {  	v3 =	vbroadcast v3, $0xF;
	_ =	sdelay $0x1  }
0x180: {  	(erf) = vrcp.f32 v3;
	_ =	sdelay $0x5  }
0x181: {  	v3 =	vld [tilespmem:s7+$0x2AA0]  }
0x182: {  	v62 =	vld [tilespmem:s7+$0x2AB0];
	_ =	sdelay $0x1  }
0x183: {  	v63 =	vpop (erf)  }
0x184: {  	p1 =	seq.s32 s8, $0xC7;
	v2 =	vmul.f32 v63, v2  }
.Ltmp7:
0x185: {  	v3 =	vmul.f32 v63, v3;
	(pc) =	sbr.rel @p1 .LBB2_12-.Ltmp7, $4  }
0x186: {  	v4 =	vmul.f32 v63, v62;
	[tilespmem:s7+$0x5A90] =	vst v2  }
0x187: {  	[tilespmem:s7+$0x5AA0] =	vst v3  }
0x188: {  	[tilespmem:s7+$0x5AB0] =	vst v4  }
0x189: {  	[spmem:s2] =	stream.indirect.scatter.add.f32 [tilespmem:s14], [sflag:$0x8], $0x30, s13, s20, $0xb8;
	[tilespmem:$0x19810] =	vst v63  }
.Ltmp8:
0x18a: {  	(pc) =	sbr.rel .LBB2_2-.Ltmp8, $4  }
0x18b: {  	s7 =	sadd.s32 s17, s11  }
0x18c: {  	s7 =	sshll.u32 s7, $0x5  }
0x18d: {  	s8 =	sadd.s32 $0x1, s8;
	s7 =	sadd.s32 s1, s7  }
0x18e: {  	[tilespmem:s18], [sflag:$0x2] =	stream.linear.gather [hbm4b:s7+s4], $0x100, $0x38;
	[tilespmem:$0x19810] =	vst v63  }
.LBB2_13:
0x18f: {  	_ =	sfence.sel $0x180000  }
0x190: {  	[bflag:$0x0] =	sbarrier.arrive $0xFFFF  }
0x191: {  	_ =	strace $0x9000004D  }
0x192: {  	s0 =	stileid.u32;
	[bflag:$0x2] =	sbarrier.arrive $0xFFFF  }
0x193: {  	p0 =	sne.s32 s0, $0x0;
	s0 =	rddreg [dreg:$0x3]  }
0x194: {  	s0 =	sadd.s32 @!p0 $0x100000, s0  }
0x195: {  	[sflag:s0] =	ssyncadd.tile.s32 @!p0 $0x1;
	_ =	shalt  }
.Lfunc_end2:
_tile_overlayer_lowered:
.L_overlay_start_2:
0x196: {  	(tag) =	ssettag $0x2  }
0x197: {  	s0 =	rddreg [dreg:$0x0];
	s2 =	stileid.u32  }
0x198: {  	s1 =	rddreg [dreg:$0x1];
	p0 =	sne.s32 s2, $0x0  }
0x199: {  	s3 =	rddreg [dreg:$0x2];
	[bflag:$0x3] =	sbarrier.arrive $0xFFFF;
	s2 =	simm.s32 @!p0 $0x1C09  }
0x19a: {  	[timem:s3], [sflag:s2] =	dma.local @!p0 [hbm:s0], s1  }
0x19b: {  	s0 =	simm.s32 @!p0 $0x9  }
0x19c: {  	_ =	swait.ge @!p0 [sflag:s0], s1  }
0x19d: {  	s1 =	ssub.s32 @!p0 $0x0, s1;
	[sflag:s0] =	ssyncset.done @!p0 $0x0  }
0x19e: {  	[sflag:s0] =	ssyncadd.s32 @!p0 s1  }
0x19f: {  	[bflag:$0x3] =	sbarrier.arrive $0xFFFF  }
0x1a0: {  	_ =	shalt  }

// kernel: kernel.14.cloned.1.call-start
scs
__scs_entry_jumppad:
0x0: {  	(pc) =	sbr.rel $0x88, $3  }
0x1: {  	(tag) =	ssettag $0x0;
	lr =	simm.s32 $0x1  }
0x2: {  	[smem:$0x3F89] =	sst lr;
	_ =	strace $0xD0000000  }
0x3: {  	_ = 	snop  }
0x4: {  	_ = 	snop  }
0x5: {  	_ = 	snop  }
0x6: {  	_ = 	snop  }
0x7: {  	_ = 	snop  }
__scs_overlays_trampoline_lowered:
0x8: {  	[smem:$0x3F98] =	sst s0  }
0x9: {  	[smem:$0x3F99] =	sst s1  }
0xa: {  	[smem:$0x3F9A] =	sst s2  }
0xb: {  	[smem:$0x3F9B] =	sst s3  }
0xc: {  	[smem:$0x3F9C] =	sst s4  }
0xd: {  	[smem:$0x3F9D] =	sst s5  }
0xe: {  	[smem:$0x3F9E] =	sst s6  }
0xf: {  	[smem:$0x3F9F] =	sst s7  }
0x10: {  	[smem:$0x3FA0] =	sst s8  }
0x11: {  	[smem:$0x3FA1] =	sst s9;
	s0 =	simm.s32 @!p0 $0x0  }
0x12: {  	s1 =	sld [smem:$0x3F87];
	s0 =	simm.s32 @p0 $0x1  }
0x13: {  	[smem:$0x3FA2] =	sst s0;
	s0 =	simm.s32 @!p1 $0x0  }
0x14: {  	s2 =	sld [smem:$0x3F86];
	s0 =	simm.s32 @p1 $0x1  }
0x15: {  	[smem:$0x3FA3] =	sst s0;
	s0 =	simm.s32 @!p2 $0x0  }
0x16: {  	s3 =	sld [smem:$0x3FDB];
	s0 =	simm.s32 @p2 $0x1  }
0x17: {  	s4 =	simm.s32 $0x1BF5;
	[smem:$0x3FA5] =	sst s0  }
0x18: {  	s0 =	sld [smem:$0x3F88];
	_ =	swait.ge [sflag:s4], $0x0  }
0x19: {  	s7 =	sld [smem:$0x3F89]  }
0x1a: {  	s8 =	sadd.s32 $0xFFFFE003, lr  }
0x1b: {  	s9 =	sadd.s32 $0xFFFFFEF7, lr;
	s5 =	simm.s32 $0xFFFFFFFF;
	p2 =	slt.u32 s8, $0xFFFFF086  }
0x1c: {  	p1 =	slt.u32 s9, $0xF7A;
	s5 =	simm.s32 @!p2 $0x0  }
0x1d: {  	s5 =	simm.s32 @p1 $0x1;
	p0 =	seq.s32 s7, s2  }
0x1e: {  	s7 =	smul.u32 @!p0 $0xF7A, s2;
	p2 =	seq.s32 @!p0 s5, $0x0  }
0x1f: {  	s9 =	smul.u32 $0xF7A, s1;
	s8 =	simm.s32 @!p0 $0x1BF5;
	p2 =	por !p2, p0  }
0x20: {  	[sflag:s8] =	ssyncset.s32 @!p0 $0xFFFFF086;
	s6 =	sadd.s32 @!p0 s3, s7;
	s7 =	simm.s32 @!p0 $0x108  }
0x21: {  	s3 =	sadd.s32 s3, s9;
	s6 =	sadd.s32 @!p0 $0x88, s6;
	s7 =	simm.s32 @p2 $0x1082  }
0x22: {  	[simem:s7], [sflag:s8] =	dma.local @!p0 [hbm:s6], $0xF7A  }
0x23: {  	s9 =	sor.u32 $0xD0000000, s2;
	s6 =	simm.s32 $0x108;
	_ =	swait.ge @!p0 [sflag:s8], $0x0  }
0x24: {  	s3 =	sadd.s32 $0x88, s3;
	s6 =	simm.s32 @!p1 $0x1082;
	[sflag:s4] =	ssyncset.s32 $0xFFFFF086  }
0x25: {  	[simem:s6], [sflag:s4] =	dma.local [hbm:s3], $0xF7A  }
0x26: {  	[smem:$0x3F89] =	sst s1;
	(tag) =	ssettag s2;
	_ =	strace s9  }
0x27: {  	s1 =	sld [smem:$0x3F99]  }
0x28: {  	s2 =	sld [smem:$0x3F9A]  }
0x29: {  	s4 =	sld [smem:$0x3F9C]  }
0x2a: {  	p0 =	seq.s32 s5, $0x0;
	s5 =	sld [smem:$0x3F9D]  }
0x2b: {  	s6 =	sld [smem:$0x3F9E]  }
0x2c: {  	s7 =	sld [smem:$0x3F9F]  }
0x2d: {  	s3 =	simm.s32 $0x108;
	s8 =	sld [smem:$0x3FA0]  }
0x2e: {  	s3 =	simm.s32 @!p0 $0x1082;
	s9 =	sld [smem:$0x3FA1]  }
0x2f: {  	lr =	sadd.s32 s0, s3;
	s0 =	sld [smem:$0x3F98]  }
0x30: {  	s3 =	sld [smem:$0x3F9B]  }
0x31: {  	[smem:$0x3FA4] =	sst s10  }
0x32: {  	s10 =	sld [smem:$0x3FA2];
	_ =	sdelay $0x3  }
0x33: {  	p0 =	seq.s32 s10, $0x1;
	s10 =	sld [smem:$0x3FA4];
	_ =	sdelay $0x3  }
0x34: {  	[smem:$0x3FA4] =	sst s10  }
0x35: {  	s10 =	sld [smem:$0x3FA3];
	_ =	sdelay $0x3  }
0x36: {  	p1 =	seq.s32 s10, $0x1;
	s10 =	sld [smem:$0x3FA4];
	_ =	sdelay $0x3  }
0x37: {  	[smem:$0x3FA4] =	sst s10  }
0x38: {  	s10 =	sld [smem:$0x3FA5]  }
0x39: {  	_ = 	snop;
	(pc) =	sbr.ind lr, $3  }
0x3a: {  	_ = 	snop  }
0x3b: {  	_ = 	snop  }
0x3c: {  	p2 =	seq.s32 s10, $0x1;
	s10 =	sld [smem:$0x3FA4]  }
0x3d: {  	_ =	shalt  }
0x3e: {  	_ =	shalt  }
0x3f: {  	_ =	shalt  }
0x40: {  	_ =	shalt  }
0x41: {  	_ =	shalt  }
0x42: {  	_ =	shalt  }
0x43: {  	_ =	shalt  }
0x44: {  	_ =	shalt  }
0x45: {  	_ =	shalt  }
0x46: {  	_ =	shalt  }
0x47: {  	_ =	shalt  }
0x48: {  	_ =	shalt  }
0x49: {  	_ =	shalt  }
0x4a: {  	_ =	shalt  }
0x4b: {  	_ =	shalt  }
0x4c: {  	_ =	shalt  }
0x4d: {  	_ =	shalt  }
0x4e: {  	_ =	shalt  }
0x4f: {  	_ =	shalt  }
0x50: {  	_ =	shalt  }
0x51: {  	_ =	shalt  }
0x52: {  	_ =	shalt  }
0x53: {  	_ =	shalt  }
0x54: {  	_ =	shalt  }
0x55: {  	_ =	shalt  }
0x56: {  	_ =	shalt  }
0x57: {  	_ =	shalt  }
0x58: {  	_ =	shalt  }
0x59: {  	_ =	shalt  }
0x5a: {  	_ =	shalt  }
0x5b: {  	_ =	shalt  }
0x5c: {  	_ =	shalt  }
0x5d: {  	_ =	shalt  }
0x5e: {  	_ =	shalt  }
0x5f: {  	_ =	shalt  }
0x60: {  	_ =	shalt  }
0x61: {  	_ =	shalt  }
0x62: {  	_ =	shalt  }
0x63: {  	_ =	shalt  }
0x64: {  	_ =	shalt  }
0x65: {  	_ =	shalt  }
0x66: {  	_ =	shalt  }
0x67: {  	_ =	shalt  }
0x68: {  	_ =	shalt  }
0x69: {  	_ =	shalt  }
0x6a: {  	_ =	shalt  }
0x6b: {  	_ =	shalt  }
0x6c: {  	_ =	shalt  }
0x6d: {  	_ =	shalt  }
0x6e: {  	_ =	shalt  }
0x6f: {  	_ =	shalt  }
0x70: {  	_ =	shalt  }
0x71: {  	_ =	shalt  }
0x72: {  	_ =	shalt  }
0x73: {  	_ =	shalt  }
0x74: {  	_ =	shalt  }
0x75: {  	_ =	shalt  }
0x76: {  	_ =	shalt  }
0x77: {  	_ =	shalt  }
0x78: {  	_ =	shalt  }
0x79: {  	_ =	shalt  }
0x7a: {  	_ =	shalt  }
0x7b: {  	_ =	shalt  }
0x7c: {  	_ =	shalt  }
0x7d: {  	_ =	shalt  }
0x7e: {  	_ =	shalt  }
0x7f: {  	_ =	shalt  }
0x80: {  	_ =	shalt  }
0x81: {  	_ =	shalt  }
0x82: {  	_ =	shalt  }
0x83: {  	_ =	shalt  }
0x84: {  	_ =	shalt  }
0x85: {  	_ =	shalt  }
0x86: {  	_ =	shalt  }
0x87: {  	_ =	shalt  }
.Lfunc_end0:
.L_simem_size_0:
called_computation.1_lowered:
.L_overlay_start_0:
0x88: {  	s2 =	sld [smem:$0x3FD9]  }
0x89: {  	s3 =	sld [smem:$0x3FFE];
	_ =	sdelay $0x1  }
0x8a: {  	s1 =	srdreg.scid  }
0x8b: {  	s0 =	sand.u32 $0x1, s1  }
0x8c: {  	s15 =	sshll.u32 s0, $0xA;
	s2 =	sadd.s32 s3, s2  }
0x8d: {  	s2 =	sadd.s32 s2, s15  }
0x8e: {  	[smem:$0x3FB0] =	sst s2  }
0x8f: {  	_ = 	snop  }
0x90: {  	s2 =	sld [smem:$0x3FD0];
	_ =	sdelay $0x2  }
0x91: {  	s16 =	simm.s32 $0xC;
	s4 =	simm.s32 $0x10  }
0x92: {  	[smem:s4], [sflag:s16] =	dma.local [hbm:s2], $0x1  }
0x93: {  	_ =	swait.eq [sflag:s16], $0x1  }
0x94: {  	[sflag:s16] =	ssyncset.done $0x0  }
0x95: {  	[sflag:s16] =	ssyncadd.s32 $0xFFFFFFFF  }
0x96: {  	s17 =	sld [smem:$0x11];
	(tm) =	ssettm $0x1  }
0x97: {  	s18 =	sld [smem:$0x3FFB];
	_ =	sdelay $0x3  }
0x98: {  	_ =	strace s18  }
0x99: {  	s2 =	sld [smem:$0x3FFC];
	_ =	sdelay $0x3  }
0x9a: {  	_ =	strace s2  }
0x9b: {  	s2 =	sld [smem:$0x3FFD];
	_ =	sdelay $0x3  }
0x9c: {  	_ =	strace s2  }
0x9d: {  	_ =	strace $0x8FFFFFFF  }
0x9e: {  	s19 =	sld [smem:$0x3FDB];
	_ =	sdelay $0x1  }
0x9f: {  	s20 =	simm.s32 $_scs_section_size  }
0xa0: {  	s5 =	simm.s32 $_size__tile_overlayer_lowered;
	s6 =	simm.s32 $_tile_overlayer_lowered  }
0xa1: {  	s7 =	simm.s32 $0x1BFF;
	s21 =	sshll.u32 s6, $0x1;
	s4 =	sadd.s32 s20, s19  }
0xa2: {  	s22 =	simm.s32 $0x0;
	s5 =	sshll.u32 s5, $0x1;
	s6 =	sadd.s32 s21, s4  }
0xa3: {  	[timem:s22], [sflag:s7] =	dma.local [hbm:s6], s5  }
0xa4: {  	_ =	swait.ge [sflag:s7], s5  }
0xa5: {  	s5 =	ssub.s32 $0x0, s5;
	[sflag:s7] =	ssyncset.done $0x0  }
0xa6: {  	[sflag:s7] =	ssyncadd.s32 s5;
	_ =	sdelay $0x1  }
0xa7: {  	s23 =	simm.s32 $0x1B8B  }
0xa8: {  	_ =	swait.ge [sflag:s23], $0x1  }
0xa9: {  	[sflag:s23] =	ssyncset.done $0x0  }
0xaa: {  	[sflag:s23] =	ssyncadd.s32 $0xFFFFFFFF  }
0xab: {  	s5 =	sld [smem:$0x0]  }
0xac: {  	s6 =	sand.u32 $0xFFFFFFFE, s1  }
0xad: {  	p0 =	sne.s32 s1, s6  }
0xae: {  	s6 =	sshll.u32 @p0 s6, $0xE  }
0xaf: {  	s6 =	sadd.s32 @p0 $0x11B8D, s6;
	s7 =	sshll.u32 @p0 s5, $0x11  }
0xb0: {  	s6 =	sor.u32 @p0 s7, s6  }
0xb1: {  	[sflag:s6] =	ssyncadd.remote.s32 @p0 $0x1;
	_ =	sdelay $0x1  }
0xb2: {  	s6 =	simm.s32 @p0 $0x1B8D  }
0xb3: {  	_ =	swait.eq @p0 [sflag:s6], $0x1  }
0xb4: {  	[sflag:s6] =	ssyncadd.s32 @p0 $0xFFFFFFFF  }
0xb5: {  	s7 =	sshll.u32 @!p0 s1, $0xE  }
0xb6: {  	s7 =	sor.u32 @!p0 $0x4000, s7;
	s6 =	simm.s32 @!p0 $0x1B8D  }
0xb7: {  	s5 =	sshll.u32 @!p0 s5, $0x11;
	s7 =	sadd.s32 @!p0 $0x11B8D, s7;
	_ =	swait.eq @!p0 [sflag:s6], $0x1  }
0xb8: {  	s5 =	sor.u32 @!p0 s5, s7;
	[sflag:s6] =	ssyncadd.s32 @!p0 $0xFFFFFFFF  }
0xb9: {  	s25 =	simm.s32 $0x1B8E;
	s24 =	sld [smem:$0x3FFE];
	[sflag:s5] =	ssyncadd.remote.s32 @!p0 $0x1  }
0xba: {  	s26 =	simm.s32 $execute0_lowered;
	[smem:$0x3FD2] =	sst s25  }
0xbb: {  	s6 =	sshll.u32 s26, $0x1;
	_ =	strace $0x80000049;
	[dreg:$0x1] =	wrdreg $0xFFFFFFFF  }
0xbc: {  	s28 =	simm.s32 $_size_execute0_lowered;
	s4 =	sadd.s32 s4, s6;
	[dreg:$0x0] =	wrdreg $0x0  }
0xbd: {  	s6 =	sshll.u32 s28, $0x1;
	[dreg:$0x2] =	wrdreg s4  }
0xbe: {  	[dreg:$0x3] =	wrdreg s6  }
0xbf: {  	[dreg:$0x4] =	wrdreg $0xC0  }
0xc0: {  	_ =	task [dreg:s22], $0x5FFFF  }
0xc1: {  	[dreg:$0x1] =	wrdreg $0xFFFFFFFF  }
0xc2: {  	[dreg:$0x0] =	wrdreg $0x60  }
0xc3: {  	[dreg:$0x2] =	wrdreg s17  }
0xc4: {  	[dreg:$0x3] =	wrdreg s24  }
0xc5: {  	[dreg:$0x4] =	wrdreg $0x73000  }
0xc6: {  	[dreg:$0x5] =	wrdreg $0xA  }
0xc7: {  	_ =	task.clear_ibuf [dreg:s22], $0x6FFFF;
	_ =	strace $0x90000049  }
0xc8: {  	s29 =	simm.s32 $0xA;
	_ =	strace $0x8000004B  }
0xc9: {  	_ =	swait.ge [sflag:s29], $0x1  }
0xca: {  	[sflag:s29] =	ssyncadd.s32 $0xFFFFFFFF  }
0xcb: {  	_ =	strace $0x9000004B  }
0xcc: {  	_ =	sfence  }
0xcd: {  	s30 =	sld [smem:$0x0];
	_ =	sdelay $0x2  }
0xce: {  	s31 =	sshll.u32 s1, $0xD;
	s1 =	sshrl.u32 s1, $0x2  }
0xcf: {  	s4 =	sand.u32 $0x4000, s31;
	s1 =	sadd.s32 s1, s30  }
0xd0: {  	s0 =	sor.u32 s4, s0;
	s1 =	sshll.u32 s1, $0x11  }
0xd1: {  	s0 =	sor.u32 s1, s0  }
0xd2: {  	s0 =	sadd.s32 $0x8F2B, s0  }
0xd3: {  	[sflag:s0] =	ssyncadd.remote.s32 $0x1  }
0xd4: {  	_ =	sfence.sel $0xFFFF  }
0xd5: {  	[dreg:$0x0] =	wrdreg $0xFFFFFFFF;
	(pc) =	sbr.abs _section_cstart, $3  }
0xd6: {  	[dreg:$0x1] =	wrdreg $0xFFFFFFFF  }
0xd7: {  	_ =	task.clear_ibuf [dreg:s22], $0x2FFFF;
	_ =	strace $0x9FFFFFFF  }
0xd8: {  	(tm) =	ssettm $0x7FFFFFFF  }
0xd9: {  	_ =	shalt  }
tec
execute0_lowered:
.L_overlay_start_1:
0x0: {  	(tag) =	ssettag $0x1  }
0x1: {  	s1 =	rddreg [dreg:$0x0]  }
0x2: {  	s0 =	rddreg [dreg:$0x1]  }
0x3: {  	s2 =	rddreg [dreg:$0x2];
	s4 =	simm.s32 $0x0;
	s3 =	srdreg.scid  }
0x4: {  	s16 =	stileid.u32;
	s18 =	simm.s32 $0x100;
	s19 =	simm.s32 $0x1  }
0x5: {  	s20 =	simm.s32 $0x80;
	s21 =	simm.s32 $0x1200;
	s22 =	simm.s32 $0x200  }
0x6: {  	s28 =	simm.s32 $0x2A00;
	s29 =	simm.s32 $0x180;
	s30 =	simm.s32 $0xA00  }
0x7: {  	s31 =	simm.s32 $0x7200;
	[smem:$0x7FF] =	sst s4;
	s7 =	smul.u32 $0x49800, s16  }
0x8: {  	s3 =	sand.u32 $0x1, s3;
	s5 =	sadd.s32 $0x4DA00, s0;
	s10 =	smul.u32 $0x3200, s16  }
0x9: {  	s6 =	sadd.s32 $0x4600, s0;
	s9 =	sadd.s32 $0x2B0400, s0;
	s12 =	smul.u32 $0x12600, s16  }
0xa: {  	s0 =	sadd.s32 $0x66200, s0;
	s25 =	smul.u32 $0x190, s16;
	s13 =	sadd.s32 $0x113A00, s2  }
0xb: {  	p0 =	seq.s32 s16, $0xF;
	_ =	strace $0x8000004A;
	s8 =	smul.u32 $0x61A8, s3  }
0xc: {  	[dreg:$0x4] =	wrdreg s9;
	s24 =	ssub.s32 $0x2, s3;
	s3 =	smul.u32 $0x124F80, s3  }
0xd: {  	s11 =	sshrl.u32 s24, $0x1;
	s7 =	sshrl.u32 s7, $0x2;
	s10 =	sadd.s32 s1, s10  }
0xe: {  	s9 =	ssub.s32 s24, s11;
	s7 =	sadd.s32 s7, s2;
	[dreg:$0x5] =	wrdreg s10  }
0xf: {  	s10 =	sadd.s32 $0x20, s10;
	s14 =	sadd.s32 s12, s3;
	s15 =	sadd.s32 $0x61A8, s8  }
0x10: {  	s11 =	sor.u32 $0x3, s25;
	s3 =	sshrl.u32 s3, $0x3;
	s12 =	sadd.s32 s12, s2  }
0x11: {  	s24 =	simm.s32 $0x3;
	[dreg:$0x6] =	wrdreg s10;
	s10 =	sor.u32 $0x2, s25  }
0x12: {  	s14 =	sshrl.u32 s14, $0x3;
	s26 =	smax.u32 s9, $0x1;
	s25 =	simm.s32 $0x5  }
0x13: {  	s14 =	sadd.s32 s0, s14;
	s0 =	sadd.s32 s0, s3;
	[dreg:$0x9] =	wrdreg s26  }
0x14: {  	s9 =	simm.s32 $0x6;
	[dreg:$0x7] =	wrdreg s14;
	s0 =	sadd.s32 $0x22740, s0  }
0x15: {  	v1 =	vmov s15;
	s15 =	simm.s32 $0x0;
	s26 =	simm.s32 $0x2;
	[dreg:$0x8] =	wrdreg s0  }
.Ltmp0:
0x16: {  	s0 =	sshll.u32 @!p0 s16, $0x6;
	s16 =	sshrl.u32 @p0 s13, $0x3;
	(pc) =	sbr.rel .LBB2_1-.Ltmp0, $4  }
0x17: {  	s17 =	sor.u32 @!p0 $0x1C09, s0;
	s0 =	sshrl.u32 @!p0 s7, $0x3;
	[dreg:$0xa] =	wrdreg s16  }
0x18: {  	s3 =	simm.s32 $0x4;
	s14 =	simm.s32 $0x5A00;
	[dreg:$0xc] =	wrdreg s0  }
0x19: {  	s13 =	simm.s32 $0x7280;
	s0 =	sshrl.u32 @!p0 s12, $0x3;
	[dreg:$0xb] =	wrdreg s17  }
0x1a: {  	v0 =	vmov s8;
	s12 =	simm.s32 $0x8;
	[dreg:$0xd] =	wrdreg s0;
	s0 =	simm.s32 $0x4200  }
.LBB2_12:
0x1b: {  	s7 =	simm.s32 $0x7  }
0x1c: {  	_ =	swait.ge [sflag:s7], $0x1800  }
0x1d: {  	[sflag:s7] =	ssyncset.done $0x0  }
0x1e: {  	[sflag:s7] =	ssyncadd.s32 $0xFFFFE800  }
0x1f: {  	_ =	swait.ge [sflag:s12], $0x1800  }
0x20: {  	[sflag:s12] =	ssyncset.done $0x0  }
0x21: {  	[sflag:s12] =	ssyncadd.s32 $0xFFFFE800  }
0x22: {  	[bflag:$0x0] =	sbarrier.arrive $0xFFFF  }
0x23: {  	s8 =	rddreg [dreg:$0x8]  }
0x24: {  	s7 =	simm.s32 @p0 $0x1FC9;
	s16 =	rddreg [dreg:$0xa]  }
0x25: {  	[hbm:s8], [sflag:s7] =	dma.local @p0 [spmem:s16], $0x22B0  }
0x26: {  	s7 =	simm.s32 @p0 $0x9  }
0x27: {  	_ =	swait.ge @p0 [sflag:s7], $0x22B0  }
0x28: {  	s17 =	rddreg [dreg:$0xb]  }
0x29: {  	[sflag:s7] =	ssyncset.done @p0 $0x0;
	s8 =	rddreg [dreg:$0xd]  }
0x2a: {  	[sflag:s7] =	ssyncadd.s32 @p0 $0xFFFFDD50;
	s7 =	rddreg [dreg:$0x7]  }
0x2b: {  	[hbm:s7], [sflag:s17] =	dma.local @!p0 [spmem:s8], $0x24C0  }
0x2c: {  	s7 =	simm.s32 @!p0 $0x9  }
0x2d: {  	_ =	swait.ge @!p0 [sflag:s7], $0x24C0  }
0x2e: {  	s15 =	rddreg [dreg:$0xe]  }
0x2f: {  	s23 =	rddreg [dreg:$0x9];
	s15 =	sadd.s32 $0x1, s15  }
0x30: {  	p1 =	sne.s32 s15, s23  }
.Ltmp1:
0x31: {  	_ = 	snop;
	(pc) =	sbr.rel @!p1 .LBB2_13-.Ltmp1, $3  }
0x32: {  	_ =	sdelay $0x1  }
0x33: {  	[sflag:s7] =	ssyncset.done @!p0 $0x0  }
0x34: {  	[sflag:s7] =	ssyncadd.s32 @!p0 $0xFFFFDB40  }
.LBB2_1:
0x35: {  	[dreg:$0xe] =	wrdreg s15  }
0x36: {  	s7 =	simm.s32 @p0 $0x1FC9;
	s8 =	rddreg [dreg:$0x4]  }
0x37: {  	[spmem:s16], [sflag:s7] =	dma.local @p0 [hbm:s8], $0x22E0  }
0x38: {  	s7 =	simm.s32 @p0 $0x9  }
0x39: {  	_ =	swait.ge @p0 [sflag:s7], $0x22E0  }
0x3a: {  	[sflag:s7] =	ssyncset.done @p0 $0x0  }
0x3b: {  	[sflag:s7] =	ssyncadd.s32 @p0 $0xFFFFDD20;
	s7 =	rddreg [dreg:$0xc]  }
0x3c: {  	[spmem:s7], [sflag:s17] =	dma.local @!p0 [hbm:s8], $0x24C0  }
0x3d: {  	s7 =	simm.s32 @!p0 $0x9  }
0x3e: {  	_ =	swait.ge @!p0 [sflag:s7], $0x24C0  }
0x3f: {  	[sflag:s7] =	ssyncset.done @!p0 $0x0  }
0x40: {  	[sflag:s7] =	ssyncadd.s32 @!p0 $0xFFFFDB40  }
0x41: {  	[bflag:$0x0] =	sbarrier.arrive $0xFFFF  }
0x42: {  	s17 =	rddreg [dreg:$0x5]  }
0x43: {  	[tilespmem:s4], [sflag:$0x1] =	stream.linear.gather [hbm4b:s17+s4], $0x100, $0x38;
	[tilespmem:$0x19810] =	vst v63  }
0x44: {  	s23 =	rddreg [dreg:$0x6]  }
0x45: {  	[tilespmem:s18], [sflag:$0x2] =	stream.linear.gather [hbm4b:s23+s4], $0x100, $0x38;
	[tilespmem:$0x19810] =	vst v63  }
0x46: {  	_ =	swait.ge [sflag:s19], $0x100  }
0x47: {  	[sflag:s19] =	ssyncset.done $0x0  }
0x48: {  	[sflag:s19] =	ssyncadd.s32 $0xFFFFFF00  }
0x49: {  	[tilespmem:s21], [sflag:$0x3] =	stream.indirect.gather [hbm4b:s6+s20], $0x30, s4, s20, $0xb8;
	[tilespmem:$0x19810] =	vst v63  }
0x4a: {  	s8 =	simm.s32 $0x0  }
0x4b: {  	[tilespmem:s22], [sflag:$0x5] =	stream.indirect.gather [hbm4b:s5+s20], $0x10, s20, s20, $0xb8;
	[tilespmem:$0x19810] =	vst v63  }
.LBB2_2:
0x4c: {  	_ =	swait.ge [sflag:s24], $0x1800  }
0x4d: {  	[sflag:s24] =	ssyncset.done $0x0  }
0x4e: {  	[sflag:s24] =	ssyncadd.s32 $0xFFFFE800  }
0x4f: {  	_ =	swait.ge [sflag:s25], $0x800  }
0x50: {  	[sflag:s25] =	ssyncset.done $0x0  }
0x51: {  	[sflag:s25] =	ssyncadd.s32 $0xFFFFF800  }
0x52: {  	_ =	swait.ge [sflag:s26], $0x100  }
0x53: {  	[sflag:s26] =	ssyncset.done $0x0  }
0x54: {  	p1 =	seq.s32 s8, $0x0;
	[sflag:s26] =	ssyncadd.s32 $0xFFFFFF00  }
0x55: {  	[tilespmem:s28], [sflag:$0x4] =	stream.indirect.gather [hbm4b:s6+s20], $0x30, s18, s20, $0xb8;
	[tilespmem:$0x19810] =	vst v63  }
0x56: {  	s7 =	simm.s32 @!p1 $0x7  }
0x57: {  	[tilespmem:s30], [sflag:$0x6] =	stream.indirect.gather [hbm4b:s5+s20], $0x10, s29, s20, $0xb8;
	[tilespmem:$0x19810] =	vst v63  }
0x58: {  	_ =	swait.ge @!p1 [sflag:s7], $0x1800  }
0x59: {  	[sflag:s7] =	ssyncset.done @!p1 $0x0  }
0x5a: {  	[sflag:s7] =	ssyncadd.s32 @!p1 $0xFFFFE800  }
0x5b: {  	v2 =	vld [tilespmem:$0x80]  }
0x5c: {  	v3 =	vld [tilespmem:$0x90]  }
0x5d: {  	v4 =	vld [tilespmem:$0xA0]  }
0x5e: {  	v5 =	vld [tilespmem:$0xB0]  }
0x5f: {  	v6 =	vld [tilespmem:$0xC0]  }
0x60: {  	v7 =	vld [tilespmem:$0xD0]  }
0x61: {  	v8 =	vld [tilespmem:$0xE0];
	vm0 =	vge.s32 v2, v0;
	vm1 =	vlt.s32 v2, v1;
	v2 =	vsub.s32 v2, v0  }
0x62: {  	vm12 =	vge.s32 v3, v0;
	vm2 =	vlt.s32 v3, v1;
	v3 =	vsub.s32 v3, v0  }
0x63: {  	vm14 =	vge.s32 v4, v0;
	vm15 =	vlt.s32 v4, v1;
	vm4 =	vge.s32 v5, v0  }
0x64: {  	vm5 =	vlt.s32 v5, v1;
	v4 =	vsub.s32 v4, v0;
	v5 =	vsub.s32 v5, v0  }
0x65: {  	vm6 =	vge.s32 v6, v0;
	vm7 =	vlt.s32 v6, v1;
	vm8 =	vge.s32 v7, v0  }
0x66: {  	v9 =	vld [tilespmem:$0xF0];
	vm3 =	vlt.s32 v7, v1;
	vm10 =	vge.s32 v8, v0;
	vm0 =	vmand vm0, vm1  }
0x67: {  	vm11 =	vlt.s32 v8, v1;
	vm13 =	vmand vm12, vm2;
	v2 =	vnsel vm0, $0x61A8, v2  }
0x68: {  	vm1 =	vmand vm4, vm5;
	vm9 =	vmand vm8, vm3;
	v3 =	vnsel vm13, $0x61A8, v3;
	[tilespmem:$0x7200] =	vst v2  }
0x69: {  	vm12 =	vmand vm10, vm11;
	vm0 =	vmand vm14, vm15;
	v5 =	vnsel vm1, $0x61A8, v5;
	[tilespmem:$0x7210] =	vst v3  }
0x6a: {  	v4 =	vnsel vm0, $0x61A8, v4;
	vm0 =	vmand vm6, vm7;
	v2 =	vsub.s32 v6, v0;
	[tilespmem:$0x7230] =	vst v5  }
0x6b: {  	vm13 =	vge.s32 v9, v0;
	v3 =	vsub.s32 v7, v0;
	[tilespmem:$0x7220] =	vst v4;
	v2 =	vnsel vm0, $0x61A8, v2  }
0x6c: {  	vm14 =	vlt.s32 v9, v1;
	v3 =	vnsel vm9, $0x61A8, v3;
	[tilespmem:$0x7240] =	vst v2;
	v2 =	vsub.s32 v8, v0  }
0x6d: {  	vm15 =	vmand vm13, vm14;
	[tilespmem:$0x7250] =	vst v3;
	v3 =	vsub.s32 v9, v0;
	v2 =	vnsel vm12, $0x61A8, v2  }
0x6e: {  	[tilespmem:$0x7260] =	vst v2;
	v2 =	vnsel vm15, $0x61A8, v3  }
0x6f: {  	s7 =	simm.s32 $0x0;
	[tilespmem:$0x7270] =	vst v2  }
0x70: {  	s15 =	simm.s32 $0x220;
	v2 =	vld [tilespmem:s7+$0x1200]  }
0x71: {  	v3 =	vld [tilespmem:s15+$0xFFFFFFE0];
	_ =	sdelay $0x2  }
0x72: {  	s17 =	sshll.u32 s8, $0x1;
	s16 =	simm.s32 $0x300  }
.LBB2_3:
0x73: {  	p2 =	sne.s32 s16, $0x5D00  }
0x74: {  	v3 =	vmul.f32 v3, v2;
	_ =	sdelay $0x1  }
0x75: {  	(xrf2) =	vadd.scan.msk.f32 $0xffff, v3;
	_ =	sdelay $0x9  }
0x76: {  	v3, _, _ =	vpop (xrf2)  }
0x77: {  	v3 =	vbroadcast v3, $0xF;
	_ =	sdelay $0x1  }
0x78: {  	(erf) = vrcp.f32 v3;
	_ =	sdelay $0x5  }
0x79: {  	v3 =	vld [tilespmem:s7+$0x1210]  }
0x7a: {  	v4 =	vld [tilespmem:s7+$0x1220];
	_ =	sdelay $0x1  }
0x7b: {  	v5 =	vpop (erf)  }
0x7c: {  	v2 =	vmul.f32 v5, v2  }
0x7d: {  	v3 =	vmul.f32 v5, v3  }
0x7e: {  	[tilespmem:s7+$0x4200] =	vst v2;
	v2 =	vmul.f32 v5, v4  }
0x7f: {  	[tilespmem:s7+$0x4210] =	vst v3  }
0x80: {  	[tilespmem:s7+$0x4220] =	vst v2;
	v2 =	vld [tilespmem:s7+$0x1230]  }
0x81: {  	v3 =	vld [tilespmem:s15+$0xFFFFFFF0];
	_ =	sdelay $0x4  }
0x82: {  	v3 =	vmul.f32 v3, v2;
	_ =	sdelay $0x1  }
0x83: {  	(xrf2) =	vadd.scan.msk.f32 $0xffff, v3;
	_ =	sdelay $0x9  }
0x84: {  	v3, _, _ =	vpop (xrf2)  }
0x85: {  	v3 =	vbroadcast v3, $0xF;
	_ =	sdelay $0x1  }
0x86: {  	(erf) = vrcp.f32 v3;
	_ =	sdelay $0x5  }
0x87: {  	v3 =	vld [tilespmem:s7+$0x1240]  }
0x88: {  	v4 =	vld [tilespmem:s7+$0x1250];
	_ =	sdelay $0x1  }
0x89: {  	v5 =	vpop (erf)  }
0x8a: {  	v2 =	vmul.f32 v5, v2  }
0x8b: {  	v3 =	vmul.f32 v5, v3  }
0x8c: {  	[tilespmem:s7+$0x4230] =	vst v2;
	v2 =	vmul.f32 v5, v4  }
0x8d: {  	[tilespmem:s7+$0x4240] =	vst v3  }
0x8e: {  	[tilespmem:s7+$0x4250] =	vst v2;
	v2 =	vld [tilespmem:s7+$0x1260]  }
0x8f: {  	v3 =	vld [tilespmem:s15+$0x0];
	_ =	sdelay $0x4  }
0x90: {  	v3 =	vmul.f32 v3, v2;
	_ =	sdelay $0x1  }
0x91: {  	(xrf2) =	vadd.scan.msk.f32 $0xffff, v3;
	_ =	sdelay $0x9  }
0x92: {  	v3, _, _ =	vpop (xrf2)  }
0x93: {  	v3 =	vbroadcast v3, $0xF;
	_ =	sdelay $0x1  }
0x94: {  	(erf) = vrcp.f32 v3;
	_ =	sdelay $0x3  }
0x95: {  	v3 =	vld [tilespmem:s7+$0x1270]  }
0x96: {  	v4 =	vld [tilespmem:s7+$0x1280];
	_ =	sdelay $0x3  }
0x97: {  	v5 =	vpop (erf)  }
0x98: {  	v3 =	vmul.f32 v5, v3;
	v4 =	vmul.f32 v5, v4  }
0x99: {  	v2 =	vmul.f32 v5, v2  }
0x9a: {  	[tilespmem:s7+$0x4280] =	vst v4  }
0x9b: {  	[tilespmem:s7+$0x4270] =	vst v3  }
0x9c: {  	[tilespmem:s7+$0x4260] =	vst v2;
	v2 =	vld [tilespmem:s7+$0x1290]  }
0x9d: {  	v3 =	vld [tilespmem:s15+$0x10];
	_ =	sdelay $0x4  }
0x9e: {  	v3 =	vmul.f32 v3, v2;
	_ =	sdelay $0x1  }
0x9f: {  	(xrf2) =	vadd.scan.msk.f32 $0xffff, v3;
	_ =	sdelay $0x9  }
0xa0: {  	v3, _, _ =	vpop (xrf2)  }
0xa1: {  	v3 =	vbroadcast v3, $0xF;
	_ =	sdelay $0x1  }
0xa2: {  	(erf) = vrcp.f32 v3;
	_ =	sdelay $0x4  }
0xa3: {  	v3 =	vld [tilespmem:s7+$0x12A0]  }
0xa4: {  	v4 =	vld [tilespmem:s7+$0x12B0];
	_ =	sdelay $0x2  }
0xa5: {  	v5 =	vpop (erf)  }
0xa6: {  	v2 =	vmul.f32 v5, v2;
	v3 =	vmul.f32 v5, v3  }
0xa7: {  	v4 =	vmul.f32 v5, v4  }
0xa8: {  	[tilespmem:s7+$0x4290] =	vst v2  }
0xa9: {  	s23 =	sshra.s32 s16, $0x2;
	[tilespmem:s7+$0x42A0] =	vst v3  }
.Ltmp2:
0xaa: {  	s15 =	sadd.s32 $0x40, s15;
	v2 =	vld [tilespmem:s23+$0x1200];
	[tilespmem:s7+$0x42B0] =	vst v4;
	s7 =	smov.u32 s23;
	(pc) =	sbr.rel @p2 .LBB2_3-.Ltmp2, $2  }
0xab: {  	v3 =	vld [tilespmem:s15+$0xFFFFFFE0];
	_ =	sdelay $0x2  }
0xac: {  	s16 =	sadd.s32 $0x300, s16  }
0xad: {  	_ = 	snop  }
0xae: {  	v3 =	vmul.f32 v3, v2;
	_ =	sdelay $0x1  }
0xaf: {  	(xrf2) =	vadd.scan.msk.f32 $0xffff, v3;
	_ =	sdelay $0x9  }
0xb0: {  	v3, _, _ =	vpop (xrf2)  }
0xb1: {  	v3 =	vbroadcast v3, $0xF;
	_ =	sdelay $0x1  }
0xb2: {  	(erf) = vrcp.f32 v3;
	_ =	sdelay $0x5  }
0xb3: {  	v3 =	vld [tilespmem:s7+$0x1210]  }
0xb4: {  	v4 =	vld [tilespmem:s7+$0x1220];
	_ =	sdelay $0x1  }
0xb5: {  	v5 =	vpop (erf)  }
0xb6: {  	v2 =	vmul.f32 v5, v2  }
0xb7: {  	v3 =	vmul.f32 v5, v3  }
0xb8: {  	[tilespmem:s7+$0x4200] =	vst v2;
	v2 =	vmul.f32 v5, v4  }
0xb9: {  	[tilespmem:s7+$0x4210] =	vst v3  }
0xba: {  	[tilespmem:s7+$0x4220] =	vst v2;
	v2 =	vld [tilespmem:s7+$0x1230]  }
0xbb: {  	v3 =	vld [tilespmem:s15+$0xFFFFFFF0];
	_ =	sdelay $0x4  }
0xbc: {  	v3 =	vmul.f32 v3, v2;
	_ =	sdelay $0x1  }
0xbd: {  	(xrf2) =	vadd.scan.msk.f32 $0xffff, v3;
	_ =	sdelay $0x9  }
0xbe: {  	v3, _, _ =	vpop (xrf2)  }
0xbf: {  	v3 =	vbroadcast v3, $0xF;
	_ =	sdelay $0x1  }
0xc0: {  	(erf) = vrcp.f32 v3;
	_ =	sdelay $0x5  }
0xc1: {  	v3 =	vld [tilespmem:s7+$0x1240]  }
0xc2: {  	v58 =	vld [tilespmem:s7+$0x1250];
	_ =	sdelay $0x1  }
0xc3: {  	v59 =	vpop (erf)  }
0xc4: {  	v2 =	vmul.f32 v59, v2  }
0xc5: {  	v3 =	vmul.f32 v59, v3  }
0xc6: {  	[tilespmem:s7+$0x4230] =	vst v2;
	v2 =	vmul.f32 v59, v58  }
0xc7: {  	[tilespmem:s7+$0x4240] =	vst v3  }
0xc8: {  	[tilespmem:s7+$0x4250] =	vst v2;
	v2 =	vld [tilespmem:s7+$0x1260]  }
0xc9: {  	v3 =	vld [tilespmem:s15+$0x0];
	_ =	sdelay $0x4  }
0xca: {  	v3 =	vmul.f32 v3, v2;
	_ =	sdelay $0x1  }
0xcb: {  	(xrf2) =	vadd.scan.msk.f32 $0xffff, v3;
	_ =	sdelay $0x9  }
0xcc: {  	v3, _, _ =	vpop (xrf2)  }
0xcd: {  	v3 =	vbroadcast v3, $0xF;
	_ =	sdelay $0x1  }
0xce: {  	(erf) = vrcp.f32 v3;
	_ =	sdelay $0x4  }
0xcf: {  	v3 =	vld [tilespmem:s7+$0x1280]  }
0xd0: {  	v60 =	vld [tilespmem:s7+$0x1270];
	_ =	sdelay $0x2  }
0xd1: {  	v61 =	vpop (erf)  }
0xd2: {  	v3 =	vmul.f32 v61, v3  }
0xd3: {  	v4 =	vmul.f32 v61, v60  }
0xd4: {  	v2 =	vmul.f32 v61, v2;
	[tilespmem:s7+$0x4280] =	vst v3  }
0xd5: {  	[tilespmem:s7+$0x4270] =	vst v4  }
0xd6: {  	[tilespmem:s7+$0x4260] =	vst v2;
	v2 =	vld [tilespmem:s7+$0x1290]  }
0xd7: {  	v3 =	vld [tilespmem:s15+$0x10];
	_ =	sdelay $0x4  }
0xd8: {  	v3 =	vmul.f32 v3, v2;
	_ =	sdelay $0x1  }
0xd9: {  	(xrf2) =	vadd.scan.msk.f32 $0xffff, v3;
	_ =	sdelay $0x9  }
0xda: {  	v3, _, _ =	vpop (xrf2)  }
0xdb: {  	v3 =	vbroadcast v3, $0xF;
	_ =	sdelay $0x1  }
0xdc: {  	(erf) = vrcp.f32 v3;
	_ =	sdelay $0x5  }
0xdd: {  	v3 =	vld [tilespmem:s7+$0x12A0]  }
0xde: {  	v62 =	vld [tilespmem:s7+$0x12B0];
	_ =	sdelay $0x1  }
0xdf: {  	v63 =	vpop (erf)  }
0xe0: {  	p2 =	sne.s32 s8, $0xC7;
	v2 =	vmul.f32 v63, v2  }
.Ltmp3:
0xe1: {  	v3 =	vmul.f32 v63, v3;
	(pc) =	sbr.rel @p2 .LBB2_6-.Ltmp3, $4  }
0xe2: {  	v4 =	vmul.f32 v63, v62;
	[tilespmem:s7+$0x4290] =	vst v2  }
0xe3: {  	[tilespmem:s7+$0x42A0] =	vst v3  }
0xe4: {  	[tilespmem:s7+$0x42B0] =	vst v4  }
0xe5: {  	[spmem:s2] =	stream.indirect.scatter.add.f32 [tilespmem:s0], [sflag:$0x7], $0x30, s31, s20, $0xb8;
	[tilespmem:$0x19810] =	vst v63  }
0xe6: {  	_ =	swait.ge [sflag:s3], $0x1800  }
.Ltmp4:
0xe7: {  	[sflag:s3] =	ssyncset.done $0x0;
	(pc) =	sbr.rel .LBB2_7-.Ltmp4, $4  }
0xe8: {  	[sflag:s3] =	ssyncadd.s32 $0xFFFFE800  }
0xe9: {  	_ =	swait.ge [sflag:s9], $0x800  }
0xea: {  	[sflag:s9] =	ssyncset.done $0x0  }
0xeb: {  	[sflag:s9] =	ssyncadd.s32 $0xFFFFF800  }
.LBB2_6:
0xec: {  	s7 =	sadd.s32 s17, s10  }
0xed: {  	s7 =	sshll.u32 s7, $0x5  }
0xee: {  	s7 =	sadd.s32 s1, s7  }
0xef: {  	[tilespmem:s4], [sflag:$0x1] =	stream.linear.gather [hbm4b:s7+s4], $0x100, $0x38;
	[tilespmem:$0x19810] =	vst v63  }
0xf0: {  	_ =	swait.ge [sflag:s3], $0x1800  }
0xf1: {  	[sflag:s3] =	ssyncset.done $0x0  }
0xf2: {  	[sflag:s3] =	ssyncadd.s32 $0xFFFFE800  }
0xf3: {  	_ =	swait.ge [sflag:s9], $0x800  }
0xf4: {  	[sflag:s9] =	ssyncset.done $0x0  }
0xf5: {  	[sflag:s9] =	ssyncadd.s32 $0xFFFFF800  }
0xf6: {  	_ =	swait.ge [sflag:s19], $0x100  }
.Ltmp5:
0xf7: {  	[sflag:s19] =	ssyncset.done $0x0;
	(pc) =	sbr.rel @p1 .LBB2_8-.Ltmp5, $4  }
0xf8: {  	[sflag:s19] =	ssyncadd.s32 $0xFFFFFF00  }
0xf9: {  	[tilespmem:s21], [sflag:$0x3] =	stream.indirect.gather [hbm4b:s6+s20], $0x30, s4, s20, $0xb8;
	[tilespmem:$0x19810] =	vst v63  }
0xfa: {  	_ = 	snop  }
0xfb: {  	[tilespmem:s22], [sflag:$0x5] =	stream.indirect.gather [hbm4b:s5+s20], $0x10, s20, s20, $0xb8;
	[tilespmem:$0x19810] =	vst v63  }
.LBB2_7:
0xfc: {  	_ =	swait.ge [sflag:s12], $0x1800  }
0xfd: {  	[sflag:s12] =	ssyncset.done $0x0  }
0xfe: {  	[sflag:s12] =	ssyncadd.s32 $0xFFFFE800  }
.LBB2_8:
0xff: {  	v2 =	vld [tilespmem:$0x180]  }
0x100: {  	v3 =	vld [tilespmem:$0x190]  }
0x101: {  	v4 =	vld [tilespmem:$0x1A0]  }
0x102: {  	v5 =	vld [tilespmem:$0x1B0]  }
0x103: {  	v6 =	vld [tilespmem:$0x1C0]  }
0x104: {  	v7 =	vld [tilespmem:$0x1D0]  }
0x105: {  	v8 =	vld [tilespmem:$0x1E0];
	vm0 =	vge.s32 v2, v0;
	vm1 =	vlt.s32 v2, v1;
	v2 =	vsub.s32 v2, v0  }
0x106: {  	vm12 =	vge.s32 v3, v0;
	vm2 =	vlt.s32 v3, v1;
	v3 =	vsub.s32 v3, v0  }
0x107: {  	vm14 =	vge.s32 v4, v0;
	vm15 =	vlt.s32 v4, v1;
	vm4 =	vge.s32 v5, v0  }
0x108: {  	vm5 =	vlt.s32 v5, v1;
	v4 =	vsub.s32 v4, v0;
	v5 =	vsub.s32 v5, v0  }
0x109: {  	vm6 =	vge.s32 v6, v0;
	vm7 =	vlt.s32 v6, v1;
	vm8 =	vge.s32 v7, v0  }
0x10a: {  	v9 =	vld [tilespmem:$0x1F0];
	vm3 =	vlt.s32 v7, v1;
	vm10 =	vge.s32 v8, v0;
	vm0 =	vmand vm0, vm1  }
0x10b: {  	vm11 =	vlt.s32 v8, v1;
	vm13 =	vmand vm12, vm2;
	v2 =	vnsel vm0, $0x61A8, v2  }
0x10c: {  	vm1 =	vmand vm4, vm5;
	vm9 =	vmand vm8, vm3;
	v3 =	vnsel vm13, $0x61A8, v3;
	[tilespmem:$0x7280] =	vst v2  }
0x10d: {  	vm12 =	vmand vm10, vm11;
	vm0 =	vmand vm14, vm15;
	v5 =	vnsel vm1, $0x61A8, v5;
	[tilespmem:$0x7290] =	vst v3  }
0x10e: {  	v4 =	vnsel vm0, $0x61A8, v4;
	vm0 =	vmand vm6, vm7;
	v2 =	vsub.s32 v6, v0;
	[tilespmem:$0x72B0] =	vst v5  }
0x10f: {  	vm13 =	vge.s32 v9, v0;
	v3 =	vsub.s32 v7, v0;
	[tilespmem:$0x72A0] =	vst v4;
	v2 =	vnsel vm0, $0x61A8, v2  }
0x110: {  	vm14 =	vlt.s32 v9, v1;
	v3 =	vnsel vm9, $0x61A8, v3;
	[tilespmem:$0x72C0] =	vst v2;
	v2 =	vsub.s32 v8, v0  }
0x111: {  	vm15 =	vmand vm13, vm14;
	[tilespmem:$0x72D0] =	vst v3;
	v3 =	vsub.s32 v9, v0;
	v2 =	vnsel vm12, $0x61A8, v2  }
0x112: {  	[tilespmem:$0x72E0] =	vst v2;
	v2 =	vnsel vm15, $0x61A8, v3  }
0x113: {  	s7 =	simm.s32 $0x0;
	[tilespmem:$0x72F0] =	vst v2  }
0x114: {  	s15 =	simm.s32 $0xA20;
	v2 =	vld [tilespmem:s7+$0x2A00]  }
0x115: {  	v3 =	vld [tilespmem:s15+$0xFFFFFFE0];
	_ =	sdelay $0x2  }
0x116: {  	s16 =	simm.s32 $0x300  }
.LBB2_9:
0x117: {  	p1 =	sne.s32 s16, $0x5D00  }
0x118: {  	v3 =	vmul.f32 v3, v2;
	_ =	sdelay $0x1  }
0x119: {  	(xrf2) =	vadd.scan.msk.f32 $0xffff, v3;
	_ =	sdelay $0x9  }
0x11a: {  	v3, _, _ =	vpop (xrf2)  }
0x11b: {  	v3 =	vbroadcast v3, $0xF;
	_ =	sdelay $0x1  }
0x11c: {  	(erf) = vrcp.f32 v3;
	_ =	sdelay $0x5  }
0x11d: {  	v3 =	vld [tilespmem:s7+$0x2A10]  }
0x11e: {  	v4 =	vld [tilespmem:s7+$0x2A20];
	_ =	sdelay $0x1  }
0x11f: {  	v5 =	vpop (erf)  }
0x120: {  	v2 =	vmul.f32 v5, v2  }
0x121: {  	v3 =	vmul.f32 v5, v3  }
0x122: {  	[tilespmem:s7+$0x5A00] =	vst v2;
	v2 =	vmul.f32 v5, v4  }
0x123: {  	[tilespmem:s7+$0x5A10] =	vst v3  }
0x124: {  	[tilespmem:s7+$0x5A20] =	vst v2;
	v2 =	vld [tilespmem:s7+$0x2A30]  }
0x125: {  	v3 =	vld [tilespmem:s15+$0xFFFFFFF0];
	_ =	sdelay $0x4  }
0x126: {  	v3 =	vmul.f32 v3, v2;
	_ =	sdelay $0x1  }
0x127: {  	(xrf2) =	vadd.scan.msk.f32 $0xffff, v3;
	_ =	sdelay $0x9  }
0x128: {  	v3, _, _ =	vpop (xrf2)  }
0x129: {  	v3 =	vbroadcast v3, $0xF;
	_ =	sdelay $0x1  }
0x12a: {  	(erf) = vrcp.f32 v3;
	_ =	sdelay $0x5  }
0x12b: {  	v3 =	vld [tilespmem:s7+$0x2A40]  }
0x12c: {  	v4 =	vld [tilespmem:s7+$0x2A50];
	_ =	sdelay $0x1  }
0x12d: {  	v5 =	vpop (erf)  }
0x12e: {  	v2 =	vmul.f32 v5, v2  }
0x12f: {  	v3 =	vmul.f32 v5, v3  }
0x130: {  	[tilespmem:s7+$0x5A30] =	vst v2;
	v2 =	vmul.f32 v5, v4  }
0x131: {  	[tilespmem:s7+$0x5A40] =	vst v3  }
0x132: {  	[tilespmem:s7+$0x5A50] =	vst v2;
	v2 =	vld [tilespmem:s7+$0x2A60]  }
0x133: {  	v3 =	vld [tilespmem:s15+$0x0];
	_ =	sdelay $0x4  }
0x134: {  	v3 =	vmul.f32 v3, v2;
	_ =	sdelay $0x1  }
0x135: {  	(xrf2) =	vadd.scan.msk.f32 $0xffff, v3;
	_ =	sdelay $0x9  }
0x136: {  	v3, _, _ =	vpop (xrf2)  }
0x137: {  	v3 =	vbroadcast v3, $0xF;
	_ =	sdelay $0x1  }
0x138: {  	(erf) = vrcp.f32 v3;
	_ =	sdelay $0x3  }
0x139: {  	v3 =	vld [tilespmem:s7+$0x2A70]  }
0x13a: {  	v4 =	vld [tilespmem:s7+$0x2A80];
	_ =	sdelay $0x3  }
0x13b: {  	v5 =	vpop (erf)  }
0x13c: {  	v3 =	vmul.f32 v5, v3;
	v4 =	vmul.f32 v5, v4  }
0x13d: {  	v2 =	vmul.f32 v5, v2  }
0x13e: {  	[tilespmem:s7+$0x5A80] =	vst v4  }
0x13f: {  	[tilespmem:s7+$0x5A70] =	vst v3  }
0x140: {  	[tilespmem:s7+$0x5A60] =	vst v2;
	v2 =	vld [tilespmem:s7+$0x2A90]  }
0x141: {  	v3 =	vld [tilespmem:s15+$0x10];
	_ =	sdelay $0x4  }
0x142: {  	v3 =	vmul.f32 v3, v2;
	_ =	sdelay $0x1  }
0x143: {  	(xrf2) =	vadd.scan.msk.f32 $0xffff, v3;
	_ =	sdelay $0x9  }
0x144: {  	v3, _, _ =	vpop (xrf2)  }
0x145: {  	v3 =	vbroadcast v3, $0xF;
	_ =	sdelay $0x1  }
0x146: {  	(erf) = vrcp.f32 v3;
	_ =	sdelay $0x4  }
0x147: {  	v3 =	vld [tilespmem:s7+$0x2AA0]  }
0x148: {  	v4 =	vld [tilespmem:s7+$0x2AB0];
	_ =	sdelay $0x2  }
0x149: {  	v5 =	vpop (erf)  }
0x14a: {  	v2 =	vmul.f32 v5, v2;
	v3 =	vmul.f32 v5, v3  }
0x14b: {  	v4 =	vmul.f32 v5, v4  }
0x14c: {  	[tilespmem:s7+$0x5A90] =	vst v2  }
0x14d: {  	s23 =	sshra.s32 s16, $0x2;
	[tilespmem:s7+$0x5AA0] =	vst v3  }
.Ltmp6:
0x14e: {  	s15 =	sadd.s32 $0x40, s15;
	v2 =	vld [tilespmem:s23+$0x2A00];
	[tilespmem:s7+$0x5AB0] =	vst v4;
	s7 =	smov.u32 s23;
	(pc) =	sbr.rel @p1 .LBB2_9-.Ltmp6, $2  }
0x14f: {  	v3 =	vld [tilespmem:s15+$0xFFFFFFE0];
	_ =	sdelay $0x2  }
0x150: {  	s16 =	sadd.s32 $0x300, s16  }
0x151: {  	_ = 	snop  }
0x152: {  	v3 =	vmul.f32 v3, v2;
	_ =	sdelay $0x1  }
0x153: {  	(xrf2) =	vadd.scan.msk.f32 $0xffff, v3;
	_ =	sdelay $0x9  }
0x154: {  	v3, _, _ =	vpop (xrf2)  }
0x155: {  	v3 =	vbroadcast v3, $0xF;
	_ =	sdelay $0x1  }
0x156: {  	(erf) = vrcp.f32 v3;
	_ =	sdelay $0x5  }
0x157: {  	v3 =	vld [tilespmem:s7+$0x2A10]  }
0x158: {  	v4 =	vld [tilespmem:s7+$0x2A20];
	_ =	sdelay $0x1  }
0x159: {  	v5 =	vpop (erf)  }
0x15a: {  	v2 =	vmul.f32 v5, v2  }
0x15b: {  	v3 =	vmul.f32 v5, v3  }
0x15c: {  	[tilespmem:s7+$0x5A00] =	vst v2;
	v2 =	vmul.f32 v5, v4  }
0x15d: {  	[tilespmem:s7+$0x5A10] =	vst v3  }
0x15e: {  	[tilespmem:s7+$0x5A20] =	vst v2;
	v2 =	vld [tilespmem:s7+$0x2A30]  }
0x15f: {  	v3 =	vld [tilespmem:s15+$0xFFFFFFF0];
	_ =	sdelay $0x4  }
0x160: {  	v3 =	vmul.f32 v3, v2;
	_ =	sdelay $0x1  }
0x161: {  	(xrf2) =	vadd.scan.msk.f32 $0xffff, v3;
	_ =	sdelay $0x9  }
0x162: {  	v3, _, _ =	vpop (xrf2)  }
0x163: {  	v3 =	vbroadcast v3, $0xF;
	_ =	sdelay $0x1  }
0x164: {  	(erf) = vrcp.f32 v3;
	_ =	sdelay $0x5  }
0x165: {  	v3 =	vld [tilespmem:s7+$0x2A40]  }
0x166: {  	v58 =	vld [tilespmem:s7+$0x2A50];
	_ =	sdelay $0x1  }
0x167: {  	v59 =	vpop (erf)  }
0x168: {  	v2 =	vmul.f32 v59, v2  }
0x169: {  	v3 =	vmul.f32 v59, v3  }
0x16a: {  	[tilespmem:s7+$0x5A30] =	vst v2;
	v2 =	vmul.f32 v59, v58  }
0x16b: {  	[tilespmem:s7+$0x5A40] =	vst v3  }
0x16c: {  	[tilespmem:s7+$0x5A50] =	vst v2;
	v2 =	vld [tilespmem:s7+$0x2A60]  }
0x16d: {  	v3 =	vld [tilespmem:s15+$0x0];
	_ =	sdelay $0x4  }
0x16e: {  	v3 =	vmul.f32 v3, v2;
	_ =	sdelay $0x1  }
0x16f: {  	(xrf2) =	vadd.scan.msk.f32 $0xffff, v3;
	_ =	sdelay $0x9  }
0x170: {  	v3, _, _ =	vpop (xrf2)  }
0x171: {  	v3 =	vbroadcast v3, $0xF;
	_ =	sdelay $0x1  }
0x172: {  	(erf) = vrcp.f32 v3;
	_ =	sdelay $0x4  }
0x173: {  	v3 =	vld [tilespmem:s7+$0x2A80]  }
0x174: {  	v60 =	vld [tilespmem:s7+$0x2A70];
	_ =	sdelay $0x2  }
0x175: {  	v61 =	vpop (erf)  }
0x176: {  	v3 =	vmul.f32 v61, v3  }
0x177: {  	v4 =	vmul.f32 v61, v60  }
0x178: {  	v2 =	vmul.f32 v61, v2;
	[tilespmem:s7+$0x5A80] =	vst v3  }
0x179: {  	[tilespmem:s7+$0x5A70] =	vst v4  }
0x17a: {  	[tilespmem:s7+$0x5A60] =	vst v2;
	v2 =	vld [tilespmem:s7+$0x2A90]  }
0x17b: {  	v3 =	vld [tilespmem:s15+$0x10];
	_ =	sdelay $0x4  }
0x17c: {  	v3 =	vmul.f32 v3, v2;
	_ =	sdelay $0x1  }
0x17d: {  	(xrf2) =	vadd.scan.msk.f32 $0xffff, v3;
	_ =	sdelay $0x9  }
0x17e: {  	v3, _, _ =	vpop (xrf2)  }
0x17f: {  	v3 =	vbroadcast v3, $0xF;
	_ =	sdelay $0x1  }
0x180: {  	(erf) = vrcp.f32 v3;
	_ =	sdelay $0x5  }
0x181: {  	v3 =	vld [tilespmem:s7+$0x2AA0]  }
0x182: {  	v62 =	vld [tilespmem:s7+$0x2AB0];
	_ =	sdelay $0x1  }
0x183: {  	v63 =	vpop (erf)  }
0x184: {  	p1 =	seq.s32 s8, $0xC7;
	v2 =	vmul.f32 v63, v2  }
.Ltmp7:
0x185: {  	v3 =	vmul.f32 v63, v3;
	(pc) =	sbr.rel @p1 .LBB2_12-.Ltmp7, $4  }
0x186: {  	v4 =	vmul.f32 v63, v62;
	[tilespmem:s7+$0x5A90] =	vst v2  }
0x187: {  	[tilespmem:s7+$0x5AA0] =	vst v3  }
0x188: {  	[tilespmem:s7+$0x5AB0] =	vst v4  }
0x189: {  	[spmem:s2] =	stream.indirect.scatter.add.f32 [tilespmem:s14], [sflag:$0x8], $0x30, s13, s20, $0xb8;
	[tilespmem:$0x19810] =	vst v63  }
.Ltmp8:
0x18a: {  	(pc) =	sbr.rel .LBB2_2-.Ltmp8, $4  }
0x18b: {  	s7 =	sadd.s32 s17, s11  }
0x18c: {  	s7 =	sshll.u32 s7, $0x5  }
0x18d: {  	s8 =	sadd.s32 $0x1, s8;
	s7 =	sadd.s32 s1, s7  }
0x18e: {  	[tilespmem:s18], [sflag:$0x2] =	stream.linear.gather [hbm4b:s7+s4], $0x100, $0x38;
	[tilespmem:$0x19810] =	vst v63  }
.LBB2_13:
0x18f: {  	_ =	sfence.sel $0x180000  }
0x190: {  	[bflag:$0x0] =	sbarrier.arrive $0xFFFF  }
0x191: {  	_ =	strace $0x9000004A  }
0x192: {  	s0 =	stileid.u32;
	[bflag:$0x2] =	sbarrier.arrive $0xFFFF  }
0x193: {  	p0 =	sne.s32 s0, $0x0;
	s0 =	rddreg [dreg:$0x3]  }
0x194: {  	s0 =	sadd.s32 @!p0 $0x100000, s0  }
0x195: {  	[sflag:s0] =	ssyncadd.tile.s32 @!p0 $0x1;
	_ =	shalt  }
.Lfunc_end2:
_tile_overlayer_lowered:
.L_overlay_start_2:
0x196: {  	(tag) =	ssettag $0x2  }
0x197: {  	s0 =	rddreg [dreg:$0x0];
	s2 =	stileid.u32  }
0x198: {  	s1 =	rddreg [dreg:$0x1];
	p0 =	sne.s32 s2, $0x0  }
0x199: {  	s3 =	rddreg [dreg:$0x2];
	[bflag:$0x3] =	sbarrier.arrive $0xFFFF;
	s2 =	simm.s32 @!p0 $0x1C09  }
0x19a: {  	[timem:s3], [sflag:s2] =	dma.local @!p0 [hbm:s0], s1  }
0x19b: {  	s0 =	simm.s32 @!p0 $0x9  }
0x19c: {  	_ =	swait.ge @!p0 [sflag:s0], s1  }
0x19d: {  	s1 =	ssub.s32 @!p0 $0x0, s1;
	[sflag:s0] =	ssyncset.done @!p0 $0x0  }
0x19e: {  	[sflag:s0] =	ssyncadd.s32 @!p0 s1  }
0x19f: {  	[bflag:$0x3] =	sbarrier.arrive $0xFFFF  }
0x1a0: {  	_ =	shalt  }

// kernel: kernel.17.cloned.1.call-start
scs
__scs_entry_jumppad:
0x0: {  	(pc) =	sbr.rel $0x88, $3  }
0x1: {  	(tag) =	ssettag $0x0;
	lr =	simm.s32 $0x1  }
0x2: {  	[smem:$0x3F89] =	sst lr;
	_ =	strace $0xD0000000  }
0x3: {  	_ = 	snop  }
0x4: {  	_ = 	snop  }
0x5: {  	_ = 	snop  }
0x6: {  	_ = 	snop  }
0x7: {  	_ = 	snop  }
__scs_overlays_trampoline_lowered:
0x8: {  	[smem:$0x3F98] =	sst s0  }
0x9: {  	[smem:$0x3F99] =	sst s1  }
0xa: {  	[smem:$0x3F9A] =	sst s2  }
0xb: {  	[smem:$0x3F9B] =	sst s3  }
0xc: {  	[smem:$0x3F9C] =	sst s4  }
0xd: {  	[smem:$0x3F9D] =	sst s5  }
0xe: {  	[smem:$0x3F9E] =	sst s6  }
0xf: {  	[smem:$0x3F9F] =	sst s7  }
0x10: {  	[smem:$0x3FA0] =	sst s8  }
0x11: {  	[smem:$0x3FA1] =	sst s9;
	s0 =	simm.s32 @!p0 $0x0  }
0x12: {  	s1 =	sld [smem:$0x3F87];
	s0 =	simm.s32 @p0 $0x1  }
0x13: {  	[smem:$0x3FA2] =	sst s0;
	s0 =	simm.s32 @!p1 $0x0  }
0x14: {  	s2 =	sld [smem:$0x3F86];
	s0 =	simm.s32 @p1 $0x1  }
0x15: {  	[smem:$0x3FA3] =	sst s0;
	s0 =	simm.s32 @!p2 $0x0  }
0x16: {  	s3 =	sld [smem:$0x3FDB];
	s0 =	simm.s32 @p2 $0x1  }
0x17: {  	s4 =	simm.s32 $0x1BF5;
	[smem:$0x3FA5] =	sst s0  }
0x18: {  	s0 =	sld [smem:$0x3F88];
	_ =	swait.ge [sflag:s4], $0x0  }
0x19: {  	s7 =	sld [smem:$0x3F89]  }
0x1a: {  	s8 =	sadd.s32 $0xFFFFE003, lr  }
0x1b: {  	s9 =	sadd.s32 $0xFFFFFEF7, lr;
	s5 =	simm.s32 $0xFFFFFFFF;
	p2 =	slt.u32 s8, $0xFFFFF086  }
0x1c: {  	p1 =	slt.u32 s9, $0xF7A;
	s5 =	simm.s32 @!p2 $0x0  }
0x1d: {  	s5 =	simm.s32 @p1 $0x1;
	p0 =	seq.s32 s7, s2  }
0x1e: {  	s7 =	smul.u32 @!p0 $0xF7A, s2;
	p2 =	seq.s32 @!p0 s5, $0x0  }
0x1f: {  	s9 =	smul.u32 $0xF7A, s1;
	s8 =	simm.s32 @!p0 $0x1BF5;
	p2 =	por !p2, p0  }
0x20: {  	[sflag:s8] =	ssyncset.s32 @!p0 $0xFFFFF086;
	s6 =	sadd.s32 @!p0 s3, s7;
	s7 =	simm.s32 @!p0 $0x108  }
0x21: {  	s3 =	sadd.s32 s3, s9;
	s6 =	sadd.s32 @!p0 $0x88, s6;
	s7 =	simm.s32 @p2 $0x1082  }
0x22: {  	[simem:s7], [sflag:s8] =	dma.local @!p0 [hbm:s6], $0xF7A  }
0x23: {  	s9 =	sor.u32 $0xD0000000, s2;
	s6 =	simm.s32 $0x108;
	_ =	swait.ge @!p0 [sflag:s8], $0x0  }
0x24: {  	s3 =	sadd.s32 $0x88, s3;
	s6 =	simm.s32 @!p1 $0x1082;
	[sflag:s4] =	ssyncset.s32 $0xFFFFF086  }
0x25: {  	[simem:s6], [sflag:s4] =	dma.local [hbm:s3], $0xF7A  }
0x26: {  	[smem:$0x3F89] =	sst s1;
	(tag) =	ssettag s2;
	_ =	strace s9  }
0x27: {  	s1 =	sld [smem:$0x3F99]  }
0x28: {  	s2 =	sld [smem:$0x3F9A]  }
0x29: {  	s4 =	sld [smem:$0x3F9C]  }
0x2a: {  	p0 =	seq.s32 s5, $0x0;
	s5 =	sld [smem:$0x3F9D]  }
0x2b: {  	s6 =	sld [smem:$0x3F9E]  }
0x2c: {  	s7 =	sld [smem:$0x3F9F]  }
0x2d: {  	s3 =	simm.s32 $0x108;
	s8 =	sld [smem:$0x3FA0]  }
0x2e: {  	s3 =	simm.s32 @!p0 $0x1082;
	s9 =	sld [smem:$0x3FA1]  }
0x2f: {  	lr =	sadd.s32 s0, s3;
	s0 =	sld [smem:$0x3F98]  }
0x30: {  	s3 =	sld [smem:$0x3F9B]  }
0x31: {  	[smem:$0x3FA4] =	sst s10  }
0x32: {  	s10 =	sld [smem:$0x3FA2];
	_ =	sdelay $0x3  }
0x33: {  	p0 =	seq.s32 s10, $0x1;
	s10 =	sld [smem:$0x3FA4];
	_ =	sdelay $0x3  }
0x34: {  	[smem:$0x3FA4] =	sst s10  }
0x35: {  	s10 =	sld [smem:$0x3FA3];
	_ =	sdelay $0x3  }
0x36: {  	p1 =	seq.s32 s10, $0x1;
	s10 =	sld [smem:$0x3FA4];
	_ =	sdelay $0x3  }
0x37: {  	[smem:$0x3FA4] =	sst s10  }
0x38: {  	s10 =	sld [smem:$0x3FA5]  }
0x39: {  	_ = 	snop;
	(pc) =	sbr.ind lr, $3  }
0x3a: {  	_ = 	snop  }
0x3b: {  	_ = 	snop  }
0x3c: {  	p2 =	seq.s32 s10, $0x1;
	s10 =	sld [smem:$0x3FA4]  }
0x3d: {  	_ =	shalt  }
0x3e: {  	_ =	shalt  }
0x3f: {  	_ =	shalt  }
0x40: {  	_ =	shalt  }
0x41: {  	_ =	shalt  }
0x42: {  	_ =	shalt  }
0x43: {  	_ =	shalt  }
0x44: {  	_ =	shalt  }
0x45: {  	_ =	shalt  }
0x46: {  	_ =	shalt  }
0x47: {  	_ =	shalt  }
0x48: {  	_ =	shalt  }
0x49: {  	_ =	shalt  }
0x4a: {  	_ =	shalt  }
0x4b: {  	_ =	shalt  }
0x4c: {  	_ =	shalt  }
0x4d: {  	_ =	shalt  }
0x4e: {  	_ =	shalt  }
0x4f: {  	_ =	shalt  }
0x50: {  	_ =	shalt  }
0x51: {  	_ =	shalt  }
0x52: {  	_ =	shalt  }
0x53: {  	_ =	shalt  }
0x54: {  	_ =	shalt  }
0x55: {  	_ =	shalt  }
0x56: {  	_ =	shalt  }
0x57: {  	_ =	shalt  }
0x58: {  	_ =	shalt  }
0x59: {  	_ =	shalt  }
0x5a: {  	_ =	shalt  }
0x5b: {  	_ =	shalt  }
0x5c: {  	_ =	shalt  }
0x5d: {  	_ =	shalt  }
0x5e: {  	_ =	shalt  }
0x5f: {  	_ =	shalt  }
0x60: {  	_ =	shalt  }
0x61: {  	_ =	shalt  }
0x62: {  	_ =	shalt  }
0x63: {  	_ =	shalt  }
0x64: {  	_ =	shalt  }
0x65: {  	_ =	shalt  }
0x66: {  	_ =	shalt  }
0x67: {  	_ =	shalt  }
0x68: {  	_ =	shalt  }
0x69: {  	_ =	shalt  }
0x6a: {  	_ =	shalt  }
0x6b: {  	_ =	shalt  }
0x6c: {  	_ =	shalt  }
0x6d: {  	_ =	shalt  }
0x6e: {  	_ =	shalt  }
0x6f: {  	_ =	shalt  }
0x70: {  	_ =	shalt  }
0x71: {  	_ =	shalt  }
0x72: {  	_ =	shalt  }
0x73: {  	_ =	shalt  }
0x74: {  	_ =	shalt  }
0x75: {  	_ =	shalt  }
0x76: {  	_ =	shalt  }
0x77: {  	_ =	shalt  }
0x78: {  	_ =	shalt  }
0x79: {  	_ =	shalt  }
0x7a: {  	_ =	shalt  }
0x7b: {  	_ =	shalt  }
0x7c: {  	_ =	shalt  }
0x7d: {  	_ =	shalt  }
0x7e: {  	_ =	shalt  }
0x7f: {  	_ =	shalt  }
0x80: {  	_ =	shalt  }
0x81: {  	_ =	shalt  }
0x82: {  	_ =	shalt  }
0x83: {  	_ =	shalt  }
0x84: {  	_ =	shalt  }
0x85: {  	_ =	shalt  }
0x86: {  	_ =	shalt  }
0x87: {  	_ =	shalt  }
.Lfunc_end0:
.L_simem_size_0:
called_computation.2_lowered:
.L_overlay_start_0:
0x88: {  	s2 =	sld [smem:$0x3FD9]  }
0x89: {  	s3 =	sld [smem:$0x3FFE];
	_ =	sdelay $0x1  }
0x8a: {  	s1 =	srdreg.scid  }
0x8b: {  	s0 =	sand.u32 $0x1, s1  }
0x8c: {  	s14 =	sshll.u32 s0, $0xA;
	s2 =	sadd.s32 s3, s2  }
0x8d: {  	s2 =	sadd.s32 s2, s14  }
0x8e: {  	[smem:$0x3FB0] =	sst s2  }
0x8f: {  	_ = 	snop  }
0x90: {  	s2 =	sld [smem:$0x3FD0];
	_ =	sdelay $0x2  }
0x91: {  	s15 =	simm.s32 $0xC;
	s4 =	simm.s32 $0x10  }
0x92: {  	[smem:s4], [sflag:s15] =	dma.local [hbm:s2], $0x1  }
0x93: {  	_ =	swait.eq [sflag:s15], $0x1  }
0x94: {  	[sflag:s15] =	ssyncset.done $0x0  }
0x95: {  	[sflag:s15] =	ssyncadd.s32 $0xFFFFFFFF  }
0x96: {  	s16 =	sld [smem:$0x12];
	(tm) =	ssettm $0x1  }
0x97: {  	s17 =	sld [smem:$0x3FFB];
	_ =	sdelay $0x3  }
0x98: {  	_ =	strace s17  }
0x99: {  	s3 =	sld [smem:$0x3FFC];
	_ =	sdelay $0x3  }
0x9a: {  	_ =	strace s3  }
0x9b: {  	s3 =	sld [smem:$0x3FFD];
	_ =	sdelay $0x3  }
0x9c: {  	_ =	strace s3  }
0x9d: {  	_ =	strace $0x8FFFFFFF  }
0x9e: {  	s18 =	sld [smem:$0x3FDB];
	_ =	sdelay $0x1  }
0x9f: {  	s19 =	simm.s32 $_scs_section_size  }
0xa0: {  	s5 =	simm.s32 $_size__tile_overlayer_lowered;
	s6 =	simm.s32 $_tile_overlayer_lowered  }
0xa1: {  	s22 =	simm.s32 $0x1BFF;
	s21 =	sshll.u32 s6, $0x1;
	s3 =	sadd.s32 s19, s18  }
0xa2: {  	s7 =	simm.s32 $0x0;
	s20 =	sshll.u32 s5, $0x1;
	s5 =	sadd.s32 s21, s3  }
0xa3: {  	[timem:s7], [sflag:s22] =	dma.local [hbm:s5], s20  }
0xa4: {  	_ =	swait.ge [sflag:s22], s20  }
0xa5: {  	s4 =	ssub.s32 $0x0, s20;
	[sflag:s22] =	ssyncset.done $0x0  }
0xa6: {  	[sflag:s22] =	ssyncadd.s32 s4;
	_ =	sdelay $0x1  }
0xa7: {  	s23 =	simm.s32 $0x1B8B  }
0xa8: {  	_ =	swait.ge [sflag:s23], $0x1  }
0xa9: {  	[sflag:s23] =	ssyncset.done $0x0  }
0xaa: {  	s25 =	simm.s32 $0x1B8E;
	s24 =	sld [smem:$0x3FFE];
	[sflag:s23] =	ssyncadd.s32 $0xFFFFFFFF  }
0xab: {  	s26 =	simm.s32 $execute0_lowered;
	[smem:$0x3FD2] =	sst s25  }
0xac: {  	s5 =	sshll.u32 s26, $0x1;
	_ =	strace $0x80000046;
	[dreg:$0x1] =	wrdreg $0xFFFFFFFF  }
0xad: {  	s28 =	simm.s32 $_size_execute0_lowered;
	s3 =	sadd.s32 s3, s5;
	[dreg:$0x0] =	wrdreg $0x0  }
0xae: {  	s5 =	sshll.u32 s28, $0x1;
	[dreg:$0x2] =	wrdreg s3  }
0xaf: {  	[dreg:$0x3] =	wrdreg s5  }
0xb0: {  	[dreg:$0x4] =	wrdreg $0xC0  }
0xb1: {  	_ =	task [dreg:s7], $0x5FFFF  }
0xb2: {  	[dreg:$0x1] =	wrdreg $0xFFFFFFFF  }
0xb3: {  	[dreg:$0x0] =	wrdreg $0x60  }
0xb4: {  	[dreg:$0x2] =	wrdreg s16  }
0xb5: {  	[dreg:$0x3] =	wrdreg s24  }
0xb6: {  	[dreg:$0x4] =	wrdreg $0x73000  }
0xb7: {  	[dreg:$0x5] =	wrdreg $0xB  }
0xb8: {  	_ =	task.clear_ibuf [dreg:s7], $0x6FFFF;
	_ =	strace $0x90000046  }
0xb9: {  	s29 =	simm.s32 $0xB;
	_ =	strace $0x80000048  }
0xba: {  	_ =	swait.ge [sflag:s29], $0x1  }
0xbb: {  	[sflag:s29] =	ssyncadd.s32 $0xFFFFFFFF  }
0xbc: {  	_ =	strace $0x90000048  }
0xbd: {  	_ =	sfence  }
0xbe: {  	s30 =	sld [smem:$0x0];
	_ =	sdelay $0x2  }
0xbf: {  	s31 =	sshll.u32 s1, $0xD;
	s1 =	sshrl.u32 s1, $0x2  }
0xc0: {  	s3 =	sand.u32 $0x4000, s31;
	s1 =	sadd.s32 s1, s30  }
0xc1: {  	s0 =	sor.u32 s3, s0;
	s1 =	sshll.u32 s1, $0x11  }
0xc2: {  	s0 =	sor.u32 s1, s0  }
0xc3: {  	s0 =	sadd.s32 $0x8F2B, s0  }
0xc4: {  	[sflag:s0] =	ssyncadd.remote.s32 $0x1  }
0xc5: {  	_ =	sfence.sel $0xFFFF  }
0xc6: {  	[dreg:$0x0] =	wrdreg $0xFFFFFFFF;
	(pc) =	sbr.abs _section_cstart, $3  }
0xc7: {  	[dreg:$0x1] =	wrdreg $0xFFFFFFFF  }
0xc8: {  	_ =	task.clear_ibuf [dreg:s7], $0x2FFFF;
	_ =	strace $0x9FFFFFFF  }
0xc9: {  	(tm) =	ssettm $0x7FFFFFFF  }
tec
execute0_lowered:
.L_overlay_start_1:
0x0: {  	(tag) =	ssettag $0x1  }
0x1: {  	s1 =	rddreg [dreg:$0x0]  }
0x2: {  	s0 =	rddreg [dreg:$0x1]  }
0x3: {  	s2 =	rddreg [dreg:$0x2];
	s4 =	simm.s32 $0x0;
	s3 =	srdreg.scid  }
0x4: {  	s16 =	stileid.u32;
	s18 =	simm.s32 $0x100;
	s19 =	simm.s32 $0x1  }
0x5: {  	s20 =	simm.s32 $0x80;
	s21 =	simm.s32 $0x1200;
	s22 =	simm.s32 $0x200  }
0x6: {  	s28 =	simm.s32 $0x2A00;
	s29 =	simm.s32 $0x180;
	s5 =	sadd.s32 $0x297C00, s0  }
0x7: {  	s30 =	simm.s32 $0xA00;
	s7 =	smul.u32 $0x49800, s16;
	s6 =	sadd.s32 $0x18B200, s0  }
0x8: {  	s31 =	simm.s32 $0x7200;
	s9 =	sadd.s32 $0x2B0400, s0;
	s10 =	smul.u32 $0x3200, s16  }
0x9: {  	[smem:$0x7FF] =	sst s4;
	s0 =	sadd.s32 $0x2B2A00, s0;
	s12 =	smul.u32 $0x12600, s16  }
0xa: {  	s3 =	sand.u32 $0x1, s3;
	s25 =	smul.u32 $0x190, s16;
	s13 =	sadd.s32 $0x113A00, s2  }
0xb: {  	p0 =	seq.s32 s16, $0xF;
	_ =	strace $0x80000047;
	s8 =	smul.u32 $0x61A8, s3  }
0xc: {  	[dreg:$0x4] =	wrdreg s9;
	s24 =	ssub.s32 $0x2, s3;
	s3 =	smul.u32 $0x124F80, s3  }
0xd: {  	s11 =	sshrl.u32 s24, $0x1;
	s7 =	sshrl.u32 s7, $0x2;
	s10 =	sadd.s32 s1, s10  }
0xe: {  	s9 =	ssub.s32 s24, s11;
	s7 =	sadd.s32 s7, s2;
	[dreg:$0x5] =	wrdreg s10  }
0xf: {  	s10 =	sadd.s32 $0x20, s10;
	s14 =	sadd.s32 s12, s3;
	s15 =	sadd.s32 $0x61A8, s8  }
0x10: {  	s11 =	sor.u32 $0x3, s25;
	s3 =	sshrl.u32 s3, $0x3;
	s12 =	sadd.s32 s12, s2  }
0x11: {  	s24 =	simm.s32 $0x3;
	[dreg:$0x6] =	wrdreg s10;
	s10 =	sor.u32 $0x2, s25  }
0x12: {  	s14 =	sshrl.u32 s14, $0x3;
	s26 =	smax.u32 s9, $0x1;
	s25 =	simm.s32 $0x5  }
0x13: {  	s14 =	sadd.s32 s0, s14;
	s0 =	sadd.s32 s0, s3;
	[dreg:$0x9] =	wrdreg s26  }
0x14: {  	s9 =	simm.s32 $0x6;
	[dreg:$0x7] =	wrdreg s14;
	s0 =	sadd.s32 $0x22740, s0  }
0x15: {  	v1 =	vmov s15;
	s15 =	simm.s32 $0x0;
	s26 =	simm.s32 $0x2;
	[dreg:$0x8] =	wrdreg s0  }
.Ltmp0:
0x16: {  	s0 =	sshll.u32 @!p0 s16, $0x6;
	s16 =	sshrl.u32 @p0 s13, $0x3;
	(pc) =	sbr.rel .LBB2_1-.Ltmp0, $4  }
0x17: {  	s17 =	sor.u32 @!p0 $0x1C09, s0;
	s0 =	sshrl.u32 @!p0 s7, $0x3;
	[dreg:$0xa] =	wrdreg s16  }
0x18: {  	s3 =	simm.s32 $0x4;
	s14 =	simm.s32 $0x5A00;
	[dreg:$0xc] =	wrdreg s0  }
0x19: {  	s13 =	simm.s32 $0x7280;
	s0 =	sshrl.u32 @!p0 s12, $0x3;
	[dreg:$0xb] =	wrdreg s17  }
0x1a: {  	v0 =	vmov s8;
	s12 =	simm.s32 $0x8;
	[dreg:$0xd] =	wrdreg s0;
	s0 =	simm.s32 $0x4200  }
.LBB2_12:
0x1b: {  	s7 =	simm.s32 $0x7  }
0x1c: {  	_ =	swait.ge [sflag:s7], $0x1800  }
0x1d: {  	[sflag:s7] =	ssyncset.done $0x0  }
0x1e: {  	[sflag:s7] =	ssyncadd.s32 $0xFFFFE800  }
0x1f: {  	_ =	swait.ge [sflag:s12], $0x1800  }
0x20: {  	[sflag:s12] =	ssyncset.done $0x0  }
0x21: {  	[sflag:s12] =	ssyncadd.s32 $0xFFFFE800  }
0x22: {  	[bflag:$0x0] =	sbarrier.arrive $0xFFFF  }
0x23: {  	s8 =	rddreg [dreg:$0x8]  }
0x24: {  	s7 =	simm.s32 @p0 $0x1FC9;
	s16 =	rddreg [dreg:$0xa]  }
0x25: {  	[hbm:s8], [sflag:s7] =	dma.local @p0 [spmem:s16], $0x22B0  }
0x26: {  	s7 =	simm.s32 @p0 $0x9  }
0x27: {  	_ =	swait.ge @p0 [sflag:s7], $0x22B0  }
0x28: {  	s17 =	rddreg [dreg:$0xb]  }
0x29: {  	[sflag:s7] =	ssyncset.done @p0 $0x0;
	s8 =	rddreg [dreg:$0xd]  }
0x2a: {  	[sflag:s7] =	ssyncadd.s32 @p0 $0xFFFFDD50;
	s7 =	rddreg [dreg:$0x7]  }
0x2b: {  	[hbm:s7], [sflag:s17] =	dma.local @!p0 [spmem:s8], $0x24C0  }
0x2c: {  	s7 =	simm.s32 @!p0 $0x9  }
0x2d: {  	_ =	swait.ge @!p0 [sflag:s7], $0x24C0  }
0x2e: {  	s15 =	rddreg [dreg:$0xe]  }
0x2f: {  	s23 =	rddreg [dreg:$0x9];
	s15 =	sadd.s32 $0x1, s15  }
0x30: {  	p1 =	sne.s32 s15, s23  }
.Ltmp1:
0x31: {  	_ = 	snop;
	(pc) =	sbr.rel @!p1 .LBB2_13-.Ltmp1, $3  }
0x32: {  	_ =	sdelay $0x1  }
0x33: {  	[sflag:s7] =	ssyncset.done @!p0 $0x0  }
0x34: {  	[sflag:s7] =	ssyncadd.s32 @!p0 $0xFFFFDB40  }
.LBB2_1:
0x35: {  	[dreg:$0xe] =	wrdreg s15  }
0x36: {  	s7 =	simm.s32 @p0 $0x1FC9;
	s8 =	rddreg [dreg:$0x4]  }
0x37: {  	[spmem:s16], [sflag:s7] =	dma.local @p0 [hbm:s8], $0x22E0  }
0x38: {  	s7 =	simm.s32 @p0 $0x9  }
0x39: {  	_ =	swait.ge @p0 [sflag:s7], $0x22E0  }
0x3a: {  	[sflag:s7] =	ssyncset.done @p0 $0x0  }
0x3b: {  	[sflag:s7] =	ssyncadd.s32 @p0 $0xFFFFDD20;
	s7 =	rddreg [dreg:$0xc]  }
0x3c: {  	[spmem:s7], [sflag:s17] =	dma.local @!p0 [hbm:s8], $0x24C0  }
0x3d: {  	s7 =	simm.s32 @!p0 $0x9  }
0x3e: {  	_ =	swait.ge @!p0 [sflag:s7], $0x24C0  }
0x3f: {  	[sflag:s7] =	ssyncset.done @!p0 $0x0  }
0x40: {  	[sflag:s7] =	ssyncadd.s32 @!p0 $0xFFFFDB40  }
0x41: {  	[bflag:$0x0] =	sbarrier.arrive $0xFFFF  }
0x42: {  	s17 =	rddreg [dreg:$0x5]  }
0x43: {  	[tilespmem:s4], [sflag:$0x1] =	stream.linear.gather [hbm4b:s17+s4], $0x100, $0x38;
	[tilespmem:$0x19810] =	vst v63  }
0x44: {  	s23 =	rddreg [dreg:$0x6]  }
0x45: {  	[tilespmem:s18], [sflag:$0x2] =	stream.linear.gather [hbm4b:s23+s4], $0x100, $0x38;
	[tilespmem:$0x19810] =	vst v63  }
0x46: {  	_ =	swait.ge [sflag:s19], $0x100  }
0x47: {  	[sflag:s19] =	ssyncset.done $0x0  }
0x48: {  	[sflag:s19] =	ssyncadd.s32 $0xFFFFFF00  }
0x49: {  	[tilespmem:s21], [sflag:$0x3] =	stream.indirect.gather [hbm4b:s6+s20], $0x30, s4, s20, $0xb8;
	[tilespmem:$0x19810] =	vst v63  }
0x4a: {  	s8 =	simm.s32 $0x0  }
0x4b: {  	[tilespmem:s22], [sflag:$0x5] =	stream.indirect.gather [hbm4b:s5+s20], $0x10, s20, s20, $0xb8;
	[tilespmem:$0x19810] =	vst v63  }
.LBB2_2:
0x4c: {  	_ =	swait.ge [sflag:s24], $0x1800  }
0x4d: {  	[sflag:s24] =	ssyncset.done $0x0  }
0x4e: {  	[sflag:s24] =	ssyncadd.s32 $0xFFFFE800  }
0x4f: {  	_ =	swait.ge [sflag:s25], $0x800  }
0x50: {  	[sflag:s25] =	ssyncset.done $0x0  }
0x51: {  	[sflag:s25] =	ssyncadd.s32 $0xFFFFF800  }
0x52: {  	_ =	swait.ge [sflag:s26], $0x100  }
0x53: {  	[sflag:s26] =	ssyncset.done $0x0  }
0x54: {  	p1 =	seq.s32 s8, $0x0;
	[sflag:s26] =	ssyncadd.s32 $0xFFFFFF00  }
0x55: {  	[tilespmem:s28], [sflag:$0x4] =	stream.indirect.gather [hbm4b:s6+s20], $0x30, s18, s20, $0xb8;
	[tilespmem:$0x19810] =	vst v63  }
0x56: {  	s7 =	simm.s32 @!p1 $0x7  }
0x57: {  	[tilespmem:s30], [sflag:$0x6] =	stream.indirect.gather [hbm4b:s5+s20], $0x10, s29, s20, $0xb8;
	[tilespmem:$0x19810] =	vst v63  }
0x58: {  	_ =	swait.ge @!p1 [sflag:s7], $0x1800  }
0x59: {  	[sflag:s7] =	ssyncset.done @!p1 $0x0  }
0x5a: {  	[sflag:s7] =	ssyncadd.s32 @!p1 $0xFFFFE800  }
0x5b: {  	v2 =	vld [tilespmem:$0x80]  }
0x5c: {  	v3 =	vld [tilespmem:$0x90]  }
0x5d: {  	v4 =	vld [tilespmem:$0xA0]  }
0x5e: {  	v5 =	vld [tilespmem:$0xB0]  }
0x5f: {  	v6 =	vld [tilespmem:$0xC0]  }
0x60: {  	v7 =	vld [tilespmem:$0xD0]  }
0x61: {  	v8 =	vld [tilespmem:$0xE0];
	vm0 =	vge.s32 v2, v0;
	vm1 =	vlt.s32 v2, v1;
	v2 =	vsub.s32 v2, v0  }
0x62: {  	vm12 =	vge.s32 v3, v0;
	vm2 =	vlt.s32 v3, v1;
	v3 =	vsub.s32 v3, v0  }
0x63: {  	vm14 =	vge.s32 v4, v0;
	vm15 =	vlt.s32 v4, v1;
	vm4 =	vge.s32 v5, v0  }
0x64: {  	vm5 =	vlt.s32 v5, v1;
	v4 =	vsub.s32 v4, v0;
	v5 =	vsub.s32 v5, v0  }
0x65: {  	vm6 =	vge.s32 v6, v0;
	vm7 =	vlt.s32 v6, v1;
	vm8 =	vge.s32 v7, v0  }
0x66: {  	v9 =	vld [tilespmem:$0xF0];
	vm3 =	vlt.s32 v7, v1;
	vm10 =	vge.s32 v8, v0;
	vm0 =	vmand vm0, vm1  }
0x67: {  	vm11 =	vlt.s32 v8, v1;
	vm13 =	vmand vm12, vm2;
	v2 =	vnsel vm0, $0x61A8, v2  }
0x68: {  	vm1 =	vmand vm4, vm5;
	vm9 =	vmand vm8, vm3;
	v3 =	vnsel vm13, $0x61A8, v3;
	[tilespmem:$0x7200] =	vst v2  }
0x69: {  	vm12 =	vmand vm10, vm11;
	vm0 =	vmand vm14, vm15;
	v5 =	vnsel vm1, $0x61A8, v5;
	[tilespmem:$0x7210] =	vst v3  }
0x6a: {  	v4 =	vnsel vm0, $0x61A8, v4;
	vm0 =	vmand vm6, vm7;
	v2 =	vsub.s32 v6, v0;
	[tilespmem:$0x7230] =	vst v5  }
0x6b: {  	vm13 =	vge.s32 v9, v0;
	v3 =	vsub.s32 v7, v0;
	[tilespmem:$0x7220] =	vst v4;
	v2 =	vnsel vm0, $0x61A8, v2  }
0x6c: {  	vm14 =	vlt.s32 v9, v1;
	v3 =	vnsel vm9, $0x61A8, v3;
	[tilespmem:$0x7240] =	vst v2;
	v2 =	vsub.s32 v8, v0  }
0x6d: {  	vm15 =	vmand vm13, vm14;
	[tilespmem:$0x7250] =	vst v3;
	v3 =	vsub.s32 v9, v0;
	v2 =	vnsel vm12, $0x61A8, v2  }
0x6e: {  	[tilespmem:$0x7260] =	vst v2;
	v2 =	vnsel vm15, $0x61A8, v3  }
0x6f: {  	s7 =	simm.s32 $0x0;
	[tilespmem:$0x7270] =	vst v2  }
0x70: {  	s15 =	simm.s32 $0x220;
	v2 =	vld [tilespmem:s7+$0x1200]  }
0x71: {  	v3 =	vld [tilespmem:s15+$0xFFFFFFE0];
	_ =	sdelay $0x2  }
0x72: {  	s17 =	sshll.u32 s8, $0x1;
	s16 =	simm.s32 $0x300  }
.LBB2_3:
0x73: {  	p2 =	sne.s32 s16, $0x5D00  }
0x74: {  	v3 =	vmul.f32 v3, v2;
	_ =	sdelay $0x1  }
0x75: {  	(xrf2) =	vadd.scan.msk.f32 $0xffff, v3;
	_ =	sdelay $0x9  }
0x76: {  	v3, _, _ =	vpop (xrf2)  }
0x77: {  	v3 =	vbroadcast v3, $0xF;
	_ =	sdelay $0x1  }
0x78: {  	(erf) = vrcp.f32 v3;
	_ =	sdelay $0x5  }
0x79: {  	v3 =	vld [tilespmem:s7+$0x1210]  }
0x7a: {  	v4 =	vld [tilespmem:s7+$0x1220];
	_ =	sdelay $0x1  }
0x7b: {  	v5 =	vpop (erf)  }
0x7c: {  	v2 =	vmul.f32 v5, v2  }
0x7d: {  	v3 =	vmul.f32 v5, v3  }
0x7e: {  	[tilespmem:s7+$0x4200] =	vst v2;
	v2 =	vmul.f32 v5, v4  }
0x7f: {  	[tilespmem:s7+$0x4210] =	vst v3  }
0x80: {  	[tilespmem:s7+$0x4220] =	vst v2;
	v2 =	vld [tilespmem:s7+$0x1230]  }
0x81: {  	v3 =	vld [tilespmem:s15+$0xFFFFFFF0];
	_ =	sdelay $0x4  }
0x82: {  	v3 =	vmul.f32 v3, v2;
	_ =	sdelay $0x1  }
0x83: {  	(xrf2) =	vadd.scan.msk.f32 $0xffff, v3;
	_ =	sdelay $0x9  }
0x84: {  	v3, _, _ =	vpop (xrf2)  }
0x85: {  	v3 =	vbroadcast v3, $0xF;
	_ =	sdelay $0x1  }
0x86: {  	(erf) = vrcp.f32 v3;
	_ =	sdelay $0x5  }
0x87: {  	v3 =	vld [tilespmem:s7+$0x1240]  }
0x88: {  	v4 =	vld [tilespmem:s7+$0x1250];
	_ =	sdelay $0x1  }
0x89: {  	v5 =	vpop (erf)  }
0x8a: {  	v2 =	vmul.f32 v5, v2  }
0x8b: {  	v3 =	vmul.f32 v5, v3  }
0x8c: {  	[tilespmem:s7+$0x4230] =	vst v2;
	v2 =	vmul.f32 v5, v4  }
0x8d: {  	[tilespmem:s7+$0x4240] =	vst v3  }
0x8e: {  	[tilespmem:s7+$0x4250] =	vst v2;
	v2 =	vld [tilespmem:s7+$0x1260]  }
0x8f: {  	v3 =	vld [tilespmem:s15+$0x0];
	_ =	sdelay $0x4  }
0x90: {  	v3 =	vmul.f32 v3, v2;
	_ =	sdelay $0x1  }
0x91: {  	(xrf2) =	vadd.scan.msk.f32 $0xffff, v3;
	_ =	sdelay $0x9  }
0x92: {  	v3, _, _ =	vpop (xrf2)  }
0x93: {  	v3 =	vbroadcast v3, $0xF;
	_ =	sdelay $0x1  }
0x94: {  	(erf) = vrcp.f32 v3;
	_ =	sdelay $0x3  }
0x95: {  	v3 =	vld [tilespmem:s7+$0x1270]  }
0x96: {  	v4 =	vld [tilespmem:s7+$0x1280];
	_ =	sdelay $0x3  }
0x97: {  	v5 =	vpop (erf)  }
0x98: {  	v3 =	vmul.f32 v5, v3;
	v4 =	vmul.f32 v5, v4  }
0x99: {  	v2 =	vmul.f32 v5, v2  }
0x9a: {  	[tilespmem:s7+$0x4280] =	vst v4  }
0x9b: {  	[tilespmem:s7+$0x4270] =	vst v3  }
0x9c: {  	[tilespmem:s7+$0x4260] =	vst v2;
	v2 =	vld [tilespmem:s7+$0x1290]  }
0x9d: {  	v3 =	vld [tilespmem:s15+$0x10];
	_ =	sdelay $0x4  }
0x9e: {  	v3 =	vmul.f32 v3, v2;
	_ =	sdelay $0x1  }
0x9f: {  	(xrf2) =	vadd.scan.msk.f32 $0xffff, v3;
	_ =	sdelay $0x9  }
0xa0: {  	v3, _, _ =	vpop (xrf2)  }
0xa1: {  	v3 =	vbroadcast v3, $0xF;
	_ =	sdelay $0x1  }
0xa2: {  	(erf) = vrcp.f32 v3;
	_ =	sdelay $0x4  }
0xa3: {  	v3 =	vld [tilespmem:s7+$0x12A0]  }
0xa4: {  	v4 =	vld [tilespmem:s7+$0x12B0];
	_ =	sdelay $0x2  }
0xa5: {  	v5 =	vpop (erf)  }
0xa6: {  	v2 =	vmul.f32 v5, v2;
	v3 =	vmul.f32 v5, v3  }
0xa7: {  	v4 =	vmul.f32 v5, v4  }
0xa8: {  	[tilespmem:s7+$0x4290] =	vst v2  }
0xa9: {  	s23 =	sshra.s32 s16, $0x2;
	[tilespmem:s7+$0x42A0] =	vst v3  }
.Ltmp2:
0xaa: {  	s15 =	sadd.s32 $0x40, s15;
	v2 =	vld [tilespmem:s23+$0x1200];
	[tilespmem:s7+$0x42B0] =	vst v4;
	s7 =	smov.u32 s23;
	(pc) =	sbr.rel @p2 .LBB2_3-.Ltmp2, $2  }
0xab: {  	v3 =	vld [tilespmem:s15+$0xFFFFFFE0];
	_ =	sdelay $0x2  }
0xac: {  	s16 =	sadd.s32 $0x300, s16  }
0xad: {  	_ = 	snop  }
0xae: {  	v3 =	vmul.f32 v3, v2;
	_ =	sdelay $0x1  }
0xaf: {  	(xrf2) =	vadd.scan.msk.f32 $0xffff, v3;
	_ =	sdelay $0x9  }
0xb0: {  	v3, _, _ =	vpop (xrf2)  }
0xb1: {  	v3 =	vbroadcast v3, $0xF;
	_ =	sdelay $0x1  }
0xb2: {  	(erf) = vrcp.f32 v3;
	_ =	sdelay $0x5  }
0xb3: {  	v3 =	vld [tilespmem:s7+$0x1210]  }
0xb4: {  	v4 =	vld [tilespmem:s7+$0x1220];
	_ =	sdelay $0x1  }
0xb5: {  	v5 =	vpop (erf)  }
0xb6: {  	v2 =	vmul.f32 v5, v2  }
0xb7: {  	v3 =	vmul.f32 v5, v3  }
0xb8: {  	[tilespmem:s7+$0x4200] =	vst v2;
	v2 =	vmul.f32 v5, v4  }
0xb9: {  	[tilespmem:s7+$0x4210] =	vst v3  }
0xba: {  	[tilespmem:s7+$0x4220] =	vst v2;
	v2 =	vld [tilespmem:s7+$0x1230]  }
0xbb: {  	v3 =	vld [tilespmem:s15+$0xFFFFFFF0];
	_ =	sdelay $0x4  }
0xbc: {  	v3 =	vmul.f32 v3, v2;
	_ =	sdelay $0x1  }
0xbd: {  	(xrf2) =	vadd.scan.msk.f32 $0xffff, v3;
	_ =	sdelay $0x9  }
0xbe: {  	v3, _, _ =	vpop (xrf2)  }
0xbf: {  	v3 =	vbroadcast v3, $0xF;
	_ =	sdelay $0x1  }
0xc0: {  	(erf) = vrcp.f32 v3;
	_ =	sdelay $0x5  }
0xc1: {  	v3 =	vld [tilespmem:s7+$0x1240]  }
0xc2: {  	v58 =	vld [tilespmem:s7+$0x1250];
	_ =	sdelay $0x1  }
0xc3: {  	v59 =	vpop (erf)  }
0xc4: {  	v2 =	vmul.f32 v59, v2  }
0xc5: {  	v3 =	vmul.f32 v59, v3  }
0xc6: {  	[tilespmem:s7+$0x4230] =	vst v2;
	v2 =	vmul.f32 v59, v58  }
0xc7: {  	[tilespmem:s7+$0x4240] =	vst v3  }
0xc8: {  	[tilespmem:s7+$0x4250] =	vst v2;
	v2 =	vld [tilespmem:s7+$0x1260]  }
0xc9: {  	v3 =	vld [tilespmem:s15+$0x0];
	_ =	sdelay $0x4  }
0xca: {  	v3 =	vmul.f32 v3, v2;
	_ =	sdelay $0x1  }
0xcb: {  	(xrf2) =	vadd.scan.msk.f32 $0xffff, v3;
	_ =	sdelay $0x9  }
0xcc: {  	v3, _, _ =	vpop (xrf2)  }
0xcd: {  	v3 =	vbroadcast v3, $0xF;
	_ =	sdelay $0x1  }
0xce: {  	(erf) = vrcp.f32 v3;
	_ =	sdelay $0x4  }
0xcf: {  	v3 =	vld [tilespmem:s7+$0x1280]  }
0xd0: {  	v60 =	vld [tilespmem:s7+$0x1270];
	_ =	sdelay $0x2  }
0xd1: {  	v61 =	vpop (erf)  }
0xd2: {  	v3 =	vmul.f32 v61, v3  }
0xd3: {  	v4 =	vmul.f32 v61, v60  }
0xd4: {  	v2 =	vmul.f32 v61, v2;
	[tilespmem:s7+$0x4280] =	vst v3  }
0xd5: {  	[tilespmem:s7+$0x4270] =	vst v4  }
0xd6: {  	[tilespmem:s7+$0x4260] =	vst v2;
	v2 =	vld [tilespmem:s7+$0x1290]  }
0xd7: {  	v3 =	vld [tilespmem:s15+$0x10];
	_ =	sdelay $0x4  }
0xd8: {  	v3 =	vmul.f32 v3, v2;
	_ =	sdelay $0x1  }
0xd9: {  	(xrf2) =	vadd.scan.msk.f32 $0xffff, v3;
	_ =	sdelay $0x9  }
0xda: {  	v3, _, _ =	vpop (xrf2)  }
0xdb: {  	v3 =	vbroadcast v3, $0xF;
	_ =	sdelay $0x1  }
0xdc: {  	(erf) = vrcp.f32 v3;
	_ =	sdelay $0x5  }
0xdd: {  	v3 =	vld [tilespmem:s7+$0x12A0]  }
0xde: {  	v62 =	vld [tilespmem:s7+$0x12B0];
	_ =	sdelay $0x1  }
0xdf: {  	v63 =	vpop (erf)  }
0xe0: {  	p2 =	sne.s32 s8, $0xC7;
	v2 =	vmul.f32 v63, v2  }
.Ltmp3:
0xe1: {  	v3 =	vmul.f32 v63, v3;
	(pc) =	sbr.rel @p2 .LBB2_6-.Ltmp3, $4  }
0xe2: {  	v4 =	vmul.f32 v63, v62;
	[tilespmem:s7+$0x4290] =	vst v2  }
0xe3: {  	[tilespmem:s7+$0x42A0] =	vst v3  }
0xe4: {  	[tilespmem:s7+$0x42B0] =	vst v4  }
0xe5: {  	[spmem:s2] =	stream.indirect.scatter.add.f32 [tilespmem:s0], [sflag:$0x7], $0x30, s31, s20, $0xb8;
	[tilespmem:$0x19810] =	vst v63  }
0xe6: {  	_ =	swait.ge [sflag:s3], $0x1800  }
.Ltmp4:
0xe7: {  	[sflag:s3] =	ssyncset.done $0x0;
	(pc) =	sbr.rel .LBB2_7-.Ltmp4, $4  }
0xe8: {  	[sflag:s3] =	ssyncadd.s32 $0xFFFFE800  }
0xe9: {  	_ =	swait.ge [sflag:s9], $0x800  }
0xea: {  	[sflag:s9] =	ssyncset.done $0x0  }
0xeb: {  	[sflag:s9] =	ssyncadd.s32 $0xFFFFF800  }
.LBB2_6:
0xec: {  	s7 =	sadd.s32 s17, s10  }
0xed: {  	s7 =	sshll.u32 s7, $0x5  }
0xee: {  	s7 =	sadd.s32 s1, s7  }
0xef: {  	[tilespmem:s4], [sflag:$0x1] =	stream.linear.gather [hbm4b:s7+s4], $0x100, $0x38;
	[tilespmem:$0x19810] =	vst v63  }
0xf0: {  	_ =	swait.ge [sflag:s3], $0x1800  }
0xf1: {  	[sflag:s3] =	ssyncset.done $0x0  }
0xf2: {  	[sflag:s3] =	ssyncadd.s32 $0xFFFFE800  }
0xf3: {  	_ =	swait.ge [sflag:s9], $0x800  }
0xf4: {  	[sflag:s9] =	ssyncset.done $0x0  }
0xf5: {  	[sflag:s9] =	ssyncadd.s32 $0xFFFFF800  }
0xf6: {  	_ =	swait.ge [sflag:s19], $0x100  }
.Ltmp5:
0xf7: {  	[sflag:s19] =	ssyncset.done $0x0;
	(pc) =	sbr.rel @p1 .LBB2_8-.Ltmp5, $4  }
0xf8: {  	[sflag:s19] =	ssyncadd.s32 $0xFFFFFF00  }
0xf9: {  	[tilespmem:s21], [sflag:$0x3] =	stream.indirect.gather [hbm4b:s6+s20], $0x30, s4, s20, $0xb8;
	[tilespmem:$0x19810] =	vst v63  }
0xfa: {  	_ = 	snop  }
0xfb: {  	[tilespmem:s22], [sflag:$0x5] =	stream.indirect.gather [hbm4b:s5+s20], $0x10, s20, s20, $0xb8;
	[tilespmem:$0x19810] =	vst v63  }
.LBB2_7:
0xfc: {  	_ =	swait.ge [sflag:s12], $0x1800  }
0xfd: {  	[sflag:s12] =	ssyncset.done $0x0  }
0xfe: {  	[sflag:s12] =	ssyncadd.s32 $0xFFFFE800  }
.LBB2_8:
0xff: {  	v2 =	vld [tilespmem:$0x180]  }
0x100: {  	v3 =	vld [tilespmem:$0x190]  }
0x101: {  	v4 =	vld [tilespmem:$0x1A0]  }
0x102: {  	v5 =	vld [tilespmem:$0x1B0]  }
0x103: {  	v6 =	vld [tilespmem:$0x1C0]  }
0x104: {  	v7 =	vld [tilespmem:$0x1D0]  }
0x105: {  	v8 =	vld [tilespmem:$0x1E0];
	vm0 =	vge.s32 v2, v0;
	vm1 =	vlt.s32 v2, v1;
	v2 =	vsub.s32 v2, v0  }
0x106: {  	vm12 =	vge.s32 v3, v0;
	vm2 =	vlt.s32 v3, v1;
	v3 =	vsub.s32 v3, v0  }
0x107: {  	vm14 =	vge.s32 v4, v0;
	vm15 =	vlt.s32 v4, v1;
	vm4 =	vge.s32 v5, v0  }
0x108: {  	vm5 =	vlt.s32 v5, v1;
	v4 =	vsub.s32 v4, v0;
	v5 =	vsub.s32 v5, v0  }
0x109: {  	vm6 =	vge.s32 v6, v0;
	vm7 =	vlt.s32 v6, v1;
	vm8 =	vge.s32 v7, v0  }
0x10a: {  	v9 =	vld [tilespmem:$0x1F0];
	vm3 =	vlt.s32 v7, v1;
	vm10 =	vge.s32 v8, v0;
	vm0 =	vmand vm0, vm1  }
0x10b: {  	vm11 =	vlt.s32 v8, v1;
	vm13 =	vmand vm12, vm2;
	v2 =	vnsel vm0, $0x61A8, v2  }
0x10c: {  	vm1 =	vmand vm4, vm5;
	vm9 =	vmand vm8, vm3;
	v3 =	vnsel vm13, $0x61A8, v3;
	[tilespmem:$0x7280] =	vst v2  }
0x10d: {  	vm12 =	vmand vm10, vm11;
	vm0 =	vmand vm14, vm15;
	v5 =	vnsel vm1, $0x61A8, v5;
	[tilespmem:$0x7290] =	vst v3  }
0x10e: {  	v4 =	vnsel vm0, $0x61A8, v4;
	vm0 =	vmand vm6, vm7;
	v2 =	vsub.s32 v6, v0;
	[tilespmem:$0x72B0] =	vst v5  }
0x10f: {  	vm13 =	vge.s32 v9, v0;
	v3 =	vsub.s32 v7, v0;
	[tilespmem:$0x72A0] =	vst v4;
	v2 =	vnsel vm0, $0x61A8, v2  }
0x110: {  	vm14 =	vlt.s32 v9, v1;
	v3 =	vnsel vm9, $0x61A8, v3;
	[tilespmem:$0x72C0] =	vst v2;
	v2 =	vsub.s32 v8, v0  }
0x111: {  	vm15 =	vmand vm13, vm14;
	[tilespmem:$0x72D0] =	vst v3;
	v3 =	vsub.s32 v9, v0;
	v2 =	vnsel vm12, $0x61A8, v2  }
0x112: {  	[tilespmem:$0x72E0] =	vst v2;
	v2 =	vnsel vm15, $0x61A8, v3  }
0x113: {  	s7 =	simm.s32 $0x0;
	[tilespmem:$0x72F0] =	vst v2  }
0x114: {  	s15 =	simm.s32 $0xA20;
	v2 =	vld [tilespmem:s7+$0x2A00]  }
0x115: {  	v3 =	vld [tilespmem:s15+$0xFFFFFFE0];
	_ =	sdelay $0x2  }
0x116: {  	s16 =	simm.s32 $0x300  }
.LBB2_9:
0x117: {  	p1 =	sne.s32 s16, $0x5D00  }
0x118: {  	v3 =	vmul.f32 v3, v2;
	_ =	sdelay $0x1  }
0x119: {  	(xrf2) =	vadd.scan.msk.f32 $0xffff, v3;
	_ =	sdelay $0x9  }
0x11a: {  	v3, _, _ =	vpop (xrf2)  }
0x11b: {  	v3 =	vbroadcast v3, $0xF;
	_ =	sdelay $0x1  }
0x11c: {  	(erf) = vrcp.f32 v3;
	_ =	sdelay $0x5  }
0x11d: {  	v3 =	vld [tilespmem:s7+$0x2A10]  }
0x11e: {  	v4 =	vld [tilespmem:s7+$0x2A20];
	_ =	sdelay $0x1  }
0x11f: {  	v5 =	vpop (erf)  }
0x120: {  	v2 =	vmul.f32 v5, v2  }
0x121: {  	v3 =	vmul.f32 v5, v3  }
0x122: {  	[tilespmem:s7+$0x5A00] =	vst v2;
	v2 =	vmul.f32 v5, v4  }
0x123: {  	[tilespmem:s7+$0x5A10] =	vst v3  }
0x124: {  	[tilespmem:s7+$0x5A20] =	vst v2;
	v2 =	vld [tilespmem:s7+$0x2A30]  }
0x125: {  	v3 =	vld [tilespmem:s15+$0xFFFFFFF0];
	_ =	sdelay $0x4  }
0x126: {  	v3 =	vmul.f32 v3, v2;
	_ =	sdelay $0x1  }
0x127: {  	(xrf2) =	vadd.scan.msk.f32 $0xffff, v3;
	_ =	sdelay $0x9  }
0x128: {  	v3, _, _ =	vpop (xrf2)  }
0x129: {  	v3 =	vbroadcast v3, $0xF;
	_ =	sdelay $0x1  }
0x12a: {  	(erf) = vrcp.f32 v3;
	_ =	sdelay $0x5  }
0x12b: {  	v3 =	vld [tilespmem:s7+$0x2A40]  }
0x12c: {  	v4 =	vld [tilespmem:s7+$0x2A50];
	_ =	sdelay $0x1  }
0x12d: {  	v5 =	vpop (erf)  }
0x12e: {  	v2 =	vmul.f32 v5, v2  }
0x12f: {  	v3 =	vmul.f32 v5, v3  }
0x130: {  	[tilespmem:s7+$0x5A30] =	vst v2;
	v2 =	vmul.f32 v5, v4  }
0x131: {  	[tilespmem:s7+$0x5A40] =	vst v3  }
0x132: {  	[tilespmem:s7+$0x5A50] =	vst v2;
	v2 =	vld [tilespmem:s7+$0x2A60]  }
0x133: {  	v3 =	vld [tilespmem:s15+$0x0];
	_ =	sdelay $0x4  }
0x134: {  	v3 =	vmul.f32 v3, v2;
	_ =	sdelay $0x1  }
0x135: {  	(xrf2) =	vadd.scan.msk.f32 $0xffff, v3;
	_ =	sdelay $0x9  }
0x136: {  	v3, _, _ =	vpop (xrf2)  }
0x137: {  	v3 =	vbroadcast v3, $0xF;
	_ =	sdelay $0x1  }
0x138: {  	(erf) = vrcp.f32 v3;
	_ =	sdelay $0x3  }
0x139: {  	v3 =	vld [tilespmem:s7+$0x2A70]  }
0x13a: {  	v4 =	vld [tilespmem:s7+$0x2A80];
	_ =	sdelay $0x3  }
0x13b: {  	v5 =	vpop (erf)  }
0x13c: {  	v3 =	vmul.f32 v5, v3;
	v4 =	vmul.f32 v5, v4  }
0x13d: {  	v2 =	vmul.f32 v5, v2  }
0x13e: {  	[tilespmem:s7+$0x5A80] =	vst v4  }
0x13f: {  	[tilespmem:s7+$0x5A70] =	vst v3  }
0x140: {  	[tilespmem:s7+$0x5A60] =	vst v2;
	v2 =	vld [tilespmem:s7+$0x2A90]  }
0x141: {  	v3 =	vld [tilespmem:s15+$0x10];
	_ =	sdelay $0x4  }
0x142: {  	v3 =	vmul.f32 v3, v2;
	_ =	sdelay $0x1  }
0x143: {  	(xrf2) =	vadd.scan.msk.f32 $0xffff, v3;
	_ =	sdelay $0x9  }
0x144: {  	v3, _, _ =	vpop (xrf2)  }
0x145: {  	v3 =	vbroadcast v3, $0xF;
	_ =	sdelay $0x1  }
0x146: {  	(erf) = vrcp.f32 v3;
	_ =	sdelay $0x4  }
0x147: {  	v3 =	vld [tilespmem:s7+$0x2AA0]  }
0x148: {  	v4 =	vld [tilespmem:s7+$0x2AB0];
	_ =	sdelay $0x2  }
0x149: {  	v5 =	vpop (erf)  }
0x14a: {  	v2 =	vmul.f32 v5, v2;
	v3 =	vmul.f32 v5, v3  }
0x14b: {  	v4 =	vmul.f32 v5, v4  }
0x14c: {  	[tilespmem:s7+$0x5A90] =	vst v2  }
0x14d: {  	s23 =	sshra.s32 s16, $0x2;
	[tilespmem:s7+$0x5AA0] =	vst v3  }
.Ltmp6:
0x14e: {  	s15 =	sadd.s32 $0x40, s15;
	v2 =	vld [tilespmem:s23+$0x2A00];
	[tilespmem:s7+$0x5AB0] =	vst v4;
	s7 =	smov.u32 s23;
	(pc) =	sbr.rel @p1 .LBB2_9-.Ltmp6, $2  }
0x14f: {  	v3 =	vld [tilespmem:s15+$0xFFFFFFE0];
	_ =	sdelay $0x2  }
0x150: {  	s16 =	sadd.s32 $0x300, s16  }
0x151: {  	_ = 	snop  }
0x152: {  	v3 =	vmul.f32 v3, v2;
	_ =	sdelay $0x1  }
0x153: {  	(xrf2) =	vadd.scan.msk.f32 $0xffff, v3;
	_ =	sdelay $0x9  }
0x154: {  	v3, _, _ =	vpop (xrf2)  }
0x155: {  	v3 =	vbroadcast v3, $0xF;
	_ =	sdelay $0x1  }
0x156: {  	(erf) = vrcp.f32 v3;
	_ =	sdelay $0x5  }
0x157: {  	v3 =	vld [tilespmem:s7+$0x2A10]  }
0x158: {  	v4 =	vld [tilespmem:s7+$0x2A20];
	_ =	sdelay $0x1  }
0x159: {  	v5 =	vpop (erf)  }
0x15a: {  	v2 =	vmul.f32 v5, v2  }
0x15b: {  	v3 =	vmul.f32 v5, v3  }
0x15c: {  	[tilespmem:s7+$0x5A00] =	vst v2;
	v2 =	vmul.f32 v5, v4  }
0x15d: {  	[tilespmem:s7+$0x5A10] =	vst v3  }
0x15e: {  	[tilespmem:s7+$0x5A20] =	vst v2;
	v2 =	vld [tilespmem:s7+$0x2A30]  }
0x15f: {  	v3 =	vld [tilespmem:s15+$0xFFFFFFF0];
	_ =	sdelay $0x4  }
0x160: {  	v3 =	vmul.f32 v3, v2;
	_ =	sdelay $0x1  }
0x161: {  	(xrf2) =	vadd.scan.msk.f32 $0xffff, v3;
	_ =	sdelay $0x9  }
0x162: {  	v3, _, _ =	vpop (xrf2)  }
0x163: {  	v3 =	vbroadcast v3, $0xF;
	_ =	sdelay $0x1  }
0x164: {  	(erf) = vrcp.f32 v3;
	_ =	sdelay $0x5  }
0x165: {  	v3 =	vld [tilespmem:s7+$0x2A40]  }
0x166: {  	v58 =	vld [tilespmem:s7+$0x2A50];
	_ =	sdelay $0x1  }
0x167: {  	v59 =	vpop (erf)  }
0x168: {  	v2 =	vmul.f32 v59, v2  }
0x169: {  	v3 =	vmul.f32 v59, v3  }
0x16a: {  	[tilespmem:s7+$0x5A30] =	vst v2;
	v2 =	vmul.f32 v59, v58  }
0x16b: {  	[tilespmem:s7+$0x5A40] =	vst v3  }
0x16c: {  	[tilespmem:s7+$0x5A50] =	vst v2;
	v2 =	vld [tilespmem:s7+$0x2A60]  }
0x16d: {  	v3 =	vld [tilespmem:s15+$0x0];
	_ =	sdelay $0x4  }
0x16e: {  	v3 =	vmul.f32 v3, v2;
	_ =	sdelay $0x1  }
0x16f: {  	(xrf2) =	vadd.scan.msk.f32 $0xffff, v3;
	_ =	sdelay $0x9  }
0x170: {  	v3, _, _ =	vpop (xrf2)  }
0x171: {  	v3 =	vbroadcast v3, $0xF;
	_ =	sdelay $0x1  }
0x172: {  	(erf) = vrcp.f32 v3;
	_ =	sdelay $0x4  }
0x173: {  	v3 =	vld [tilespmem:s7+$0x2A80]  }
0x174: {  	v60 =	vld [tilespmem:s7+$0x2A70];
	_ =	sdelay $0x2  }
0x175: {  	v61 =	vpop (erf)  }
0x176: {  	v3 =	vmul.f32 v61, v3  }
0x177: {  	v4 =	vmul.f32 v61, v60  }
0x178: {  	v2 =	vmul.f32 v61, v2;
	[tilespmem:s7+$0x5A80] =	vst v3  }
0x179: {  	[tilespmem:s7+$0x5A70] =	vst v4  }
0x17a: {  	[tilespmem:s7+$0x5A60] =	vst v2;
	v2 =	vld [tilespmem:s7+$0x2A90]  }
0x17b: {  	v3 =	vld [tilespmem:s15+$0x10];
	_ =	sdelay $0x4  }
0x17c: {  	v3 =	vmul.f32 v3, v2;
	_ =	sdelay $0x1  }
0x17d: {  	(xrf2) =	vadd.scan.msk.f32 $0xffff, v3;
	_ =	sdelay $0x9  }
0x17e: {  	v3, _, _ =	vpop (xrf2)  }
0x17f: {  	v3 =	vbroadcast v3, $0xF;
	_ =	sdelay $0x1  }
0x180: {  	(erf) = vrcp.f32 v3;
	_ =	sdelay $0x5  }
0x181: {  	v3 =	vld [tilespmem:s7+$0x2AA0]  }
0x182: {  	v62 =	vld [tilespmem:s7+$0x2AB0];
	_ =	sdelay $0x1  }
0x183: {  	v63 =	vpop (erf)  }
0x184: {  	p1 =	seq.s32 s8, $0xC7;
	v2 =	vmul.f32 v63, v2  }
.Ltmp7:
0x185: {  	v3 =	vmul.f32 v63, v3;
	(pc) =	sbr.rel @p1 .LBB2_12-.Ltmp7, $4  }
0x186: {  	v4 =	vmul.f32 v63, v62;
	[tilespmem:s7+$0x5A90] =	vst v2  }
0x187: {  	[tilespmem:s7+$0x5AA0] =	vst v3  }
0x188: {  	[tilespmem:s7+$0x5AB0] =	vst v4  }
0x189: {  	[spmem:s2] =	stream.indirect.scatter.add.f32 [tilespmem:s14], [sflag:$0x8], $0x30, s13, s20, $0xb8;
	[tilespmem:$0x19810] =	vst v63  }
.Ltmp8:
0x18a: {  	(pc) =	sbr.rel .LBB2_2-.Ltmp8, $4  }
0x18b: {  	s7 =	sadd.s32 s17, s11  }
0x18c: {  	s7 =	sshll.u32 s7, $0x5  }
0x18d: {  	s8 =	sadd.s32 $0x1, s8;
	s7 =	sadd.s32 s1, s7  }
0x18e: {  	[tilespmem:s18], [sflag:$0x2] =	stream.linear.gather [hbm4b:s7+s4], $0x100, $0x38;
	[tilespmem:$0x19810] =	vst v63  }
.LBB2_13:
0x18f: {  	_ =	sfence.sel $0x180000  }
0x190: {  	[bflag:$0x0] =	sbarrier.arrive $0xFFFF  }
0x191: {  	_ =	strace $0x90000047  }
0x192: {  	s0 =	stileid.u32;
	[bflag:$0x2] =	sbarrier.arrive $0xFFFF  }
0x193: {  	p0 =	sne.s32 s0, $0x0;
	s0 =	rddreg [dreg:$0x3]  }
0x194: {  	s0 =	sadd.s32 @!p0 $0x100000, s0  }
0x195: {  	[sflag:s0] =	ssyncadd.tile.s32 @!p0 $0x1;
	_ =	shalt  }
.Lfunc_end2:
_tile_overlayer_lowered:
.L_overlay_start_2:
0x196: {  	(tag) =	ssettag $0x2  }
0x197: {  	s0 =	rddreg [dreg:$0x0];
	s2 =	stileid.u32  }
0x198: {  	s1 =	rddreg [dreg:$0x1];
	p0 =	sne.s32 s2, $0x0  }
0x199: {  	s3 =	rddreg [dreg:$0x2];
	[bflag:$0x3] =	sbarrier.arrive $0xFFFF;
	s2 =	simm.s32 @!p0 $0x1C09  }
0x19a: {  	[timem:s3], [sflag:s2] =	dma.local @!p0 [hbm:s0], s1  }
0x19b: {  	s0 =	simm.s32 @!p0 $0x9  }
0x19c: {  	_ =	swait.ge @!p0 [sflag:s0], s1  }
0x19d: {  	s1 =	ssub.s32 @!p0 $0x0, s1;
	[sflag:s0] =	ssyncset.done @!p0 $0x0  }
0x19e: {  	[sflag:s0] =	ssyncadd.s32 @!p0 s1  }
0x19f: {  	[bflag:$0x3] =	sbarrier.arrive $0xFFFF  }
0x1a0: {  	_ =	shalt  }

</sc_bundles>
